<compile_context>
chip_gen: v7x
topology: tpu7x:2x2x1
jax: 0.10.2.dev20260603
libtpu: 0.0.44.dev20260713+nightly
codegen_flags: <defaults>
</compile_context>

<pallas_src>
import functools

import jax
import jax.numpy as jnp
from jax import lax
from jax.experimental import pallas as pl
from jax.experimental.pallas import tpu as pltpu
from jax.experimental.pallas import tpu_sc as plsc

E = 320000
N_NODES = 10000
D = 128
L = 16
NC = 2
NS = 16
NW = NC * NS
EPW = E // NW
C = 64
NCHUNK = EPW // C
TAIL = EPW - NCHUNK * C
NPAIR = NCHUNK // 2

_mesh = plsc.VectorSubcoreMesh(core_axis_name="c", subcore_axis_name="s")


@functools.partial(
    pl.kernel,
    out_type=jax.ShapeDtypeStruct((E,), jnp.float32),
    mesh=_mesh,
    scratch_types=[
        pltpu.VMEM_SHARED((N_NODES, D), jnp.float32),
        pltpu.VMEM((C,), jnp.int32),
        pltpu.VMEM((C,), jnp.int32),
        pltpu.VMEM((C,), jnp.int32),
        pltpu.VMEM((C,), jnp.int32),
        pltpu.VMEM((C, D), jnp.float32),
        pltpu.VMEM((C, D), jnp.float32),
        pltpu.VMEM((C, D), jnp.float32),
        pltpu.VMEM((C, D), jnp.float32),
        pltpu.VMEM((EPW,), jnp.float32),
        pltpu.VMEM((L * L,), jnp.float32),
        pltpu.SemaphoreType.DMA,
        pltpu.SemaphoreType.DMA,
        pltpu.SemaphoreType.DMA,
        pltpu.SemaphoreType.DMA,
        pltpu.SemaphoreType.DMA,
        pltpu.SemaphoreType.DMA,
        pltpu.SemaphoreType.DMA,
        pltpu.SemaphoreType.DMA,
    ],
    compiler_params=pltpu.CompilerParams(needs_layout_passes=False),
)
def _decode(z_hbm, src_hbm, dst_hbm, out_hbm,
            z_sp, sidx_a, didx_a, sidx_b, didx_b,
            srows_a, drows_a, srows_b, drows_b, oval, tstage,
            sem_sa, sem_da, sem_sb, sem_db,
            sem_isa, sem_ida, sem_isb, sem_idb):
    wid = lax.axis_index("s") * NC + lax.axis_index("c")
    sid = lax.axis_index("s")
    base = wid * EPW
    rps = (N_NODES // NS) // 8 * 8
    pltpu.sync_copy(z_hbm.at[pl.ds(sid * rps, rps)],
                    z_sp.at[pl.ds(sid * rps, rps)])

    @pl.when(sid == 0)
    def _copy_z_tail():
        pltpu.sync_copy(z_hbm.at[pl.ds(NS * rps, N_NODES - NS * rps)],
                        z_sp.at[pl.ds(NS * rps, N_NODES - NS * rps)])

    plsc.subcore_barrier()

    def start_idx(ci, si, di, sem_s, sem_d):
        pltpu.async_copy(src_hbm.at[pl.ds(base + ci * C, C)], si, sem_s)
        pltpu.async_copy(dst_hbm.at[pl.ds(base + ci * C, C)], di, sem_d)

    def wait_idx(si, di, sem_s, sem_d):
        pltpu.make_async_copy(src_hbm.at[pl.ds(base, C)], si, sem_s).wait()
        pltpu.make_async_copy(dst_hbm.at[pl.ds(base, C)], di, sem_d).wait()

    def start_rows(si, di, srows, drows, sem_s, sem_d):
        pltpu.async_copy(z_sp.at[si], srows, sem_s)
        pltpu.async_copy(z_sp.at[di], drows, sem_d)

    def wait_rows(si, di, srows, drows, sem_s, sem_d):
        pltpu.make_async_copy(z_sp.at[si], srows, sem_s).wait()
        pltpu.make_async_copy(z_sp.at[di], drows, sem_d).wait()

    def compute(ci, srows, drows):
        def group_body(g, carry2):
            lanes = lax.iota(jnp.int32, L)
            for e in range(L):
                row = g * L + e
                acc = srows[row, pl.ds(0, L)] * drows[row, pl.ds(0, L)]
                for k in range(1, D // L):
                    acc = acc + (srows[row, pl.ds(k * L, L)]
                                 * drows[row, pl.ds(k * L, L)])
                plsc.store_scatter(tstage, [lanes * L + e], acc)
            dots = tstage[pl.ds(0, L)]
            for r in range(1, L):
                dots = dots + tstage[pl.ds(r * L, L)]
            oval[pl.ds(ci * C + g * L, L)] = 1.0 / (1.0 + jnp.exp(-dots))
            return carry2

        lax.fori_loop(0, C // L, group_body, 0)

    pltpu.sync_copy(src_hbm.at[pl.ds(base, C)], sidx_a)
    pltpu.sync_copy(dst_hbm.at[pl.ds(base, C)], didx_a)
    start_idx(1, sidx_b, didx_b, sem_isb, sem_idb)
    start_rows(sidx_a, didx_a, srows_a, drows_a, sem_sa, sem_da)

    def pair_body(p, carry):
        c0 = 2 * p
        wait_idx(sidx_b, didx_b, sem_isb, sem_idb)
        start_rows(sidx_b, didx_b, srows_b, drows_b, sem_sb, sem_db)
        wait_rows(sidx_a, didx_a, srows_a, drows_a, sem_sa, sem_da)

        @pl.when(c0 + 2 < NCHUNK)
        def _():
            start_idx(c0 + 2, sidx_a, didx_a, sem_isa, sem_ida)

        compute(c0, srows_a, drows_a)

        @pl.when(c0 + 2 < NCHUNK)
        def _():
            wait_idx(sidx_a, didx_a, sem_isa, sem_ida)
            start_rows(sidx_a, didx_a, srows_a, drows_a, sem_sa, sem_da)

        wait_rows(sidx_b, didx_b, srows_b, drows_b, sem_sb, sem_db)

        @pl.when(c0 + 3 < NCHUNK)
        def _():
            start_idx(c0 + 3, sidx_b, didx_b, sem_isb, sem_idb)

        compute(c0 + 1, srows_b, drows_b)
        return carry

    lax.fori_loop(0, NPAIR, pair_body, 0)

    pltpu.sync_copy(src_hbm.at[pl.ds(base + NCHUNK * C, TAIL)],
                    sidx_a.at[pl.ds(0, TAIL)])
    pltpu.sync_copy(dst_hbm.at[pl.ds(base + NCHUNK * C, TAIL)],
                    didx_a.at[pl.ds(0, TAIL)])
    pltpu.async_copy(z_sp.at[sidx_a.at[pl.ds(0, TAIL)]],
                     srows_a.at[pl.ds(0, TAIL)], sem_sa)
    pltpu.async_copy(z_sp.at[didx_a.at[pl.ds(0, TAIL)]],
                     drows_a.at[pl.ds(0, TAIL)], sem_da)
    pltpu.make_async_copy(z_sp.at[sidx_a.at[pl.ds(0, TAIL)]],
                          srows_a.at[pl.ds(0, TAIL)], sem_sa).wait()
    pltpu.make_async_copy(z_sp.at[didx_a.at[pl.ds(0, TAIL)]],
                          drows_a.at[pl.ds(0, TAIL)], sem_da).wait()
    lanes = lax.iota(jnp.int32, L)
    for e in range(L):
        acc = srows_a[e, pl.ds(0, L)] * drows_a[e, pl.ds(0, L)]
        for k in range(1, D // L):
            acc = acc + (srows_a[e, pl.ds(k * L, L)]
                         * drows_a[e, pl.ds(k * L, L)])
        plsc.store_scatter(tstage, [lanes * L + e], acc)
    dots = tstage[pl.ds(0, L)]
    for r in range(1, L):
        dots = dots + tstage[pl.ds(r * L, L)]
    oval[pl.ds(NCHUNK * C, L)] = 1.0 / (1.0 + jnp.exp(-dots))

    pltpu.sync_copy(oval, out_hbm.at[pl.ds(base, EPW)])


def kernel(z, edge_index):
    ei = edge_index.astype(jnp.int32)
    return _decode(z, ei[0], ei[1])

# --- scband reference (transcript-rebuilt; emitter-appended) ---
"""Pipeline reference for scband-graph-decoder-48034914238516 (READ-ONLY COPY).

The authoritative reference and input builder live on the scoring server;
editing this copy changes nothing except your own understanding.
"""

import jax, jax.numpy as jnp
import numpy as np

N_NODES = 10000
D_FEAT = 128
N_EDGES = 320000


def setup_inputs(seed: int = 0) -> dict:
    key = jax.random.key(seed)
    k1, k2 = jax.random.split(key)
    z = jax.random.normal(k1, (N_NODES, D_FEAT), dtype=jnp.float32)
    edge_index = jax.random.randint(k2, (2, N_EDGES), 0, N_NODES, dtype=jnp.int64)
    return {"z": z, "edge_index": edge_index}


def reference(z, edge_index):
    # InnerProductDecoder.forward(z, edge_index, sigmoid=True):
    #   value = (z[edge_index[0]] * z[edge_index[1]]).sum(dim=1)
    #   return torch.sigmoid(value)
    src = edge_index[0]
    dst = edge_index[1]
    z_src = jnp.take(z, src, axis=0)
    z_dst = jnp.take(z, dst, axis=0)
    value = jnp.sum(z_src * z_dst, axis=-1)
    return jax.nn.sigmoid(value)

if __name__ == "__main__":
    import jax
    _d = setup_inputs()
    print(jax.jit(kernel)(*tuple(_d.values())))

</pallas_src>

<mosaic_0001>
#map = affine_map<(d0, d1) -> (0, 0)>
#map1 = affine_map<(d0, d1) -> (0)>
module attributes {stable_mosaic.version = 14 : i64} {
  func.func @_decode(%arg0: i32, %arg1: i32, %arg2: memref<10000x128xf32, #tpu.memory_space<hbm>>, %arg3: memref<320000xi32, #tpu.memory_space<hbm>>, %arg4: memref<320000xi32, #tpu.memory_space<hbm>>, %arg5: memref<320000xf32, #tpu.memory_space<hbm>>, %arg6: memref<10000x128xf32, #tpu.memory_space<vmem_shared>>, %arg7: memref<64xi32, #tpu.memory_space<vmem>>, %arg8: memref<64xi32, #tpu.memory_space<vmem>>, %arg9: memref<64xi32, #tpu.memory_space<vmem>>, %arg10: memref<64xi32, #tpu.memory_space<vmem>>, %arg11: memref<64x128xf32, #tpu.memory_space<vmem>>, %arg12: memref<64x128xf32, #tpu.memory_space<vmem>>, %arg13: memref<64x128xf32, #tpu.memory_space<vmem>>, %arg14: memref<64x128xf32, #tpu.memory_space<vmem>>, %arg15: memref<10000xf32, #tpu.memory_space<vmem>>, %arg16: memref<256xf32, #tpu.memory_space<vmem>>, %arg17: memref<!tpu.dma_semaphore, #tpu.memory_space<semaphore_mem>>, %arg18: memref<!tpu.dma_semaphore, #tpu.memory_space<semaphore_mem>>, %arg19: memref<!tpu.dma_semaphore, #tpu.memory_space<semaphore_mem>>, %arg20: memref<!tpu.dma_semaphore, #tpu.memory_space<semaphore_mem>>, %arg21: memref<!tpu.dma_semaphore, #tpu.memory_space<semaphore_mem>>, %arg22: memref<!tpu.dma_semaphore, #tpu.memory_space<semaphore_mem>>, %arg23: memref<!tpu.dma_semaphore, #tpu.memory_space<semaphore_mem>>, %arg24: memref<!tpu.dma_semaphore, #tpu.memory_space<semaphore_mem>>) attributes {dimension_semantics = [#tpu.dimension_semantics<core_parallel>, #tpu.dimension_semantics<subcore_parallel>], iteration_bounds = array<i64: 2, 16>, scalar_prefetch = 0 : i64, scratch_operands = 19 : i64, tpu.core_type = #tpu.core_type<sc_vector_subcore>, window_params = [{transform_indices = #map}, {transform_indices = #map1}, {transform_indices = #map1}, {transform_indices = #map1}]} {
    %mul3A = arith.constant 2 : i32
    %mul3A_0 = arith.muli %arg1, %mul3A : i32
    %add3A = arith.addi %mul3A_0, %arg0 : i32
    %mul3A_1 = arith.constant 10000 : i32
    %mul3A_2 = arith.muli %add3A, %mul3A_1 : i32
    %mul3A_3 = arith.constant 624 : i32
    %mul3A_4 = arith.muli %arg1, %mul3A_3 : i32
    %mul3A_5 = arith.constant 624 : i32
    %mul3A_6 = arith.muli %arg1, %mul3A_5 : i32
    "tpu.region"() ({
      %run_scoped3A = tpu.sem_alloc : memref<!tpu.dma_semaphore, #tpu.memory_space<semaphore_mem>>
      %dma_start3A_1476 = arith.constant 0 : i32
      %dma_start3A_1477 = tpu.memref_slice %arg6[%mul3A_6, %dma_start3A_1476] : memref<10000x128xf32, #tpu.memory_space<vmem_shared>> -> memref<624x128xf32, #tpu.memory_space<vmem_shared>>
      %dma_start3A_1478 = arith.constant 0 : i32
      %dma_start3A_1479 = tpu.memref_slice %arg2[%mul3A_4, %dma_start3A_1478] : memref<10000x128xf32, #tpu.memory_space<hbm>> -> memref<624x128xf32, #tpu.memory_space<hbm>>
      tpu.enqueue_dma source(%dma_start3A_1479 : memref<624x128xf32, #tpu.memory_space<hbm>>) target(%dma_start3A_1477 : memref<624x128xf32, #tpu.memory_space<vmem_shared>>) target_semaphore(%run_scoped3A : memref<!tpu.dma_semaphore, #tpu.memory_space<semaphore_mem>>)
      %dma_wait3A_1480 = arith.constant 0 : i32
      %dma_wait3A_1481 = tpu.memref_slice %arg6[%mul3A_6, %dma_wait3A_1480] : memref<10000x128xf32, #tpu.memory_space<vmem_shared>> -> memref<624x128xf32, #tpu.memory_space<vmem_shared>>
      %dma_wait3A_1482 = arith.constant 0 : i32
      %dma_wait3A_1483 = tpu.memref_slice %arg2[%mul3A_4, %dma_wait3A_1482] : memref<10000x128xf32, #tpu.memory_space<hbm>> -> memref<624x128xf32, #tpu.memory_space<hbm>>
      tpu.wait_dma2 semaphore(%run_scoped3A : memref<!tpu.dma_semaphore, #tpu.memory_space<semaphore_mem>>) src(%dma_wait3A_1483 : memref<624x128xf32, #tpu.memory_space<hbm>>) dst(%dma_wait3A_1481 : memref<624x128xf32, #tpu.memory_space<vmem_shared>>)
      tpu.yield
    }) : () -> ()
    %eq3A = arith.constant 0 : i32
    %eq3A_7 = arith.cmpi eq, %arg1, %eq3A : i32
    %convert_element_type3A = arith.extui %eq3A_7 : i1 to i32
    %cond3A = arith.constant 0 : i32
    %cond3A_8 = arith.cmpi ne, %convert_element_type3A, %cond3A : i32
    scf.if %cond3A_8 {
      "tpu.region"() ({
        %run_scoped3A = tpu.sem_alloc : memref<!tpu.dma_semaphore, #tpu.memory_space<semaphore_mem>>
        %dma_start3A_1476 = arith.constant 9984 : i32
        %dma_start3A_1477 = arith.constant 0 : i32
        %dma_start3A_1478 = tpu.memref_slice %arg6[%dma_start3A_1476, %dma_start3A_1477] : memref<10000x128xf32, #tpu.memory_space<vmem_shared>> -> memref<16x128xf32, #tpu.memory_space<vmem_shared>>
        %dma_start3A_1479 = arith.constant 9984 : i32
        %dma_start3A_1480 = arith.constant 0 : i32
        %dma_start3A_1481 = tpu.memref_slice %arg2[%dma_start3A_1479, %dma_start3A_1480] : memref<10000x128xf32, #tpu.memory_space<hbm>> -> memref<16x128xf32, #tpu.memory_space<hbm>>
        tpu.enqueue_dma source(%dma_start3A_1481 : memref<16x128xf32, #tpu.memory_space<hbm>>) target(%dma_start3A_1478 : memref<16x128xf32, #tpu.memory_space<vmem_shared>>) target_semaphore(%run_scoped3A : memref<!tpu.dma_semaphore, #tpu.memory_space<semaphore_mem>>)
        %dma_wait3A_1482 = arith.constant 9984 : i32
        %dma_wait3A_1483 = arith.constant 0 : i32
        %dma_wait3A_1484 = tpu.memref_slice %arg6[%dma_wait3A_1482, %dma_wait3A_1483] : memref<10000x128xf32, #tpu.memory_space<vmem_shared>> -> memref<16x128xf32, #tpu.memory_space<vmem_shared>>
        %dma_wait3A_1485 = arith.constant 9984 : i32
        %dma_wait3A_1486 = arith.constant 0 : i32
        %dma_wait3A_1487 = tpu.memref_slice %arg2[%dma_wait3A_1485, %dma_wait3A_1486] : memref<10000x128xf32, #tpu.memory_space<hbm>> -> memref<16x128xf32, #tpu.memory_space<hbm>>
        tpu.wait_dma2 semaphore(%run_scoped3A : memref<!tpu.dma_semaphore, #tpu.memory_space<semaphore_mem>>) src(%dma_wait3A_1487 : memref<16x128xf32, #tpu.memory_space<hbm>>) dst(%dma_wait3A_1484 : memref<16x128xf32, #tpu.memory_space<vmem_shared>>)
        tpu.yield
      }) : () -> ()
    } else {
    }
    %barrier3A = arith.constant 0 : index
    tpu.barrier barrier_id(%barrier3A)
    "tpu.region"() ({
      %run_scoped3A = tpu.sem_alloc : memref<!tpu.dma_semaphore, #tpu.memory_space<semaphore_mem>>
      %dma_start3A_1476 = tpu.memref_slice %arg3[%mul3A_2] : memref<320000xi32, #tpu.memory_space<hbm>> -> memref<64xi32, #tpu.memory_space<hbm>>
      %dma_start3A_1477 = tpu.memref_slice %arg3[%mul3A_2] : memref<320000xi32, #tpu.memory_space<hbm>> -> memref<64xi32, #tpu.memory_space<hbm>>
      tpu.enqueue_dma source(%dma_start3A_1477 : memref<64xi32, #tpu.memory_space<hbm>>) target(%arg7 : memref<64xi32, #tpu.memory_space<vmem>>) target_semaphore(%run_scoped3A : memref<!tpu.dma_semaphore, #tpu.memory_space<semaphore_mem>>)
      %dma_wait3A_1478 = tpu.memref_slice %arg3[%mul3A_2] : memref<320000xi32, #tpu.memory_space<hbm>> -> memref<64xi32, #tpu.memory_space<hbm>>
      %dma_wait3A_1479 = tpu.memref_slice %arg3[%mul3A_2] : memref<320000xi32, #tpu.memory_space<hbm>> -> memref<64xi32, #tpu.memory_space<hbm>>
      tpu.wait_dma2 semaphore(%run_scoped3A : memref<!tpu.dma_semaphore, #tpu.memory_space<semaphore_mem>>) src(%dma_wait3A_1479 : memref<64xi32, #tpu.memory_space<hbm>>) dst(%arg7 : memref<64xi32, #tpu.memory_space<vmem>>)
      tpu.yield
    }) : () -> ()
    "tpu.region"() ({
      %run_scoped3A = tpu.sem_alloc : memref<!tpu.dma_semaphore, #tpu.memory_space<semaphore_mem>>
      %dma_start3A_1476 = tpu.memref_slice %arg4[%mul3A_2] : memref<320000xi32, #tpu.memory_space<hbm>> -> memref<64xi32, #tpu.memory_space<hbm>>
      %dma_start3A_1477 = tpu.memref_slice %arg4[%mul3A_2] : memref<320000xi32, #tpu.memory_space<hbm>> -> memref<64xi32, #tpu.memory_space<hbm>>
      tpu.enqueue_dma source(%dma_start3A_1477 : memref<64xi32, #tpu.memory_space<hbm>>) target(%arg8 : memref<64xi32, #tpu.memory_space<vmem>>) target_semaphore(%run_scoped3A : memref<!tpu.dma_semaphore, #tpu.memory_space<semaphore_mem>>)
      %dma_wait3A_1478 = tpu.memref_slice %arg4[%mul3A_2] : memref<320000xi32, #tpu.memory_space<hbm>> -> memref<64xi32, #tpu.memory_space<hbm>>
      %dma_wait3A_1479 = tpu.memref_slice %arg4[%mul3A_2] : memref<320000xi32, #tpu.memory_space<hbm>> -> memref<64xi32, #tpu.memory_space<hbm>>
      tpu.wait_dma2 semaphore(%run_scoped3A : memref<!tpu.dma_semaphore, #tpu.memory_space<semaphore_mem>>) src(%dma_wait3A_1479 : memref<64xi32, #tpu.memory_space<hbm>>) dst(%arg8 : memref<64xi32, #tpu.memory_space<vmem>>)
      tpu.yield
    }) : () -> ()
    %add3A_9 = arith.constant 64 : i32
    %add3A_10 = arith.addi %mul3A_2, %add3A_9 : i32
    %dma_start3A = tpu.memref_slice %arg3[%add3A_10] : memref<320000xi32, #tpu.memory_space<hbm>> -> memref<64xi32, #tpu.memory_space<hbm>>
    %dma_start3A_11 = tpu.memref_slice %arg3[%add3A_10] : memref<320000xi32, #tpu.memory_space<hbm>> -> memref<64xi32, #tpu.memory_space<hbm>>
    tpu.enqueue_dma source(%dma_start3A_11 : memref<64xi32, #tpu.memory_space<hbm>>) target(%arg9 : memref<64xi32, #tpu.memory_space<vmem>>) target_semaphore(%arg23 : memref<!tpu.dma_semaphore, #tpu.memory_space<semaphore_mem>>)
    %add3A_12 = arith.constant 64 : i32
    %add3A_13 = arith.addi %mul3A_2, %add3A_12 : i32
    %dma_start3A_14 = tpu.memref_slice %arg4[%add3A_13] : memref<320000xi32, #tpu.memory_space<hbm>> -> memref<64xi32, #tpu.memory_space<hbm>>
    %dma_start3A_15 = tpu.memref_slice %arg4[%add3A_13] : memref<320000xi32, #tpu.memory_space<hbm>> -> memref<64xi32, #tpu.memory_space<hbm>>
    tpu.enqueue_dma source(%dma_start3A_15 : memref<64xi32, #tpu.memory_space<hbm>>) target(%arg10 : memref<64xi32, #tpu.memory_space<vmem>>) target_semaphore(%arg24 : memref<!tpu.dma_semaphore, #tpu.memory_space<semaphore_mem>>)
    %dma_start3A_16 = arith.constant 0 : i32
    %dma_start3A_17 = arith.constant 0 : i32
    %dma_start3A_18 = tpu.memref_slice %arg6[%dma_start3A_16, %dma_start3A_17] : memref<10000x128xf32, #tpu.memory_space<vmem_shared>> -> memref<10000x128xf32, #tpu.memory_space<vmem_shared>>
    tpu.enqueue_indirect_dma source(%dma_start3A_18 : memref<10000x128xf32, #tpu.memory_space<vmem_shared>>) target(%arg11 : memref<64x128xf32, #tpu.memory_space<vmem>>) offsets(%arg7 : memref<64xi32, #tpu.memory_space<vmem>>) semaphore(%arg17 : memref<!tpu.dma_semaphore, #tpu.memory_space<semaphore_mem>>)
    %dma_start3A_19 = arith.constant 0 : i32
    %dma_start3A_20 = arith.constant 0 : i32
    %dma_start3A_21 = tpu.memref_slice %arg6[%dma_start3A_19, %dma_start3A_20] : memref<10000x128xf32, #tpu.memory_space<vmem_shared>> -> memref<10000x128xf32, #tpu.memory_space<vmem_shared>>
    tpu.enqueue_indirect_dma source(%dma_start3A_21 : memref<10000x128xf32, #tpu.memory_space<vmem_shared>>) target(%arg12 : memref<64x128xf32, #tpu.memory_space<vmem>>) offsets(%arg8 : memref<64xi32, #tpu.memory_space<vmem>>) semaphore(%arg18 : memref<!tpu.dma_semaphore, #tpu.memory_space<semaphore_mem>>)
    %scan3A = arith.constant 0 : i32
    %scan3A_22 = arith.constant 0 : i32
    %scan3A_23 = arith.constant 78 : i32
    %scan3A_24 = arith.addi %scan3A_22, %scan3A_23 : i32
    %scan3A_25 = arith.constant 1 : i32
    scf.for %scan3A_1476 = %scan3A_22 to %scan3A_24 step %scan3A_25  : i32 {
      %mul3A_1477 = arith.constant 2 : i32
      %mul3A_1478 = arith.muli %mul3A_1477, %scan3A_1476 : i32
      %dma_wait3A_1479 = tpu.memref_slice %arg3[%mul3A_2] : memref<320000xi32, #tpu.memory_space<hbm>> -> memref<64xi32, #tpu.memory_space<hbm>>
      %dma_wait3A_1480 = tpu.memref_slice %arg3[%mul3A_2] : memref<320000xi32, #tpu.memory_space<hbm>> -> memref<64xi32, #tpu.memory_space<hbm>>
      tpu.wait_dma2 semaphore(%arg23 : memref<!tpu.dma_semaphore, #tpu.memory_space<semaphore_mem>>) src(%dma_wait3A_1480 : memref<64xi32, #tpu.memory_space<hbm>>) dst(%arg9 : memref<64xi32, #tpu.memory_space<vmem>>)
      %dma_wait3A_1481 = tpu.memref_slice %arg4[%mul3A_2] : memref<320000xi32, #tpu.memory_space<hbm>> -> memref<64xi32, #tpu.memory_space<hbm>>
      %dma_wait3A_1482 = tpu.memref_slice %arg4[%mul3A_2] : memref<320000xi32, #tpu.memory_space<hbm>> -> memref<64xi32, #tpu.memory_space<hbm>>
      tpu.wait_dma2 semaphore(%arg24 : memref<!tpu.dma_semaphore, #tpu.memory_space<semaphore_mem>>) src(%dma_wait3A_1482 : memref<64xi32, #tpu.memory_space<hbm>>) dst(%arg10 : memref<64xi32, #tpu.memory_space<vmem>>)
      %dma_start3A_1483 = arith.constant 0 : i32
      %dma_start3A_1484 = arith.constant 0 : i32
      %dma_start3A_1485 = tpu.memref_slice %arg6[%dma_start3A_1483, %dma_start3A_1484] : memref<10000x128xf32, #tpu.memory_space<vmem_shared>> -> memref<10000x128xf32, #tpu.memory_space<vmem_shared>>
      tpu.enqueue_indirect_dma source(%dma_start3A_1485 : memref<10000x128xf32, #tpu.memory_space<vmem_shared>>) target(%arg13 : memref<64x128xf32, #tpu.memory_space<vmem>>) offsets(%arg9 : memref<64xi32, #tpu.memory_space<vmem>>) semaphore(%arg19 : memref<!tpu.dma_semaphore, #tpu.memory_space<semaphore_mem>>)
      %dma_start3A_1486 = arith.constant 0 : i32
      %dma_start3A_1487 = arith.constant 0 : i32
      %dma_start3A_1488 = tpu.memref_slice %arg6[%dma_start3A_1486, %dma_start3A_1487] : memref<10000x128xf32, #tpu.memory_space<vmem_shared>> -> memref<10000x128xf32, #tpu.memory_space<vmem_shared>>
      tpu.enqueue_indirect_dma source(%dma_start3A_1488 : memref<10000x128xf32, #tpu.memory_space<vmem_shared>>) target(%arg14 : memref<64x128xf32, #tpu.memory_space<vmem>>) offsets(%arg10 : memref<64xi32, #tpu.memory_space<vmem>>) semaphore(%arg20 : memref<!tpu.dma_semaphore, #tpu.memory_space<semaphore_mem>>)
      %dma_wait3A_1489 = arith.constant 0 : i32
      %dma_wait3A_1490 = arith.constant 0 : i32
      %dma_wait3A_1491 = tpu.memref_slice %arg6[%dma_wait3A_1489, %dma_wait3A_1490] : memref<10000x128xf32, #tpu.memory_space<vmem_shared>> -> memref<10000x128xf32, #tpu.memory_space<vmem_shared>>
      tpu.wait_indirect_dma semaphore(%arg17 : memref<!tpu.dma_semaphore, #tpu.memory_space<semaphore_mem>>) src(%dma_wait3A_1491 : memref<10000x128xf32, #tpu.memory_space<vmem_shared>>) dst(%arg11 : memref<64x128xf32, #tpu.memory_space<vmem>>)
      %dma_wait3A_1492 = arith.constant 0 : i32
      %dma_wait3A_1493 = arith.constant 0 : i32
      %dma_wait3A_1494 = tpu.memref_slice %arg6[%dma_wait3A_1492, %dma_wait3A_1493] : memref<10000x128xf32, #tpu.memory_space<vmem_shared>> -> memref<10000x128xf32, #tpu.memory_space<vmem_shared>>
      tpu.wait_indirect_dma semaphore(%arg18 : memref<!tpu.dma_semaphore, #tpu.memory_space<semaphore_mem>>) src(%dma_wait3A_1494 : memref<10000x128xf32, #tpu.memory_space<vmem_shared>>) dst(%arg12 : memref<64x128xf32, #tpu.memory_space<vmem>>)
      %add3A_1495 = arith.constant 2 : i32
      %add3A_1496 = arith.addi %mul3A_1478, %add3A_1495 : i32
      %lt3A = arith.constant 156 : i32
      %lt3A_1497 = arith.cmpi slt, %add3A_1496, %lt3A : i32
      %convert_element_type3A_1498 = arith.extui %lt3A_1497 : i1 to i32
      %cond3A_1499 = arith.constant 0 : i32
      %cond3A_1500 = arith.cmpi ne, %convert_element_type3A_1498, %cond3A_1499 : i32
      scf.if %cond3A_1500 {
        %add3A_1535 = arith.constant 2 : i32
        %add3A_1536 = arith.addi %mul3A_1478, %add3A_1535 : i32
        %mul3A_1537 = arith.constant 64 : i32
        %mul3A_1538 = arith.muli %add3A_1536, %mul3A_1537 : i32
        %add3A_1539 = arith.addi %mul3A_2, %mul3A_1538 : i32
        %dma_start3A_1540 = tpu.memref_slice %arg3[%add3A_1539] : memref<320000xi32, #tpu.memory_space<hbm>> -> memref<64xi32, #tpu.memory_space<hbm>>
        %dma_start3A_1541 = tpu.memref_slice %arg3[%add3A_1539] : memref<320000xi32, #tpu.memory_space<hbm>> -> memref<64xi32, #tpu.memory_space<hbm>>
        tpu.enqueue_dma source(%dma_start3A_1541 : memref<64xi32, #tpu.memory_space<hbm>>) target(%arg7 : memref<64xi32, #tpu.memory_space<vmem>>) target_semaphore(%arg21 : memref<!tpu.dma_semaphore, #tpu.memory_space<semaphore_mem>>)
        %mul3A_1542 = arith.constant 64 : i32
        %mul3A_1543 = arith.muli %add3A_1536, %mul3A_1542 : i32
        %add3A_1544 = arith.addi %mul3A_2, %mul3A_1543 : i32
        %dma_start3A_1545 = tpu.memref_slice %arg4[%add3A_1544] : memref<320000xi32, #tpu.memory_space<hbm>> -> memref<64xi32, #tpu.memory_space<hbm>>
        %dma_start3A_1546 = tpu.memref_slice %arg4[%add3A_1544] : memref<320000xi32, #tpu.memory_space<hbm>> -> memref<64xi32, #tpu.memory_space<hbm>>
        tpu.enqueue_dma source(%dma_start3A_1546 : memref<64xi32, #tpu.memory_space<hbm>>) target(%arg8 : memref<64xi32, #tpu.memory_space<vmem>>) target_semaphore(%arg22 : memref<!tpu.dma_semaphore, #tpu.memory_space<semaphore_mem>>)
      } else {
      }
      %scan3A_1501 = arith.constant 0 : i32
      %scan3A_1502 = arith.constant 0 : i32
      %scan3A_1503 = arith.constant 4 : i32
      %scan3A_1504 = arith.addi %scan3A_1502, %scan3A_1503 : i32
      %scan3A_1505 = arith.constant 1 : i32
      scf.for %scan3A_1535 = %scan3A_1502 to %scan3A_1504 step %scan3A_1505  : i32 {
        %iota3A_1536 = tpu.iota {dimensions = array<i32: 0>} : vector<16xi32>
        %mul3A_1537 = arith.constant 16 : i32
        %mul3A_1538 = arith.muli %scan3A_1535, %mul3A_1537 : i32
        %add3A_1539 = arith.constant 0 : i32
        %add3A_1540 = arith.addi %mul3A_1538, %add3A_1539 : i32
        %get3A_1541 = arith.index_cast %add3A_1540 : i32 to index
        %get3A_1542 = arith.constant 0 : index
        %get3A_1543 = tpu.vector_load %arg11[%get3A_1541, %get3A_1542] {strides = array<i32>} : memref<64x128xf32, #tpu.memory_space<vmem>>, vector<16xf32>,
        %get3A_1544 = arith.index_cast %add3A_1540 : i32 to index
        %get3A_1545 = arith.constant 0 : index
        %get3A_1546 = tpu.vector_load %arg12[%get3A_1544, %get3A_1545] {strides = array<i32>} : memref<64x128xf32, #tpu.memory_space<vmem>>, vector<16xf32>,
        %mul3A_1547 = arith.mulf %get3A_1543, %get3A_1546 : vector<16xf32>
        %get3A_1548 = arith.index_cast %add3A_1540 : i32 to index
        %get3A_1549 = arith.constant 16 : index
        %get3A_1550 = tpu.vector_load %arg11[%get3A_1548, %get3A_1549] {strides = array<i32>} : memref<64x128xf32, #tpu.memory_space<vmem>>, vector<16xf32>,
        %get3A_1551 = arith.index_cast %add3A_1540 : i32 to index
        %get3A_1552 = arith.constant 16 : index
        %get3A_1553 = tpu.vector_load %arg12[%get3A_1551, %get3A_1552] {strides = array<i32>} : memref<64x128xf32, #tpu.memory_space<vmem>>, vector<16xf32>,
        %mul3A_1554 = arith.mulf %get3A_1550, %get3A_1553 : vector<16xf32>
        %add3A_1555 = arith.addf %mul3A_1547, %mul3A_1554 : vector<16xf32>
        %get3A_1556 = arith.index_cast %add3A_1540 : i32 to index
        %get3A_1557 = arith.constant 32 : index
        %get3A_1558 = tpu.vector_load %arg11[%get3A_1556, %get3A_1557] {strides = array<i32>} : memref<64x128xf32, #tpu.memory_space<vmem>>, vector<16xf32>,
        %get3A_1559 = arith.index_cast %add3A_1540 : i32 to index
        %get3A_1560 = arith.constant 32 : index
        %get3A_1561 = tpu.vector_load %arg12[%get3A_1559, %get3A_1560] {strides = array<i32>} : memref<64x128xf32, #tpu.memory_space<vmem>>, vector<16xf32>,
        %mul3A_1562 = arith.mulf %get3A_1558, %get3A_1561 : vector<16xf32>
        %add3A_1563 = arith.addf %add3A_1555, %mul3A_1562 : vector<16xf32>
        %get3A_1564 = arith.index_cast %add3A_1540 : i32 to index
        %get3A_1565 = arith.constant 48 : index
        %get3A_1566 = tpu.vector_load %arg11[%get3A_1564, %get3A_1565] {strides = array<i32>} : memref<64x128xf32, #tpu.memory_space<vmem>>, vector<16xf32>,
        %get3A_1567 = arith.index_cast %add3A_1540 : i32 to index
        %get3A_1568 = arith.constant 48 : index
        %get3A_1569 = tpu.vector_load %arg12[%get3A_1567, %get3A_1568] {strides = array<i32>} : memref<64x128xf32, #tpu.memory_space<vmem>>, vector<16xf32>,
        %mul3A_1570 = arith.mulf %get3A_1566, %get3A_1569 : vector<16xf32>
        %add3A_1571 = arith.addf %add3A_1563, %mul3A_1570 : vector<16xf32>
        %get3A_1572 = arith.index_cast %add3A_1540 : i32 to index
        %get3A_1573 = arith.constant 64 : index
        %get3A_1574 = tpu.vector_load %arg11[%get3A_1572, %get3A_1573] {strides = array<i32>} : memref<64x128xf32, #tpu.memory_space<vmem>>, vector<16xf32>,
        %get3A_1575 = arith.index_cast %add3A_1540 : i32 to index
        %get3A_1576 = arith.constant 64 : index
        %get3A_1577 = tpu.vector_load %arg12[%get3A_1575, %get3A_1576] {strides = array<i32>} : memref<64x128xf32, #tpu.memory_space<vmem>>, vector<16xf32>,
        %mul3A_1578 = arith.mulf %get3A_1574, %get3A_1577 : vector<16xf32>
        %add3A_1579 = arith.addf %add3A_1571, %mul3A_1578 : vector<16xf32>
        %get3A_1580 = arith.index_cast %add3A_1540 : i32 to index
        %get3A_1581 = arith.constant 80 : index
        %get3A_1582 = tpu.vector_load %arg11[%get3A_1580, %get3A_1581] {strides = array<i32>} : memref<64x128xf32, #tpu.memory_space<vmem>>, vector<16xf32>,
        %get3A_1583 = arith.index_cast %add3A_1540 : i32 to index
        %get3A_1584 = arith.constant 80 : index
        %get3A_1585 = tpu.vector_load %arg12[%get3A_1583, %get3A_1584] {strides = array<i32>} : memref<64x128xf32, #tpu.memory_space<vmem>>, vector<16xf32>,
        %mul3A_1586 = arith.mulf %get3A_1582, %get3A_1585 : vector<16xf32>
        %add3A_1587 = arith.addf %add3A_1579, %mul3A_1586 : vector<16xf32>
        %get3A_1588 = arith.index_cast %add3A_1540 : i32 to index
        %get3A_1589 = arith.constant 96 : index
        %get3A_1590 = tpu.vector_load %arg11[%get3A_1588, %get3A_1589] {strides = array<i32>} : memref<64x128xf32, #tpu.memory_space<vmem>>, vector<16xf32>,
        %get3A_1591 = arith.index_cast %add3A_1540 : i32 to index
        %get3A_1592 = arith.constant 96 : index
        %get3A_1593 = tpu.vector_load %arg12[%get3A_1591, %get3A_1592] {strides = array<i32>} : memref<64x128xf32, #tpu.memory_space<vmem>>, vector<16xf32>,
        %mul3A_1594 = arith.mulf %get3A_1590, %get3A_1593 : vector<16xf32>
        %add3A_1595 = arith.addf %add3A_1587, %mul3A_1594 : vector<16xf32>
        %get3A_1596 = arith.index_cast %add3A_1540 : i32 to index
        %get3A_1597 = arith.constant 112 : index
        %get3A_1598 = tpu.vector_load %arg11[%get3A_1596, %get3A_1597] {strides = array<i32>} : memref<64x128xf32, #tpu.memory_space<vmem>>, vector<16xf32>,
        %get3A_1599 = arith.index_cast %add3A_1540 : i32 to index
        %get3A_1600 = arith.constant 112 : index
        %get3A_1601 = tpu.vector_load %arg12[%get3A_1599, %get3A_1600] {strides = array<i32>} : memref<64x128xf32, #tpu.memory_space<vmem>>, vector<16xf32>,
        %mul3A_1602 = arith.mulf %get3A_1598, %get3A_1601 : vector<16xf32>
        %add3A_1603 = arith.addf %add3A_1595, %mul3A_1602 : vector<16xf32>
        %mul3A_1604 = arith.constant 16 : i32
        %mul3A_1605 = vector.broadcast %mul3A_1604 : i32 to vector<16xi32>
        %mul3A_1606 = arith.muli %iota3A_1536, %mul3A_1605 : vector<16xi32>
        %add3A_1607 = arith.constant 0 : i32
        %add3A_1608 = vector.broadcast %add3A_1607 : i32 to vector<16xi32>
        %add3A_1609 = arith.addi %mul3A_1606, %add3A_1608 : vector<16xi32>
        tpu.vector_store_idx %arg16[%add3A_1609], %add3A_1603 : memref<256xf32, #tpu.memory_space<vmem>>[vector<16xi32>], vector<16xf32>,
        %mul3A_1610 = arith.constant 16 : i32
        %mul3A_1611 = arith.muli %scan3A_1535, %mul3A_1610 : i32
        %add3A_1612 = arith.constant 1 : i32
        %add3A_1613 = arith.addi %mul3A_1611, %add3A_1612 : i32
        %get3A_1614 = arith.index_cast %add3A_1613 : i32 to index
        %get3A_1615 = arith.constant 0 : index
        %get3A_1616 = tpu.vector_load %arg11[%get3A_1614, %get3A_1615] {strides = array<i32>} : memref<64x128xf32, #tpu.memory_space<vmem>>, vector<16xf32>,
        %get3A_1617 = arith.index_cast %add3A_1613 : i32 to index
        %get3A_1618 = arith.constant 0 : index
        %get3A_1619 = tpu.vector_load %arg12[%get3A_1617, %get3A_1618] {strides = array<i32>} : memref<64x128xf32, #tpu.memory_space<vmem>>, vector<16xf32>,
        %mul3A_1620 = arith.mulf %get3A_1616, %get3A_1619 : vector<16xf32>
        %get3A_1621 = arith.index_cast %add3A_1613 : i32 to index
        %get3A_1622 = arith.constant 16 : index
        %get3A_1623 = tpu.vector_load %arg11[%get3A_1621, %get3A_1622] {strides = array<i32>} : memref<64x128xf32, #tpu.memory_space<vmem>>, vector<16xf32>,
        %get3A_1624 = arith.index_cast %add3A_1613 : i32 to index
        %get3A_1625 = arith.constant 16 : index
        %get3A_1626 = tpu.vector_load %arg12[%get3A_1624, %get3A_1625] {strides = array<i32>} : memref<64x128xf32, #tpu.memory_space<vmem>>, vector<16xf32>,
        %mul3A_1627 = arith.mulf %get3A_1623, %get3A_1626 : vector<16xf32>
        %add3A_1628 = arith.addf %mul3A_1620, %mul3A_1627 : vector<16xf32>
        %get3A_1629 = arith.index_cast %add3A_1613 : i32 to index
        %get3A_1630 = arith.constant 32 : index
        %get3A_1631 = tpu.vector_load %arg11[%get3A_1629, %get3A_1630] {strides = array<i32>} : memref<64x128xf32, #tpu.memory_space<vmem>>, vector<16xf32>,
        %get3A_1632 = arith.index_cast %add3A_1613 : i32 to index
        %get3A_1633 = arith.constant 32 : index
        %get3A_1634 = tpu.vector_load %arg12[%get3A_1632, %get3A_1633] {strides = array<i32>} : memref<64x128xf32, #tpu.memory_space<vmem>>, vector<16xf32>,
        %mul3A_1635 = arith.mulf %get3A_1631, %get3A_1634 : vector<16xf32>
        %add3A_1636 = arith.addf %add3A_1628, %mul3A_1635 : vector<16xf32>
        %get3A_1637 = arith.index_cast %add3A_1613 : i32 to index
        %get3A_1638 = arith.constant 48 : index
        %get3A_1639 = tpu.vector_load %arg11[%get3A_1637, %get3A_1638] {strides = array<i32>} : memref<64x128xf32, #tpu.memory_space<vmem>>, vector<16xf32>,
        %get3A_1640 = arith.index_cast %add3A_1613 : i32 to index
        %get3A_1641 = arith.constant 48 : index
        %get3A_1642 = tpu.vector_load %arg12[%get3A_1640, %get3A_1641] {strides = array<i32>} : memref<64x128xf32, #tpu.memory_space<vmem>>, vector<16xf32>,
        %mul3A_1643 = arith.mulf %get3A_1639, %get3A_1642 : vector<16xf32>
        %add3A_1644 = arith.addf %add3A_1636, %mul3A_1643 : vector<16xf32>
        %get3A_1645 = arith.index_cast %add3A_1613 : i32 to index
        %get3A_1646 = arith.constant 64 : index
        %get3A_1647 = tpu.vector_load %arg11[%get3A_1645, %get3A_1646] {strides = array<i32>} : memref<64x128xf32, #tpu.memory_space<vmem>>, vector<16xf32>,
        %get3A_1648 = arith.index_cast %add3A_1613 : i32 to index
        %get3A_1649 = arith.constant 64 : index
        %get3A_1650 = tpu.vector_load %arg12[%get3A_1648, %get3A_1649] {strides = array<i32>} : memref<64x128xf32, #tpu.memory_space<vmem>>, vector<16xf32>,
        %mul3A_1651 = arith.mulf %get3A_1647, %get3A_1650 : vector<16xf32>
        %add3A_1652 = arith.addf %add3A_1644, %mul3A_1651 : vector<16xf32>
        %get3A_1653 = arith.index_cast %add3A_1613 : i32 to index
        %get3A_1654 = arith.constant 80 : index
        %get3A_1655 = tpu.vector_load %arg11[%get3A_1653, %get3A_1654] {strides = array<i32>} : memref<64x128xf32, #tpu.memory_space<vmem>>, vector<16xf32>,
        %get3A_1656 = arith.index_cast %add3A_1613 : i32 to index
        %get3A_1657 = arith.constant 80 : index
        %get3A_1658 = tpu.vector_load %arg12[%get3A_1656, %get3A_1657] {strides = array<i32>} : memref<64x128xf32, #tpu.memory_space<vmem>>, vector<16xf32>,
        %mul3A_1659 = arith.mulf %get3A_1655, %get3A_1658 : vector<16xf32>
        %add3A_1660 = arith.addf %add3A_1652, %mul3A_1659 : vector<16xf32>
        %get3A_1661 = arith.index_cast %add3A_1613 : i32 to index
        %get3A_1662 = arith.constant 96 : index
        %get3A_1663 = tpu.vector_load %arg11[%get3A_1661, %get3A_1662] {strides = array<i32>} : memref<64x128xf32, #tpu.memory_space<vmem>>, vector<16xf32>,
        %get3A_1664 = arith.index_cast %add3A_1613 : i32 to index
        %get3A_1665 = arith.constant 96 : index
        %get3A_1666 = tpu.vector_load %arg12[%get3A_1664, %get3A_1665] {strides = array<i32>} : memref<64x128xf32, #tpu.memory_space<vmem>>, vector<16xf32>,
        %mul3A_1667 = arith.mulf %get3A_1663, %get3A_1666 : vector<16xf32>
        %add3A_1668 = arith.addf %add3A_1660, %mul3A_1667 : vector<16xf32>
        %get3A_1669 = arith.index_cast %add3A_1613 : i32 to index
        %get3A_1670 = arith.constant 112 : index
        %get3A_1671 = tpu.vector_load %arg11[%get3A_1669, %get3A_1670] {strides = array<i32>} : memref<64x128xf32, #tpu.memory_space<vmem>>, vector<16xf32>,
        %get3A_1672 = arith.index_cast %add3A_1613 : i32 to index
        %get3A_1673 = arith.constant 112 : index
        %get3A_1674 = tpu.vector_load %arg12[%get3A_1672, %get3A_1673] {strides = array<i32>} : memref<64x128xf32, #tpu.memory_space<vmem>>, vector<16xf32>,
        %mul3A_1675 = arith.mulf %get3A_1671, %get3A_1674 : vector<16xf32>
        %add3A_1676 = arith.addf %add3A_1668, %mul3A_1675 : vector<16xf32>
        %mul3A_1677 = arith.constant 16 : i32
        %mul3A_1678 = vector.broadcast %mul3A_1677 : i32 to vector<16xi32>
        %mul3A_1679 = arith.muli %iota3A_1536, %mul3A_1678 : vector<16xi32>
        %add3A_1680 = arith.constant 1 : i32
        %add3A_1681 = vector.broadcast %add3A_1680 : i32 to vector<16xi32>
        %add3A_1682 = arith.addi %mul3A_1679, %add3A_1681 : vector<16xi32>
        tpu.vector_store_idx %arg16[%add3A_1682], %add3A_1676 : memref<256xf32, #tpu.memory_space<vmem>>[vector<16xi32>], vector<16xf32>,
        %mul3A_1683 = arith.constant 16 : i32
        %mul3A_1684 = arith.muli %scan3A_1535, %mul3A_1683 : i32
        %add3A_1685 = arith.constant 2 : i32
        %add3A_1686 = arith.addi %mul3A_1684, %add3A_1685 : i32
        %get3A_1687 = arith.index_cast %add3A_1686 : i32 to index
        %get3A_1688 = arith.constant 0 : index
        %get3A_1689 = tpu.vector_load %arg11[%get3A_1687, %get3A_1688] {strides = array<i32>} : memref<64x128xf32, #tpu.memory_space<vmem>>, vector<16xf32>,
        %get3A_1690 = arith.index_cast %add3A_1686 : i32 to index
        %get3A_1691 = arith.constant 0 : index
        %get3A_1692 = tpu.vector_load %arg12[%get3A_1690, %get3A_1691] {strides = array<i32>} : memref<64x128xf32, #tpu.memory_space<vmem>>, vector<16xf32>,
        %mul3A_1693 = arith.mulf %get3A_1689, %get3A_1692 : vector<16xf32>
        %get3A_1694 = arith.index_cast %add3A_1686 : i32 to index
        %get3A_1695 = arith.constant 16 : index
        %get3A_1696 = tpu.vector_load %arg11[%get3A_1694, %get3A_1695] {strides = array<i32>} : memref<64x128xf32, #tpu.memory_space<vmem>>, vector<16xf32>,
        %get3A_1697 = arith.index_cast %add3A_1686 : i32 to index
        %get3A_1698 = arith.constant 16 : index
        %get3A_1699 = tpu.vector_load %arg12[%get3A_1697, %get3A_1698] {strides = array<i32>} : memref<64x128xf32, #tpu.memory_space<vmem>>, vector<16xf32>,
        %mul3A_1700 = arith.mulf %get3A_1696, %get3A_1699 : vector<16xf32>
        %add3A_1701 = arith.addf %mul3A_1693, %mul3A_1700 : vector<16xf32>
        %get3A_1702 = arith.index_cast %add3A_1686 : i32 to index
        %get3A_1703 = arith.constant 32 : index
        %get3A_1704 = tpu.vector_load %arg11[%get3A_1702, %get3A_1703] {strides = array<i32>} : memref<64x128xf32, #tpu.memory_space<vmem>>, vector<16xf32>,
        %get3A_1705 = arith.index_cast %add3A_1686 : i32 to index
        %get3A_1706 = arith.constant 32 : index
        %get3A_1707 = tpu.vector_load %arg12[%get3A_1705, %get3A_1706] {strides = array<i32>} : memref<64x128xf32, #tpu.memory_space<vmem>>, vector<16xf32>,
        %mul3A_1708 = arith.mulf %get3A_1704, %get3A_1707 : vector<16xf32>
        %add3A_1709 = arith.addf %add3A_1701, %mul3A_1708 : vector<16xf32>
        %get3A_1710 = arith.index_cast %add3A_1686 : i32 to index
        %get3A_1711 = arith.constant 48 : index
        %get3A_1712 = tpu.vector_load %arg11[%get3A_1710, %get3A_1711] {strides = array<i32>} : memref<64x128xf32, #tpu.memory_space<vmem>>, vector<16xf32>,
        %get3A_1713 = arith.index_cast %add3A_1686 : i32 to index
        %get3A_1714 = arith.constant 48 : index
        %get3A_1715 = tpu.vector_load %arg12[%get3A_1713, %get3A_1714] {strides = array<i32>} : memref<64x128xf32, #tpu.memory_space<vmem>>, vector<16xf32>,
        %mul3A_1716 = arith.mulf %get3A_1712, %get3A_1715 : vector<16xf32>
        %add3A_1717 = arith.addf %add3A_1709, %mul3A_1716 : vector<16xf32>
        %get3A_1718 = arith.index_cast %add3A_1686 : i32 to index
        %get3A_1719 = arith.constant 64 : index
        %get3A_1720 = tpu.vector_load %arg11[%get3A_1718, %get3A_1719] {strides = array<i32>} : memref<64x128xf32, #tpu.memory_space<vmem>>, vector<16xf32>,
        %get3A_1721 = arith.index_cast %add3A_1686 : i32 to index
        %get3A_1722 = arith.constant 64 : index
        %get3A_1723 = tpu.vector_load %arg12[%get3A_1721, %get3A_1722] {strides = array<i32>} : memref<64x128xf32, #tpu.memory_space<vmem>>, vector<16xf32>,
        %mul3A_1724 = arith.mulf %get3A_1720, %get3A_1723 : vector<16xf32>
        %add3A_1725 = arith.addf %add3A_1717, %mul3A_1724 : vector<16xf32>
        %get3A_1726 = arith.index_cast %add3A_1686 : i32 to index
        %get3A_1727 = arith.constant 80 : index
        %get3A_1728 = tpu.vector_load %arg11[%get3A_1726, %get3A_1727] {strides = array<i32>} : memref<64x128xf32, #tpu.memory_space<vmem>>, vector<16xf32>,
        %get3A_1729 = arith.index_cast %add3A_1686 : i32 to index
        %get3A_1730 = arith.constant 80 : index
        %get3A_1731 = tpu.vector_load %arg12[%get3A_1729, %get3A_1730] {strides = array<i32>} : memref<64x128xf32, #tpu.memory_space<vmem>>, vector<16xf32>,
        %mul3A_1732 = arith.mulf %get3A_1728, %get3A_1731 : vector<16xf32>
        %add3A_1733 = arith.addf %add3A_1725, %mul3A_1732 : vector<16xf32>
        %get3A_1734 = arith.index_cast %add3A_1686 : i32 to index
        %get3A_1735 = arith.constant 96 : index
        %get3A_1736 = tpu.vector_load %arg11[%get3A_1734, %get3A_1735] {strides = array<i32>} : memref<64x128xf32, #tpu.memory_space<vmem>>, vector<16xf32>,
        %get3A_1737 = arith.index_cast %add3A_1686 : i32 to index
        %get3A_1738 = arith.constant 96 : index
        %get3A_1739 = tpu.vector_load %arg12[%get3A_1737, %get3A_1738] {strides = array<i32>} : memref<64x128xf32, #tpu.memory_space<vmem>>, vector<16xf32>,
        %mul3A_1740 = arith.mulf %get3A_1736, %get3A_1739 : vector<16xf32>
        %add3A_1741 = arith.addf %add3A_1733, %mul3A_1740 : vector<16xf32>
        %get3A_1742 = arith.index_cast %add3A_1686 : i32 to index
        %get3A_1743 = arith.constant 112 : index
        %get3A_1744 = tpu.vector_load %arg11[%get3A_1742, %get3A_1743] {strides = array<i32>} : memref<64x128xf32, #tpu.memory_space<vmem>>, vector<16xf32>,
        %get3A_1745 = arith.index_cast %add3A_1686 : i32 to index
        %get3A_1746 = arith.constant 112 : index
        %get3A_1747 = tpu.vector_load %arg12[%get3A_1745, %get3A_1746] {strides = array<i32>} : memref<64x128xf32, #tpu.memory_space<vmem>>, vector<16xf32>,
        %mul3A_1748 = arith.mulf %get3A_1744, %get3A_1747 : vector<16xf32>
        %add3A_1749 = arith.addf %add3A_1741, %mul3A_1748 : vector<16xf32>
        %mul3A_1750 = arith.constant 16 : i32
        %mul3A_1751 = vector.broadcast %mul3A_1750 : i32 to vector<16xi32>
        %mul3A_1752 = arith.muli %iota3A_1536, %mul3A_1751 : vector<16xi32>
        %add3A_1753 = arith.constant 2 : i32
        %add3A_1754 = vector.broadcast %add3A_1753 : i32 to vector<16xi32>
        %add3A_1755 = arith.addi %mul3A_1752, %add3A_1754 : vector<16xi32>
        tpu.vector_store_idx %arg16[%add3A_1755], %add3A_1749 : memref<256xf32, #tpu.memory_space<vmem>>[vector<16xi32>], vector<16xf32>,
        %mul3A_1756 = arith.constant 16 : i32
        %mul3A_1757 = arith.muli %scan3A_1535, %mul3A_1756 : i32
        %add3A_1758 = arith.constant 3 : i32
        %add3A_1759 = arith.addi %mul3A_1757, %add3A_1758 : i32
        %get3A_1760 = arith.index_cast %add3A_1759 : i32 to index
        %get3A_1761 = arith.constant 0 : index
        %get3A_1762 = tpu.vector_load %arg11[%get3A_1760, %get3A_1761] {strides = array<i32>} : memref<64x128xf32, #tpu.memory_space<vmem>>, vector<16xf32>,
        %get3A_1763 = arith.index_cast %add3A_1759 : i32 to index
        %get3A_1764 = arith.constant 0 : index
        %get3A_1765 = tpu.vector_load %arg12[%get3A_1763, %get3A_1764] {strides = array<i32>} : memref<64x128xf32, #tpu.memory_space<vmem>>, vector<16xf32>,
        %mul3A_1766 = arith.mulf %get3A_1762, %get3A_1765 : vector<16xf32>
        %get3A_1767 = arith.index_cast %add3A_1759 : i32 to index
        %get3A_1768 = arith.constant 16 : index
        %get3A_1769 = tpu.vector_load %arg11[%get3A_1767, %get3A_1768] {strides = array<i32>} : memref<64x128xf32, #tpu.memory_space<vmem>>, vector<16xf32>,
        %get3A_1770 = arith.index_cast %add3A_1759 : i32 to index
        %get3A_1771 = arith.constant 16 : index
        %get3A_1772 = tpu.vector_load %arg12[%get3A_1770, %get3A_1771] {strides = array<i32>} : memref<64x128xf32, #tpu.memory_space<vmem>>, vector<16xf32>,
        %mul3A_1773 = arith.mulf %get3A_1769, %get3A_1772 : vector<16xf32>
        %add3A_1774 = arith.addf %mul3A_1766, %mul3A_1773 : vector<16xf32>
        %get3A_1775 = arith.index_cast %add3A_1759 : i32 to index
        %get3A_1776 = arith.constant 32 : index
        %get3A_1777 = tpu.vector_load %arg11[%get3A_1775, %get3A_1776] {strides = array<i32>} : memref<64x128xf32, #tpu.memory_space<vmem>>, vector<16xf32>,
        %get3A_1778 = arith.index_cast %add3A_1759 : i32 to index
        %get3A_1779 = arith.constant 32 : index
        %get3A_1780 = tpu.vector_load %arg12[%get3A_1778, %get3A_1779] {strides = array<i32>} : memref<64x128xf32, #tpu.memory_space<vmem>>, vector<16xf32>,
        %mul3A_1781 = arith.mulf %get3A_1777, %get3A_1780 : vector<16xf32>
        %add3A_1782 = arith.addf %add3A_1774, %mul3A_1781 : vector<16xf32>
        %get3A_1783 = arith.index_cast %add3A_1759 : i32 to index
        %get3A_1784 = arith.constant 48 : index
        %get3A_1785 = tpu.vector_load %arg11[%get3A_1783, %get3A_1784] {strides = array<i32>} : memref<64x128xf32, #tpu.memory_space<vmem>>, vector<16xf32>,
        %get3A_1786 = arith.index_cast %add3A_1759 : i32 to index
        %get3A_1787 = arith.constant 48 : index
        %get3A_1788 = tpu.vector_load %arg12[%get3A_1786, %get3A_1787] {strides = array<i32>} : memref<64x128xf32, #tpu.memory_space<vmem>>, vector<16xf32>,
        %mul3A_1789 = arith.mulf %get3A_1785, %get3A_1788 : vector<16xf32>
        %add3A_1790 = arith.addf %add3A_1782, %mul3A_1789 : vector<16xf32>
        %get3A_1791 = arith.index_cast %add3A_1759 : i32 to index
        %get3A_1792 = arith.constant 64 : index
        %get3A_1793 = tpu.vector_load %arg11[%get3A_1791, %get3A_1792] {strides = array<i32>} : memref<64x128xf32, #tpu.memory_space<vmem>>, vector<16xf32>,
        %get3A_1794 = arith.index_cast %add3A_1759 : i32 to index
        %get3A_1795 = arith.constant 64 : index
        %get3A_1796 = tpu.vector_load %arg12[%get3A_1794, %get3A_1795] {strides = array<i32>} : memref<64x128xf32, #tpu.memory_space<vmem>>, vector<16xf32>,
        %mul3A_1797 = arith.mulf %get3A_1793, %get3A_1796 : vector<16xf32>
        %add3A_1798 = arith.addf %add3A_1790, %mul3A_1797 : vector<16xf32>
        %get3A_1799 = arith.index_cast %add3A_1759 : i32 to index
        %get3A_1800 = arith.constant 80 : index
        %get3A_1801 = tpu.vector_load %arg11[%get3A_1799, %get3A_1800] {strides = array<i32>} : memref<64x128xf32, #tpu.memory_space<vmem>>, vector<16xf32>,
        %get3A_1802 = arith.index_cast %add3A_1759 : i32 to index
        %get3A_1803 = arith.constant 80 : index
        %get3A_1804 = tpu.vector_load %arg12[%get3A_1802, %get3A_1803] {strides = array<i32>} : memref<64x128xf32, #tpu.memory_space<vmem>>, vector<16xf32>,
        %mul3A_1805 = arith.mulf %get3A_1801, %get3A_1804 : vector<16xf32>
        %add3A_1806 = arith.addf %add3A_1798, %mul3A_1805 : vector<16xf32>
        %get3A_1807 = arith.index_cast %add3A_1759 : i32 to index
        %get3A_1808 = arith.constant 96 : index
        %get3A_1809 = tpu.vector_load %arg11[%get3A_1807, %get3A_1808] {strides = array<i32>} : memref<64x128xf32, #tpu.memory_space<vmem>>, vector<16xf32>,
        %get3A_1810 = arith.index_cast %add3A_1759 : i32 to index
        %get3A_1811 = arith.constant 96 : index
        %get3A_1812 = tpu.vector_load %arg12[%get3A_1810, %get3A_1811] {strides = array<i32>} : memref<64x128xf32, #tpu.memory_space<vmem>>, vector<16xf32>,
        %mul3A_1813 = arith.mulf %get3A_1809, %get3A_1812 : vector<16xf32>
        %add3A_1814 = arith.addf %add3A_1806, %mul3A_1813 : vector<16xf32>
        %get3A_1815 = arith.index_cast %add3A_1759 : i32 to index
        %get3A_1816 = arith.constant 112 : index
        %get3A_1817 = tpu.vector_load %arg11[%get3A_1815, %get3A_1816] {strides = array<i32>} : memref<64x128xf32, #tpu.memory_space<vmem>>, vector<16xf32>,
        %get3A_1818 = arith.index_cast %add3A_1759 : i32 to index
        %get3A_1819 = arith.constant 112 : index
        %get3A_1820 = tpu.vector_load %arg12[%get3A_1818, %get3A_1819] {strides = array<i32>} : memref<64x128xf32, #tpu.memory_space<vmem>>, vector<16xf32>,
        %mul3A_1821 = arith.mulf %get3A_1817, %get3A_1820 : vector<16xf32>
        %add3A_1822 = arith.addf %add3A_1814, %mul3A_1821 : vector<16xf32>
        %mul3A_1823 = arith.constant 16 : i32
        %mul3A_1824 = vector.broadcast %mul3A_1823 : i32 to vector<16xi32>
        %mul3A_1825 = arith.muli %iota3A_1536, %mul3A_1824 : vector<16xi32>
        %add3A_1826 = arith.constant 3 : i32
        %add3A_1827 = vector.broadcast %add3A_1826 : i32 to vector<16xi32>
        %add3A_1828 = arith.addi %mul3A_1825, %add3A_1827 : vector<16xi32>
        tpu.vector_store_idx %arg16[%add3A_1828], %add3A_1822 : memref<256xf32, #tpu.memory_space<vmem>>[vector<16xi32>], vector<16xf32>,
        %mul3A_1829 = arith.constant 16 : i32
        %mul3A_1830 = arith.muli %scan3A_1535, %mul3A_1829 : i32
        %add3A_1831 = arith.constant 4 : i32
        %add3A_1832 = arith.addi %mul3A_1830, %add3A_1831 : i32
        %get3A_1833 = arith.index_cast %add3A_1832 : i32 to index
        %get3A_1834 = arith.constant 0 : index
        %get3A_1835 = tpu.vector_load %arg11[%get3A_1833, %get3A_1834] {strides = array<i32>} : memref<64x128xf32, #tpu.memory_space<vmem>>, vector<16xf32>,
        %get3A_1836 = arith.index_cast %add3A_1832 : i32 to index
        %get3A_1837 = arith.constant 0 : index
        %get3A_1838 = tpu.vector_load %arg12[%get3A_1836, %get3A_1837] {strides = array<i32>} : memref<64x128xf32, #tpu.memory_space<vmem>>, vector<16xf32>,
        %mul3A_1839 = arith.mulf %get3A_1835, %get3A_1838 : vector<16xf32>
        %get3A_1840 = arith.index_cast %add3A_1832 : i32 to index
        %get3A_1841 = arith.constant 16 : index
        %get3A_1842 = tpu.vector_load %arg11[%get3A_1840, %get3A_1841] {strides = array<i32>} : memref<64x128xf32, #tpu.memory_space<vmem>>, vector<16xf32>,
        %get3A_1843 = arith.index_cast %add3A_1832 : i32 to index
        %get3A_1844 = arith.constant 16 : index
        %get3A_1845 = tpu.vector_load %arg12[%get3A_1843, %get3A_1844] {strides = array<i32>} : memref<64x128xf32, #tpu.memory_space<vmem>>, vector<16xf32>,
        %mul3A_1846 = arith.mulf %get3A_1842, %get3A_1845 : vector<16xf32>
        %add3A_1847 = arith.addf %mul3A_1839, %mul3A_1846 : vector<16xf32>
        %get3A_1848 = arith.index_cast %add3A_1832 : i32 to index
        %get3A_1849 = arith.constant 32 : index
        %get3A_1850 = tpu.vector_load %arg11[%get3A_1848, %get3A_1849] {strides = array<i32>} : memref<64x128xf32, #tpu.memory_space<vmem>>, vector<16xf32>,
        %get3A_1851 = arith.index_cast %add3A_1832 : i32 to index
        %get3A_1852 = arith.constant 32 : index
        %get3A_1853 = tpu.vector_load %arg12[%get3A_1851, %get3A_1852] {strides = array<i32>} : memref<64x128xf32, #tpu.memory_space<vmem>>, vector<16xf32>,
        %mul3A_1854 = arith.mulf %get3A_1850, %get3A_1853 : vector<16xf32>
        %add3A_1855 = arith.addf %add3A_1847, %mul3A_1854 : vector<16xf32>
        %get3A_1856 = arith.index_cast %add3A_1832 : i32 to index
        %get3A_1857 = arith.constant 48 : index
        %get3A_1858 = tpu.vector_load %arg11[%get3A_1856, %get3A_1857] {strides = array<i32>} : memref<64x128xf32, #tpu.memory_space<vmem>>, vector<16xf32>,
        %get3A_1859 = arith.index_cast %add3A_1832 : i32 to index
        %get3A_1860 = arith.constant 48 : index
        %get3A_1861 = tpu.vector_load %arg12[%get3A_1859, %get3A_1860] {strides = array<i32>} : memref<64x128xf32, #tpu.memory_space<vmem>>, vector<16xf32>,
        %mul3A_1862 = arith.mulf %get3A_1858, %get3A_1861 : vector<16xf32>
        %add3A_1863 = arith.addf %add3A_1855, %mul3A_1862 : vector<16xf32>
        %get3A_1864 = arith.index_cast %add3A_1832 : i32 to index
        %get3A_1865 = arith.constant 64 : index
        %get3A_1866 = tpu.vector_load %arg11[%get3A_1864, %get3A_1865] {strides = array<i32>} : memref<64x128xf32, #tpu.memory_space<vmem>>, vector<16xf32>,
        %get3A_1867 = arith.index_cast %add3A_1832 : i32 to index
        %get3A_1868 = arith.constant 64 : index
        %get3A_1869 = tpu.vector_load %arg12[%get3A_1867, %get3A_1868] {strides = array<i32>} : memref<64x128xf32, #tpu.memory_space<vmem>>, vector<16xf32>,
        %mul3A_1870 = arith.mulf %get3A_1866, %get3A_1869 : vector<16xf32>
        %add3A_1871 = arith.addf %add3A_1863, %mul3A_1870 : vector<16xf32>
        %get3A_1872 = arith.index_cast %add3A_1832 : i32 to index
        %get3A_1873 = arith.constant 80 : index
        %get3A_1874 = tpu.vector_load %arg11[%get3A_1872, %get3A_1873] {strides = array<i32>} : memref<64x128xf32, #tpu.memory_space<vmem>>, vector<16xf32>,
        %get3A_1875 = arith.index_cast %add3A_1832 : i32 to index
        %get3A_1876 = arith.constant 80 : index
        %get3A_1877 = tpu.vector_load %arg12[%get3A_1875, %get3A_1876] {strides = array<i32>} : memref<64x128xf32, #tpu.memory_space<vmem>>, vector<16xf32>,
        %mul3A_1878 = arith.mulf %get3A_1874, %get3A_1877 : vector<16xf32>
        %add3A_1879 = arith.addf %add3A_1871, %mul3A_1878 : vector<16xf32>
        %get3A_1880 = arith.index_cast %add3A_1832 : i32 to index
        %get3A_1881 = arith.constant 96 : index
        %get3A_1882 = tpu.vector_load %arg11[%get3A_1880, %get3A_1881] {strides = array<i32>} : memref<64x128xf32, #tpu.memory_space<vmem>>, vector<16xf32>,
        %get3A_1883 = arith.index_cast %add3A_1832 : i32 to index
        %get3A_1884 = arith.constant 96 : index
        %get3A_1885 = tpu.vector_load %arg12[%get3A_1883, %get3A_1884] {strides = array<i32>} : memref<64x128xf32, #tpu.memory_space<vmem>>, vector<16xf32>,
        %mul3A_1886 = arith.mulf %get3A_1882, %get3A_1885 : vector<16xf32>
        %add3A_1887 = arith.addf %add3A_1879, %mul3A_1886 : vector<16xf32>
        %get3A_1888 = arith.index_cast %add3A_1832 : i32 to index
        %get3A_1889 = arith.constant 112 : index
        %get3A_1890 = tpu.vector_load %arg11[%get3A_1888, %get3A_1889] {strides = array<i32>} : memref<64x128xf32, #tpu.memory_space<vmem>>, vector<16xf32>,
        %get3A_1891 = arith.index_cast %add3A_1832 : i32 to index
        %get3A_1892 = arith.constant 112 : index
        %get3A_1893 = tpu.vector_load %arg12[%get3A_1891, %get3A_1892] {strides = array<i32>} : memref<64x128xf32, #tpu.memory_space<vmem>>, vector<16xf32>,
        %mul3A_1894 = arith.mulf %get3A_1890, %get3A_1893 : vector<16xf32>
        %add3A_1895 = arith.addf %add3A_1887, %mul3A_1894 : vector<16xf32>
        %mul3A_1896 = arith.constant 16 : i32
        %mul3A_1897 = vector.broadcast %mul3A_1896 : i32 to vector<16xi32>
        %mul3A_1898 = arith.muli %iota3A_1536, %mul3A_1897 : vector<16xi32>
        %add3A_1899 = arith.constant 4 : i32
        %add3A_1900 = vector.broadcast %add3A_1899 : i32 to vector<16xi32>
        %add3A_1901 = arith.addi %mul3A_1898, %add3A_1900 : vector<16xi32>
        tpu.vector_store_idx %arg16[%add3A_1901], %add3A_1895 : memref<256xf32, #tpu.memory_space<vmem>>[vector<16xi32>], vector<16xf32>,
        %mul3A_1902 = arith.constant 16 : i32
        %mul3A_1903 = arith.muli %scan3A_1535, %mul3A_1902 : i32
        %add3A_1904 = arith.constant 5 : i32
        %add3A_1905 = arith.addi %mul3A_1903, %add3A_1904 : i32
        %get3A_1906 = arith.index_cast %add3A_1905 : i32 to index
        %get3A_1907 = arith.constant 0 : index
        %get3A_1908 = tpu.vector_load %arg11[%get3A_1906, %get3A_1907] {strides = array<i32>} : memref<64x128xf32, #tpu.memory_space<vmem>>, vector<16xf32>,
        %get3A_1909 = arith.index_cast %add3A_1905 : i32 to index
        %get3A_1910 = arith.constant 0 : index
        %get3A_1911 = tpu.vector_load %arg12[%get3A_1909, %get3A_1910] {strides = array<i32>} : memref<64x128xf32, #tpu.memory_space<vmem>>, vector<16xf32>,
        %mul3A_1912 = arith.mulf %get3A_1908, %get3A_1911 : vector<16xf32>
        %get3A_1913 = arith.index_cast %add3A_1905 : i32 to index
        %get3A_1914 = arith.constant 16 : index
        %get3A_1915 = tpu.vector_load %arg11[%get3A_1913, %get3A_1914] {strides = array<i32>} : memref<64x128xf32, #tpu.memory_space<vmem>>, vector<16xf32>,
        %get3A_1916 = arith.index_cast %add3A_1905 : i32 to index
        %get3A_1917 = arith.constant 16 : index
        %get3A_1918 = tpu.vector_load %arg12[%get3A_1916, %get3A_1917] {strides = array<i32>} : memref<64x128xf32, #tpu.memory_space<vmem>>, vector<16xf32>,
        %mul3A_1919 = arith.mulf %get3A_1915, %get3A_1918 : vector<16xf32>
        %add3A_1920 = arith.addf %mul3A_1912, %mul3A_1919 : vector<16xf32>
        %get3A_1921 = arith.index_cast %add3A_1905 : i32 to index
        %get3A_1922 = arith.constant 32 : index
        %get3A_1923 = tpu.vector_load %arg11[%get3A_1921, %get3A_1922] {strides = array<i32>} : memref<64x128xf32, #tpu.memory_space<vmem>>, vector<16xf32>,
        %get3A_1924 = arith.index_cast %add3A_1905 : i32 to index
        %get3A_1925 = arith.constant 32 : index
        %get3A_1926 = tpu.vector_load %arg12[%get3A_1924, %get3A_1925] {strides = array<i32>} : memref<64x128xf32, #tpu.memory_space<vmem>>, vector<16xf32>,
        %mul3A_1927 = arith.mulf %get3A_1923, %get3A_1926 : vector<16xf32>
        %add3A_1928 = arith.addf %add3A_1920, %mul3A_1927 : vector<16xf32>
        %get3A_1929 = arith.index_cast %add3A_1905 : i32 to index
        %get3A_1930 = arith.constant 48 : index
        %get3A_1931 = tpu.vector_load %arg11[%get3A_1929, %get3A_1930] {strides = array<i32>} : memref<64x128xf32, #tpu.memory_space<vmem>>, vector<16xf32>,
        %get3A_1932 = arith.index_cast %add3A_1905 : i32 to index
        %get3A_1933 = arith.constant 48 : index
        %get3A_1934 = tpu.vector_load %arg12[%get3A_1932, %get3A_1933] {strides = array<i32>} : memref<64x128xf32, #tpu.memory_space<vmem>>, vector<16xf32>,
        %mul3A_1935 = arith.mulf %get3A_1931, %get3A_1934 : vector<16xf32>
        %add3A_1936 = arith.addf %add3A_1928, %mul3A_1935 : vector<16xf32>
        %get3A_1937 = arith.index_cast %add3A_1905 : i32 to index
        %get3A_1938 = arith.constant 64 : index
        %get3A_1939 = tpu.vector_load %arg11[%get3A_1937, %get3A_1938] {strides = array<i32>} : memref<64x128xf32, #tpu.memory_space<vmem>>, vector<16xf32>,
        %get3A_1940 = arith.index_cast %add3A_1905 : i32 to index
        %get3A_1941 = arith.constant 64 : index
        %get3A_1942 = tpu.vector_load %arg12[%get3A_1940, %get3A_1941] {strides = array<i32>} : memref<64x128xf32, #tpu.memory_space<vmem>>, vector<16xf32>,
        %mul3A_1943 = arith.mulf %get3A_1939, %get3A_1942 : vector<16xf32>
        %add3A_1944 = arith.addf %add3A_1936, %mul3A_1943 : vector<16xf32>
        %get3A_1945 = arith.index_cast %add3A_1905 : i32 to index
        %get3A_1946 = arith.constant 80 : index
        %get3A_1947 = tpu.vector_load %arg11[%get3A_1945, %get3A_1946] {strides = array<i32>} : memref<64x128xf32, #tpu.memory_space<vmem>>, vector<16xf32>,
        %get3A_1948 = arith.index_cast %add3A_1905 : i32 to index
        %get3A_1949 = arith.constant 80 : index
        %get3A_1950 = tpu.vector_load %arg12[%get3A_1948, %get3A_1949] {strides = array<i32>} : memref<64x128xf32, #tpu.memory_space<vmem>>, vector<16xf32>,
        %mul3A_1951 = arith.mulf %get3A_1947, %get3A_1950 : vector<16xf32>
        %add3A_1952 = arith.addf %add3A_1944, %mul3A_1951 : vector<16xf32>
        %get3A_1953 = arith.index_cast %add3A_1905 : i32 to index
        %get3A_1954 = arith.constant 96 : index
        %get3A_1955 = tpu.vector_load %arg11[%get3A_1953, %get3A_1954] {strides = array<i32>} : memref<64x128xf32, #tpu.memory_space<vmem>>, vector<16xf32>,
        %get3A_1956 = arith.index_cast %add3A_1905 : i32 to index
        %get3A_1957 = arith.constant 96 : index
        %get3A_1958 = tpu.vector_load %arg12[%get3A_1956, %get3A_1957] {strides = array<i32>} : memref<64x128xf32, #tpu.memory_space<vmem>>, vector<16xf32>,
        %mul3A_1959 = arith.mulf %get3A_1955, %get3A_1958 : vector<16xf32>
        %add3A_1960 = arith.addf %add3A_1952, %mul3A_1959 : vector<16xf32>
        %get3A_1961 = arith.index_cast %add3A_1905 : i32 to index
        %get3A_1962 = arith.constant 112 : index
        %get3A_1963 = tpu.vector_load %arg11[%get3A_1961, %get3A_1962] {strides = array<i32>} : memref<64x128xf32, #tpu.memory_space<vmem>>, vector<16xf32>,
        %get3A_1964 = arith.index_cast %add3A_1905 : i32 to index
        %get3A_1965 = arith.constant 112 : index
        %get3A_1966 = tpu.vector_load %arg12[%get3A_1964, %get3A_1965] {strides = array<i32>} : memref<64x128xf32, #tpu.memory_space<vmem>>, vector<16xf32>,
        %mul3A_1967 = arith.mulf %get3A_1963, %get3A_1966 : vector<16xf32>
        %add3A_1968 = arith.addf %add3A_1960, %mul3A_1967 : vector<16xf32>
        %mul3A_1969 = arith.constant 16 : i32
        %mul3A_1970 = vector.broadcast %mul3A_1969 : i32 to vector<16xi32>
        %mul3A_1971 = arith.muli %iota3A_1536, %mul3A_1970 : vector<16xi32>
        %add3A_1972 = arith.constant 5 : i32
        %add3A_1973 = vector.broadcast %add3A_1972 : i32 to vector<16xi32>
        %add3A_1974 = arith.addi %mul3A_1971, %add3A_1973 : vector<16xi32>
        tpu.vector_store_idx %arg16[%add3A_1974], %add3A_1968 : memref<256xf32, #tpu.memory_space<vmem>>[vector<16xi32>], vector<16xf32>,
        %mul3A_1975 = arith.constant 16 : i32
        %mul3A_1976 = arith.muli %scan3A_1535, %mul3A_1975 : i32
        %add3A_1977 = arith.constant 6 : i32
        %add3A_1978 = arith.addi %mul3A_1976, %add3A_1977 : i32
        %get3A_1979 = arith.index_cast %add3A_1978 : i32 to index
        %get3A_1980 = arith.constant 0 : index
        %get3A_1981 = tpu.vector_load %arg11[%get3A_1979, %get3A_1980] {strides = array<i32>} : memref<64x128xf32, #tpu.memory_space<vmem>>, vector<16xf32>,
        %get3A_1982 = arith.index_cast %add3A_1978 : i32 to index
        %get3A_1983 = arith.constant 0 : index
        %get3A_1984 = tpu.vector_load %arg12[%get3A_1982, %get3A_1983] {strides = array<i32>} : memref<64x128xf32, #tpu.memory_space<vmem>>, vector<16xf32>,
        %mul3A_1985 = arith.mulf %get3A_1981, %get3A_1984 : vector<16xf32>
        %get3A_1986 = arith.index_cast %add3A_1978 : i32 to index
        %get3A_1987 = arith.constant 16 : index
        %get3A_1988 = tpu.vector_load %arg11[%get3A_1986, %get3A_1987] {strides = array<i32>} : memref<64x128xf32, #tpu.memory_space<vmem>>, vector<16xf32>,
        %get3A_1989 = arith.index_cast %add3A_1978 : i32 to index
        %get3A_1990 = arith.constant 16 : index
        %get3A_1991 = tpu.vector_load %arg12[%get3A_1989, %get3A_1990] {strides = array<i32>} : memref<64x128xf32, #tpu.memory_space<vmem>>, vector<16xf32>,
        %mul3A_1992 = arith.mulf %get3A_1988, %get3A_1991 : vector<16xf32>
        %add3A_1993 = arith.addf %mul3A_1985, %mul3A_1992 : vector<16xf32>
        %get3A_1994 = arith.index_cast %add3A_1978 : i32 to index
        %get3A_1995 = arith.constant 32 : index
        %get3A_1996 = tpu.vector_load %arg11[%get3A_1994, %get3A_1995] {strides = array<i32>} : memref<64x128xf32, #tpu.memory_space<vmem>>, vector<16xf32>,
        %get3A_1997 = arith.index_cast %add3A_1978 : i32 to index
        %get3A_1998 = arith.constant 32 : index
        %get3A_1999 = tpu.vector_load %arg12[%get3A_1997, %get3A_1998] {strides = array<i32>} : memref<64x128xf32, #tpu.memory_space<vmem>>, vector<16xf32>,
        %mul3A_2000 = arith.mulf %get3A_1996, %get3A_1999 : vector<16xf32>
        %add3A_2001 = arith.addf %add3A_1993, %mul3A_2000 : vector<16xf32>
        %get3A_2002 = arith.index_cast %add3A_1978 : i32 to index
        %get3A_2003 = arith.constant 48 : index
        %get3A_2004 = tpu.vector_load %arg11[%get3A_2002, %get3A_2003] {strides = array<i32>} : memref<64x128xf32, #tpu.memory_space<vmem>>, vector<16xf32>,
        %get3A_2005 = arith.index_cast %add3A_1978 : i32 to index
        %get3A_2006 = arith.constant 48 : index
        %get3A_2007 = tpu.vector_load %arg12[%get3A_2005, %get3A_2006] {strides = array<i32>} : memref<64x128xf32, #tpu.memory_space<vmem>>, vector<16xf32>,
        %mul3A_2008 = arith.mulf %get3A_2004, %get3A_2007 : vector<16xf32>
        %add3A_2009 = arith.addf %add3A_2001, %mul3A_2008 : vector<16xf32>
        %get3A_2010 = arith.index_cast %add3A_1978 : i32 to index
        %get3A_2011 = arith.constant 64 : index
        %get3A_2012 = tpu.vector_load %arg11[%get3A_2010, %get3A_2011] {strides = array<i32>} : memref<64x128xf32, #tpu.memory_space<vmem>>, vector<16xf32>,
        %get3A_2013 = arith.index_cast %add3A_1978 : i32 to index
        %get3A_2014 = arith.constant 64 : index
        %get3A_2015 = tpu.vector_load %arg12[%get3A_2013, %get3A_2014] {strides = array<i32>} : memref<64x128xf32, #tpu.memory_space<vmem>>, vector<16xf32>,
        %mul3A_2016 = arith.mulf %get3A_2012, %get3A_2015 : vector<16xf32>
        %add3A_2017 = arith.addf %add3A_2009, %mul3A_2016 : vector<16xf32>
        %get3A_2018 = arith.index_cast %add3A_1978 : i32 to index
        %get3A_2019 = arith.constant 80 : index
        %get3A_2020 = tpu.vector_load %arg11[%get3A_2018, %get3A_2019] {strides = array<i32>} : memref<64x128xf32, #tpu.memory_space<vmem>>, vector<16xf32>,
        %get3A_2021 = arith.index_cast %add3A_1978 : i32 to index
        %get3A_2022 = arith.constant 80 : index
        %get3A_2023 = tpu.vector_load %arg12[%get3A_2021, %get3A_2022] {strides = array<i32>} : memref<64x128xf32, #tpu.memory_space<vmem>>, vector<16xf32>,
        %mul3A_2024 = arith.mulf %get3A_2020, %get3A_2023 : vector<16xf32>
        %add3A_2025 = arith.addf %add3A_2017, %mul3A_2024 : vector<16xf32>
        %get3A_2026 = arith.index_cast %add3A_1978 : i32 to index
        %get3A_2027 = arith.constant 96 : index
        %get3A_2028 = tpu.vector_load %arg11[%get3A_2026, %get3A_2027] {strides = array<i32>} : memref<64x128xf32, #tpu.memory_space<vmem>>, vector<16xf32>,
        %get3A_2029 = arith.index_cast %add3A_1978 : i32 to index
        %get3A_2030 = arith.constant 96 : index
        %get3A_2031 = tpu.vector_load %arg12[%get3A_2029, %get3A_2030] {strides = array<i32>} : memref<64x128xf32, #tpu.memory_space<vmem>>, vector<16xf32>,
        %mul3A_2032 = arith.mulf %get3A_2028, %get3A_2031 : vector<16xf32>
        %add3A_2033 = arith.addf %add3A_2025, %mul3A_2032 : vector<16xf32>
        %get3A_2034 = arith.index_cast %add3A_1978 : i32 to index
        %get3A_2035 = arith.constant 112 : index
        %get3A_2036 = tpu.vector_load %arg11[%get3A_2034, %get3A_2035] {strides = array<i32>} : memref<64x128xf32, #tpu.memory_space<vmem>>, vector<16xf32>,
        %get3A_2037 = arith.index_cast %add3A_1978 : i32 to index
        %get3A_2038 = arith.constant 112 : index
        %get3A_2039 = tpu.vector_load %arg12[%get3A_2037, %get3A_2038] {strides = array<i32>} : memref<64x128xf32, #tpu.memory_space<vmem>>, vector<16xf32>,
        %mul3A_2040 = arith.mulf %get3A_2036, %get3A_2039 : vector<16xf32>
        %add3A_2041 = arith.addf %add3A_2033, %mul3A_2040 : vector<16xf32>
        %mul3A_2042 = arith.constant 16 : i32
        %mul3A_2043 = vector.broadcast %mul3A_2042 : i32 to vector<16xi32>
        %mul3A_2044 = arith.muli %iota3A_1536, %mul3A_2043 : vector<16xi32>
        %add3A_2045 = arith.constant 6 : i32
        %add3A_2046 = vector.broadcast %add3A_2045 : i32 to vector<16xi32>
        %add3A_2047 = arith.addi %mul3A_2044, %add3A_2046 : vector<16xi32>
        tpu.vector_store_idx %arg16[%add3A_2047], %add3A_2041 : memref<256xf32, #tpu.memory_space<vmem>>[vector<16xi32>], vector<16xf32>,
        %mul3A_2048 = arith.constant 16 : i32
        %mul3A_2049 = arith.muli %scan3A_1535, %mul3A_2048 : i32
        %add3A_2050 = arith.constant 7 : i32
        %add3A_2051 = arith.addi %mul3A_2049, %add3A_2050 : i32
        %get3A_2052 = arith.index_cast %add3A_2051 : i32 to index
        %get3A_2053 = arith.constant 0 : index
        %get3A_2054 = tpu.vector_load %arg11[%get3A_2052, %get3A_2053] {strides = array<i32>} : memref<64x128xf32, #tpu.memory_space<vmem>>, vector<16xf32>,
        %get3A_2055 = arith.index_cast %add3A_2051 : i32 to index
        %get3A_2056 = arith.constant 0 : index
        %get3A_2057 = tpu.vector_load %arg12[%get3A_2055, %get3A_2056] {strides = array<i32>} : memref<64x128xf32, #tpu.memory_space<vmem>>, vector<16xf32>,
        %mul3A_2058 = arith.mulf %get3A_2054, %get3A_2057 : vector<16xf32>
        %get3A_2059 = arith.index_cast %add3A_2051 : i32 to index
        %get3A_2060 = arith.constant 16 : index
        %get3A_2061 = tpu.vector_load %arg11[%get3A_2059, %get3A_2060] {strides = array<i32>} : memref<64x128xf32, #tpu.memory_space<vmem>>, vector<16xf32>,
        %get3A_2062 = arith.index_cast %add3A_2051 : i32 to index
        %get3A_2063 = arith.constant 16 : index
        %get3A_2064 = tpu.vector_load %arg12[%get3A_2062, %get3A_2063] {strides = array<i32>} : memref<64x128xf32, #tpu.memory_space<vmem>>, vector<16xf32>,
        %mul3A_2065 = arith.mulf %get3A_2061, %get3A_2064 : vector<16xf32>
        %add3A_2066 = arith.addf %mul3A_2058, %mul3A_2065 : vector<16xf32>
        %get3A_2067 = arith.index_cast %add3A_2051 : i32 to index
        %get3A_2068 = arith.constant 32 : index
        %get3A_2069 = tpu.vector_load %arg11[%get3A_2067, %get3A_2068] {strides = array<i32>} : memref<64x128xf32, #tpu.memory_space<vmem>>, vector<16xf32>,
        %get3A_2070 = arith.index_cast %add3A_2051 : i32 to index
        %get3A_2071 = arith.constant 32 : index
        %get3A_2072 = tpu.vector_load %arg12[%get3A_2070, %get3A_2071] {strides = array<i32>} : memref<64x128xf32, #tpu.memory_space<vmem>>, vector<16xf32>,
        %mul3A_2073 = arith.mulf %get3A_2069, %get3A_2072 : vector<16xf32>
        %add3A_2074 = arith.addf %add3A_2066, %mul3A_2073 : vector<16xf32>
        %get3A_2075 = arith.index_cast %add3A_2051 : i32 to index
        %get3A_2076 = arith.constant 48 : index
        %get3A_2077 = tpu.vector_load %arg11[%get3A_2075, %get3A_2076] {strides = array<i32>} : memref<64x128xf32, #tpu.memory_space<vmem>>, vector<16xf32>,
        %get3A_2078 = arith.index_cast %add3A_2051 : i32 to index
        %get3A_2079 = arith.constant 48 : index
        %get3A_2080 = tpu.vector_load %arg12[%get3A_2078, %get3A_2079] {strides = array<i32>} : memref<64x128xf32, #tpu.memory_space<vmem>>, vector<16xf32>,
        %mul3A_2081 = arith.mulf %get3A_2077, %get3A_2080 : vector<16xf32>
        %add3A_2082 = arith.addf %add3A_2074, %mul3A_2081 : vector<16xf32>
        %get3A_2083 = arith.index_cast %add3A_2051 : i32 to index
        %get3A_2084 = arith.constant 64 : index
        %get3A_2085 = tpu.vector_load %arg11[%get3A_2083, %get3A_2084] {strides = array<i32>} : memref<64x128xf32, #tpu.memory_space<vmem>>, vector<16xf32>,
        %get3A_2086 = arith.index_cast %add3A_2051 : i32 to index
        %get3A_2087 = arith.constant 64 : index
        %get3A_2088 = tpu.vector_load %arg12[%get3A_2086, %get3A_2087] {strides = array<i32>} : memref<64x128xf32, #tpu.memory_space<vmem>>, vector<16xf32>,
        %mul3A_2089 = arith.mulf %get3A_2085, %get3A_2088 : vector<16xf32>
        %add3A_2090 = arith.addf %add3A_2082, %mul3A_2089 : vector<16xf32>
        %get3A_2091 = arith.index_cast %add3A_2051 : i32 to index
        %get3A_2092 = arith.constant 80 : index
        %get3A_2093 = tpu.vector_load %arg11[%get3A_2091, %get3A_2092] {strides = array<i32>} : memref<64x128xf32, #tpu.memory_space<vmem>>, vector<16xf32>,
        %get3A_2094 = arith.index_cast %add3A_2051 : i32 to index
        %get3A_2095 = arith.constant 80 : index
        %get3A_2096 = tpu.vector_load %arg12[%get3A_2094, %get3A_2095] {strides = array<i32>} : memref<64x128xf32, #tpu.memory_space<vmem>>, vector<16xf32>,
        %mul3A_2097 = arith.mulf %get3A_2093, %get3A_2096 : vector<16xf32>
        %add3A_2098 = arith.addf %add3A_2090, %mul3A_2097 : vector<16xf32>
        %get3A_2099 = arith.index_cast %add3A_2051 : i32 to index
        %get3A_2100 = arith.constant 96 : index
        %get3A_2101 = tpu.vector_load %arg11[%get3A_2099, %get3A_2100] {strides = array<i32>} : memref<64x128xf32, #tpu.memory_space<vmem>>, vector<16xf32>,
        %get3A_2102 = arith.index_cast %add3A_2051 : i32 to index
        %get3A_2103 = arith.constant 96 : index
        %get3A_2104 = tpu.vector_load %arg12[%get3A_2102, %get3A_2103] {strides = array<i32>} : memref<64x128xf32, #tpu.memory_space<vmem>>, vector<16xf32>,
        %mul3A_2105 = arith.mulf %get3A_2101, %get3A_2104 : vector<16xf32>
        %add3A_2106 = arith.addf %add3A_2098, %mul3A_2105 : vector<16xf32>
        %get3A_2107 = arith.index_cast %add3A_2051 : i32 to index
        %get3A_2108 = arith.constant 112 : index
        %get3A_2109 = tpu.vector_load %arg11[%get3A_2107, %get3A_2108] {strides = array<i32>} : memref<64x128xf32, #tpu.memory_space<vmem>>, vector<16xf32>,
        %get3A_2110 = arith.index_cast %add3A_2051 : i32 to index
        %get3A_2111 = arith.constant 112 : index
        %get3A_2112 = tpu.vector_load %arg12[%get3A_2110, %get3A_2111] {strides = array<i32>} : memref<64x128xf32, #tpu.memory_space<vmem>>, vector<16xf32>,
        %mul3A_2113 = arith.mulf %get3A_2109, %get3A_2112 : vector<16xf32>
        %add3A_2114 = arith.addf %add3A_2106, %mul3A_2113 : vector<16xf32>
        %mul3A_2115 = arith.constant 16 : i32
        %mul3A_2116 = vector.broadcast %mul3A_2115 : i32 to vector<16xi32>
        %mul3A_2117 = arith.muli %iota3A_1536, %mul3A_2116 : vector<16xi32>
        %add3A_2118 = arith.constant 7 : i32
        %add3A_2119 = vector.broadcast %add3A_2118 : i32 to vector<16xi32>
        %add3A_2120 = arith.addi %mul3A_2117, %add3A_2119 : vector<16xi32>
        tpu.vector_store_idx %arg16[%add3A_2120], %add3A_2114 : memref<256xf32, #tpu.memory_space<vmem>>[vector<16xi32>], vector<16xf32>,
        %mul3A_2121 = arith.constant 16 : i32
        %mul3A_2122 = arith.muli %scan3A_1535, %mul3A_2121 : i32
        %add3A_2123 = arith.constant 8 : i32
        %add3A_2124 = arith.addi %mul3A_2122, %add3A_2123 : i32
        %get3A_2125 = arith.index_cast %add3A_2124 : i32 to index
        %get3A_2126 = arith.constant 0 : index
        %get3A_2127 = tpu.vector_load %arg11[%get3A_2125, %get3A_2126] {strides = array<i32>} : memref<64x128xf32, #tpu.memory_space<vmem>>, vector<16xf32>,
        %get3A_2128 = arith.index_cast %add3A_2124 : i32 to index
        %get3A_2129 = arith.constant 0 : index
        %get3A_2130 = tpu.vector_load %arg12[%get3A_2128, %get3A_2129] {strides = array<i32>} : memref<64x128xf32, #tpu.memory_space<vmem>>, vector<16xf32>,
        %mul3A_2131 = arith.mulf %get3A_2127, %get3A_2130 : vector<16xf32>
        %get3A_2132 = arith.index_cast %add3A_2124 : i32 to index
        %get3A_2133 = arith.constant 16 : index
        %get3A_2134 = tpu.vector_load %arg11[%get3A_2132, %get3A_2133] {strides = array<i32>} : memref<64x128xf32, #tpu.memory_space<vmem>>, vector<16xf32>,
        %get3A_2135 = arith.index_cast %add3A_2124 : i32 to index
        %get3A_2136 = arith.constant 16 : index
        %get3A_2137 = tpu.vector_load %arg12[%get3A_2135, %get3A_2136] {strides = array<i32>} : memref<64x128xf32, #tpu.memory_space<vmem>>, vector<16xf32>,
        %mul3A_2138 = arith.mulf %get3A_2134, %get3A_2137 : vector<16xf32>
        %add3A_2139 = arith.addf %mul3A_2131, %mul3A_2138 : vector<16xf32>
        %get3A_2140 = arith.index_cast %add3A_2124 : i32 to index
        %get3A_2141 = arith.constant 32 : index
        %get3A_2142 = tpu.vector_load %arg11[%get3A_2140, %get3A_2141] {strides = array<i32>} : memref<64x128xf32, #tpu.memory_space<vmem>>, vector<16xf32>,
        %get3A_2143 = arith.index_cast %add3A_2124 : i32 to index
        %get3A_2144 = arith.constant 32 : index
        %get3A_2145 = tpu.vector_load %arg12[%get3A_2143, %get3A_2144] {strides = array<i32>} : memref<64x128xf32, #tpu.memory_space<vmem>>, vector<16xf32>,
        %mul3A_2146 = arith.mulf %get3A_2142, %get3A_2145 : vector<16xf32>
        %add3A_2147 = arith.addf %add3A_2139, %mul3A_2146 : vector<16xf32>
        %get3A_2148 = arith.index_cast %add3A_2124 : i32 to index
        %get3A_2149 = arith.constant 48 : index
        %get3A_2150 = tpu.vector_load %arg11[%get3A_2148, %get3A_2149] {strides = array<i32>} : memref<64x128xf32, #tpu.memory_space<vmem>>, vector<16xf32>,
        %get3A_2151 = arith.index_cast %add3A_2124 : i32 to index
        %get3A_2152 = arith.constant 48 : index
        %get3A_2153 = tpu.vector_load %arg12[%get3A_2151, %get3A_2152] {strides = array<i32>} : memref<64x128xf32, #tpu.memory_space<vmem>>, vector<16xf32>,
        %mul3A_2154 = arith.mulf %get3A_2150, %get3A_2153 : vector<16xf32>
        %add3A_2155 = arith.addf %add3A_2147, %mul3A_2154 : vector<16xf32>
        %get3A_2156 = arith.index_cast %add3A_2124 : i32 to index
        %get3A_2157 = arith.constant 64 : index
        %get3A_2158 = tpu.vector_load %arg11[%get3A_2156, %get3A_2157] {strides = array<i32>} : memref<64x128xf32, #tpu.memory_space<vmem>>, vector<16xf32>,
        %get3A_2159 = arith.index_cast %add3A_2124 : i32 to index
        %get3A_2160 = arith.constant 64 : index
        %get3A_2161 = tpu.vector_load %arg12[%get3A_2159, %get3A_2160] {strides = array<i32>} : memref<64x128xf32, #tpu.memory_space<vmem>>, vector<16xf32>,
        %mul3A_2162 = arith.mulf %get3A_2158, %get3A_2161 : vector<16xf32>
        %add3A_2163 = arith.addf %add3A_2155, %mul3A_2162 : vector<16xf32>
        %get3A_2164 = arith.index_cast %add3A_2124 : i32 to index
        %get3A_2165 = arith.constant 80 : index
        %get3A_2166 = tpu.vector_load %arg11[%get3A_2164, %get3A_2165] {strides = array<i32>} : memref<64x128xf32, #tpu.memory_space<vmem>>, vector<16xf32>,
        %get3A_2167 = arith.index_cast %add3A_2124 : i32 to index
        %get3A_2168 = arith.constant 80 : index
        %get3A_2169 = tpu.vector_load %arg12[%get3A_2167, %get3A_2168] {strides = array<i32>} : memref<64x128xf32, #tpu.memory_space<vmem>>, vector<16xf32>,
        %mul3A_2170 = arith.mulf %get3A_2166, %get3A_2169 : vector<16xf32>
        %add3A_2171 = arith.addf %add3A_2163, %mul3A_2170 : vector<16xf32>
        %get3A_2172 = arith.index_cast %add3A_2124 : i32 to index
        %get3A_2173 = arith.constant 96 : index
        %get3A_2174 = tpu.vector_load %arg11[%get3A_2172, %get3A_2173] {strides = array<i32>} : memref<64x128xf32, #tpu.memory_space<vmem>>, vector<16xf32>,
        %get3A_2175 = arith.index_cast %add3A_2124 : i32 to index
        %get3A_2176 = arith.constant 96 : index
        %get3A_2177 = tpu.vector_load %arg12[%get3A_2175, %get3A_2176] {strides = array<i32>} : memref<64x128xf32, #tpu.memory_space<vmem>>, vector<16xf32>,
        %mul3A_2178 = arith.mulf %get3A_2174, %get3A_2177 : vector<16xf32>
        %add3A_2179 = arith.addf %add3A_2171, %mul3A_2178 : vector<16xf32>
        %get3A_2180 = arith.index_cast %add3A_2124 : i32 to index
        %get3A_2181 = arith.constant 112 : index
        %get3A_2182 = tpu.vector_load %arg11[%get3A_2180, %get3A_2181] {strides = array<i32>} : memref<64x128xf32, #tpu.memory_space<vmem>>, vector<16xf32>,
        %get3A_2183 = arith.index_cast %add3A_2124 : i32 to index
        %get3A_2184 = arith.constant 112 : index
        %get3A_2185 = tpu.vector_load %arg12[%get3A_2183, %get3A_2184] {strides = array<i32>} : memref<64x128xf32, #tpu.memory_space<vmem>>, vector<16xf32>,
        %mul3A_2186 = arith.mulf %get3A_2182, %get3A_2185 : vector<16xf32>
        %add3A_2187 = arith.addf %add3A_2179, %mul3A_2186 : vector<16xf32>
        %mul3A_2188 = arith.constant 16 : i32
        %mul3A_2189 = vector.broadcast %mul3A_2188 : i32 to vector<16xi32>
        %mul3A_2190 = arith.muli %iota3A_1536, %mul3A_2189 : vector<16xi32>
        %add3A_2191 = arith.constant 8 : i32
        %add3A_2192 = vector.broadcast %add3A_2191 : i32 to vector<16xi32>
        %add3A_2193 = arith.addi %mul3A_2190, %add3A_2192 : vector<16xi32>
        tpu.vector_store_idx %arg16[%add3A_2193], %add3A_2187 : memref<256xf32, #tpu.memory_space<vmem>>[vector<16xi32>], vector<16xf32>,
        %mul3A_2194 = arith.constant 16 : i32
        %mul3A_2195 = arith.muli %scan3A_1535, %mul3A_2194 : i32
        %add3A_2196 = arith.constant 9 : i32
        %add3A_2197 = arith.addi %mul3A_2195, %add3A_2196 : i32
        %get3A_2198 = arith.index_cast %add3A_2197 : i32 to index
        %get3A_2199 = arith.constant 0 : index
        %get3A_2200 = tpu.vector_load %arg11[%get3A_2198, %get3A_2199] {strides = array<i32>} : memref<64x128xf32, #tpu.memory_space<vmem>>, vector<16xf32>,
        %get3A_2201 = arith.index_cast %add3A_2197 : i32 to index
        %get3A_2202 = arith.constant 0 : index
        %get3A_2203 = tpu.vector_load %arg12[%get3A_2201, %get3A_2202] {strides = array<i32>} : memref<64x128xf32, #tpu.memory_space<vmem>>, vector<16xf32>,
        %mul3A_2204 = arith.mulf %get3A_2200, %get3A_2203 : vector<16xf32>
        %get3A_2205 = arith.index_cast %add3A_2197 : i32 to index
        %get3A_2206 = arith.constant 16 : index
        %get3A_2207 = tpu.vector_load %arg11[%get3A_2205, %get3A_2206] {strides = array<i32>} : memref<64x128xf32, #tpu.memory_space<vmem>>, vector<16xf32>,
        %get3A_2208 = arith.index_cast %add3A_2197 : i32 to index
        %get3A_2209 = arith.constant 16 : index
        %get3A_2210 = tpu.vector_load %arg12[%get3A_2208, %get3A_2209] {strides = array<i32>} : memref<64x128xf32, #tpu.memory_space<vmem>>, vector<16xf32>,
        %mul3A_2211 = arith.mulf %get3A_2207, %get3A_2210 : vector<16xf32>
        %add3A_2212 = arith.addf %mul3A_2204, %mul3A_2211 : vector<16xf32>
        %get3A_2213 = arith.index_cast %add3A_2197 : i32 to index
        %get3A_2214 = arith.constant 32 : index
        %get3A_2215 = tpu.vector_load %arg11[%get3A_2213, %get3A_2214] {strides = array<i32>} : memref<64x128xf32, #tpu.memory_space<vmem>>, vector<16xf32>,
        %get3A_2216 = arith.index_cast %add3A_2197 : i32 to index
        %get3A_2217 = arith.constant 32 : index
        %get3A_2218 = tpu.vector_load %arg12[%get3A_2216, %get3A_2217] {strides = array<i32>} : memref<64x128xf32, #tpu.memory_space<vmem>>, vector<16xf32>,
        %mul3A_2219 = arith.mulf %get3A_2215, %get3A_2218 : vector<16xf32>
        %add3A_2220 = arith.addf %add3A_2212, %mul3A_2219 : vector<16xf32>
        %get3A_2221 = arith.index_cast %add3A_2197 : i32 to index
        %get3A_2222 = arith.constant 48 : index
        %get3A_2223 = tpu.vector_load %arg11[%get3A_2221, %get3A_2222] {strides = array<i32>} : memref<64x128xf32, #tpu.memory_space<vmem>>, vector<16xf32>,
        %get3A_2224 = arith.index_cast %add3A_2197 : i32 to index
        %get3A_2225 = arith.constant 48 : index
        %get3A_2226 = tpu.vector_load %arg12[%get3A_2224, %get3A_2225] {strides = array<i32>} : memref<64x128xf32, #tpu.memory_space<vmem>>, vector<16xf32>,
        %mul3A_2227 = arith.mulf %get3A_2223, %get3A_2226 : vector<16xf32>
        %add3A_2228 = arith.addf %add3A_2220, %mul3A_2227 : vector<16xf32>
        %get3A_2229 = arith.index_cast %add3A_2197 : i32 to index
        %get3A_2230 = arith.constant 64 : index
        %get3A_2231 = tpu.vector_load %arg11[%get3A_2229, %get3A_2230] {strides = array<i32>} : memref<64x128xf32, #tpu.memory_space<vmem>>, vector<16xf32>,
        %get3A_2232 = arith.index_cast %add3A_2197 : i32 to index
        %get3A_2233 = arith.constant 64 : index
        %get3A_2234 = tpu.vector_load %arg12[%get3A_2232, %get3A_2233] {strides = array<i32>} : memref<64x128xf32, #tpu.memory_space<vmem>>, vector<16xf32>,
        %mul3A_2235 = arith.mulf %get3A_2231, %get3A_2234 : vector<16xf32>
        %add3A_2236 = arith.addf %add3A_2228, %mul3A_2235 : vector<16xf32>
        %get3A_2237 = arith.index_cast %add3A_2197 : i32 to index
        %get3A_2238 = arith.constant 80 : index
        %get3A_2239 = tpu.vector_load %arg11[%get3A_2237, %get3A_2238] {strides = array<i32>} : memref<64x128xf32, #tpu.memory_space<vmem>>, vector<16xf32>,
        %get3A_2240 = arith.index_cast %add3A_2197 : i32 to index
        %get3A_2241 = arith.constant 80 : index
        %get3A_2242 = tpu.vector_load %arg12[%get3A_2240, %get3A_2241] {strides = array<i32>} : memref<64x128xf32, #tpu.memory_space<vmem>>, vector<16xf32>,
        %mul3A_2243 = arith.mulf %get3A_2239, %get3A_2242 : vector<16xf32>
        %add3A_2244 = arith.addf %add3A_2236, %mul3A_2243 : vector<16xf32>
        %get3A_2245 = arith.index_cast %add3A_2197 : i32 to index
        %get3A_2246 = arith.constant 96 : index
        %get3A_2247 = tpu.vector_load %arg11[%get3A_2245, %get3A_2246] {strides = array<i32>} : memref<64x128xf32, #tpu.memory_space<vmem>>, vector<16xf32>,
        %get3A_2248 = arith.index_cast %add3A_2197 : i32 to index
        %get3A_2249 = arith.constant 96 : index
        %get3A_2250 = tpu.vector_load %arg12[%get3A_2248, %get3A_2249] {strides = array<i32>} : memref<64x128xf32, #tpu.memory_space<vmem>>, vector<16xf32>,
        %mul3A_2251 = arith.mulf %get3A_2247, %get3A_2250 : vector<16xf32>
        %add3A_2252 = arith.addf %add3A_2244, %mul3A_2251 : vector<16xf32>
        %get3A_2253 = arith.index_cast %add3A_2197 : i32 to index
        %get3A_2254 = arith.constant 112 : index
        %get3A_2255 = tpu.vector_load %arg11[%get3A_2253, %get3A_2254] {strides = array<i32>} : memref<64x128xf32, #tpu.memory_space<vmem>>, vector<16xf32>,
        %get3A_2256 = arith.index_cast %add3A_2197 : i32 to index
        %get3A_2257 = arith.constant 112 : index
        %get3A_2258 = tpu.vector_load %arg12[%get3A_2256, %get3A_2257] {strides = array<i32>} : memref<64x128xf32, #tpu.memory_space<vmem>>, vector<16xf32>,
        %mul3A_2259 = arith.mulf %get3A_2255, %get3A_2258 : vector<16xf32>
        %add3A_2260 = arith.addf %add3A_2252, %mul3A_2259 : vector<16xf32>
        %mul3A_2261 = arith.constant 16 : i32
        %mul3A_2262 = vector.broadcast %mul3A_2261 : i32 to vector<16xi32>
        %mul3A_2263 = arith.muli %iota3A_1536, %mul3A_2262 : vector<16xi32>
        %add3A_2264 = arith.constant 9 : i32
        %add3A_2265 = vector.broadcast %add3A_2264 : i32 to vector<16xi32>
        %add3A_2266 = arith.addi %mul3A_2263, %add3A_2265 : vector<16xi32>
        tpu.vector_store_idx %arg16[%add3A_2266], %add3A_2260 : memref<256xf32, #tpu.memory_space<vmem>>[vector<16xi32>], vector<16xf32>,
        %mul3A_2267 = arith.constant 16 : i32
        %mul3A_2268 = arith.muli %scan3A_1535, %mul3A_2267 : i32
        %add3A_2269 = arith.constant 10 : i32
        %add3A_2270 = arith.addi %mul3A_2268, %add3A_2269 : i32
        %get3A_2271 = arith.index_cast %add3A_2270 : i32 to index
        %get3A_2272 = arith.constant 0 : index
        %get3A_2273 = tpu.vector_load %arg11[%get3A_2271, %get3A_2272] {strides = array<i32>} : memref<64x128xf32, #tpu.memory_space<vmem>>, vector<16xf32>,
        %get3A_2274 = arith.index_cast %add3A_2270 : i32 to index
        %get3A_2275 = arith.constant 0 : index
        %get3A_2276 = tpu.vector_load %arg12[%get3A_2274, %get3A_2275] {strides = array<i32>} : memref<64x128xf32, #tpu.memory_space<vmem>>, vector<16xf32>,
        %mul3A_2277 = arith.mulf %get3A_2273, %get3A_2276 : vector<16xf32>
        %get3A_2278 = arith.index_cast %add3A_2270 : i32 to index
        %get3A_2279 = arith.constant 16 : index
        %get3A_2280 = tpu.vector_load %arg11[%get3A_2278, %get3A_2279] {strides = array<i32>} : memref<64x128xf32, #tpu.memory_space<vmem>>, vector<16xf32>,
        %get3A_2281 = arith.index_cast %add3A_2270 : i32 to index
        %get3A_2282 = arith.constant 16 : index
        %get3A_2283 = tpu.vector_load %arg12[%get3A_2281, %get3A_2282] {strides = array<i32>} : memref<64x128xf32, #tpu.memory_space<vmem>>, vector<16xf32>,
        %mul3A_2284 = arith.mulf %get3A_2280, %get3A_2283 : vector<16xf32>
        %add3A_2285 = arith.addf %mul3A_2277, %mul3A_2284 : vector<16xf32>
        %get3A_2286 = arith.index_cast %add3A_2270 : i32 to index
        %get3A_2287 = arith.constant 32 : index
        %get3A_2288 = tpu.vector_load %arg11[%get3A_2286, %get3A_2287] {strides = array<i32>} : memref<64x128xf32, #tpu.memory_space<vmem>>, vector<16xf32>,
        %get3A_2289 = arith.index_cast %add3A_2270 : i32 to index
        %get3A_2290 = arith.constant 32 : index
        %get3A_2291 = tpu.vector_load %arg12[%get3A_2289, %get3A_2290] {strides = array<i32>} : memref<64x128xf32, #tpu.memory_space<vmem>>, vector<16xf32>,
        %mul3A_2292 = arith.mulf %get3A_2288, %get3A_2291 : vector<16xf32>
        %add3A_2293 = arith.addf %add3A_2285, %mul3A_2292 : vector<16xf32>
        %get3A_2294 = arith.index_cast %add3A_2270 : i32 to index
        %get3A_2295 = arith.constant 48 : index
        %get3A_2296 = tpu.vector_load %arg11[%get3A_2294, %get3A_2295] {strides = array<i32>} : memref<64x128xf32, #tpu.memory_space<vmem>>, vector<16xf32>,
        %get3A_2297 = arith.index_cast %add3A_2270 : i32 to index
        %get3A_2298 = arith.constant 48 : index
        %get3A_2299 = tpu.vector_load %arg12[%get3A_2297, %get3A_2298] {strides = array<i32>} : memref<64x128xf32, #tpu.memory_space<vmem>>, vector<16xf32>,
        %mul3A_2300 = arith.mulf %get3A_2296, %get3A_2299 : vector<16xf32>
        %add3A_2301 = arith.addf %add3A_2293, %mul3A_2300 : vector<16xf32>
        %get3A_2302 = arith.index_cast %add3A_2270 : i32 to index
        %get3A_2303 = arith.constant 64 : index
        %get3A_2304 = tpu.vector_load %arg11[%get3A_2302, %get3A_2303] {strides = array<i32>} : memref<64x128xf32, #tpu.memory_space<vmem>>, vector<16xf32>,
        %get3A_2305 = arith.index_cast %add3A_2270 : i32 to index
        %get3A_2306 = arith.constant 64 : index
        %get3A_2307 = tpu.vector_load %arg12[%get3A_2305, %get3A_2306] {strides = array<i32>} : memref<64x128xf32, #tpu.memory_space<vmem>>, vector<16xf32>,
        %mul3A_2308 = arith.mulf %get3A_2304, %get3A_2307 : vector<16xf32>
        %add3A_2309 = arith.addf %add3A_2301, %mul3A_2308 : vector<16xf32>
        %get3A_2310 = arith.index_cast %add3A_2270 : i32 to index
        %get3A_2311 = arith.constant 80 : index
        %get3A_2312 = tpu.vector_load %arg11[%get3A_2310, %get3A_2311] {strides = array<i32>} : memref<64x128xf32, #tpu.memory_space<vmem>>, vector<16xf32>,
        %get3A_2313 = arith.index_cast %add3A_2270 : i32 to index
        %get3A_2314 = arith.constant 80 : index
        %get3A_2315 = tpu.vector_load %arg12[%get3A_2313, %get3A_2314] {strides = array<i32>} : memref<64x128xf32, #tpu.memory_space<vmem>>, vector<16xf32>,
        %mul3A_2316 = arith.mulf %get3A_2312, %get3A_2315 : vector<16xf32>
        %add3A_2317 = arith.addf %add3A_2309, %mul3A_2316 : vector<16xf32>
        %get3A_2318 = arith.index_cast %add3A_2270 : i32 to index
        %get3A_2319 = arith.constant 96 : index
        %get3A_2320 = tpu.vector_load %arg11[%get3A_2318, %get3A_2319] {strides = array<i32>} : memref<64x128xf32, #tpu.memory_space<vmem>>, vector<16xf32>,
        %get3A_2321 = arith.index_cast %add3A_2270 : i32 to index
        %get3A_2322 = arith.constant 96 : index
        %get3A_2323 = tpu.vector_load %arg12[%get3A_2321, %get3A_2322] {strides = array<i32>} : memref<64x128xf32, #tpu.memory_space<vmem>>, vector<16xf32>,
        %mul3A_2324 = arith.mulf %get3A_2320, %get3A_2323 : vector<16xf32>
        %add3A_2325 = arith.addf %add3A_2317, %mul3A_2324 : vector<16xf32>
        %get3A_2326 = arith.index_cast %add3A_2270 : i32 to index
        %get3A_2327 = arith.constant 112 : index
        %get3A_2328 = tpu.vector_load %arg11[%get3A_2326, %get3A_2327] {strides = array<i32>} : memref<64x128xf32, #tpu.memory_space<vmem>>, vector<16xf32>,
        %get3A_2329 = arith.index_cast %add3A_2270 : i32 to index
        %get3A_2330 = arith.constant 112 : index
        %get3A_2331 = tpu.vector_load %arg12[%get3A_2329, %get3A_2330] {strides = array<i32>} : memref<64x128xf32, #tpu.memory_space<vmem>>, vector<16xf32>,
        %mul3A_2332 = arith.mulf %get3A_2328, %get3A_2331 : vector<16xf32>
        %add3A_2333 = arith.addf %add3A_2325, %mul3A_2332 : vector<16xf32>
        %mul3A_2334 = arith.constant 16 : i32
        %mul3A_2335 = vector.broadcast %mul3A_2334 : i32 to vector<16xi32>
        %mul3A_2336 = arith.muli %iota3A_1536, %mul3A_2335 : vector<16xi32>
        %add3A_2337 = arith.constant 10 : i32
        %add3A_2338 = vector.broadcast %add3A_2337 : i32 to vector<16xi32>
        %add3A_2339 = arith.addi %mul3A_2336, %add3A_2338 : vector<16xi32>
        tpu.vector_store_idx %arg16[%add3A_2339], %add3A_2333 : memref<256xf32, #tpu.memory_space<vmem>>[vector<16xi32>], vector<16xf32>,
        %mul3A_2340 = arith.constant 16 : i32
        %mul3A_2341 = arith.muli %scan3A_1535, %mul3A_2340 : i32
        %add3A_2342 = arith.constant 11 : i32
        %add3A_2343 = arith.addi %mul3A_2341, %add3A_2342 : i32
        %get3A_2344 = arith.index_cast %add3A_2343 : i32 to index
        %get3A_2345 = arith.constant 0 : index
        %get3A_2346 = tpu.vector_load %arg11[%get3A_2344, %get3A_2345] {strides = array<i32>} : memref<64x128xf32, #tpu.memory_space<vmem>>, vector<16xf32>,
        %get3A_2347 = arith.index_cast %add3A_2343 : i32 to index
        %get3A_2348 = arith.constant 0 : index
        %get3A_2349 = tpu.vector_load %arg12[%get3A_2347, %get3A_2348] {strides = array<i32>} : memref<64x128xf32, #tpu.memory_space<vmem>>, vector<16xf32>,
        %mul3A_2350 = arith.mulf %get3A_2346, %get3A_2349 : vector<16xf32>
        %get3A_2351 = arith.index_cast %add3A_2343 : i32 to index
        %get3A_2352 = arith.constant 16 : index
        %get3A_2353 = tpu.vector_load %arg11[%get3A_2351, %get3A_2352] {strides = array<i32>} : memref<64x128xf32, #tpu.memory_space<vmem>>, vector<16xf32>,
        %get3A_2354 = arith.index_cast %add3A_2343 : i32 to index
        %get3A_2355 = arith.constant 16 : index
        %get3A_2356 = tpu.vector_load %arg12[%get3A_2354, %get3A_2355] {strides = array<i32>} : memref<64x128xf32, #tpu.memory_space<vmem>>, vector<16xf32>,
        %mul3A_2357 = arith.mulf %get3A_2353, %get3A_2356 : vector<16xf32>
        %add3A_2358 = arith.addf %mul3A_2350, %mul3A_2357 : vector<16xf32>
        %get3A_2359 = arith.index_cast %add3A_2343 : i32 to index
        %get3A_2360 = arith.constant 32 : index
        %get3A_2361 = tpu.vector_load %arg11[%get3A_2359, %get3A_2360] {strides = array<i32>} : memref<64x128xf32, #tpu.memory_space<vmem>>, vector<16xf32>,
        %get3A_2362 = arith.index_cast %add3A_2343 : i32 to index
        %get3A_2363 = arith.constant 32 : index
        %get3A_2364 = tpu.vector_load %arg12[%get3A_2362, %get3A_2363] {strides = array<i32>} : memref<64x128xf32, #tpu.memory_space<vmem>>, vector<16xf32>,
        %mul3A_2365 = arith.mulf %get3A_2361, %get3A_2364 : vector<16xf32>
        %add3A_2366 = arith.addf %add3A_2358, %mul3A_2365 : vector<16xf32>
        %get3A_2367 = arith.index_cast %add3A_2343 : i32 to index
        %get3A_2368 = arith.constant 48 : index
        %get3A_2369 = tpu.vector_load %arg11[%get3A_2367, %get3A_2368] {strides = array<i32>} : memref<64x128xf32, #tpu.memory_space<vmem>>, vector<16xf32>,
        %get3A_2370 = arith.index_cast %add3A_2343 : i32 to index
        %get3A_2371 = arith.constant 48 : index
        %get3A_2372 = tpu.vector_load %arg12[%get3A_2370, %get3A_2371] {strides = array<i32>} : memref<64x128xf32, #tpu.memory_space<vmem>>, vector<16xf32>,
        %mul3A_2373 = arith.mulf %get3A_2369, %get3A_2372 : vector<16xf32>
        %add3A_2374 = arith.addf %add3A_2366, %mul3A_2373 : vector<16xf32>
        %get3A_2375 = arith.index_cast %add3A_2343 : i32 to index
        %get3A_2376 = arith.constant 64 : index
        %get3A_2377 = tpu.vector_load %arg11[%get3A_2375, %get3A_2376] {strides = array<i32>} : memref<64x128xf32, #tpu.memory_space<vmem>>, vector<16xf32>,
        %get3A_2378 = arith.index_cast %add3A_2343 : i32 to index
        %get3A_2379 = arith.constant 64 : index
        %get3A_2380 = tpu.vector_load %arg12[%get3A_2378, %get3A_2379] {strides = array<i32>} : memref<64x128xf32, #tpu.memory_space<vmem>>, vector<16xf32>,
        %mul3A_2381 = arith.mulf %get3A_2377, %get3A_2380 : vector<16xf32>
        %add3A_2382 = arith.addf %add3A_2374, %mul3A_2381 : vector<16xf32>
        %get3A_2383 = arith.index_cast %add3A_2343 : i32 to index
        %get3A_2384 = arith.constant 80 : index
        %get3A_2385 = tpu.vector_load %arg11[%get3A_2383, %get3A_2384] {strides = array<i32>} : memref<64x128xf32, #tpu.memory_space<vmem>>, vector<16xf32>,
        %get3A_2386 = arith.index_cast %add3A_2343 : i32 to index
        %get3A_2387 = arith.constant 80 : index
        %get3A_2388 = tpu.vector_load %arg12[%get3A_2386, %get3A_2387] {strides = array<i32>} : memref<64x128xf32, #tpu.memory_space<vmem>>, vector<16xf32>,
        %mul3A_2389 = arith.mulf %get3A_2385, %get3A_2388 : vector<16xf32>
        %add3A_2390 = arith.addf %add3A_2382, %mul3A_2389 : vector<16xf32>
        %get3A_2391 = arith.index_cast %add3A_2343 : i32 to index
        %get3A_2392 = arith.constant 96 : index
        %get3A_2393 = tpu.vector_load %arg11[%get3A_2391, %get3A_2392] {strides = array<i32>} : memref<64x128xf32, #tpu.memory_space<vmem>>, vector<16xf32>,
        %get3A_2394 = arith.index_cast %add3A_2343 : i32 to index
        %get3A_2395 = arith.constant 96 : index
        %get3A_2396 = tpu.vector_load %arg12[%get3A_2394, %get3A_2395] {strides = array<i32>} : memref<64x128xf32, #tpu.memory_space<vmem>>, vector<16xf32>,
        %mul3A_2397 = arith.mulf %get3A_2393, %get3A_2396 : vector<16xf32>
        %add3A_2398 = arith.addf %add3A_2390, %mul3A_2397 : vector<16xf32>
        %get3A_2399 = arith.index_cast %add3A_2343 : i32 to index
        %get3A_2400 = arith.constant 112 : index
        %get3A_2401 = tpu.vector_load %arg11[%get3A_2399, %get3A_2400] {strides = array<i32>} : memref<64x128xf32, #tpu.memory_space<vmem>>, vector<16xf32>,
        %get3A_2402 = arith.index_cast %add3A_2343 : i32 to index
        %get3A_2403 = arith.constant 112 : index
        %get3A_2404 = tpu.vector_load %arg12[%get3A_2402, %get3A_2403] {strides = array<i32>} : memref<64x128xf32, #tpu.memory_space<vmem>>, vector<16xf32>,
        %mul3A_2405 = arith.mulf %get3A_2401, %get3A_2404 : vector<16xf32>
        %add3A_2406 = arith.addf %add3A_2398, %mul3A_2405 : vector<16xf32>
        %mul3A_2407 = arith.constant 16 : i32
        %mul3A_2408 = vector.broadcast %mul3A_2407 : i32 to vector<16xi32>
        %mul3A_2409 = arith.muli %iota3A_1536, %mul3A_2408 : vector<16xi32>
        %add3A_2410 = arith.constant 11 : i32
        %add3A_2411 = vector.broadcast %add3A_2410 : i32 to vector<16xi32>
        %add3A_2412 = arith.addi %mul3A_2409, %add3A_2411 : vector<16xi32>
        tpu.vector_store_idx %arg16[%add3A_2412], %add3A_2406 : memref<256xf32, #tpu.memory_space<vmem>>[vector<16xi32>], vector<16xf32>,
        %mul3A_2413 = arith.constant 16 : i32
        %mul3A_2414 = arith.muli %scan3A_1535, %mul3A_2413 : i32
        %add3A_2415 = arith.constant 12 : i32
        %add3A_2416 = arith.addi %mul3A_2414, %add3A_2415 : i32
        %get3A_2417 = arith.index_cast %add3A_2416 : i32 to index
        %get3A_2418 = arith.constant 0 : index
        %get3A_2419 = tpu.vector_load %arg11[%get3A_2417, %get3A_2418] {strides = array<i32>} : memref<64x128xf32, #tpu.memory_space<vmem>>, vector<16xf32>,
        %get3A_2420 = arith.index_cast %add3A_2416 : i32 to index
        %get3A_2421 = arith.constant 0 : index
        %get3A_2422 = tpu.vector_load %arg12[%get3A_2420, %get3A_2421] {strides = array<i32>} : memref<64x128xf32, #tpu.memory_space<vmem>>, vector<16xf32>,
        %mul3A_2423 = arith.mulf %get3A_2419, %get3A_2422 : vector<16xf32>
        %get3A_2424 = arith.index_cast %add3A_2416 : i32 to index
        %get3A_2425 = arith.constant 16 : index
        %get3A_2426 = tpu.vector_load %arg11[%get3A_2424, %get3A_2425] {strides = array<i32>} : memref<64x128xf32, #tpu.memory_space<vmem>>, vector<16xf32>,
        %get3A_2427 = arith.index_cast %add3A_2416 : i32 to index
        %get3A_2428 = arith.constant 16 : index
        %get3A_2429 = tpu.vector_load %arg12[%get3A_2427, %get3A_2428] {strides = array<i32>} : memref<64x128xf32, #tpu.memory_space<vmem>>, vector<16xf32>,
        %mul3A_2430 = arith.mulf %get3A_2426, %get3A_2429 : vector<16xf32>
        %add3A_2431 = arith.addf %mul3A_2423, %mul3A_2430 : vector<16xf32>
        %get3A_2432 = arith.index_cast %add3A_2416 : i32 to index
        %get3A_2433 = arith.constant 32 : index
        %get3A_2434 = tpu.vector_load %arg11[%get3A_2432, %get3A_2433] {strides = array<i32>} : memref<64x128xf32, #tpu.memory_space<vmem>>, vector<16xf32>,
        %get3A_2435 = arith.index_cast %add3A_2416 : i32 to index
        %get3A_2436 = arith.constant 32 : index
        %get3A_2437 = tpu.vector_load %arg12[%get3A_2435, %get3A_2436] {strides = array<i32>} : memref<64x128xf32, #tpu.memory_space<vmem>>, vector<16xf32>,
        %mul3A_2438 = arith.mulf %get3A_2434, %get3A_2437 : vector<16xf32>
        %add3A_2439 = arith.addf %add3A_2431, %mul3A_2438 : vector<16xf32>
        %get3A_2440 = arith.index_cast %add3A_2416 : i32 to index
        %get3A_2441 = arith.constant 48 : index
        %get3A_2442 = tpu.vector_load %arg11[%get3A_2440, %get3A_2441] {strides = array<i32>} : memref<64x128xf32, #tpu.memory_space<vmem>>, vector<16xf32>,
        %get3A_2443 = arith.index_cast %add3A_2416 : i32 to index
        %get3A_2444 = arith.constant 48 : index
        %get3A_2445 = tpu.vector_load %arg12[%get3A_2443, %get3A_2444] {strides = array<i32>} : memref<64x128xf32, #tpu.memory_space<vmem>>, vector<16xf32>,
        %mul3A_2446 = arith.mulf %get3A_2442, %get3A_2445 : vector<16xf32>
        %add3A_2447 = arith.addf %add3A_2439, %mul3A_2446 : vector<16xf32>
        %get3A_2448 = arith.index_cast %add3A_2416 : i32 to index
        %get3A_2449 = arith.constant 64 : index
        %get3A_2450 = tpu.vector_load %arg11[%get3A_2448, %get3A_2449] {strides = array<i32>} : memref<64x128xf32, #tpu.memory_space<vmem>>, vector<16xf32>,
        %get3A_2451 = arith.index_cast %add3A_2416 : i32 to index
        %get3A_2452 = arith.constant 64 : index
        %get3A_2453 = tpu.vector_load %arg12[%get3A_2451, %get3A_2452] {strides = array<i32>} : memref<64x128xf32, #tpu.memory_space<vmem>>, vector<16xf32>,
        %mul3A_2454 = arith.mulf %get3A_2450, %get3A_2453 : vector<16xf32>
        %add3A_2455 = arith.addf %add3A_2447, %mul3A_2454 : vector<16xf32>
        %get3A_2456 = arith.index_cast %add3A_2416 : i32 to index
        %get3A_2457 = arith.constant 80 : index
        %get3A_2458 = tpu.vector_load %arg11[%get3A_2456, %get3A_2457] {strides = array<i32>} : memref<64x128xf32, #tpu.memory_space<vmem>>, vector<16xf32>,
        %get3A_2459 = arith.index_cast %add3A_2416 : i32 to index
        %get3A_2460 = arith.constant 80 : index
        %get3A_2461 = tpu.vector_load %arg12[%get3A_2459, %get3A_2460] {strides = array<i32>} : memref<64x128xf32, #tpu.memory_space<vmem>>, vector<16xf32>,
        %mul3A_2462 = arith.mulf %get3A_2458, %get3A_2461 : vector<16xf32>
        %add3A_2463 = arith.addf %add3A_2455, %mul3A_2462 : vector<16xf32>
        %get3A_2464 = arith.index_cast %add3A_2416 : i32 to index
        %get3A_2465 = arith.constant 96 : index
        %get3A_2466 = tpu.vector_load %arg11[%get3A_2464, %get3A_2465] {strides = array<i32>} : memref<64x128xf32, #tpu.memory_space<vmem>>, vector<16xf32>,
        %get3A_2467 = arith.index_cast %add3A_2416 : i32 to index
        %get3A_2468 = arith.constant 96 : index
        %get3A_2469 = tpu.vector_load %arg12[%get3A_2467, %get3A_2468] {strides = array<i32>} : memref<64x128xf32, #tpu.memory_space<vmem>>, vector<16xf32>,
        %mul3A_2470 = arith.mulf %get3A_2466, %get3A_2469 : vector<16xf32>
        %add3A_2471 = arith.addf %add3A_2463, %mul3A_2470 : vector<16xf32>
        %get3A_2472 = arith.index_cast %add3A_2416 : i32 to index
        %get3A_2473 = arith.constant 112 : index
        %get3A_2474 = tpu.vector_load %arg11[%get3A_2472, %get3A_2473] {strides = array<i32>} : memref<64x128xf32, #tpu.memory_space<vmem>>, vector<16xf32>,
        %get3A_2475 = arith.index_cast %add3A_2416 : i32 to index
        %get3A_2476 = arith.constant 112 : index
        %get3A_2477 = tpu.vector_load %arg12[%get3A_2475, %get3A_2476] {strides = array<i32>} : memref<64x128xf32, #tpu.memory_space<vmem>>, vector<16xf32>,
        %mul3A_2478 = arith.mulf %get3A_2474, %get3A_2477 : vector<16xf32>
        %add3A_2479 = arith.addf %add3A_2471, %mul3A_2478 : vector<16xf32>
        %mul3A_2480 = arith.constant 16 : i32
        %mul3A_2481 = vector.broadcast %mul3A_2480 : i32 to vector<16xi32>
        %mul3A_2482 = arith.muli %iota3A_1536, %mul3A_2481 : vector<16xi32>
        %add3A_2483 = arith.constant 12 : i32
        %add3A_2484 = vector.broadcast %add3A_2483 : i32 to vector<16xi32>
        %add3A_2485 = arith.addi %mul3A_2482, %add3A_2484 : vector<16xi32>
        tpu.vector_store_idx %arg16[%add3A_2485], %add3A_2479 : memref<256xf32, #tpu.memory_space<vmem>>[vector<16xi32>], vector<16xf32>,
        %mul3A_2486 = arith.constant 16 : i32
        %mul3A_2487 = arith.muli %scan3A_1535, %mul3A_2486 : i32
        %add3A_2488 = arith.constant 13 : i32
        %add3A_2489 = arith.addi %mul3A_2487, %add3A_2488 : i32
        %get3A_2490 = arith.index_cast %add3A_2489 : i32 to index
        %get3A_2491 = arith.constant 0 : index
        %get3A_2492 = tpu.vector_load %arg11[%get3A_2490, %get3A_2491] {strides = array<i32>} : memref<64x128xf32, #tpu.memory_space<vmem>>, vector<16xf32>,
        %get3A_2493 = arith.index_cast %add3A_2489 : i32 to index
        %get3A_2494 = arith.constant 0 : index
        %get3A_2495 = tpu.vector_load %arg12[%get3A_2493, %get3A_2494] {strides = array<i32>} : memref<64x128xf32, #tpu.memory_space<vmem>>, vector<16xf32>,
        %mul3A_2496 = arith.mulf %get3A_2492, %get3A_2495 : vector<16xf32>
        %get3A_2497 = arith.index_cast %add3A_2489 : i32 to index
        %get3A_2498 = arith.constant 16 : index
        %get3A_2499 = tpu.vector_load %arg11[%get3A_2497, %get3A_2498] {strides = array<i32>} : memref<64x128xf32, #tpu.memory_space<vmem>>, vector<16xf32>,
        %get3A_2500 = arith.index_cast %add3A_2489 : i32 to index
        %get3A_2501 = arith.constant 16 : index
        %get3A_2502 = tpu.vector_load %arg12[%get3A_2500, %get3A_2501] {strides = array<i32>} : memref<64x128xf32, #tpu.memory_space<vmem>>, vector<16xf32>,
        %mul3A_2503 = arith.mulf %get3A_2499, %get3A_2502 : vector<16xf32>
        %add3A_2504 = arith.addf %mul3A_2496, %mul3A_2503 : vector<16xf32>
        %get3A_2505 = arith.index_cast %add3A_2489 : i32 to index
        %get3A_2506 = arith.constant 32 : index
        %get3A_2507 = tpu.vector_load %arg11[%get3A_2505, %get3A_2506] {strides = array<i32>} : memref<64x128xf32, #tpu.memory_space<vmem>>, vector<16xf32>,
        %get3A_2508 = arith.index_cast %add3A_2489 : i32 to index
        %get3A_2509 = arith.constant 32 : index
        %get3A_2510 = tpu.vector_load %arg12[%get3A_2508, %get3A_2509] {strides = array<i32>} : memref<64x128xf32, #tpu.memory_space<vmem>>, vector<16xf32>,
        %mul3A_2511 = arith.mulf %get3A_2507, %get3A_2510 : vector<16xf32>
        %add3A_2512 = arith.addf %add3A_2504, %mul3A_2511 : vector<16xf32>
        %get3A_2513 = arith.index_cast %add3A_2489 : i32 to index
        %get3A_2514 = arith.constant 48 : index
        %get3A_2515 = tpu.vector_load %arg11[%get3A_2513, %get3A_2514] {strides = array<i32>} : memref<64x128xf32, #tpu.memory_space<vmem>>, vector<16xf32>,
        %get3A_2516 = arith.index_cast %add3A_2489 : i32 to index
        %get3A_2517 = arith.constant 48 : index
        %get3A_2518 = tpu.vector_load %arg12[%get3A_2516, %get3A_2517] {strides = array<i32>} : memref<64x128xf32, #tpu.memory_space<vmem>>, vector<16xf32>,
        %mul3A_2519 = arith.mulf %get3A_2515, %get3A_2518 : vector<16xf32>
        %add3A_2520 = arith.addf %add3A_2512, %mul3A_2519 : vector<16xf32>
        %get3A_2521 = arith.index_cast %add3A_2489 : i32 to index
        %get3A_2522 = arith.constant 64 : index
        %get3A_2523 = tpu.vector_load %arg11[%get3A_2521, %get3A_2522] {strides = array<i32>} : memref<64x128xf32, #tpu.memory_space<vmem>>, vector<16xf32>,
        %get3A_2524 = arith.index_cast %add3A_2489 : i32 to index
        %get3A_2525 = arith.constant 64 : index
        %get3A_2526 = tpu.vector_load %arg12[%get3A_2524, %get3A_2525] {strides = array<i32>} : memref<64x128xf32, #tpu.memory_space<vmem>>, vector<16xf32>,
        %mul3A_2527 = arith.mulf %get3A_2523, %get3A_2526 : vector<16xf32>
        %add3A_2528 = arith.addf %add3A_2520, %mul3A_2527 : vector<16xf32>
        %get3A_2529 = arith.index_cast %add3A_2489 : i32 to index
        %get3A_2530 = arith.constant 80 : index
        %get3A_2531 = tpu.vector_load %arg11[%get3A_2529, %get3A_2530] {strides = array<i32>} : memref<64x128xf32, #tpu.memory_space<vmem>>, vector<16xf32>,
        %get3A_2532 = arith.index_cast %add3A_2489 : i32 to index
        %get3A_2533 = arith.constant 80 : index
        %get3A_2534 = tpu.vector_load %arg12[%get3A_2532, %get3A_2533] {strides = array<i32>} : memref<64x128xf32, #tpu.memory_space<vmem>>, vector<16xf32>,
        %mul3A_2535 = arith.mulf %get3A_2531, %get3A_2534 : vector<16xf32>
        %add3A_2536 = arith.addf %add3A_2528, %mul3A_2535 : vector<16xf32>
        %get3A_2537 = arith.index_cast %add3A_2489 : i32 to index
        %get3A_2538 = arith.constant 96 : index
        %get3A_2539 = tpu.vector_load %arg11[%get3A_2537, %get3A_2538] {strides = array<i32>} : memref<64x128xf32, #tpu.memory_space<vmem>>, vector<16xf32>,
        %get3A_2540 = arith.index_cast %add3A_2489 : i32 to index
        %get3A_2541 = arith.constant 96 : index
        %get3A_2542 = tpu.vector_load %arg12[%get3A_2540, %get3A_2541] {strides = array<i32>} : memref<64x128xf32, #tpu.memory_space<vmem>>, vector<16xf32>,
        %mul3A_2543 = arith.mulf %get3A_2539, %get3A_2542 : vector<16xf32>
        %add3A_2544 = arith.addf %add3A_2536, %mul3A_2543 : vector<16xf32>
        %get3A_2545 = arith.index_cast %add3A_2489 : i32 to index
        %get3A_2546 = arith.constant 112 : index
        %get3A_2547 = tpu.vector_load %arg11[%get3A_2545, %get3A_2546] {strides = array<i32>} : memref<64x128xf32, #tpu.memory_space<vmem>>, vector<16xf32>,
        %get3A_2548 = arith.index_cast %add3A_2489 : i32 to index
        %get3A_2549 = arith.constant 112 : index
        %get3A_2550 = tpu.vector_load %arg12[%get3A_2548, %get3A_2549] {strides = array<i32>} : memref<64x128xf32, #tpu.memory_space<vmem>>, vector<16xf32>,
        %mul3A_2551 = arith.mulf %get3A_2547, %get3A_2550 : vector<16xf32>
        %add3A_2552 = arith.addf %add3A_2544, %mul3A_2551 : vector<16xf32>
        %mul3A_2553 = arith.constant 16 : i32
        %mul3A_2554 = vector.broadcast %mul3A_2553 : i32 to vector<16xi32>
        %mul3A_2555 = arith.muli %iota3A_1536, %mul3A_2554 : vector<16xi32>
        %add3A_2556 = arith.constant 13 : i32
        %add3A_2557 = vector.broadcast %add3A_2556 : i32 to vector<16xi32>
        %add3A_2558 = arith.addi %mul3A_2555, %add3A_2557 : vector<16xi32>
        tpu.vector_store_idx %arg16[%add3A_2558], %add3A_2552 : memref<256xf32, #tpu.memory_space<vmem>>[vector<16xi32>], vector<16xf32>,
        %mul3A_2559 = arith.constant 16 : i32
        %mul3A_2560 = arith.muli %scan3A_1535, %mul3A_2559 : i32
        %add3A_2561 = arith.constant 14 : i32
        %add3A_2562 = arith.addi %mul3A_2560, %add3A_2561 : i32
        %get3A_2563 = arith.index_cast %add3A_2562 : i32 to index
        %get3A_2564 = arith.constant 0 : index
        %get3A_2565 = tpu.vector_load %arg11[%get3A_2563, %get3A_2564] {strides = array<i32>} : memref<64x128xf32, #tpu.memory_space<vmem>>, vector<16xf32>,
        %get3A_2566 = arith.index_cast %add3A_2562 : i32 to index
        %get3A_2567 = arith.constant 0 : index
        %get3A_2568 = tpu.vector_load %arg12[%get3A_2566, %get3A_2567] {strides = array<i32>} : memref<64x128xf32, #tpu.memory_space<vmem>>, vector<16xf32>,
        %mul3A_2569 = arith.mulf %get3A_2565, %get3A_2568 : vector<16xf32>
        %get3A_2570 = arith.index_cast %add3A_2562 : i32 to index
        %get3A_2571 = arith.constant 16 : index
        %get3A_2572 = tpu.vector_load %arg11[%get3A_2570, %get3A_2571] {strides = array<i32>} : memref<64x128xf32, #tpu.memory_space<vmem>>, vector<16xf32>,
        %get3A_2573 = arith.index_cast %add3A_2562 : i32 to index
        %get3A_2574 = arith.constant 16 : index
        %get3A_2575 = tpu.vector_load %arg12[%get3A_2573, %get3A_2574] {strides = array<i32>} : memref<64x128xf32, #tpu.memory_space<vmem>>, vector<16xf32>,
        %mul3A_2576 = arith.mulf %get3A_2572, %get3A_2575 : vector<16xf32>
        %add3A_2577 = arith.addf %mul3A_2569, %mul3A_2576 : vector<16xf32>
        %get3A_2578 = arith.index_cast %add3A_2562 : i32 to index
        %get3A_2579 = arith.constant 32 : index
        %get3A_2580 = tpu.vector_load %arg11[%get3A_2578, %get3A_2579] {strides = array<i32>} : memref<64x128xf32, #tpu.memory_space<vmem>>, vector<16xf32>,
        %get3A_2581 = arith.index_cast %add3A_2562 : i32 to index
        %get3A_2582 = arith.constant 32 : index
        %get3A_2583 = tpu.vector_load %arg12[%get3A_2581, %get3A_2582] {strides = array<i32>} : memref<64x128xf32, #tpu.memory_space<vmem>>, vector<16xf32>,
        %mul3A_2584 = arith.mulf %get3A_2580, %get3A_2583 : vector<16xf32>
        %add3A_2585 = arith.addf %add3A_2577, %mul3A_2584 : vector<16xf32>
        %get3A_2586 = arith.index_cast %add3A_2562 : i32 to index
        %get3A_2587 = arith.constant 48 : index
        %get3A_2588 = tpu.vector_load %arg11[%get3A_2586, %get3A_2587] {strides = array<i32>} : memref<64x128xf32, #tpu.memory_space<vmem>>, vector<16xf32>,
        %get3A_2589 = arith.index_cast %add3A_2562 : i32 to index
        %get3A_2590 = arith.constant 48 : index
        %get3A_2591 = tpu.vector_load %arg12[%get3A_2589, %get3A_2590] {strides = array<i32>} : memref<64x128xf32, #tpu.memory_space<vmem>>, vector<16xf32>,
        %mul3A_2592 = arith.mulf %get3A_2588, %get3A_2591 : vector<16xf32>
        %add3A_2593 = arith.addf %add3A_2585, %mul3A_2592 : vector<16xf32>
        %get3A_2594 = arith.index_cast %add3A_2562 : i32 to index
        %get3A_2595 = arith.constant 64 : index
        %get3A_2596 = tpu.vector_load %arg11[%get3A_2594, %get3A_2595] {strides = array<i32>} : memref<64x128xf32, #tpu.memory_space<vmem>>, vector<16xf32>,
        %get3A_2597 = arith.index_cast %add3A_2562 : i32 to index
        %get3A_2598 = arith.constant 64 : index
        %get3A_2599 = tpu.vector_load %arg12[%get3A_2597, %get3A_2598] {strides = array<i32>} : memref<64x128xf32, #tpu.memory_space<vmem>>, vector<16xf32>,
        %mul3A_2600 = arith.mulf %get3A_2596, %get3A_2599 : vector<16xf32>
        %add3A_2601 = arith.addf %add3A_2593, %mul3A_2600 : vector<16xf32>
        %get3A_2602 = arith.index_cast %add3A_2562 : i32 to index
        %get3A_2603 = arith.constant 80 : index
        %get3A_2604 = tpu.vector_load %arg11[%get3A_2602, %get3A_2603] {strides = array<i32>} : memref<64x128xf32, #tpu.memory_space<vmem>>, vector<16xf32>,
        %get3A_2605 = arith.index_cast %add3A_2562 : i32 to index
        %get3A_2606 = arith.constant 80 : index
        %get3A_2607 = tpu.vector_load %arg12[%get3A_2605, %get3A_2606] {strides = array<i32>} : memref<64x128xf32, #tpu.memory_space<vmem>>, vector<16xf32>,
        %mul3A_2608 = arith.mulf %get3A_2604, %get3A_2607 : vector<16xf32>
        %add3A_2609 = arith.addf %add3A_2601, %mul3A_2608 : vector<16xf32>
        %get3A_2610 = arith.index_cast %add3A_2562 : i32 to index
        %get3A_2611 = arith.constant 96 : index
        %get3A_2612 = tpu.vector_load %arg11[%get3A_2610, %get3A_2611] {strides = array<i32>} : memref<64x128xf32, #tpu.memory_space<vmem>>, vector<16xf32>,
        %get3A_2613 = arith.index_cast %add3A_2562 : i32 to index
        %get3A_2614 = arith.constant 96 : index
        %get3A_2615 = tpu.vector_load %arg12[%get3A_2613, %get3A_2614] {strides = array<i32>} : memref<64x128xf32, #tpu.memory_space<vmem>>, vector<16xf32>,
        %mul3A_2616 = arith.mulf %get3A_2612, %get3A_2615 : vector<16xf32>
        %add3A_2617 = arith.addf %add3A_2609, %mul3A_2616 : vector<16xf32>
        %get3A_2618 = arith.index_cast %add3A_2562 : i32 to index
        %get3A_2619 = arith.constant 112 : index
        %get3A_2620 = tpu.vector_load %arg11[%get3A_2618, %get3A_2619] {strides = array<i32>} : memref<64x128xf32, #tpu.memory_space<vmem>>, vector<16xf32>,
        %get3A_2621 = arith.index_cast %add3A_2562 : i32 to index
        %get3A_2622 = arith.constant 112 : index
        %get3A_2623 = tpu.vector_load %arg12[%get3A_2621, %get3A_2622] {strides = array<i32>} : memref<64x128xf32, #tpu.memory_space<vmem>>, vector<16xf32>,
        %mul3A_2624 = arith.mulf %get3A_2620, %get3A_2623 : vector<16xf32>
        %add3A_2625 = arith.addf %add3A_2617, %mul3A_2624 : vector<16xf32>
        %mul3A_2626 = arith.constant 16 : i32
        %mul3A_2627 = vector.broadcast %mul3A_2626 : i32 to vector<16xi32>
        %mul3A_2628 = arith.muli %iota3A_1536, %mul3A_2627 : vector<16xi32>
        %add3A_2629 = arith.constant 14 : i32
        %add3A_2630 = vector.broadcast %add3A_2629 : i32 to vector<16xi32>
        %add3A_2631 = arith.addi %mul3A_2628, %add3A_2630 : vector<16xi32>
        tpu.vector_store_idx %arg16[%add3A_2631], %add3A_2625 : memref<256xf32, #tpu.memory_space<vmem>>[vector<16xi32>], vector<16xf32>,
        %mul3A_2632 = arith.constant 16 : i32
        %mul3A_2633 = arith.muli %scan3A_1535, %mul3A_2632 : i32
        %add3A_2634 = arith.constant 15 : i32
        %add3A_2635 = arith.addi %mul3A_2633, %add3A_2634 : i32
        %get3A_2636 = arith.index_cast %add3A_2635 : i32 to index
        %get3A_2637 = arith.constant 0 : index
        %get3A_2638 = tpu.vector_load %arg11[%get3A_2636, %get3A_2637] {strides = array<i32>} : memref<64x128xf32, #tpu.memory_space<vmem>>, vector<16xf32>,
        %get3A_2639 = arith.index_cast %add3A_2635 : i32 to index
        %get3A_2640 = arith.constant 0 : index
        %get3A_2641 = tpu.vector_load %arg12[%get3A_2639, %get3A_2640] {strides = array<i32>} : memref<64x128xf32, #tpu.memory_space<vmem>>, vector<16xf32>,
        %mul3A_2642 = arith.mulf %get3A_2638, %get3A_2641 : vector<16xf32>
        %get3A_2643 = arith.index_cast %add3A_2635 : i32 to index
        %get3A_2644 = arith.constant 16 : index
        %get3A_2645 = tpu.vector_load %arg11[%get3A_2643, %get3A_2644] {strides = array<i32>} : memref<64x128xf32, #tpu.memory_space<vmem>>, vector<16xf32>,
        %get3A_2646 = arith.index_cast %add3A_2635 : i32 to index
        %get3A_2647 = arith.constant 16 : index
        %get3A_2648 = tpu.vector_load %arg12[%get3A_2646, %get3A_2647] {strides = array<i32>} : memref<64x128xf32, #tpu.memory_space<vmem>>, vector<16xf32>,
        %mul3A_2649 = arith.mulf %get3A_2645, %get3A_2648 : vector<16xf32>
        %add3A_2650 = arith.addf %mul3A_2642, %mul3A_2649 : vector<16xf32>
        %get3A_2651 = arith.index_cast %add3A_2635 : i32 to index
        %get3A_2652 = arith.constant 32 : index
        %get3A_2653 = tpu.vector_load %arg11[%get3A_2651, %get3A_2652] {strides = array<i32>} : memref<64x128xf32, #tpu.memory_space<vmem>>, vector<16xf32>,
        %get3A_2654 = arith.index_cast %add3A_2635 : i32 to index
        %get3A_2655 = arith.constant 32 : index
        %get3A_2656 = tpu.vector_load %arg12[%get3A_2654, %get3A_2655] {strides = array<i32>} : memref<64x128xf32, #tpu.memory_space<vmem>>, vector<16xf32>,
        %mul3A_2657 = arith.mulf %get3A_2653, %get3A_2656 : vector<16xf32>
        %add3A_2658 = arith.addf %add3A_2650, %mul3A_2657 : vector<16xf32>
        %get3A_2659 = arith.index_cast %add3A_2635 : i32 to index
        %get3A_2660 = arith.constant 48 : index
        %get3A_2661 = tpu.vector_load %arg11[%get3A_2659, %get3A_2660] {strides = array<i32>} : memref<64x128xf32, #tpu.memory_space<vmem>>, vector<16xf32>,
        %get3A_2662 = arith.index_cast %add3A_2635 : i32 to index
        %get3A_2663 = arith.constant 48 : index
        %get3A_2664 = tpu.vector_load %arg12[%get3A_2662, %get3A_2663] {strides = array<i32>} : memref<64x128xf32, #tpu.memory_space<vmem>>, vector<16xf32>,
        %mul3A_2665 = arith.mulf %get3A_2661, %get3A_2664 : vector<16xf32>
        %add3A_2666 = arith.addf %add3A_2658, %mul3A_2665 : vector<16xf32>
        %get3A_2667 = arith.index_cast %add3A_2635 : i32 to index
        %get3A_2668 = arith.constant 64 : index
        %get3A_2669 = tpu.vector_load %arg11[%get3A_2667, %get3A_2668] {strides = array<i32>} : memref<64x128xf32, #tpu.memory_space<vmem>>, vector<16xf32>,
        %get3A_2670 = arith.index_cast %add3A_2635 : i32 to index
        %get3A_2671 = arith.constant 64 : index
        %get3A_2672 = tpu.vector_load %arg12[%get3A_2670, %get3A_2671] {strides = array<i32>} : memref<64x128xf32, #tpu.memory_space<vmem>>, vector<16xf32>,
        %mul3A_2673 = arith.mulf %get3A_2669, %get3A_2672 : vector<16xf32>
        %add3A_2674 = arith.addf %add3A_2666, %mul3A_2673 : vector<16xf32>
        %get3A_2675 = arith.index_cast %add3A_2635 : i32 to index
        %get3A_2676 = arith.constant 80 : index
        %get3A_2677 = tpu.vector_load %arg11[%get3A_2675, %get3A_2676] {strides = array<i32>} : memref<64x128xf32, #tpu.memory_space<vmem>>, vector<16xf32>,
        %get3A_2678 = arith.index_cast %add3A_2635 : i32 to index
        %get3A_2679 = arith.constant 80 : index
        %get3A_2680 = tpu.vector_load %arg12[%get3A_2678, %get3A_2679] {strides = array<i32>} : memref<64x128xf32, #tpu.memory_space<vmem>>, vector<16xf32>,
        %mul3A_2681 = arith.mulf %get3A_2677, %get3A_2680 : vector<16xf32>
        %add3A_2682 = arith.addf %add3A_2674, %mul3A_2681 : vector<16xf32>
        %get3A_2683 = arith.index_cast %add3A_2635 : i32 to index
        %get3A_2684 = arith.constant 96 : index
        %get3A_2685 = tpu.vector_load %arg11[%get3A_2683, %get3A_2684] {strides = array<i32>} : memref<64x128xf32, #tpu.memory_space<vmem>>, vector<16xf32>,
        %get3A_2686 = arith.index_cast %add3A_2635 : i32 to index
        %get3A_2687 = arith.constant 96 : index
        %get3A_2688 = tpu.vector_load %arg12[%get3A_2686, %get3A_2687] {strides = array<i32>} : memref<64x128xf32, #tpu.memory_space<vmem>>, vector<16xf32>,
        %mul3A_2689 = arith.mulf %get3A_2685, %get3A_2688 : vector<16xf32>
        %add3A_2690 = arith.addf %add3A_2682, %mul3A_2689 : vector<16xf32>
        %get3A_2691 = arith.index_cast %add3A_2635 : i32 to index
        %get3A_2692 = arith.constant 112 : index
        %get3A_2693 = tpu.vector_load %arg11[%get3A_2691, %get3A_2692] {strides = array<i32>} : memref<64x128xf32, #tpu.memory_space<vmem>>, vector<16xf32>,
        %get3A_2694 = arith.index_cast %add3A_2635 : i32 to index
        %get3A_2695 = arith.constant 112 : index
        %get3A_2696 = tpu.vector_load %arg12[%get3A_2694, %get3A_2695] {strides = array<i32>} : memref<64x128xf32, #tpu.memory_space<vmem>>, vector<16xf32>,
        %mul3A_2697 = arith.mulf %get3A_2693, %get3A_2696 : vector<16xf32>
        %add3A_2698 = arith.addf %add3A_2690, %mul3A_2697 : vector<16xf32>
        %mul3A_2699 = arith.constant 16 : i32
        %mul3A_2700 = vector.broadcast %mul3A_2699 : i32 to vector<16xi32>
        %mul3A_2701 = arith.muli %iota3A_1536, %mul3A_2700 : vector<16xi32>
        %add3A_2702 = arith.constant 15 : i32
        %add3A_2703 = vector.broadcast %add3A_2702 : i32 to vector<16xi32>
        %add3A_2704 = arith.addi %mul3A_2701, %add3A_2703 : vector<16xi32>
        tpu.vector_store_idx %arg16[%add3A_2704], %add3A_2698 : memref<256xf32, #tpu.memory_space<vmem>>[vector<16xi32>], vector<16xf32>,
        %get3A_2705 = arith.constant 0 : index
        %get3A_2706 = tpu.vector_load %arg16[%get3A_2705] {strides = array<i32>} : memref<256xf32, #tpu.memory_space<vmem>>, vector<16xf32>,
        %get3A_2707 = arith.constant 16 : index
        %get3A_2708 = tpu.vector_load %arg16[%get3A_2707] {strides = array<i32>} : memref<256xf32, #tpu.memory_space<vmem>>, vector<16xf32>,
        %add3A_2709 = arith.addf %get3A_2706, %get3A_2708 : vector<16xf32>
        %get3A_2710 = arith.constant 32 : index
        %get3A_2711 = tpu.vector_load %arg16[%get3A_2710] {strides = array<i32>} : memref<256xf32, #tpu.memory_space<vmem>>, vector<16xf32>,
        %add3A_2712 = arith.addf %add3A_2709, %get3A_2711 : vector<16xf32>
        %get3A_2713 = arith.constant 48 : index
        %get3A_2714 = tpu.vector_load %arg16[%get3A_2713] {strides = array<i32>} : memref<256xf32, #tpu.memory_space<vmem>>, vector<16xf32>,
        %add3A_2715 = arith.addf %add3A_2712, %get3A_2714 : vector<16xf32>
        %get3A_2716 = arith.constant 64 : index
        %get3A_2717 = tpu.vector_load %arg16[%get3A_2716] {strides = array<i32>} : memref<256xf32, #tpu.memory_space<vmem>>, vector<16xf32>,
        %add3A_2718 = arith.addf %add3A_2715, %get3A_2717 : vector<16xf32>
        %get3A_2719 = arith.constant 80 : index
        %get3A_2720 = tpu.vector_load %arg16[%get3A_2719] {strides = array<i32>} : memref<256xf32, #tpu.memory_space<vmem>>, vector<16xf32>,
        %add3A_2721 = arith.addf %add3A_2718, %get3A_2720 : vector<16xf32>
        %get3A_2722 = arith.constant 96 : index
        %get3A_2723 = tpu.vector_load %arg16[%get3A_2722] {strides = array<i32>} : memref<256xf32, #tpu.memory_space<vmem>>, vector<16xf32>,
        %add3A_2724 = arith.addf %add3A_2721, %get3A_2723 : vector<16xf32>
        %get3A_2725 = arith.constant 112 : index
        %get3A_2726 = tpu.vector_load %arg16[%get3A_2725] {strides = array<i32>} : memref<256xf32, #tpu.memory_space<vmem>>, vector<16xf32>,
        %add3A_2727 = arith.addf %add3A_2724, %get3A_2726 : vector<16xf32>
        %get3A_2728 = arith.constant 128 : index
        %get3A_2729 = tpu.vector_load %arg16[%get3A_2728] {strides = array<i32>} : memref<256xf32, #tpu.memory_space<vmem>>, vector<16xf32>,
        %add3A_2730 = arith.addf %add3A_2727, %get3A_2729 : vector<16xf32>
        %get3A_2731 = arith.constant 144 : index
        %get3A_2732 = tpu.vector_load %arg16[%get3A_2731] {strides = array<i32>} : memref<256xf32, #tpu.memory_space<vmem>>, vector<16xf32>,
        %add3A_2733 = arith.addf %add3A_2730, %get3A_2732 : vector<16xf32>
        %get3A_2734 = arith.constant 160 : index
        %get3A_2735 = tpu.vector_load %arg16[%get3A_2734] {strides = array<i32>} : memref<256xf32, #tpu.memory_space<vmem>>, vector<16xf32>,
        %add3A_2736 = arith.addf %add3A_2733, %get3A_2735 : vector<16xf32>
        %get3A_2737 = arith.constant 176 : index
        %get3A_2738 = tpu.vector_load %arg16[%get3A_2737] {strides = array<i32>} : memref<256xf32, #tpu.memory_space<vmem>>, vector<16xf32>,
        %add3A_2739 = arith.addf %add3A_2736, %get3A_2738 : vector<16xf32>
        %get3A_2740 = arith.constant 192 : index
        %get3A_2741 = tpu.vector_load %arg16[%get3A_2740] {strides = array<i32>} : memref<256xf32, #tpu.memory_space<vmem>>, vector<16xf32>,
        %add3A_2742 = arith.addf %add3A_2739, %get3A_2741 : vector<16xf32>
        %get3A_2743 = arith.constant 208 : index
        %get3A_2744 = tpu.vector_load %arg16[%get3A_2743] {strides = array<i32>} : memref<256xf32, #tpu.memory_space<vmem>>, vector<16xf32>,
        %add3A_2745 = arith.addf %add3A_2742, %get3A_2744 : vector<16xf32>
        %get3A_2746 = arith.constant 224 : index
        %get3A_2747 = tpu.vector_load %arg16[%get3A_2746] {strides = array<i32>} : memref<256xf32, #tpu.memory_space<vmem>>, vector<16xf32>,
        %add3A_2748 = arith.addf %add3A_2745, %get3A_2747 : vector<16xf32>
        %get3A_2749 = arith.constant 240 : index
        %get3A_2750 = tpu.vector_load %arg16[%get3A_2749] {strides = array<i32>} : memref<256xf32, #tpu.memory_space<vmem>>, vector<16xf32>,
        %add3A_2751 = arith.addf %add3A_2748, %get3A_2750 : vector<16xf32>
        %neg3A_2752 = arith.constant 0.000000e+00 : f32
        %neg3A_2753 = vector.broadcast %neg3A_2752 : f32 to vector<16xf32>
        %neg3A_2754 = arith.subf %neg3A_2753, %add3A_2751 : vector<16xf32>
        %exp3A_2755 = math.exp %neg3A_2754 : vector<16xf32>
        %add3A_2756 = arith.constant 1.000000e+00 : f32
        %add3A_2757 = vector.broadcast %add3A_2756 : f32 to vector<16xf32>
        %add3A_2758 = arith.addf %add3A_2757, %exp3A_2755 : vector<16xf32>
        %div3A_2759 = arith.constant 1.000000e+00 : f32
        %div3A_2760 = vector.broadcast %div3A_2759 : f32 to vector<16xf32>
        %div3A_2761 = arith.divf %div3A_2760, %add3A_2758 : vector<16xf32>
        %mul3A_2762 = arith.constant 64 : i32
        %mul3A_2763 = arith.muli %mul3A_1478, %mul3A_2762 : i32
        %mul3A_2764 = arith.constant 16 : i32
        %mul3A_2765 = arith.muli %scan3A_1535, %mul3A_2764 : i32
        %add3A_2766 = arith.addi %mul3A_2763, %mul3A_2765 : i32
        %swap3A_2767 = arith.index_cast %add3A_2766 : i32 to index
        %swap3A_2768 = tpu.vector_load %arg15[%swap3A_2767] {strides = array<i32>} : memref<10000xf32, #tpu.memory_space<vmem>>, vector<16xf32>,
        tpu.vector_store %arg15[%swap3A_2767], %div3A_2761 {strides = array<i32>} : memref<10000xf32, #tpu.memory_space<vmem>>, vector<16xf32>,
      }
      %scan3A_1506 = arith.constant 4 : i32
      %add3A_1507 = arith.constant 2 : i32
      %add3A_1508 = arith.addi %mul3A_1478, %add3A_1507 : i32
      %lt3A_1509 = arith.constant 156 : i32
      %lt3A_1510 = arith.cmpi slt, %add3A_1508, %lt3A_1509 : i32
      %convert_element_type3A_1511 = arith.extui %lt3A_1510 : i1 to i32
      %cond3A_1512 = arith.constant 0 : i32
      %cond3A_1513 = arith.cmpi ne, %convert_element_type3A_1511, %cond3A_1512 : i32
      scf.if %cond3A_1513 {
        %dma_wait3A_1535 = tpu.memref_slice %arg3[%mul3A_2] : memref<320000xi32, #tpu.memory_space<hbm>> -> memref<64xi32, #tpu.memory_space<hbm>>
        %dma_wait3A_1536 = tpu.memref_slice %arg3[%mul3A_2] : memref<320000xi32, #tpu.memory_space<hbm>> -> memref<64xi32, #tpu.memory_space<hbm>>
        tpu.wait_dma2 semaphore(%arg21 : memref<!tpu.dma_semaphore, #tpu.memory_space<semaphore_mem>>) src(%dma_wait3A_1536 : memref<64xi32, #tpu.memory_space<hbm>>) dst(%arg7 : memref<64xi32, #tpu.memory_space<vmem>>)
        %dma_wait3A_1537 = tpu.memref_slice %arg4[%mul3A_2] : memref<320000xi32, #tpu.memory_space<hbm>> -> memref<64xi32, #tpu.memory_space<hbm>>
        %dma_wait3A_1538 = tpu.memref_slice %arg4[%mul3A_2] : memref<320000xi32, #tpu.memory_space<hbm>> -> memref<64xi32, #tpu.memory_space<hbm>>
        tpu.wait_dma2 semaphore(%arg22 : memref<!tpu.dma_semaphore, #tpu.memory_space<semaphore_mem>>) src(%dma_wait3A_1538 : memref<64xi32, #tpu.memory_space<hbm>>) dst(%arg8 : memref<64xi32, #tpu.memory_space<vmem>>)
        %dma_start3A_1539 = arith.constant 0 : i32
        %dma_start3A_1540 = arith.constant 0 : i32
        %dma_start3A_1541 = tpu.memref_slice %arg6[%dma_start3A_1539, %dma_start3A_1540] : memref<10000x128xf32, #tpu.memory_space<vmem_shared>> -> memref<10000x128xf32, #tpu.memory_space<vmem_shared>>
        tpu.enqueue_indirect_dma source(%dma_start3A_1541 : memref<10000x128xf32, #tpu.memory_space<vmem_shared>>) target(%arg11 : memref<64x128xf32, #tpu.memory_space<vmem>>) offsets(%arg7 : memref<64xi32, #tpu.memory_space<vmem>>) semaphore(%arg17 : memref<!tpu.dma_semaphore, #tpu.memory_space<semaphore_mem>>)
        %dma_start3A_1542 = arith.constant 0 : i32
        %dma_start3A_1543 = arith.constant 0 : i32
        %dma_start3A_1544 = tpu.memref_slice %arg6[%dma_start3A_1542, %dma_start3A_1543] : memref<10000x128xf32, #tpu.memory_space<vmem_shared>> -> memref<10000x128xf32, #tpu.memory_space<vmem_shared>>
        tpu.enqueue_indirect_dma source(%dma_start3A_1544 : memref<10000x128xf32, #tpu.memory_space<vmem_shared>>) target(%arg12 : memref<64x128xf32, #tpu.memory_space<vmem>>) offsets(%arg8 : memref<64xi32, #tpu.memory_space<vmem>>) semaphore(%arg18 : memref<!tpu.dma_semaphore, #tpu.memory_space<semaphore_mem>>)
      } else {
      }
      %dma_wait3A_1514 = arith.constant 0 : i32
      %dma_wait3A_1515 = arith.constant 0 : i32
      %dma_wait3A_1516 = tpu.memref_slice %arg6[%dma_wait3A_1514, %dma_wait3A_1515] : memref<10000x128xf32, #tpu.memory_space<vmem_shared>> -> memref<10000x128xf32, #tpu.memory_space<vmem_shared>>
      tpu.wait_indirect_dma semaphore(%arg19 : memref<!tpu.dma_semaphore, #tpu.memory_space<semaphore_mem>>) src(%dma_wait3A_1516 : memref<10000x128xf32, #tpu.memory_space<vmem_shared>>) dst(%arg13 : memref<64x128xf32, #tpu.memory_space<vmem>>)
      %dma_wait3A_1517 = arith.constant 0 : i32
      %dma_wait3A_1518 = arith.constant 0 : i32
      %dma_wait3A_1519 = tpu.memref_slice %arg6[%dma_wait3A_1517, %dma_wait3A_1518] : memref<10000x128xf32, #tpu.memory_space<vmem_shared>> -> memref<10000x128xf32, #tpu.memory_space<vmem_shared>>
      tpu.wait_indirect_dma semaphore(%arg20 : memref<!tpu.dma_semaphore, #tpu.memory_space<semaphore_mem>>) src(%dma_wait3A_1519 : memref<10000x128xf32, #tpu.memory_space<vmem_shared>>) dst(%arg14 : memref<64x128xf32, #tpu.memory_space<vmem>>)
      %add3A_1520 = arith.constant 3 : i32
      %add3A_1521 = arith.addi %mul3A_1478, %add3A_1520 : i32
      %lt3A_1522 = arith.constant 156 : i32
      %lt3A_1523 = arith.cmpi slt, %add3A_1521, %lt3A_1522 : i32
      %convert_element_type3A_1524 = arith.extui %lt3A_1523 : i1 to i32
      %cond3A_1525 = arith.constant 0 : i32
      %cond3A_1526 = arith.cmpi ne, %convert_element_type3A_1524, %cond3A_1525 : i32
      scf.if %cond3A_1526 {
        %add3A_1535 = arith.constant 3 : i32
        %add3A_1536 = arith.addi %mul3A_1478, %add3A_1535 : i32
        %mul3A_1537 = arith.constant 64 : i32
        %mul3A_1538 = arith.muli %add3A_1536, %mul3A_1537 : i32
        %add3A_1539 = arith.addi %mul3A_2, %mul3A_1538 : i32
        %dma_start3A_1540 = tpu.memref_slice %arg3[%add3A_1539] : memref<320000xi32, #tpu.memory_space<hbm>> -> memref<64xi32, #tpu.memory_space<hbm>>
        %dma_start3A_1541 = tpu.memref_slice %arg3[%add3A_1539] : memref<320000xi32, #tpu.memory_space<hbm>> -> memref<64xi32, #tpu.memory_space<hbm>>
        tpu.enqueue_dma source(%dma_start3A_1541 : memref<64xi32, #tpu.memory_space<hbm>>) target(%arg9 : memref<64xi32, #tpu.memory_space<vmem>>) target_semaphore(%arg23 : memref<!tpu.dma_semaphore, #tpu.memory_space<semaphore_mem>>)
        %mul3A_1542 = arith.constant 64 : i32
        %mul3A_1543 = arith.muli %add3A_1536, %mul3A_1542 : i32
        %add3A_1544 = arith.addi %mul3A_2, %mul3A_1543 : i32
        %dma_start3A_1545 = tpu.memref_slice %arg4[%add3A_1544] : memref<320000xi32, #tpu.memory_space<hbm>> -> memref<64xi32, #tpu.memory_space<hbm>>
        %dma_start3A_1546 = tpu.memref_slice %arg4[%add3A_1544] : memref<320000xi32, #tpu.memory_space<hbm>> -> memref<64xi32, #tpu.memory_space<hbm>>
        tpu.enqueue_dma source(%dma_start3A_1546 : memref<64xi32, #tpu.memory_space<hbm>>) target(%arg10 : memref<64xi32, #tpu.memory_space<vmem>>) target_semaphore(%arg24 : memref<!tpu.dma_semaphore, #tpu.memory_space<semaphore_mem>>)
      } else {
      }
      %add3A_1527 = arith.constant 1 : i32
      %add3A_1528 = arith.addi %mul3A_1478, %add3A_1527 : i32
      %scan3A_1529 = arith.constant 0 : i32
      %scan3A_1530 = arith.constant 0 : i32
      %scan3A_1531 = arith.constant 4 : i32
      %scan3A_1532 = arith.addi %scan3A_1530, %scan3A_1531 : i32
      %scan3A_1533 = arith.constant 1 : i32
      scf.for %scan3A_1535 = %scan3A_1530 to %scan3A_1532 step %scan3A_1533  : i32 {
        %iota3A_1536 = tpu.iota {dimensions = array<i32: 0>} : vector<16xi32>
        %mul3A_1537 = arith.constant 16 : i32
        %mul3A_1538 = arith.muli %scan3A_1535, %mul3A_1537 : i32
        %add3A_1539 = arith.constant 0 : i32
        %add3A_1540 = arith.addi %mul3A_1538, %add3A_1539 : i32
        %get3A_1541 = arith.index_cast %add3A_1540 : i32 to index
        %get3A_1542 = arith.constant 0 : index
        %get3A_1543 = tpu.vector_load %arg13[%get3A_1541, %get3A_1542] {strides = array<i32>} : memref<64x128xf32, #tpu.memory_space<vmem>>, vector<16xf32>,
        %get3A_1544 = arith.index_cast %add3A_1540 : i32 to index
        %get3A_1545 = arith.constant 0 : index
        %get3A_1546 = tpu.vector_load %arg14[%get3A_1544, %get3A_1545] {strides = array<i32>} : memref<64x128xf32, #tpu.memory_space<vmem>>, vector<16xf32>,
        %mul3A_1547 = arith.mulf %get3A_1543, %get3A_1546 : vector<16xf32>
        %get3A_1548 = arith.index_cast %add3A_1540 : i32 to index
        %get3A_1549 = arith.constant 16 : index
        %get3A_1550 = tpu.vector_load %arg13[%get3A_1548, %get3A_1549] {strides = array<i32>} : memref<64x128xf32, #tpu.memory_space<vmem>>, vector<16xf32>,
        %get3A_1551 = arith.index_cast %add3A_1540 : i32 to index
        %get3A_1552 = arith.constant 16 : index
        %get3A_1553 = tpu.vector_load %arg14[%get3A_1551, %get3A_1552] {strides = array<i32>} : memref<64x128xf32, #tpu.memory_space<vmem>>, vector<16xf32>,
        %mul3A_1554 = arith.mulf %get3A_1550, %get3A_1553 : vector<16xf32>
        %add3A_1555 = arith.addf %mul3A_1547, %mul3A_1554 : vector<16xf32>
        %get3A_1556 = arith.index_cast %add3A_1540 : i32 to index
        %get3A_1557 = arith.constant 32 : index
        %get3A_1558 = tpu.vector_load %arg13[%get3A_1556, %get3A_1557] {strides = array<i32>} : memref<64x128xf32, #tpu.memory_space<vmem>>, vector<16xf32>,
        %get3A_1559 = arith.index_cast %add3A_1540 : i32 to index
        %get3A_1560 = arith.constant 32 : index
        %get3A_1561 = tpu.vector_load %arg14[%get3A_1559, %get3A_1560] {strides = array<i32>} : memref<64x128xf32, #tpu.memory_space<vmem>>, vector<16xf32>,
        %mul3A_1562 = arith.mulf %get3A_1558, %get3A_1561 : vector<16xf32>
        %add3A_1563 = arith.addf %add3A_1555, %mul3A_1562 : vector<16xf32>
        %get3A_1564 = arith.index_cast %add3A_1540 : i32 to index
        %get3A_1565 = arith.constant 48 : index
        %get3A_1566 = tpu.vector_load %arg13[%get3A_1564, %get3A_1565] {strides = array<i32>} : memref<64x128xf32, #tpu.memory_space<vmem>>, vector<16xf32>,
        %get3A_1567 = arith.index_cast %add3A_1540 : i32 to index
        %get3A_1568 = arith.constant 48 : index
        %get3A_1569 = tpu.vector_load %arg14[%get3A_1567, %get3A_1568] {strides = array<i32>} : memref<64x128xf32, #tpu.memory_space<vmem>>, vector<16xf32>,
        %mul3A_1570 = arith.mulf %get3A_1566, %get3A_1569 : vector<16xf32>
        %add3A_1571 = arith.addf %add3A_1563, %mul3A_1570 : vector<16xf32>
        %get3A_1572 = arith.index_cast %add3A_1540 : i32 to index
        %get3A_1573 = arith.constant 64 : index
        %get3A_1574 = tpu.vector_load %arg13[%get3A_1572, %get3A_1573] {strides = array<i32>} : memref<64x128xf32, #tpu.memory_space<vmem>>, vector<16xf32>,
        %get3A_1575 = arith.index_cast %add3A_1540 : i32 to index
        %get3A_1576 = arith.constant 64 : index
        %get3A_1577 = tpu.vector_load %arg14[%get3A_1575, %get3A_1576] {strides = array<i32>} : memref<64x128xf32, #tpu.memory_space<vmem>>, vector<16xf32>,
        %mul3A_1578 = arith.mulf %get3A_1574, %get3A_1577 : vector<16xf32>
        %add3A_1579 = arith.addf %add3A_1571, %mul3A_1578 : vector<16xf32>
        %get3A_1580 = arith.index_cast %add3A_1540 : i32 to index
        %get3A_1581 = arith.constant 80 : index
        %get3A_1582 = tpu.vector_load %arg13[%get3A_1580, %get3A_1581] {strides = array<i32>} : memref<64x128xf32, #tpu.memory_space<vmem>>, vector<16xf32>,
        %get3A_1583 = arith.index_cast %add3A_1540 : i32 to index
        %get3A_1584 = arith.constant 80 : index
        %get3A_1585 = tpu.vector_load %arg14[%get3A_1583, %get3A_1584] {strides = array<i32>} : memref<64x128xf32, #tpu.memory_space<vmem>>, vector<16xf32>,
        %mul3A_1586 = arith.mulf %get3A_1582, %get3A_1585 : vector<16xf32>
        %add3A_1587 = arith.addf %add3A_1579, %mul3A_1586 : vector<16xf32>
        %get3A_1588 = arith.index_cast %add3A_1540 : i32 to index
        %get3A_1589 = arith.constant 96 : index
        %get3A_1590 = tpu.vector_load %arg13[%get3A_1588, %get3A_1589] {strides = array<i32>} : memref<64x128xf32, #tpu.memory_space<vmem>>, vector<16xf32>,
        %get3A_1591 = arith.index_cast %add3A_1540 : i32 to index
        %get3A_1592 = arith.constant 96 : index
        %get3A_1593 = tpu.vector_load %arg14[%get3A_1591, %get3A_1592] {strides = array<i32>} : memref<64x128xf32, #tpu.memory_space<vmem>>, vector<16xf32>,
        %mul3A_1594 = arith.mulf %get3A_1590, %get3A_1593 : vector<16xf32>
        %add3A_1595 = arith.addf %add3A_1587, %mul3A_1594 : vector<16xf32>
        %get3A_1596 = arith.index_cast %add3A_1540 : i32 to index
        %get3A_1597 = arith.constant 112 : index
        %get3A_1598 = tpu.vector_load %arg13[%get3A_1596, %get3A_1597] {strides = array<i32>} : memref<64x128xf32, #tpu.memory_space<vmem>>, vector<16xf32>,
        %get3A_1599 = arith.index_cast %add3A_1540 : i32 to index
        %get3A_1600 = arith.constant 112 : index
        %get3A_1601 = tpu.vector_load %arg14[%get3A_1599, %get3A_1600] {strides = array<i32>} : memref<64x128xf32, #tpu.memory_space<vmem>>, vector<16xf32>,
        %mul3A_1602 = arith.mulf %get3A_1598, %get3A_1601 : vector<16xf32>
        %add3A_1603 = arith.addf %add3A_1595, %mul3A_1602 : vector<16xf32>
        %mul3A_1604 = arith.constant 16 : i32
        %mul3A_1605 = vector.broadcast %mul3A_1604 : i32 to vector<16xi32>
        %mul3A_1606 = arith.muli %iota3A_1536, %mul3A_1605 : vector<16xi32>
        %add3A_1607 = arith.constant 0 : i32
        %add3A_1608 = vector.broadcast %add3A_1607 : i32 to vector<16xi32>
        %add3A_1609 = arith.addi %mul3A_1606, %add3A_1608 : vector<16xi32>
        tpu.vector_store_idx %arg16[%add3A_1609], %add3A_1603 : memref<256xf32, #tpu.memory_space<vmem>>[vector<16xi32>], vector<16xf32>,
        %mul3A_1610 = arith.constant 16 : i32
        %mul3A_1611 = arith.muli %scan3A_1535, %mul3A_1610 : i32
        %add3A_1612 = arith.constant 1 : i32
        %add3A_1613 = arith.addi %mul3A_1611, %add3A_1612 : i32
        %get3A_1614 = arith.index_cast %add3A_1613 : i32 to index
        %get3A_1615 = arith.constant 0 : index
        %get3A_1616 = tpu.vector_load %arg13[%get3A_1614, %get3A_1615] {strides = array<i32>} : memref<64x128xf32, #tpu.memory_space<vmem>>, vector<16xf32>,
        %get3A_1617 = arith.index_cast %add3A_1613 : i32 to index
        %get3A_1618 = arith.constant 0 : index
        %get3A_1619 = tpu.vector_load %arg14[%get3A_1617, %get3A_1618] {strides = array<i32>} : memref<64x128xf32, #tpu.memory_space<vmem>>, vector<16xf32>,
        %mul3A_1620 = arith.mulf %get3A_1616, %get3A_1619 : vector<16xf32>
        %get3A_1621 = arith.index_cast %add3A_1613 : i32 to index
        %get3A_1622 = arith.constant 16 : index
        %get3A_1623 = tpu.vector_load %arg13[%get3A_1621, %get3A_1622] {strides = array<i32>} : memref<64x128xf32, #tpu.memory_space<vmem>>, vector<16xf32>,
        %get3A_1624 = arith.index_cast %add3A_1613 : i32 to index
        %get3A_1625 = arith.constant 16 : index
        %get3A_1626 = tpu.vector_load %arg14[%get3A_1624, %get3A_1625] {strides = array<i32>} : memref<64x128xf32, #tpu.memory_space<vmem>>, vector<16xf32>,
        %mul3A_1627 = arith.mulf %get3A_1623, %get3A_1626 : vector<16xf32>
        %add3A_1628 = arith.addf %mul3A_1620, %mul3A_1627 : vector<16xf32>
        %get3A_1629 = arith.index_cast %add3A_1613 : i32 to index
        %get3A_1630 = arith.constant 32 : index
        %get3A_1631 = tpu.vector_load %arg13[%get3A_1629, %get3A_1630] {strides = array<i32>} : memref<64x128xf32, #tpu.memory_space<vmem>>, vector<16xf32>,
        %get3A_1632 = arith.index_cast %add3A_1613 : i32 to index
        %get3A_1633 = arith.constant 32 : index
        %get3A_1634 = tpu.vector_load %arg14[%get3A_1632, %get3A_1633] {strides = array<i32>} : memref<64x128xf32, #tpu.memory_space<vmem>>, vector<16xf32>,
        %mul3A_1635 = arith.mulf %get3A_1631, %get3A_1634 : vector<16xf32>
        %add3A_1636 = arith.addf %add3A_1628, %mul3A_1635 : vector<16xf32>
        %get3A_1637 = arith.index_cast %add3A_1613 : i32 to index
        %get3A_1638 = arith.constant 48 : index
        %get3A_1639 = tpu.vector_load %arg13[%get3A_1637, %get3A_1638] {strides = array<i32>} : memref<64x128xf32, #tpu.memory_space<vmem>>, vector<16xf32>,
        %get3A_1640 = arith.index_cast %add3A_1613 : i32 to index
        %get3A_1641 = arith.constant 48 : index
        %get3A_1642 = tpu.vector_load %arg14[%get3A_1640, %get3A_1641] {strides = array<i32>} : memref<64x128xf32, #tpu.memory_space<vmem>>, vector<16xf32>,
        %mul3A_1643 = arith.mulf %get3A_1639, %get3A_1642 : vector<16xf32>
        %add3A_1644 = arith.addf %add3A_1636, %mul3A_1643 : vector<16xf32>
        %get3A_1645 = arith.index_cast %add3A_1613 : i32 to index
        %get3A_1646 = arith.constant 64 : index
        %get3A_1647 = tpu.vector_load %arg13[%get3A_1645, %get3A_1646] {strides = array<i32>} : memref<64x128xf32, #tpu.memory_space<vmem>>, vector<16xf32>,
        %get3A_1648 = arith.index_cast %add3A_1613 : i32 to index
        %get3A_1649 = arith.constant 64 : index
        %get3A_1650 = tpu.vector_load %arg14[%get3A_1648, %get3A_1649] {strides = array<i32>} : memref<64x128xf32, #tpu.memory_space<vmem>>, vector<16xf32>,
        %mul3A_1651 = arith.mulf %get3A_1647, %get3A_1650 : vector<16xf32>
        %add3A_1652 = arith.addf %add3A_1644, %mul3A_1651 : vector<16xf32>
        %get3A_1653 = arith.index_cast %add3A_1613 : i32 to index
        %get3A_1654 = arith.constant 80 : index
        %get3A_1655 = tpu.vector_load %arg13[%get3A_1653, %get3A_1654] {strides = array<i32>} : memref<64x128xf32, #tpu.memory_space<vmem>>, vector<16xf32>,
        %get3A_1656 = arith.index_cast %add3A_1613 : i32 to index
        %get3A_1657 = arith.constant 80 : index
        %get3A_1658 = tpu.vector_load %arg14[%get3A_1656, %get3A_1657] {strides = array<i32>} : memref<64x128xf32, #tpu.memory_space<vmem>>, vector<16xf32>,
        %mul3A_1659 = arith.mulf %get3A_1655, %get3A_1658 : vector<16xf32>
        %add3A_1660 = arith.addf %add3A_1652, %mul3A_1659 : vector<16xf32>
        %get3A_1661 = arith.index_cast %add3A_1613 : i32 to index
        %get3A_1662 = arith.constant 96 : index
        %get3A_1663 = tpu.vector_load %arg13[%get3A_1661, %get3A_1662] {strides = array<i32>} : memref<64x128xf32, #tpu.memory_space<vmem>>, vector<16xf32>,
        %get3A_1664 = arith.index_cast %add3A_1613 : i32 to index
        %get3A_1665 = arith.constant 96 : index
        %get3A_1666 = tpu.vector_load %arg14[%get3A_1664, %get3A_1665] {strides = array<i32>} : memref<64x128xf32, #tpu.memory_space<vmem>>, vector<16xf32>,
        %mul3A_1667 = arith.mulf %get3A_1663, %get3A_1666 : vector<16xf32>
        %add3A_1668 = arith.addf %add3A_1660, %mul3A_1667 : vector<16xf32>
        %get3A_1669 = arith.index_cast %add3A_1613 : i32 to index
        %get3A_1670 = arith.constant 112 : index
        %get3A_1671 = tpu.vector_load %arg13[%get3A_1669, %get3A_1670] {strides = array<i32>} : memref<64x128xf32, #tpu.memory_space<vmem>>, vector<16xf32>,
        %get3A_1672 = arith.index_cast %add3A_1613 : i32 to index
        %get3A_1673 = arith.constant 112 : index
        %get3A_1674 = tpu.vector_load %arg14[%get3A_1672, %get3A_1673] {strides = array<i32>} : memref<64x128xf32, #tpu.memory_space<vmem>>, vector<16xf32>,
        %mul3A_1675 = arith.mulf %get3A_1671, %get3A_1674 : vector<16xf32>
        %add3A_1676 = arith.addf %add3A_1668, %mul3A_1675 : vector<16xf32>
        %mul3A_1677 = arith.constant 16 : i32
        %mul3A_1678 = vector.broadcast %mul3A_1677 : i32 to vector<16xi32>
        %mul3A_1679 = arith.muli %iota3A_1536, %mul3A_1678 : vector<16xi32>
        %add3A_1680 = arith.constant 1 : i32
        %add3A_1681 = vector.broadcast %add3A_1680 : i32 to vector<16xi32>
        %add3A_1682 = arith.addi %mul3A_1679, %add3A_1681 : vector<16xi32>
        tpu.vector_store_idx %arg16[%add3A_1682], %add3A_1676 : memref<256xf32, #tpu.memory_space<vmem>>[vector<16xi32>], vector<16xf32>,
        %mul3A_1683 = arith.constant 16 : i32
        %mul3A_1684 = arith.muli %scan3A_1535, %mul3A_1683 : i32
        %add3A_1685 = arith.constant 2 : i32
        %add3A_1686 = arith.addi %mul3A_1684, %add3A_1685 : i32
        %get3A_1687 = arith.index_cast %add3A_1686 : i32 to index
        %get3A_1688 = arith.constant 0 : index
        %get3A_1689 = tpu.vector_load %arg13[%get3A_1687, %get3A_1688] {strides = array<i32>} : memref<64x128xf32, #tpu.memory_space<vmem>>, vector<16xf32>,
        %get3A_1690 = arith.index_cast %add3A_1686 : i32 to index
        %get3A_1691 = arith.constant 0 : index
        %get3A_1692 = tpu.vector_load %arg14[%get3A_1690, %get3A_1691] {strides = array<i32>} : memref<64x128xf32, #tpu.memory_space<vmem>>, vector<16xf32>,
        %mul3A_1693 = arith.mulf %get3A_1689, %get3A_1692 : vector<16xf32>
        %get3A_1694 = arith.index_cast %add3A_1686 : i32 to index
        %get3A_1695 = arith.constant 16 : index
        %get3A_1696 = tpu.vector_load %arg13[%get3A_1694, %get3A_1695] {strides = array<i32>} : memref<64x128xf32, #tpu.memory_space<vmem>>, vector<16xf32>,
        %get3A_1697 = arith.index_cast %add3A_1686 : i32 to index
        %get3A_1698 = arith.constant 16 : index
        %get3A_1699 = tpu.vector_load %arg14[%get3A_1697, %get3A_1698] {strides = array<i32>} : memref<64x128xf32, #tpu.memory_space<vmem>>, vector<16xf32>,
        %mul3A_1700 = arith.mulf %get3A_1696, %get3A_1699 : vector<16xf32>
        %add3A_1701 = arith.addf %mul3A_1693, %mul3A_1700 : vector<16xf32>
        %get3A_1702 = arith.index_cast %add3A_1686 : i32 to index
        %get3A_1703 = arith.constant 32 : index
        %get3A_1704 = tpu.vector_load %arg13[%get3A_1702, %get3A_1703] {strides = array<i32>} : memref<64x128xf32, #tpu.memory_space<vmem>>, vector<16xf32>,
        %get3A_1705 = arith.index_cast %add3A_1686 : i32 to index
        %get3A_1706 = arith.constant 32 : index
        %get3A_1707 = tpu.vector_load %arg14[%get3A_1705, %get3A_1706] {strides = array<i32>} : memref<64x128xf32, #tpu.memory_space<vmem>>, vector<16xf32>,
        %mul3A_1708 = arith.mulf %get3A_1704, %get3A_1707 : vector<16xf32>
        %add3A_1709 = arith.addf %add3A_1701, %mul3A_1708 : vector<16xf32>
        %get3A_1710 = arith.index_cast %add3A_1686 : i32 to index
        %get3A_1711 = arith.constant 48 : index
        %get3A_1712 = tpu.vector_load %arg13[%get3A_1710, %get3A_1711] {strides = array<i32>} : memref<64x128xf32, #tpu.memory_space<vmem>>, vector<16xf32>,
        %get3A_1713 = arith.index_cast %add3A_1686 : i32 to index
        %get3A_1714 = arith.constant 48 : index
        %get3A_1715 = tpu.vector_load %arg14[%get3A_1713, %get3A_1714] {strides = array<i32>} : memref<64x128xf32, #tpu.memory_space<vmem>>, vector<16xf32>,
        %mul3A_1716 = arith.mulf %get3A_1712, %get3A_1715 : vector<16xf32>
        %add3A_1717 = arith.addf %add3A_1709, %mul3A_1716 : vector<16xf32>
        %get3A_1718 = arith.index_cast %add3A_1686 : i32 to index
        %get3A_1719 = arith.constant 64 : index
        %get3A_1720 = tpu.vector_load %arg13[%get3A_1718, %get3A_1719] {strides = array<i32>} : memref<64x128xf32, #tpu.memory_space<vmem>>, vector<16xf32>,
        %get3A_1721 = arith.index_cast %add3A_1686 : i32 to index
        %get3A_1722 = arith.constant 64 : index
        %get3A_1723 = tpu.vector_load %arg14[%get3A_1721, %get3A_1722] {strides = array<i32>} : memref<64x128xf32, #tpu.memory_space<vmem>>, vector<16xf32>,
        %mul3A_1724 = arith.mulf %get3A_1720, %get3A_1723 : vector<16xf32>
        %add3A_1725 = arith.addf %add3A_1717, %mul3A_1724 : vector<16xf32>
        %get3A_1726 = arith.index_cast %add3A_1686 : i32 to index
        %get3A_1727 = arith.constant 80 : index
        %get3A_1728 = tpu.vector_load %arg13[%get3A_1726, %get3A_1727] {strides = array<i32>} : memref<64x128xf32, #tpu.memory_space<vmem>>, vector<16xf32>,
        %get3A_1729 = arith.index_cast %add3A_1686 : i32 to index
        %get3A_1730 = arith.constant 80 : index
        %get3A_1731 = tpu.vector_load %arg14[%get3A_1729, %get3A_1730] {strides = array<i32>} : memref<64x128xf32, #tpu.memory_space<vmem>>, vector<16xf32>,
        %mul3A_1732 = arith.mulf %get3A_1728, %get3A_1731 : vector<16xf32>
        %add3A_1733 = arith.addf %add3A_1725, %mul3A_1732 : vector<16xf32>
        %get3A_1734 = arith.index_cast %add3A_1686 : i32 to index
        %get3A_1735 = arith.constant 96 : index
        %get3A_1736 = tpu.vector_load %arg13[%get3A_1734, %get3A_1735] {strides = array<i32>} : memref<64x128xf32, #tpu.memory_space<vmem>>, vector<16xf32>,
        %get3A_1737 = arith.index_cast %add3A_1686 : i32 to index
        %get3A_1738 = arith.constant 96 : index
        %get3A_1739 = tpu.vector_load %arg14[%get3A_1737, %get3A_1738] {strides = array<i32>} : memref<64x128xf32, #tpu.memory_space<vmem>>, vector<16xf32>,
        %mul3A_1740 = arith.mulf %get3A_1736, %get3A_1739 : vector<16xf32>
        %add3A_1741 = arith.addf %add3A_1733, %mul3A_1740 : vector<16xf32>
        %get3A_1742 = arith.index_cast %add3A_1686 : i32 to index
        %get3A_1743 = arith.constant 112 : index
        %get3A_1744 = tpu.vector_load %arg13[%get3A_1742, %get3A_1743] {strides = array<i32>} : memref<64x128xf32, #tpu.memory_space<vmem>>, vector<16xf32>,
        %get3A_1745 = arith.index_cast %add3A_1686 : i32 to index
        %get3A_1746 = arith.constant 112 : index
        %get3A_1747 = tpu.vector_load %arg14[%get3A_1745, %get3A_1746] {strides = array<i32>} : memref<64x128xf32, #tpu.memory_space<vmem>>, vector<16xf32>,
        %mul3A_1748 = arith.mulf %get3A_1744, %get3A_1747 : vector<16xf32>
        %add3A_1749 = arith.addf %add3A_1741, %mul3A_1748 : vector<16xf32>
        %mul3A_1750 = arith.constant 16 : i32
        %mul3A_1751 = vector.broadcast %mul3A_1750 : i32 to vector<16xi32>
        %mul3A_1752 = arith.muli %iota3A_1536, %mul3A_1751 : vector<16xi32>
        %add3A_1753 = arith.constant 2 : i32
        %add3A_1754 = vector.broadcast %add3A_1753 : i32 to vector<16xi32>
        %add3A_1755 = arith.addi %mul3A_1752, %add3A_1754 : vector<16xi32>
        tpu.vector_store_idx %arg16[%add3A_1755], %add3A_1749 : memref<256xf32, #tpu.memory_space<vmem>>[vector<16xi32>], vector<16xf32>,
        %mul3A_1756 = arith.constant 16 : i32
        %mul3A_1757 = arith.muli %scan3A_1535, %mul3A_1756 : i32
        %add3A_1758 = arith.constant 3 : i32
        %add3A_1759 = arith.addi %mul3A_1757, %add3A_1758 : i32
        %get3A_1760 = arith.index_cast %add3A_1759 : i32 to index
        %get3A_1761 = arith.constant 0 : index
        %get3A_1762 = tpu.vector_load %arg13[%get3A_1760, %get3A_1761] {strides = array<i32>} : memref<64x128xf32, #tpu.memory_space<vmem>>, vector<16xf32>,
        %get3A_1763 = arith.index_cast %add3A_1759 : i32 to index
        %get3A_1764 = arith.constant 0 : index
        %get3A_1765 = tpu.vector_load %arg14[%get3A_1763, %get3A_1764] {strides = array<i32>} : memref<64x128xf32, #tpu.memory_space<vmem>>, vector<16xf32>,
        %mul3A_1766 = arith.mulf %get3A_1762, %get3A_1765 : vector<16xf32>
        %get3A_1767 = arith.index_cast %add3A_1759 : i32 to index
        %get3A_1768 = arith.constant 16 : index
        %get3A_1769 = tpu.vector_load %arg13[%get3A_1767, %get3A_1768] {strides = array<i32>} : memref<64x128xf32, #tpu.memory_space<vmem>>, vector<16xf32>,
        %get3A_1770 = arith.index_cast %add3A_1759 : i32 to index
        %get3A_1771 = arith.constant 16 : index
        %get3A_1772 = tpu.vector_load %arg14[%get3A_1770, %get3A_1771] {strides = array<i32>} : memref<64x128xf32, #tpu.memory_space<vmem>>, vector<16xf32>,
        %mul3A_1773 = arith.mulf %get3A_1769, %get3A_1772 : vector<16xf32>
        %add3A_1774 = arith.addf %mul3A_1766, %mul3A_1773 : vector<16xf32>
        %get3A_1775 = arith.index_cast %add3A_1759 : i32 to index
        %get3A_1776 = arith.constant 32 : index
        %get3A_1777 = tpu.vector_load %arg13[%get3A_1775, %get3A_1776] {strides = array<i32>} : memref<64x128xf32, #tpu.memory_space<vmem>>, vector<16xf32>,
        %get3A_1778 = arith.index_cast %add3A_1759 : i32 to index
        %get3A_1779 = arith.constant 32 : index
        %get3A_1780 = tpu.vector_load %arg14[%get3A_1778, %get3A_1779] {strides = array<i32>} : memref<64x128xf32, #tpu.memory_space<vmem>>, vector<16xf32>,
        %mul3A_1781 = arith.mulf %get3A_1777, %get3A_1780 : vector<16xf32>
        %add3A_1782 = arith.addf %add3A_1774, %mul3A_1781 : vector<16xf32>
        %get3A_1783 = arith.index_cast %add3A_1759 : i32 to index
        %get3A_1784 = arith.constant 48 : index
        %get3A_1785 = tpu.vector_load %arg13[%get3A_1783, %get3A_1784] {strides = array<i32>} : memref<64x128xf32, #tpu.memory_space<vmem>>, vector<16xf32>,
        %get3A_1786 = arith.index_cast %add3A_1759 : i32 to index
        %get3A_1787 = arith.constant 48 : index
        %get3A_1788 = tpu.vector_load %arg14[%get3A_1786, %get3A_1787] {strides = array<i32>} : memref<64x128xf32, #tpu.memory_space<vmem>>, vector<16xf32>,
        %mul3A_1789 = arith.mulf %get3A_1785, %get3A_1788 : vector<16xf32>
        %add3A_1790 = arith.addf %add3A_1782, %mul3A_1789 : vector<16xf32>
        %get3A_1791 = arith.index_cast %add3A_1759 : i32 to index
        %get3A_1792 = arith.constant 64 : index
        %get3A_1793 = tpu.vector_load %arg13[%get3A_1791, %get3A_1792] {strides = array<i32>} : memref<64x128xf32, #tpu.memory_space<vmem>>, vector<16xf32>,
        %get3A_1794 = arith.index_cast %add3A_1759 : i32 to index
        %get3A_1795 = arith.constant 64 : index
        %get3A_1796 = tpu.vector_load %arg14[%get3A_1794, %get3A_1795] {strides = array<i32>} : memref<64x128xf32, #tpu.memory_space<vmem>>, vector<16xf32>,
        %mul3A_1797 = arith.mulf %get3A_1793, %get3A_1796 : vector<16xf32>
        %add3A_1798 = arith.addf %add3A_1790, %mul3A_1797 : vector<16xf32>
        %get3A_1799 = arith.index_cast %add3A_1759 : i32 to index
        %get3A_1800 = arith.constant 80 : index
        %get3A_1801 = tpu.vector_load %arg13[%get3A_1799, %get3A_1800] {strides = array<i32>} : memref<64x128xf32, #tpu.memory_space<vmem>>, vector<16xf32>,
        %get3A_1802 = arith.index_cast %add3A_1759 : i32 to index
        %get3A_1803 = arith.constant 80 : index
        %get3A_1804 = tpu.vector_load %arg14[%get3A_1802, %get3A_1803] {strides = array<i32>} : memref<64x128xf32, #tpu.memory_space<vmem>>, vector<16xf32>,
        %mul3A_1805 = arith.mulf %get3A_1801, %get3A_1804 : vector<16xf32>
        %add3A_1806 = arith.addf %add3A_1798, %mul3A_1805 : vector<16xf32>
        %get3A_1807 = arith.index_cast %add3A_1759 : i32 to index
        %get3A_1808 = arith.constant 96 : index
        %get3A_1809 = tpu.vector_load %arg13[%get3A_1807, %get3A_1808] {strides = array<i32>} : memref<64x128xf32, #tpu.memory_space<vmem>>, vector<16xf32>,
        %get3A_1810 = arith.index_cast %add3A_1759 : i32 to index
        %get3A_1811 = arith.constant 96 : index
        %get3A_1812 = tpu.vector_load %arg14[%get3A_1810, %get3A_1811] {strides = array<i32>} : memref<64x128xf32, #tpu.memory_space<vmem>>, vector<16xf32>,
        %mul3A_1813 = arith.mulf %get3A_1809, %get3A_1812 : vector<16xf32>
        %add3A_1814 = arith.addf %add3A_1806, %mul3A_1813 : vector<16xf32>
        %get3A_1815 = arith.index_cast %add3A_1759 : i32 to index
        %get3A_1816 = arith.constant 112 : index
        %get3A_1817 = tpu.vector_load %arg13[%get3A_1815, %get3A_1816] {strides = array<i32>} : memref<64x128xf32, #tpu.memory_space<vmem>>, vector<16xf32>,
        %get3A_1818 = arith.index_cast %add3A_1759 : i32 to index
        %get3A_1819 = arith.constant 112 : index
        %get3A_1820 = tpu.vector_load %arg14[%get3A_1818, %get3A_1819] {strides = array<i32>} : memref<64x128xf32, #tpu.memory_space<vmem>>, vector<16xf32>,
        %mul3A_1821 = arith.mulf %get3A_1817, %get3A_1820 : vector<16xf32>
        %add3A_1822 = arith.addf %add3A_1814, %mul3A_1821 : vector<16xf32>
        %mul3A_1823 = arith.constant 16 : i32
        %mul3A_1824 = vector.broadcast %mul3A_1823 : i32 to vector<16xi32>
        %mul3A_1825 = arith.muli %iota3A_1536, %mul3A_1824 : vector<16xi32>
        %add3A_1826 = arith.constant 3 : i32
        %add3A_1827 = vector.broadcast %add3A_1826 : i32 to vector<16xi32>
        %add3A_1828 = arith.addi %mul3A_1825, %add3A_1827 : vector<16xi32>
        tpu.vector_store_idx %arg16[%add3A_1828], %add3A_1822 : memref<256xf32, #tpu.memory_space<vmem>>[vector<16xi32>], vector<16xf32>,
        %mul3A_1829 = arith.constant 16 : i32
        %mul3A_1830 = arith.muli %scan3A_1535, %mul3A_1829 : i32
        %add3A_1831 = arith.constant 4 : i32
        %add3A_1832 = arith.addi %mul3A_1830, %add3A_1831 : i32
        %get3A_1833 = arith.index_cast %add3A_1832 : i32 to index
        %get3A_1834 = arith.constant 0 : index
        %get3A_1835 = tpu.vector_load %arg13[%get3A_1833, %get3A_1834] {strides = array<i32>} : memref<64x128xf32, #tpu.memory_space<vmem>>, vector<16xf32>,
        %get3A_1836 = arith.index_cast %add3A_1832 : i32 to index
        %get3A_1837 = arith.constant 0 : index
        %get3A_1838 = tpu.vector_load %arg14[%get3A_1836, %get3A_1837] {strides = array<i32>} : memref<64x128xf32, #tpu.memory_space<vmem>>, vector<16xf32>,
        %mul3A_1839 = arith.mulf %get3A_1835, %get3A_1838 : vector<16xf32>
        %get3A_1840 = arith.index_cast %add3A_1832 : i32 to index
        %get3A_1841 = arith.constant 16 : index
        %get3A_1842 = tpu.vector_load %arg13[%get3A_1840, %get3A_1841] {strides = array<i32>} : memref<64x128xf32, #tpu.memory_space<vmem>>, vector<16xf32>,
        %get3A_1843 = arith.index_cast %add3A_1832 : i32 to index
        %get3A_1844 = arith.constant 16 : index
        %get3A_1845 = tpu.vector_load %arg14[%get3A_1843, %get3A_1844] {strides = array<i32>} : memref<64x128xf32, #tpu.memory_space<vmem>>, vector<16xf32>,
        %mul3A_1846 = arith.mulf %get3A_1842, %get3A_1845 : vector<16xf32>
        %add3A_1847 = arith.addf %mul3A_1839, %mul3A_1846 : vector<16xf32>
        %get3A_1848 = arith.index_cast %add3A_1832 : i32 to index
        %get3A_1849 = arith.constant 32 : index
        %get3A_1850 = tpu.vector_load %arg13[%get3A_1848, %get3A_1849] {strides = array<i32>} : memref<64x128xf32, #tpu.memory_space<vmem>>, vector<16xf32>,
        %get3A_1851 = arith.index_cast %add3A_1832 : i32 to index
        %get3A_1852 = arith.constant 32 : index
        %get3A_1853 = tpu.vector_load %arg14[%get3A_1851, %get3A_1852] {strides = array<i32>} : memref<64x128xf32, #tpu.memory_space<vmem>>, vector<16xf32>,
        %mul3A_1854 = arith.mulf %get3A_1850, %get3A_1853 : vector<16xf32>
        %add3A_1855 = arith.addf %add3A_1847, %mul3A_1854 : vector<16xf32>
        %get3A_1856 = arith.index_cast %add3A_1832 : i32 to index
        %get3A_1857 = arith.constant 48 : index
        %get3A_1858 = tpu.vector_load %arg13[%get3A_1856, %get3A_1857] {strides = array<i32>} : memref<64x128xf32, #tpu.memory_space<vmem>>, vector<16xf32>,
        %get3A_1859 = arith.index_cast %add3A_1832 : i32 to index
        %get3A_1860 = arith.constant 48 : index
        %get3A_1861 = tpu.vector_load %arg14[%get3A_1859, %get3A_1860] {strides = array<i32>} : memref<64x128xf32, #tpu.memory_space<vmem>>, vector<16xf32>,
        %mul3A_1862 = arith.mulf %get3A_1858, %get3A_1861 : vector<16xf32>
        %add3A_1863 = arith.addf %add3A_1855, %mul3A_1862 : vector<16xf32>
        %get3A_1864 = arith.index_cast %add3A_1832 : i32 to index
        %get3A_1865 = arith.constant 64 : index
        %get3A_1866 = tpu.vector_load %arg13[%get3A_1864, %get3A_1865] {strides = array<i32>} : memref<64x128xf32, #tpu.memory_space<vmem>>, vector<16xf32>,
        %get3A_1867 = arith.index_cast %add3A_1832 : i32 to index
        %get3A_1868 = arith.constant 64 : index
        %get3A_1869 = tpu.vector_load %arg14[%get3A_1867, %get3A_1868] {strides = array<i32>} : memref<64x128xf32, #tpu.memory_space<vmem>>, vector<16xf32>,
        %mul3A_1870 = arith.mulf %get3A_1866, %get3A_1869 : vector<16xf32>
        %add3A_1871 = arith.addf %add3A_1863, %mul3A_1870 : vector<16xf32>
        %get3A_1872 = arith.index_cast %add3A_1832 : i32 to index
        %get3A_1873 = arith.constant 80 : index
        %get3A_1874 = tpu.vector_load %arg13[%get3A_1872, %get3A_1873] {strides = array<i32>} : memref<64x128xf32, #tpu.memory_space<vmem>>, vector<16xf32>,
        %get3A_1875 = arith.index_cast %add3A_1832 : i32 to index
        %get3A_1876 = arith.constant 80 : index
        %get3A_1877 = tpu.vector_load %arg14[%get3A_1875, %get3A_1876] {strides = array<i32>} : memref<64x128xf32, #tpu.memory_space<vmem>>, vector<16xf32>,
        %mul3A_1878 = arith.mulf %get3A_1874, %get3A_1877 : vector<16xf32>
        %add3A_1879 = arith.addf %add3A_1871, %mul3A_1878 : vector<16xf32>
        %get3A_1880 = arith.index_cast %add3A_1832 : i32 to index
        %get3A_1881 = arith.constant 96 : index
        %get3A_1882 = tpu.vector_load %arg13[%get3A_1880, %get3A_1881] {strides = array<i32>} : memref<64x128xf32, #tpu.memory_space<vmem>>, vector<16xf32>,
        %get3A_1883 = arith.index_cast %add3A_1832 : i32 to index
        %get3A_1884 = arith.constant 96 : index
        %get3A_1885 = tpu.vector_load %arg14[%get3A_1883, %get3A_1884] {strides = array<i32>} : memref<64x128xf32, #tpu.memory_space<vmem>>, vector<16xf32>,
        %mul3A_1886 = arith.mulf %get3A_1882, %get3A_1885 : vector<16xf32>
        %add3A_1887 = arith.addf %add3A_1879, %mul3A_1886 : vector<16xf32>
        %get3A_1888 = arith.index_cast %add3A_1832 : i32 to index
        %get3A_1889 = arith.constant 112 : index
        %get3A_1890 = tpu.vector_load %arg13[%get3A_1888, %get3A_1889] {strides = array<i32>} : memref<64x128xf32, #tpu.memory_space<vmem>>, vector<16xf32>,
        %get3A_1891 = arith.index_cast %add3A_1832 : i32 to index
        %get3A_1892 = arith.constant 112 : index
        %get3A_1893 = tpu.vector_load %arg14[%get3A_1891, %get3A_1892] {strides = array<i32>} : memref<64x128xf32, #tpu.memory_space<vmem>>, vector<16xf32>,
        %mul3A_1894 = arith.mulf %get3A_1890, %get3A_1893 : vector<16xf32>
        %add3A_1895 = arith.addf %add3A_1887, %mul3A_1894 : vector<16xf32>
        %mul3A_1896 = arith.constant 16 : i32
        %mul3A_1897 = vector.broadcast %mul3A_1896 : i32 to vector<16xi32>
        %mul3A_1898 = arith.muli %iota3A_1536, %mul3A_1897 : vector<16xi32>
        %add3A_1899 = arith.constant 4 : i32
        %add3A_1900 = vector.broadcast %add3A_1899 : i32 to vector<16xi32>
        %add3A_1901 = arith.addi %mul3A_1898, %add3A_1900 : vector<16xi32>
        tpu.vector_store_idx %arg16[%add3A_1901], %add3A_1895 : memref<256xf32, #tpu.memory_space<vmem>>[vector<16xi32>], vector<16xf32>,
        %mul3A_1902 = arith.constant 16 : i32
        %mul3A_1903 = arith.muli %scan3A_1535, %mul3A_1902 : i32
        %add3A_1904 = arith.constant 5 : i32
        %add3A_1905 = arith.addi %mul3A_1903, %add3A_1904 : i32
        %get3A_1906 = arith.index_cast %add3A_1905 : i32 to index
        %get3A_1907 = arith.constant 0 : index
        %get3A_1908 = tpu.vector_load %arg13[%get3A_1906, %get3A_1907] {strides = array<i32>} : memref<64x128xf32, #tpu.memory_space<vmem>>, vector<16xf32>,
        %get3A_1909 = arith.index_cast %add3A_1905 : i32 to index
        %get3A_1910 = arith.constant 0 : index
        %get3A_1911 = tpu.vector_load %arg14[%get3A_1909, %get3A_1910] {strides = array<i32>} : memref<64x128xf32, #tpu.memory_space<vmem>>, vector<16xf32>,
        %mul3A_1912 = arith.mulf %get3A_1908, %get3A_1911 : vector<16xf32>
        %get3A_1913 = arith.index_cast %add3A_1905 : i32 to index
        %get3A_1914 = arith.constant 16 : index
        %get3A_1915 = tpu.vector_load %arg13[%get3A_1913, %get3A_1914] {strides = array<i32>} : memref<64x128xf32, #tpu.memory_space<vmem>>, vector<16xf32>,
        %get3A_1916 = arith.index_cast %add3A_1905 : i32 to index
        %get3A_1917 = arith.constant 16 : index
        %get3A_1918 = tpu.vector_load %arg14[%get3A_1916, %get3A_1917] {strides = array<i32>} : memref<64x128xf32, #tpu.memory_space<vmem>>, vector<16xf32>,
        %mul3A_1919 = arith.mulf %get3A_1915, %get3A_1918 : vector<16xf32>
        %add3A_1920 = arith.addf %mul3A_1912, %mul3A_1919 : vector<16xf32>
        %get3A_1921 = arith.index_cast %add3A_1905 : i32 to index
        %get3A_1922 = arith.constant 32 : index
        %get3A_1923 = tpu.vector_load %arg13[%get3A_1921, %get3A_1922] {strides = array<i32>} : memref<64x128xf32, #tpu.memory_space<vmem>>, vector<16xf32>,
        %get3A_1924 = arith.index_cast %add3A_1905 : i32 to index
        %get3A_1925 = arith.constant 32 : index
        %get3A_1926 = tpu.vector_load %arg14[%get3A_1924, %get3A_1925] {strides = array<i32>} : memref<64x128xf32, #tpu.memory_space<vmem>>, vector<16xf32>,
        %mul3A_1927 = arith.mulf %get3A_1923, %get3A_1926 : vector<16xf32>
        %add3A_1928 = arith.addf %add3A_1920, %mul3A_1927 : vector<16xf32>
        %get3A_1929 = arith.index_cast %add3A_1905 : i32 to index
        %get3A_1930 = arith.constant 48 : index
        %get3A_1931 = tpu.vector_load %arg13[%get3A_1929, %get3A_1930] {strides = array<i32>} : memref<64x128xf32, #tpu.memory_space<vmem>>, vector<16xf32>,
        %get3A_1932 = arith.index_cast %add3A_1905 : i32 to index
        %get3A_1933 = arith.constant 48 : index
        %get3A_1934 = tpu.vector_load %arg14[%get3A_1932, %get3A_1933] {strides = array<i32>} : memref<64x128xf32, #tpu.memory_space<vmem>>, vector<16xf32>,
        %mul3A_1935 = arith.mulf %get3A_1931, %get3A_1934 : vector<16xf32>
        %add3A_1936 = arith.addf %add3A_1928, %mul3A_1935 : vector<16xf32>
        %get3A_1937 = arith.index_cast %add3A_1905 : i32 to index
        %get3A_1938 = arith.constant 64 : index
        %get3A_1939 = tpu.vector_load %arg13[%get3A_1937, %get3A_1938] {strides = array<i32>} : memref<64x128xf32, #tpu.memory_space<vmem>>, vector<16xf32>,
        %get3A_1940 = arith.index_cast %add3A_1905 : i32 to index
        %get3A_1941 = arith.constant 64 : index
        %get3A_1942 = tpu.vector_load %arg14[%get3A_1940, %get3A_1941] {strides = array<i32>} : memref<64x128xf32, #tpu.memory_space<vmem>>, vector<16xf32>,
        %mul3A_1943 = arith.mulf %get3A_1939, %get3A_1942 : vector<16xf32>
        %add3A_1944 = arith.addf %add3A_1936, %mul3A_1943 : vector<16xf32>
        %get3A_1945 = arith.index_cast %add3A_1905 : i32 to index
        %get3A_1946 = arith.constant 80 : index
        %get3A_1947 = tpu.vector_load %arg13[%get3A_1945, %get3A_1946] {strides = array<i32>} : memref<64x128xf32, #tpu.memory_space<vmem>>, vector<16xf32>,
        %get3A_1948 = arith.index_cast %add3A_1905 : i32 to index
        %get3A_1949 = arith.constant 80 : index
        %get3A_1950 = tpu.vector_load %arg14[%get3A_1948, %get3A_1949] {strides = array<i32>} : memref<64x128xf32, #tpu.memory_space<vmem>>, vector<16xf32>,
        %mul3A_1951 = arith.mulf %get3A_1947, %get3A_1950 : vector<16xf32>
        %add3A_1952 = arith.addf %add3A_1944, %mul3A_1951 : vector<16xf32>
        %get3A_1953 = arith.index_cast %add3A_1905 : i32 to index
        %get3A_1954 = arith.constant 96 : index
        %get3A_1955 = tpu.vector_load %arg13[%get3A_1953, %get3A_1954] {strides = array<i32>} : memref<64x128xf32, #tpu.memory_space<vmem>>, vector<16xf32>,
        %get3A_1956 = arith.index_cast %add3A_1905 : i32 to index
        %get3A_1957 = arith.constant 96 : index
        %get3A_1958 = tpu.vector_load %arg14[%get3A_1956, %get3A_1957] {strides = array<i32>} : memref<64x128xf32, #tpu.memory_space<vmem>>, vector<16xf32>,
        %mul3A_1959 = arith.mulf %get3A_1955, %get3A_1958 : vector<16xf32>
        %add3A_1960 = arith.addf %add3A_1952, %mul3A_1959 : vector<16xf32>
        %get3A_1961 = arith.index_cast %add3A_1905 : i32 to index
        %get3A_1962 = arith.constant 112 : index
        %get3A_1963 = tpu.vector_load %arg13[%get3A_1961, %get3A_1962] {strides = array<i32>} : memref<64x128xf32, #tpu.memory_space<vmem>>, vector<16xf32>,
        %get3A_1964 = arith.index_cast %add3A_1905 : i32 to index
        %get3A_1965 = arith.constant 112 : index
        %get3A_1966 = tpu.vector_load %arg14[%get3A_1964, %get3A_1965] {strides = array<i32>} : memref<64x128xf32, #tpu.memory_space<vmem>>, vector<16xf32>,
        %mul3A_1967 = arith.mulf %get3A_1963, %get3A_1966 : vector<16xf32>
        %add3A_1968 = arith.addf %add3A_1960, %mul3A_1967 : vector<16xf32>
        %mul3A_1969 = arith.constant 16 : i32
        %mul3A_1970 = vector.broadcast %mul3A_1969 : i32 to vector<16xi32>
        %mul3A_1971 = arith.muli %iota3A_1536, %mul3A_1970 : vector<16xi32>
        %add3A_1972 = arith.constant 5 : i32
        %add3A_1973 = vector.broadcast %add3A_1972 : i32 to vector<16xi32>
        %add3A_1974 = arith.addi %mul3A_1971, %add3A_1973 : vector<16xi32>
        tpu.vector_store_idx %arg16[%add3A_1974], %add3A_1968 : memref<256xf32, #tpu.memory_space<vmem>>[vector<16xi32>], vector<16xf32>,
        %mul3A_1975 = arith.constant 16 : i32
        %mul3A_1976 = arith.muli %scan3A_1535, %mul3A_1975 : i32
        %add3A_1977 = arith.constant 6 : i32
        %add3A_1978 = arith.addi %mul3A_1976, %add3A_1977 : i32
        %get3A_1979 = arith.index_cast %add3A_1978 : i32 to index
        %get3A_1980 = arith.constant 0 : index
        %get3A_1981 = tpu.vector_load %arg13[%get3A_1979, %get3A_1980] {strides = array<i32>} : memref<64x128xf32, #tpu.memory_space<vmem>>, vector<16xf32>,
        %get3A_1982 = arith.index_cast %add3A_1978 : i32 to index
        %get3A_1983 = arith.constant 0 : index
        %get3A_1984 = tpu.vector_load %arg14[%get3A_1982, %get3A_1983] {strides = array<i32>} : memref<64x128xf32, #tpu.memory_space<vmem>>, vector<16xf32>,
        %mul3A_1985 = arith.mulf %get3A_1981, %get3A_1984 : vector<16xf32>
        %get3A_1986 = arith.index_cast %add3A_1978 : i32 to index
        %get3A_1987 = arith.constant 16 : index
        %get3A_1988 = tpu.vector_load %arg13[%get3A_1986, %get3A_1987] {strides = array<i32>} : memref<64x128xf32, #tpu.memory_space<vmem>>, vector<16xf32>,
        %get3A_1989 = arith.index_cast %add3A_1978 : i32 to index
        %get3A_1990 = arith.constant 16 : index
        %get3A_1991 = tpu.vector_load %arg14[%get3A_1989, %get3A_1990] {strides = array<i32>} : memref<64x128xf32, #tpu.memory_space<vmem>>, vector<16xf32>,
        %mul3A_1992 = arith.mulf %get3A_1988, %get3A_1991 : vector<16xf32>
        %add3A_1993 = arith.addf %mul3A_1985, %mul3A_1992 : vector<16xf32>
        %get3A_1994 = arith.index_cast %add3A_1978 : i32 to index
        %get3A_1995 = arith.constant 32 : index
        %get3A_1996 = tpu.vector_load %arg13[%get3A_1994, %get3A_1995] {strides = array<i32>} : memref<64x128xf32, #tpu.memory_space<vmem>>, vector<16xf32>,
        %get3A_1997 = arith.index_cast %add3A_1978 : i32 to index
        %get3A_1998 = arith.constant 32 : index
        %get3A_1999 = tpu.vector_load %arg14[%get3A_1997, %get3A_1998] {strides = array<i32>} : memref<64x128xf32, #tpu.memory_space<vmem>>, vector<16xf32>,
        %mul3A_2000 = arith.mulf %get3A_1996, %get3A_1999 : vector<16xf32>
        %add3A_2001 = arith.addf %add3A_1993, %mul3A_2000 : vector<16xf32>
        %get3A_2002 = arith.index_cast %add3A_1978 : i32 to index
        %get3A_2003 = arith.constant 48 : index
        %get3A_2004 = tpu.vector_load %arg13[%get3A_2002, %get3A_2003] {strides = array<i32>} : memref<64x128xf32, #tpu.memory_space<vmem>>, vector<16xf32>,
        %get3A_2005 = arith.index_cast %add3A_1978 : i32 to index
        %get3A_2006 = arith.constant 48 : index
        %get3A_2007 = tpu.vector_load %arg14[%get3A_2005, %get3A_2006] {strides = array<i32>} : memref<64x128xf32, #tpu.memory_space<vmem>>, vector<16xf32>,
        %mul3A_2008 = arith.mulf %get3A_2004, %get3A_2007 : vector<16xf32>
        %add3A_2009 = arith.addf %add3A_2001, %mul3A_2008 : vector<16xf32>
        %get3A_2010 = arith.index_cast %add3A_1978 : i32 to index
        %get3A_2011 = arith.constant 64 : index
        %get3A_2012 = tpu.vector_load %arg13[%get3A_2010, %get3A_2011] {strides = array<i32>} : memref<64x128xf32, #tpu.memory_space<vmem>>, vector<16xf32>,
        %get3A_2013 = arith.index_cast %add3A_1978 : i32 to index
        %get3A_2014 = arith.constant 64 : index
        %get3A_2015 = tpu.vector_load %arg14[%get3A_2013, %get3A_2014] {strides = array<i32>} : memref<64x128xf32, #tpu.memory_space<vmem>>, vector<16xf32>,
        %mul3A_2016 = arith.mulf %get3A_2012, %get3A_2015 : vector<16xf32>
        %add3A_2017 = arith.addf %add3A_2009, %mul3A_2016 : vector<16xf32>
        %get3A_2018 = arith.index_cast %add3A_1978 : i32 to index
        %get3A_2019 = arith.constant 80 : index
        %get3A_2020 = tpu.vector_load %arg13[%get3A_2018, %get3A_2019] {strides = array<i32>} : memref<64x128xf32, #tpu.memory_space<vmem>>, vector<16xf32>,
        %get3A_2021 = arith.index_cast %add3A_1978 : i32 to index
        %get3A_2022 = arith.constant 80 : index
        %get3A_2023 = tpu.vector_load %arg14[%get3A_2021, %get3A_2022] {strides = array<i32>} : memref<64x128xf32, #tpu.memory_space<vmem>>, vector<16xf32>,
        %mul3A_2024 = arith.mulf %get3A_2020, %get3A_2023 : vector<16xf32>
        %add3A_2025 = arith.addf %add3A_2017, %mul3A_2024 : vector<16xf32>
        %get3A_2026 = arith.index_cast %add3A_1978 : i32 to index
        %get3A_2027 = arith.constant 96 : index
        %get3A_2028 = tpu.vector_load %arg13[%get3A_2026, %get3A_2027] {strides = array<i32>} : memref<64x128xf32, #tpu.memory_space<vmem>>, vector<16xf32>,
        %get3A_2029 = arith.index_cast %add3A_1978 : i32 to index
        %get3A_2030 = arith.constant 96 : index
        %get3A_2031 = tpu.vector_load %arg14[%get3A_2029, %get3A_2030] {strides = array<i32>} : memref<64x128xf32, #tpu.memory_space<vmem>>, vector<16xf32>,
        %mul3A_2032 = arith.mulf %get3A_2028, %get3A_2031 : vector<16xf32>
        %add3A_2033 = arith.addf %add3A_2025, %mul3A_2032 : vector<16xf32>
        %get3A_2034 = arith.index_cast %add3A_1978 : i32 to index
        %get3A_2035 = arith.constant 112 : index
        %get3A_2036 = tpu.vector_load %arg13[%get3A_2034, %get3A_2035] {strides = array<i32>} : memref<64x128xf32, #tpu.memory_space<vmem>>, vector<16xf32>,
        %get3A_2037 = arith.index_cast %add3A_1978 : i32 to index
        %get3A_2038 = arith.constant 112 : index
        %get3A_2039 = tpu.vector_load %arg14[%get3A_2037, %get3A_2038] {strides = array<i32>} : memref<64x128xf32, #tpu.memory_space<vmem>>, vector<16xf32>,
        %mul3A_2040 = arith.mulf %get3A_2036, %get3A_2039 : vector<16xf32>
        %add3A_2041 = arith.addf %add3A_2033, %mul3A_2040 : vector<16xf32>
        %mul3A_2042 = arith.constant 16 : i32
        %mul3A_2043 = vector.broadcast %mul3A_2042 : i32 to vector<16xi32>
        %mul3A_2044 = arith.muli %iota3A_1536, %mul3A_2043 : vector<16xi32>
        %add3A_2045 = arith.constant 6 : i32
        %add3A_2046 = vector.broadcast %add3A_2045 : i32 to vector<16xi32>
        %add3A_2047 = arith.addi %mul3A_2044, %add3A_2046 : vector<16xi32>
        tpu.vector_store_idx %arg16[%add3A_2047], %add3A_2041 : memref<256xf32, #tpu.memory_space<vmem>>[vector<16xi32>], vector<16xf32>,
        %mul3A_2048 = arith.constant 16 : i32
        %mul3A_2049 = arith.muli %scan3A_1535, %mul3A_2048 : i32
        %add3A_2050 = arith.constant 7 : i32
        %add3A_2051 = arith.addi %mul3A_2049, %add3A_2050 : i32
        %get3A_2052 = arith.index_cast %add3A_2051 : i32 to index
        %get3A_2053 = arith.constant 0 : index
        %get3A_2054 = tpu.vector_load %arg13[%get3A_2052, %get3A_2053] {strides = array<i32>} : memref<64x128xf32, #tpu.memory_space<vmem>>, vector<16xf32>,
        %get3A_2055 = arith.index_cast %add3A_2051 : i32 to index
        %get3A_2056 = arith.constant 0 : index
        %get3A_2057 = tpu.vector_load %arg14[%get3A_2055, %get3A_2056] {strides = array<i32>} : memref<64x128xf32, #tpu.memory_space<vmem>>, vector<16xf32>,
        %mul3A_2058 = arith.mulf %get3A_2054, %get3A_2057 : vector<16xf32>
        %get3A_2059 = arith.index_cast %add3A_2051 : i32 to index
        %get3A_2060 = arith.constant 16 : index
        %get3A_2061 = tpu.vector_load %arg13[%get3A_2059, %get3A_2060] {strides = array<i32>} : memref<64x128xf32, #tpu.memory_space<vmem>>, vector<16xf32>,
        %get3A_2062 = arith.index_cast %add3A_2051 : i32 to index
        %get3A_2063 = arith.constant 16 : index
        %get3A_2064 = tpu.vector_load %arg14[%get3A_2062, %get3A_2063] {strides = array<i32>} : memref<64x128xf32, #tpu.memory_space<vmem>>, vector<16xf32>,
        %mul3A_2065 = arith.mulf %get3A_2061, %get3A_2064 : vector<16xf32>
        %add3A_2066 = arith.addf %mul3A_2058, %mul3A_2065 : vector<16xf32>
        %get3A_2067 = arith.index_cast %add3A_2051 : i32 to index
        %get3A_2068 = arith.constant 32 : index
        %get3A_2069 = tpu.vector_load %arg13[%get3A_2067, %get3A_2068] {strides = array<i32>} : memref<64x128xf32, #tpu.memory_space<vmem>>, vector<16xf32>,
        %get3A_2070 = arith.index_cast %add3A_2051 : i32 to index
        %get3A_2071 = arith.constant 32 : index
        %get3A_2072 = tpu.vector_load %arg14[%get3A_2070, %get3A_2071] {strides = array<i32>} : memref<64x128xf32, #tpu.memory_space<vmem>>, vector<16xf32>,
        %mul3A_2073 = arith.mulf %get3A_2069, %get3A_2072 : vector<16xf32>
        %add3A_2074 = arith.addf %add3A_2066, %mul3A_2073 : vector<16xf32>
        %get3A_2075 = arith.index_cast %add3A_2051 : i32 to index
        %get3A_2076 = arith.constant 48 : index
        %get3A_2077 = tpu.vector_load %arg13[%get3A_2075, %get3A_2076] {strides = array<i32>} : memref<64x128xf32, #tpu.memory_space<vmem>>, vector<16xf32>,
        %get3A_2078 = arith.index_cast %add3A_2051 : i32 to index
        %get3A_2079 = arith.constant 48 : index
        %get3A_2080 = tpu.vector_load %arg14[%get3A_2078, %get3A_2079] {strides = array<i32>} : memref<64x128xf32, #tpu.memory_space<vmem>>, vector<16xf32>,
        %mul3A_2081 = arith.mulf %get3A_2077, %get3A_2080 : vector<16xf32>
        %add3A_2082 = arith.addf %add3A_2074, %mul3A_2081 : vector<16xf32>
        %get3A_2083 = arith.index_cast %add3A_2051 : i32 to index
        %get3A_2084 = arith.constant 64 : index
        %get3A_2085 = tpu.vector_load %arg13[%get3A_2083, %get3A_2084] {strides = array<i32>} : memref<64x128xf32, #tpu.memory_space<vmem>>, vector<16xf32>,
        %get3A_2086 = arith.index_cast %add3A_2051 : i32 to index
        %get3A_2087 = arith.constant 64 : index
        %get3A_2088 = tpu.vector_load %arg14[%get3A_2086, %get3A_2087] {strides = array<i32>} : memref<64x128xf32, #tpu.memory_space<vmem>>, vector<16xf32>,
        %mul3A_2089 = arith.mulf %get3A_2085, %get3A_2088 : vector<16xf32>
        %add3A_2090 = arith.addf %add3A_2082, %mul3A_2089 : vector<16xf32>
        %get3A_2091 = arith.index_cast %add3A_2051 : i32 to index
        %get3A_2092 = arith.constant 80 : index
        %get3A_2093 = tpu.vector_load %arg13[%get3A_2091, %get3A_2092] {strides = array<i32>} : memref<64x128xf32, #tpu.memory_space<vmem>>, vector<16xf32>,
        %get3A_2094 = arith.index_cast %add3A_2051 : i32 to index
        %get3A_2095 = arith.constant 80 : index
        %get3A_2096 = tpu.vector_load %arg14[%get3A_2094, %get3A_2095] {strides = array<i32>} : memref<64x128xf32, #tpu.memory_space<vmem>>, vector<16xf32>,
        %mul3A_2097 = arith.mulf %get3A_2093, %get3A_2096 : vector<16xf32>
        %add3A_2098 = arith.addf %add3A_2090, %mul3A_2097 : vector<16xf32>
        %get3A_2099 = arith.index_cast %add3A_2051 : i32 to index
        %get3A_2100 = arith.constant 96 : index
        %get3A_2101 = tpu.vector_load %arg13[%get3A_2099, %get3A_2100] {strides = array<i32>} : memref<64x128xf32, #tpu.memory_space<vmem>>, vector<16xf32>,
        %get3A_2102 = arith.index_cast %add3A_2051 : i32 to index
        %get3A_2103 = arith.constant 96 : index
        %get3A_2104 = tpu.vector_load %arg14[%get3A_2102, %get3A_2103] {strides = array<i32>} : memref<64x128xf32, #tpu.memory_space<vmem>>, vector<16xf32>,
        %mul3A_2105 = arith.mulf %get3A_2101, %get3A_2104 : vector<16xf32>
        %add3A_2106 = arith.addf %add3A_2098, %mul3A_2105 : vector<16xf32>
        %get3A_2107 = arith.index_cast %add3A_2051 : i32 to index
        %get3A_2108 = arith.constant 112 : index
        %get3A_2109 = tpu.vector_load %arg13[%get3A_2107, %get3A_2108] {strides = array<i32>} : memref<64x128xf32, #tpu.memory_space<vmem>>, vector<16xf32>,
        %get3A_2110 = arith.index_cast %add3A_2051 : i32 to index
        %get3A_2111 = arith.constant 112 : index
        %get3A_2112 = tpu.vector_load %arg14[%get3A_2110, %get3A_2111] {strides = array<i32>} : memref<64x128xf32, #tpu.memory_space<vmem>>, vector<16xf32>,
        %mul3A_2113 = arith.mulf %get3A_2109, %get3A_2112 : vector<16xf32>
        %add3A_2114 = arith.addf %add3A_2106, %mul3A_2113 : vector<16xf32>
        %mul3A_2115 = arith.constant 16 : i32
        %mul3A_2116 = vector.broadcast %mul3A_2115 : i32 to vector<16xi32>
        %mul3A_2117 = arith.muli %iota3A_1536, %mul3A_2116 : vector<16xi32>
        %add3A_2118 = arith.constant 7 : i32
        %add3A_2119 = vector.broadcast %add3A_2118 : i32 to vector<16xi32>
        %add3A_2120 = arith.addi %mul3A_2117, %add3A_2119 : vector<16xi32>
        tpu.vector_store_idx %arg16[%add3A_2120], %add3A_2114 : memref<256xf32, #tpu.memory_space<vmem>>[vector<16xi32>], vector<16xf32>,
        %mul3A_2121 = arith.constant 16 : i32
        %mul3A_2122 = arith.muli %scan3A_1535, %mul3A_2121 : i32
        %add3A_2123 = arith.constant 8 : i32
        %add3A_2124 = arith.addi %mul3A_2122, %add3A_2123 : i32
        %get3A_2125 = arith.index_cast %add3A_2124 : i32 to index
        %get3A_2126 = arith.constant 0 : index
        %get3A_2127 = tpu.vector_load %arg13[%get3A_2125, %get3A_2126] {strides = array<i32>} : memref<64x128xf32, #tpu.memory_space<vmem>>, vector<16xf32>,
        %get3A_2128 = arith.index_cast %add3A_2124 : i32 to index
        %get3A_2129 = arith.constant 0 : index
        %get3A_2130 = tpu.vector_load %arg14[%get3A_2128, %get3A_2129] {strides = array<i32>} : memref<64x128xf32, #tpu.memory_space<vmem>>, vector<16xf32>,
        %mul3A_2131 = arith.mulf %get3A_2127, %get3A_2130 : vector<16xf32>
        %get3A_2132 = arith.index_cast %add3A_2124 : i32 to index
        %get3A_2133 = arith.constant 16 : index
        %get3A_2134 = tpu.vector_load %arg13[%get3A_2132, %get3A_2133] {strides = array<i32>} : memref<64x128xf32, #tpu.memory_space<vmem>>, vector<16xf32>,
        %get3A_2135 = arith.index_cast %add3A_2124 : i32 to index
        %get3A_2136 = arith.constant 16 : index
        %get3A_2137 = tpu.vector_load %arg14[%get3A_2135, %get3A_2136] {strides = array<i32>} : memref<64x128xf32, #tpu.memory_space<vmem>>, vector<16xf32>,
        %mul3A_2138 = arith.mulf %get3A_2134, %get3A_2137 : vector<16xf32>
        %add3A_2139 = arith.addf %mul3A_2131, %mul3A_2138 : vector<16xf32>
        %get3A_2140 = arith.index_cast %add3A_2124 : i32 to index
        %get3A_2141 = arith.constant 32 : index
        %get3A_2142 = tpu.vector_load %arg13[%get3A_2140, %get3A_2141] {strides = array<i32>} : memref<64x128xf32, #tpu.memory_space<vmem>>, vector<16xf32>,
        %get3A_2143 = arith.index_cast %add3A_2124 : i32 to index
        %get3A_2144 = arith.constant 32 : index
        %get3A_2145 = tpu.vector_load %arg14[%get3A_2143, %get3A_2144] {strides = array<i32>} : memref<64x128xf32, #tpu.memory_space<vmem>>, vector<16xf32>,
        %mul3A_2146 = arith.mulf %get3A_2142, %get3A_2145 : vector<16xf32>
        %add3A_2147 = arith.addf %add3A_2139, %mul3A_2146 : vector<16xf32>
        %get3A_2148 = arith.index_cast %add3A_2124 : i32 to index
        %get3A_2149 = arith.constant 48 : index
        %get3A_2150 = tpu.vector_load %arg13[%get3A_2148, %get3A_2149] {strides = array<i32>} : memref<64x128xf32, #tpu.memory_space<vmem>>, vector<16xf32>,
        %get3A_2151 = arith.index_cast %add3A_2124 : i32 to index
        %get3A_2152 = arith.constant 48 : index
        %get3A_2153 = tpu.vector_load %arg14[%get3A_2151, %get3A_2152] {strides = array<i32>} : memref<64x128xf32, #tpu.memory_space<vmem>>, vector<16xf32>,
        %mul3A_2154 = arith.mulf %get3A_2150, %get3A_2153 : vector<16xf32>
        %add3A_2155 = arith.addf %add3A_2147, %mul3A_2154 : vector<16xf32>
        %get3A_2156 = arith.index_cast %add3A_2124 : i32 to index
        %get3A_2157 = arith.constant 64 : index
        %get3A_2158 = tpu.vector_load %arg13[%get3A_2156, %get3A_2157] {strides = array<i32>} : memref<64x128xf32, #tpu.memory_space<vmem>>, vector<16xf32>,
        %get3A_2159 = arith.index_cast %add3A_2124 : i32 to index
        %get3A_2160 = arith.constant 64 : index
        %get3A_2161 = tpu.vector_load %arg14[%get3A_2159, %get3A_2160] {strides = array<i32>} : memref<64x128xf32, #tpu.memory_space<vmem>>, vector<16xf32>,
        %mul3A_2162 = arith.mulf %get3A_2158, %get3A_2161 : vector<16xf32>
        %add3A_2163 = arith.addf %add3A_2155, %mul3A_2162 : vector<16xf32>
        %get3A_2164 = arith.index_cast %add3A_2124 : i32 to index
        %get3A_2165 = arith.constant 80 : index
        %get3A_2166 = tpu.vector_load %arg13[%get3A_2164, %get3A_2165] {strides = array<i32>} : memref<64x128xf32, #tpu.memory_space<vmem>>, vector<16xf32>,
        %get3A_2167 = arith.index_cast %add3A_2124 : i32 to index
        %get3A_2168 = arith.constant 80 : index
        %get3A_2169 = tpu.vector_load %arg14[%get3A_2167, %get3A_2168] {strides = array<i32>} : memref<64x128xf32, #tpu.memory_space<vmem>>, vector<16xf32>,
        %mul3A_2170 = arith.mulf %get3A_2166, %get3A_2169 : vector<16xf32>
        %add3A_2171 = arith.addf %add3A_2163, %mul3A_2170 : vector<16xf32>
        %get3A_2172 = arith.index_cast %add3A_2124 : i32 to index
        %get3A_2173 = arith.constant 96 : index
        %get3A_2174 = tpu.vector_load %arg13[%get3A_2172, %get3A_2173] {strides = array<i32>} : memref<64x128xf32, #tpu.memory_space<vmem>>, vector<16xf32>,
        %get3A_2175 = arith.index_cast %add3A_2124 : i32 to index
        %get3A_2176 = arith.constant 96 : index
        %get3A_2177 = tpu.vector_load %arg14[%get3A_2175, %get3A_2176] {strides = array<i32>} : memref<64x128xf32, #tpu.memory_space<vmem>>, vector<16xf32>,
        %mul3A_2178 = arith.mulf %get3A_2174, %get3A_2177 : vector<16xf32>
        %add3A_2179 = arith.addf %add3A_2171, %mul3A_2178 : vector<16xf32>
        %get3A_2180 = arith.index_cast %add3A_2124 : i32 to index
        %get3A_2181 = arith.constant 112 : index
        %get3A_2182 = tpu.vector_load %arg13[%get3A_2180, %get3A_2181] {strides = array<i32>} : memref<64x128xf32, #tpu.memory_space<vmem>>, vector<16xf32>,
        %get3A_2183 = arith.index_cast %add3A_2124 : i32 to index
        %get3A_2184 = arith.constant 112 : index
        %get3A_2185 = tpu.vector_load %arg14[%get3A_2183, %get3A_2184] {strides = array<i32>} : memref<64x128xf32, #tpu.memory_space<vmem>>, vector<16xf32>,
        %mul3A_2186 = arith.mulf %get3A_2182, %get3A_2185 : vector<16xf32>
        %add3A_2187 = arith.addf %add3A_2179, %mul3A_2186 : vector<16xf32>
        %mul3A_2188 = arith.constant 16 : i32
        %mul3A_2189 = vector.broadcast %mul3A_2188 : i32 to vector<16xi32>
        %mul3A_2190 = arith.muli %iota3A_1536, %mul3A_2189 : vector<16xi32>
        %add3A_2191 = arith.constant 8 : i32
        %add3A_2192 = vector.broadcast %add3A_2191 : i32 to vector<16xi32>
        %add3A_2193 = arith.addi %mul3A_2190, %add3A_2192 : vector<16xi32>
        tpu.vector_store_idx %arg16[%add3A_2193], %add3A_2187 : memref<256xf32, #tpu.memory_space<vmem>>[vector<16xi32>], vector<16xf32>,
        %mul3A_2194 = arith.constant 16 : i32
        %mul3A_2195 = arith.muli %scan3A_1535, %mul3A_2194 : i32
        %add3A_2196 = arith.constant 9 : i32
        %add3A_2197 = arith.addi %mul3A_2195, %add3A_2196 : i32
        %get3A_2198 = arith.index_cast %add3A_2197 : i32 to index
        %get3A_2199 = arith.constant 0 : index
        %get3A_2200 = tpu.vector_load %arg13[%get3A_2198, %get3A_2199] {strides = array<i32>} : memref<64x128xf32, #tpu.memory_space<vmem>>, vector<16xf32>,
        %get3A_2201 = arith.index_cast %add3A_2197 : i32 to index
        %get3A_2202 = arith.constant 0 : index
        %get3A_2203 = tpu.vector_load %arg14[%get3A_2201, %get3A_2202] {strides = array<i32>} : memref<64x128xf32, #tpu.memory_space<vmem>>, vector<16xf32>,
        %mul3A_2204 = arith.mulf %get3A_2200, %get3A_2203 : vector<16xf32>
        %get3A_2205 = arith.index_cast %add3A_2197 : i32 to index
        %get3A_2206 = arith.constant 16 : index
        %get3A_2207 = tpu.vector_load %arg13[%get3A_2205, %get3A_2206] {strides = array<i32>} : memref<64x128xf32, #tpu.memory_space<vmem>>, vector<16xf32>,
        %get3A_2208 = arith.index_cast %add3A_2197 : i32 to index
        %get3A_2209 = arith.constant 16 : index
        %get3A_2210 = tpu.vector_load %arg14[%get3A_2208, %get3A_2209] {strides = array<i32>} : memref<64x128xf32, #tpu.memory_space<vmem>>, vector<16xf32>,
        %mul3A_2211 = arith.mulf %get3A_2207, %get3A_2210 : vector<16xf32>
        %add3A_2212 = arith.addf %mul3A_2204, %mul3A_2211 : vector<16xf32>
        %get3A_2213 = arith.index_cast %add3A_2197 : i32 to index
        %get3A_2214 = arith.constant 32 : index
        %get3A_2215 = tpu.vector_load %arg13[%get3A_2213, %get3A_2214] {strides = array<i32>} : memref<64x128xf32, #tpu.memory_space<vmem>>, vector<16xf32>,
        %get3A_2216 = arith.index_cast %add3A_2197 : i32 to index
        %get3A_2217 = arith.constant 32 : index
        %get3A_2218 = tpu.vector_load %arg14[%get3A_2216, %get3A_2217] {strides = array<i32>} : memref<64x128xf32, #tpu.memory_space<vmem>>, vector<16xf32>,
        %mul3A_2219 = arith.mulf %get3A_2215, %get3A_2218 : vector<16xf32>
        %add3A_2220 = arith.addf %add3A_2212, %mul3A_2219 : vector<16xf32>
        %get3A_2221 = arith.index_cast %add3A_2197 : i32 to index
        %get3A_2222 = arith.constant 48 : index
        %get3A_2223 = tpu.vector_load %arg13[%get3A_2221, %get3A_2222] {strides = array<i32>} : memref<64x128xf32, #tpu.memory_space<vmem>>, vector<16xf32>,
        %get3A_2224 = arith.index_cast %add3A_2197 : i32 to index
        %get3A_2225 = arith.constant 48 : index
        %get3A_2226 = tpu.vector_load %arg14[%get3A_2224, %get3A_2225] {strides = array<i32>} : memref<64x128xf32, #tpu.memory_space<vmem>>, vector<16xf32>,
        %mul3A_2227 = arith.mulf %get3A_2223, %get3A_2226 : vector<16xf32>
        %add3A_2228 = arith.addf %add3A_2220, %mul3A_2227 : vector<16xf32>
        %get3A_2229 = arith.index_cast %add3A_2197 : i32 to index
        %get3A_2230 = arith.constant 64 : index
        %get3A_2231 = tpu.vector_load %arg13[%get3A_2229, %get3A_2230] {strides = array<i32>} : memref<64x128xf32, #tpu.memory_space<vmem>>, vector<16xf32>,
        %get3A_2232 = arith.index_cast %add3A_2197 : i32 to index
        %get3A_2233 = arith.constant 64 : index
        %get3A_2234 = tpu.vector_load %arg14[%get3A_2232, %get3A_2233] {strides = array<i32>} : memref<64x128xf32, #tpu.memory_space<vmem>>, vector<16xf32>,
        %mul3A_2235 = arith.mulf %get3A_2231, %get3A_2234 : vector<16xf32>
        %add3A_2236 = arith.addf %add3A_2228, %mul3A_2235 : vector<16xf32>
        %get3A_2237 = arith.index_cast %add3A_2197 : i32 to index
        %get3A_2238 = arith.constant 80 : index
        %get3A_2239 = tpu.vector_load %arg13[%get3A_2237, %get3A_2238] {strides = array<i32>} : memref<64x128xf32, #tpu.memory_space<vmem>>, vector<16xf32>,
        %get3A_2240 = arith.index_cast %add3A_2197 : i32 to index
        %get3A_2241 = arith.constant 80 : index
        %get3A_2242 = tpu.vector_load %arg14[%get3A_2240, %get3A_2241] {strides = array<i32>} : memref<64x128xf32, #tpu.memory_space<vmem>>, vector<16xf32>,
        %mul3A_2243 = arith.mulf %get3A_2239, %get3A_2242 : vector<16xf32>
        %add3A_2244 = arith.addf %add3A_2236, %mul3A_2243 : vector<16xf32>
        %get3A_2245 = arith.index_cast %add3A_2197 : i32 to index
        %get3A_2246 = arith.constant 96 : index
        %get3A_2247 = tpu.vector_load %arg13[%get3A_2245, %get3A_2246] {strides = array<i32>} : memref<64x128xf32, #tpu.memory_space<vmem>>, vector<16xf32>,
        %get3A_2248 = arith.index_cast %add3A_2197 : i32 to index
        %get3A_2249 = arith.constant 96 : index
        %get3A_2250 = tpu.vector_load %arg14[%get3A_2248, %get3A_2249] {strides = array<i32>} : memref<64x128xf32, #tpu.memory_space<vmem>>, vector<16xf32>,
        %mul3A_2251 = arith.mulf %get3A_2247, %get3A_2250 : vector<16xf32>
        %add3A_2252 = arith.addf %add3A_2244, %mul3A_2251 : vector<16xf32>
        %get3A_2253 = arith.index_cast %add3A_2197 : i32 to index
        %get3A_2254 = arith.constant 112 : index
        %get3A_2255 = tpu.vector_load %arg13[%get3A_2253, %get3A_2254] {strides = array<i32>} : memref<64x128xf32, #tpu.memory_space<vmem>>, vector<16xf32>,
        %get3A_2256 = arith.index_cast %add3A_2197 : i32 to index
        %get3A_2257 = arith.constant 112 : index
        %get3A_2258 = tpu.vector_load %arg14[%get3A_2256, %get3A_2257] {strides = array<i32>} : memref<64x128xf32, #tpu.memory_space<vmem>>, vector<16xf32>,
        %mul3A_2259 = arith.mulf %get3A_2255, %get3A_2258 : vector<16xf32>
        %add3A_2260 = arith.addf %add3A_2252, %mul3A_2259 : vector<16xf32>
        %mul3A_2261 = arith.constant 16 : i32
        %mul3A_2262 = vector.broadcast %mul3A_2261 : i32 to vector<16xi32>
        %mul3A_2263 = arith.muli %iota3A_1536, %mul3A_2262 : vector<16xi32>
        %add3A_2264 = arith.constant 9 : i32
        %add3A_2265 = vector.broadcast %add3A_2264 : i32 to vector<16xi32>
        %add3A_2266 = arith.addi %mul3A_2263, %add3A_2265 : vector<16xi32>
        tpu.vector_store_idx %arg16[%add3A_2266], %add3A_2260 : memref<256xf32, #tpu.memory_space<vmem>>[vector<16xi32>], vector<16xf32>,
        %mul3A_2267 = arith.constant 16 : i32
        %mul3A_2268 = arith.muli %scan3A_1535, %mul3A_2267 : i32
        %add3A_2269 = arith.constant 10 : i32
        %add3A_2270 = arith.addi %mul3A_2268, %add3A_2269 : i32
        %get3A_2271 = arith.index_cast %add3A_2270 : i32 to index
        %get3A_2272 = arith.constant 0 : index
        %get3A_2273 = tpu.vector_load %arg13[%get3A_2271, %get3A_2272] {strides = array<i32>} : memref<64x128xf32, #tpu.memory_space<vmem>>, vector<16xf32>,
        %get3A_2274 = arith.index_cast %add3A_2270 : i32 to index
        %get3A_2275 = arith.constant 0 : index
        %get3A_2276 = tpu.vector_load %arg14[%get3A_2274, %get3A_2275] {strides = array<i32>} : memref<64x128xf32, #tpu.memory_space<vmem>>, vector<16xf32>,
        %mul3A_2277 = arith.mulf %get3A_2273, %get3A_2276 : vector<16xf32>
        %get3A_2278 = arith.index_cast %add3A_2270 : i32 to index
        %get3A_2279 = arith.constant 16 : index
        %get3A_2280 = tpu.vector_load %arg13[%get3A_2278, %get3A_2279] {strides = array<i32>} : memref<64x128xf32, #tpu.memory_space<vmem>>, vector<16xf32>,
        %get3A_2281 = arith.index_cast %add3A_2270 : i32 to index
        %get3A_2282 = arith.constant 16 : index
        %get3A_2283 = tpu.vector_load %arg14[%get3A_2281, %get3A_2282] {strides = array<i32>} : memref<64x128xf32, #tpu.memory_space<vmem>>, vector<16xf32>,
        %mul3A_2284 = arith.mulf %get3A_2280, %get3A_2283 : vector<16xf32>
        %add3A_2285 = arith.addf %mul3A_2277, %mul3A_2284 : vector<16xf32>
        %get3A_2286 = arith.index_cast %add3A_2270 : i32 to index
        %get3A_2287 = arith.constant 32 : index
        %get3A_2288 = tpu.vector_load %arg13[%get3A_2286, %get3A_2287] {strides = array<i32>} : memref<64x128xf32, #tpu.memory_space<vmem>>, vector<16xf32>,
        %get3A_2289 = arith.index_cast %add3A_2270 : i32 to index
        %get3A_2290 = arith.constant 32 : index
        %get3A_2291 = tpu.vector_load %arg14[%get3A_2289, %get3A_2290] {strides = array<i32>} : memref<64x128xf32, #tpu.memory_space<vmem>>, vector<16xf32>,
        %mul3A_2292 = arith.mulf %get3A_2288, %get3A_2291 : vector<16xf32>
        %add3A_2293 = arith.addf %add3A_2285, %mul3A_2292 : vector<16xf32>
        %get3A_2294 = arith.index_cast %add3A_2270 : i32 to index
        %get3A_2295 = arith.constant 48 : index
        %get3A_2296 = tpu.vector_load %arg13[%get3A_2294, %get3A_2295] {strides = array<i32>} : memref<64x128xf32, #tpu.memory_space<vmem>>, vector<16xf32>,
        %get3A_2297 = arith.index_cast %add3A_2270 : i32 to index
        %get3A_2298 = arith.constant 48 : index
        %get3A_2299 = tpu.vector_load %arg14[%get3A_2297, %get3A_2298] {strides = array<i32>} : memref<64x128xf32, #tpu.memory_space<vmem>>, vector<16xf32>,
        %mul3A_2300 = arith.mulf %get3A_2296, %get3A_2299 : vector<16xf32>
        %add3A_2301 = arith.addf %add3A_2293, %mul3A_2300 : vector<16xf32>
        %get3A_2302 = arith.index_cast %add3A_2270 : i32 to index
        %get3A_2303 = arith.constant 64 : index
        %get3A_2304 = tpu.vector_load %arg13[%get3A_2302, %get3A_2303] {strides = array<i32>} : memref<64x128xf32, #tpu.memory_space<vmem>>, vector<16xf32>,
        %get3A_2305 = arith.index_cast %add3A_2270 : i32 to index
        %get3A_2306 = arith.constant 64 : index
        %get3A_2307 = tpu.vector_load %arg14[%get3A_2305, %get3A_2306] {strides = array<i32>} : memref<64x128xf32, #tpu.memory_space<vmem>>, vector<16xf32>,
        %mul3A_2308 = arith.mulf %get3A_2304, %get3A_2307 : vector<16xf32>
        %add3A_2309 = arith.addf %add3A_2301, %mul3A_2308 : vector<16xf32>
        %get3A_2310 = arith.index_cast %add3A_2270 : i32 to index
        %get3A_2311 = arith.constant 80 : index
        %get3A_2312 = tpu.vector_load %arg13[%get3A_2310, %get3A_2311] {strides = array<i32>} : memref<64x128xf32, #tpu.memory_space<vmem>>, vector<16xf32>,
        %get3A_2313 = arith.index_cast %add3A_2270 : i32 to index
        %get3A_2314 = arith.constant 80 : index
        %get3A_2315 = tpu.vector_load %arg14[%get3A_2313, %get3A_2314] {strides = array<i32>} : memref<64x128xf32, #tpu.memory_space<vmem>>, vector<16xf32>,
        %mul3A_2316 = arith.mulf %get3A_2312, %get3A_2315 : vector<16xf32>
        %add3A_2317 = arith.addf %add3A_2309, %mul3A_2316 : vector<16xf32>
        %get3A_2318 = arith.index_cast %add3A_2270 : i32 to index
        %get3A_2319 = arith.constant 96 : index
        %get3A_2320 = tpu.vector_load %arg13[%get3A_2318, %get3A_2319] {strides = array<i32>} : memref<64x128xf32, #tpu.memory_space<vmem>>, vector<16xf32>,
        %get3A_2321 = arith.index_cast %add3A_2270 : i32 to index
        %get3A_2322 = arith.constant 96 : index
        %get3A_2323 = tpu.vector_load %arg14[%get3A_2321, %get3A_2322] {strides = array<i32>} : memref<64x128xf32, #tpu.memory_space<vmem>>, vector<16xf32>,
        %mul3A_2324 = arith.mulf %get3A_2320, %get3A_2323 : vector<16xf32>
        %add3A_2325 = arith.addf %add3A_2317, %mul3A_2324 : vector<16xf32>
        %get3A_2326 = arith.index_cast %add3A_2270 : i32 to index
        %get3A_2327 = arith.constant 112 : index
        %get3A_2328 = tpu.vector_load %arg13[%get3A_2326, %get3A_2327] {strides = array<i32>} : memref<64x128xf32, #tpu.memory_space<vmem>>, vector<16xf32>,
        %get3A_2329 = arith.index_cast %add3A_2270 : i32 to index
        %get3A_2330 = arith.constant 112 : index
        %get3A_2331 = tpu.vector_load %arg14[%get3A_2329, %get3A_2330] {strides = array<i32>} : memref<64x128xf32, #tpu.memory_space<vmem>>, vector<16xf32>,
        %mul3A_2332 = arith.mulf %get3A_2328, %get3A_2331 : vector<16xf32>
        %add3A_2333 = arith.addf %add3A_2325, %mul3A_2332 : vector<16xf32>
        %mul3A_2334 = arith.constant 16 : i32
        %mul3A_2335 = vector.broadcast %mul3A_2334 : i32 to vector<16xi32>
        %mul3A_2336 = arith.muli %iota3A_1536, %mul3A_2335 : vector<16xi32>
        %add3A_2337 = arith.constant 10 : i32
        %add3A_2338 = vector.broadcast %add3A_2337 : i32 to vector<16xi32>
        %add3A_2339 = arith.addi %mul3A_2336, %add3A_2338 : vector<16xi32>
        tpu.vector_store_idx %arg16[%add3A_2339], %add3A_2333 : memref<256xf32, #tpu.memory_space<vmem>>[vector<16xi32>], vector<16xf32>,
        %mul3A_2340 = arith.constant 16 : i32
        %mul3A_2341 = arith.muli %scan3A_1535, %mul3A_2340 : i32
        %add3A_2342 = arith.constant 11 : i32
        %add3A_2343 = arith.addi %mul3A_2341, %add3A_2342 : i32
        %get3A_2344 = arith.index_cast %add3A_2343 : i32 to index
        %get3A_2345 = arith.constant 0 : index
        %get3A_2346 = tpu.vector_load %arg13[%get3A_2344, %get3A_2345] {strides = array<i32>} : memref<64x128xf32, #tpu.memory_space<vmem>>, vector<16xf32>,
        %get3A_2347 = arith.index_cast %add3A_2343 : i32 to index
        %get3A_2348 = arith.constant 0 : index
        %get3A_2349 = tpu.vector_load %arg14[%get3A_2347, %get3A_2348] {strides = array<i32>} : memref<64x128xf32, #tpu.memory_space<vmem>>, vector<16xf32>,
        %mul3A_2350 = arith.mulf %get3A_2346, %get3A_2349 : vector<16xf32>
        %get3A_2351 = arith.index_cast %add3A_2343 : i32 to index
        %get3A_2352 = arith.constant 16 : index
        %get3A_2353 = tpu.vector_load %arg13[%get3A_2351, %get3A_2352] {strides = array<i32>} : memref<64x128xf32, #tpu.memory_space<vmem>>, vector<16xf32>,
        %get3A_2354 = arith.index_cast %add3A_2343 : i32 to index
        %get3A_2355 = arith.constant 16 : index
        %get3A_2356 = tpu.vector_load %arg14[%get3A_2354, %get3A_2355] {strides = array<i32>} : memref<64x128xf32, #tpu.memory_space<vmem>>, vector<16xf32>,
        %mul3A_2357 = arith.mulf %get3A_2353, %get3A_2356 : vector<16xf32>
        %add3A_2358 = arith.addf %mul3A_2350, %mul3A_2357 : vector<16xf32>
        %get3A_2359 = arith.index_cast %add3A_2343 : i32 to index
        %get3A_2360 = arith.constant 32 : index
        %get3A_2361 = tpu.vector_load %arg13[%get3A_2359, %get3A_2360] {strides = array<i32>} : memref<64x128xf32, #tpu.memory_space<vmem>>, vector<16xf32>,
        %get3A_2362 = arith.index_cast %add3A_2343 : i32 to index
        %get3A_2363 = arith.constant 32 : index
        %get3A_2364 = tpu.vector_load %arg14[%get3A_2362, %get3A_2363] {strides = array<i32>} : memref<64x128xf32, #tpu.memory_space<vmem>>, vector<16xf32>,
        %mul3A_2365 = arith.mulf %get3A_2361, %get3A_2364 : vector<16xf32>
        %add3A_2366 = arith.addf %add3A_2358, %mul3A_2365 : vector<16xf32>
        %get3A_2367 = arith.index_cast %add3A_2343 : i32 to index
        %get3A_2368 = arith.constant 48 : index
        %get3A_2369 = tpu.vector_load %arg13[%get3A_2367, %get3A_2368] {strides = array<i32>} : memref<64x128xf32, #tpu.memory_space<vmem>>, vector<16xf32>,
        %get3A_2370 = arith.index_cast %add3A_2343 : i32 to index
        %get3A_2371 = arith.constant 48 : index
        %get3A_2372 = tpu.vector_load %arg14[%get3A_2370, %get3A_2371] {strides = array<i32>} : memref<64x128xf32, #tpu.memory_space<vmem>>, vector<16xf32>,
        %mul3A_2373 = arith.mulf %get3A_2369, %get3A_2372 : vector<16xf32>
        %add3A_2374 = arith.addf %add3A_2366, %mul3A_2373 : vector<16xf32>
        %get3A_2375 = arith.index_cast %add3A_2343 : i32 to index
        %get3A_2376 = arith.constant 64 : index
        %get3A_2377 = tpu.vector_load %arg13[%get3A_2375, %get3A_2376] {strides = array<i32>} : memref<64x128xf32, #tpu.memory_space<vmem>>, vector<16xf32>,
        %get3A_2378 = arith.index_cast %add3A_2343 : i32 to index
        %get3A_2379 = arith.constant 64 : index
        %get3A_2380 = tpu.vector_load %arg14[%get3A_2378, %get3A_2379] {strides = array<i32>} : memref<64x128xf32, #tpu.memory_space<vmem>>, vector<16xf32>,
        %mul3A_2381 = arith.mulf %get3A_2377, %get3A_2380 : vector<16xf32>
        %add3A_2382 = arith.addf %add3A_2374, %mul3A_2381 : vector<16xf32>
        %get3A_2383 = arith.index_cast %add3A_2343 : i32 to index
        %get3A_2384 = arith.constant 80 : index
        %get3A_2385 = tpu.vector_load %arg13[%get3A_2383, %get3A_2384] {strides = array<i32>} : memref<64x128xf32, #tpu.memory_space<vmem>>, vector<16xf32>,
        %get3A_2386 = arith.index_cast %add3A_2343 : i32 to index
        %get3A_2387 = arith.constant 80 : index
        %get3A_2388 = tpu.vector_load %arg14[%get3A_2386, %get3A_2387] {strides = array<i32>} : memref<64x128xf32, #tpu.memory_space<vmem>>, vector<16xf32>,
        %mul3A_2389 = arith.mulf %get3A_2385, %get3A_2388 : vector<16xf32>
        %add3A_2390 = arith.addf %add3A_2382, %mul3A_2389 : vector<16xf32>
        %get3A_2391 = arith.index_cast %add3A_2343 : i32 to index
        %get3A_2392 = arith.constant 96 : index
        %get3A_2393 = tpu.vector_load %arg13[%get3A_2391, %get3A_2392] {strides = array<i32>} : memref<64x128xf32, #tpu.memory_space<vmem>>, vector<16xf32>,
        %get3A_2394 = arith.index_cast %add3A_2343 : i32 to index
        %get3A_2395 = arith.constant 96 : index
        %get3A_2396 = tpu.vector_load %arg14[%get3A_2394, %get3A_2395] {strides = array<i32>} : memref<64x128xf32, #tpu.memory_space<vmem>>, vector<16xf32>,
        %mul3A_2397 = arith.mulf %get3A_2393, %get3A_2396 : vector<16xf32>
        %add3A_2398 = arith.addf %add3A_2390, %mul3A_2397 : vector<16xf32>
        %get3A_2399 = arith.index_cast %add3A_2343 : i32 to index
        %get3A_2400 = arith.constant 112 : index
        %get3A_2401 = tpu.vector_load %arg13[%get3A_2399, %get3A_2400] {strides = array<i32>} : memref<64x128xf32, #tpu.memory_space<vmem>>, vector<16xf32>,
        %get3A_2402 = arith.index_cast %add3A_2343 : i32 to index
        %get3A_2403 = arith.constant 112 : index
        %get3A_2404 = tpu.vector_load %arg14[%get3A_2402, %get3A_2403] {strides = array<i32>} : memref<64x128xf32, #tpu.memory_space<vmem>>, vector<16xf32>,
        %mul3A_2405 = arith.mulf %get3A_2401, %get3A_2404 : vector<16xf32>
        %add3A_2406 = arith.addf %add3A_2398, %mul3A_2405 : vector<16xf32>
        %mul3A_2407 = arith.constant 16 : i32
        %mul3A_2408 = vector.broadcast %mul3A_2407 : i32 to vector<16xi32>
        %mul3A_2409 = arith.muli %iota3A_1536, %mul3A_2408 : vector<16xi32>
        %add3A_2410 = arith.constant 11 : i32
        %add3A_2411 = vector.broadcast %add3A_2410 : i32 to vector<16xi32>
        %add3A_2412 = arith.addi %mul3A_2409, %add3A_2411 : vector<16xi32>
        tpu.vector_store_idx %arg16[%add3A_2412], %add3A_2406 : memref<256xf32, #tpu.memory_space<vmem>>[vector<16xi32>], vector<16xf32>,
        %mul3A_2413 = arith.constant 16 : i32
        %mul3A_2414 = arith.muli %scan3A_1535, %mul3A_2413 : i32
        %add3A_2415 = arith.constant 12 : i32
        %add3A_2416 = arith.addi %mul3A_2414, %add3A_2415 : i32
        %get3A_2417 = arith.index_cast %add3A_2416 : i32 to index
        %get3A_2418 = arith.constant 0 : index
        %get3A_2419 = tpu.vector_load %arg13[%get3A_2417, %get3A_2418] {strides = array<i32>} : memref<64x128xf32, #tpu.memory_space<vmem>>, vector<16xf32>,
        %get3A_2420 = arith.index_cast %add3A_2416 : i32 to index
        %get3A_2421 = arith.constant 0 : index
        %get3A_2422 = tpu.vector_load %arg14[%get3A_2420, %get3A_2421] {strides = array<i32>} : memref<64x128xf32, #tpu.memory_space<vmem>>, vector<16xf32>,
        %mul3A_2423 = arith.mulf %get3A_2419, %get3A_2422 : vector<16xf32>
        %get3A_2424 = arith.index_cast %add3A_2416 : i32 to index
        %get3A_2425 = arith.constant 16 : index
        %get3A_2426 = tpu.vector_load %arg13[%get3A_2424, %get3A_2425] {strides = array<i32>} : memref<64x128xf32, #tpu.memory_space<vmem>>, vector<16xf32>,
        %get3A_2427 = arith.index_cast %add3A_2416 : i32 to index
        %get3A_2428 = arith.constant 16 : index
        %get3A_2429 = tpu.vector_load %arg14[%get3A_2427, %get3A_2428] {strides = array<i32>} : memref<64x128xf32, #tpu.memory_space<vmem>>, vector<16xf32>,
        %mul3A_2430 = arith.mulf %get3A_2426, %get3A_2429 : vector<16xf32>
        %add3A_2431 = arith.addf %mul3A_2423, %mul3A_2430 : vector<16xf32>
        %get3A_2432 = arith.index_cast %add3A_2416 : i32 to index
        %get3A_2433 = arith.constant 32 : index
        %get3A_2434 = tpu.vector_load %arg13[%get3A_2432, %get3A_2433] {strides = array<i32>} : memref<64x128xf32, #tpu.memory_space<vmem>>, vector<16xf32>,
        %get3A_2435 = arith.index_cast %add3A_2416 : i32 to index
        %get3A_2436 = arith.constant 32 : index
        %get3A_2437 = tpu.vector_load %arg14[%get3A_2435, %get3A_2436] {strides = array<i32>} : memref<64x128xf32, #tpu.memory_space<vmem>>, vector<16xf32>,
        %mul3A_2438 = arith.mulf %get3A_2434, %get3A_2437 : vector<16xf32>
        %add3A_2439 = arith.addf %add3A_2431, %mul3A_2438 : vector<16xf32>
        %get3A_2440 = arith.index_cast %add3A_2416 : i32 to index
        %get3A_2441 = arith.constant 48 : index
        %get3A_2442 = tpu.vector_load %arg13[%get3A_2440, %get3A_2441] {strides = array<i32>} : memref<64x128xf32, #tpu.memory_space<vmem>>, vector<16xf32>,
        %get3A_2443 = arith.index_cast %add3A_2416 : i32 to index
        %get3A_2444 = arith.constant 48 : index
        %get3A_2445 = tpu.vector_load %arg14[%get3A_2443, %get3A_2444] {strides = array<i32>} : memref<64x128xf32, #tpu.memory_space<vmem>>, vector<16xf32>,
        %mul3A_2446 = arith.mulf %get3A_2442, %get3A_2445 : vector<16xf32>
        %add3A_2447 = arith.addf %add3A_2439, %mul3A_2446 : vector<16xf32>
        %get3A_2448 = arith.index_cast %add3A_2416 : i32 to index
        %get3A_2449 = arith.constant 64 : index
        %get3A_2450 = tpu.vector_load %arg13[%get3A_2448, %get3A_2449] {strides = array<i32>} : memref<64x128xf32, #tpu.memory_space<vmem>>, vector<16xf32>,
        %get3A_2451 = arith.index_cast %add3A_2416 : i32 to index
        %get3A_2452 = arith.constant 64 : index
        %get3A_2453 = tpu.vector_load %arg14[%get3A_2451, %get3A_2452] {strides = array<i32>} : memref<64x128xf32, #tpu.memory_space<vmem>>, vector<16xf32>,
        %mul3A_2454 = arith.mulf %get3A_2450, %get3A_2453 : vector<16xf32>
        %add3A_2455 = arith.addf %add3A_2447, %mul3A_2454 : vector<16xf32>
        %get3A_2456 = arith.index_cast %add3A_2416 : i32 to index
        %get3A_2457 = arith.constant 80 : index
        %get3A_2458 = tpu.vector_load %arg13[%get3A_2456, %get3A_2457] {strides = array<i32>} : memref<64x128xf32, #tpu.memory_space<vmem>>, vector<16xf32>,
        %get3A_2459 = arith.index_cast %add3A_2416 : i32 to index
        %get3A_2460 = arith.constant 80 : index
        %get3A_2461 = tpu.vector_load %arg14[%get3A_2459, %get3A_2460] {strides = array<i32>} : memref<64x128xf32, #tpu.memory_space<vmem>>, vector<16xf32>,
        %mul3A_2462 = arith.mulf %get3A_2458, %get3A_2461 : vector<16xf32>
        %add3A_2463 = arith.addf %add3A_2455, %mul3A_2462 : vector<16xf32>
        %get3A_2464 = arith.index_cast %add3A_2416 : i32 to index
        %get3A_2465 = arith.constant 96 : index
        %get3A_2466 = tpu.vector_load %arg13[%get3A_2464, %get3A_2465] {strides = array<i32>} : memref<64x128xf32, #tpu.memory_space<vmem>>, vector<16xf32>,
        %get3A_2467 = arith.index_cast %add3A_2416 : i32 to index
        %get3A_2468 = arith.constant 96 : index
        %get3A_2469 = tpu.vector_load %arg14[%get3A_2467, %get3A_2468] {strides = array<i32>} : memref<64x128xf32, #tpu.memory_space<vmem>>, vector<16xf32>,
        %mul3A_2470 = arith.mulf %get3A_2466, %get3A_2469 : vector<16xf32>
        %add3A_2471 = arith.addf %add3A_2463, %mul3A_2470 : vector<16xf32>
        %get3A_2472 = arith.index_cast %add3A_2416 : i32 to index
        %get3A_2473 = arith.constant 112 : index
        %get3A_2474 = tpu.vector_load %arg13[%get3A_2472, %get3A_2473] {strides = array<i32>} : memref<64x128xf32, #tpu.memory_space<vmem>>, vector<16xf32>,
        %get3A_2475 = arith.index_cast %add3A_2416 : i32 to index
        %get3A_2476 = arith.constant 112 : index
        %get3A_2477 = tpu.vector_load %arg14[%get3A_2475, %get3A_2476] {strides = array<i32>} : memref<64x128xf32, #tpu.memory_space<vmem>>, vector<16xf32>,
        %mul3A_2478 = arith.mulf %get3A_2474, %get3A_2477 : vector<16xf32>
        %add3A_2479 = arith.addf %add3A_2471, %mul3A_2478 : vector<16xf32>
        %mul3A_2480 = arith.constant 16 : i32
        %mul3A_2481 = vector.broadcast %mul3A_2480 : i32 to vector<16xi32>
        %mul3A_2482 = arith.muli %iota3A_1536, %mul3A_2481 : vector<16xi32>
        %add3A_2483 = arith.constant 12 : i32
        %add3A_2484 = vector.broadcast %add3A_2483 : i32 to vector<16xi32>
        %add3A_2485 = arith.addi %mul3A_2482, %add3A_2484 : vector<16xi32>
        tpu.vector_store_idx %arg16[%add3A_2485], %add3A_2479 : memref<256xf32, #tpu.memory_space<vmem>>[vector<16xi32>], vector<16xf32>,
        %mul3A_2486 = arith.constant 16 : i32
        %mul3A_2487 = arith.muli %scan3A_1535, %mul3A_2486 : i32
        %add3A_2488 = arith.constant 13 : i32
        %add3A_2489 = arith.addi %mul3A_2487, %add3A_2488 : i32
        %get3A_2490 = arith.index_cast %add3A_2489 : i32 to index
        %get3A_2491 = arith.constant 0 : index
        %get3A_2492 = tpu.vector_load %arg13[%get3A_2490, %get3A_2491] {strides = array<i32>} : memref<64x128xf32, #tpu.memory_space<vmem>>, vector<16xf32>,
        %get3A_2493 = arith.index_cast %add3A_2489 : i32 to index
        %get3A_2494 = arith.constant 0 : index
        %get3A_2495 = tpu.vector_load %arg14[%get3A_2493, %get3A_2494] {strides = array<i32>} : memref<64x128xf32, #tpu.memory_space<vmem>>, vector<16xf32>,
        %mul3A_2496 = arith.mulf %get3A_2492, %get3A_2495 : vector<16xf32>
        %get3A_2497 = arith.index_cast %add3A_2489 : i32 to index
        %get3A_2498 = arith.constant 16 : index
        %get3A_2499 = tpu.vector_load %arg13[%get3A_2497, %get3A_2498] {strides = array<i32>} : memref<64x128xf32, #tpu.memory_space<vmem>>, vector<16xf32>,
        %get3A_2500 = arith.index_cast %add3A_2489 : i32 to index
        %get3A_2501 = arith.constant 16 : index
        %get3A_2502 = tpu.vector_load %arg14[%get3A_2500, %get3A_2501] {strides = array<i32>} : memref<64x128xf32, #tpu.memory_space<vmem>>, vector<16xf32>,
        %mul3A_2503 = arith.mulf %get3A_2499, %get3A_2502 : vector<16xf32>
        %add3A_2504 = arith.addf %mul3A_2496, %mul3A_2503 : vector<16xf32>
        %get3A_2505 = arith.index_cast %add3A_2489 : i32 to index
        %get3A_2506 = arith.constant 32 : index
        %get3A_2507 = tpu.vector_load %arg13[%get3A_2505, %get3A_2506] {strides = array<i32>} : memref<64x128xf32, #tpu.memory_space<vmem>>, vector<16xf32>,
        %get3A_2508 = arith.index_cast %add3A_2489 : i32 to index
        %get3A_2509 = arith.constant 32 : index
        %get3A_2510 = tpu.vector_load %arg14[%get3A_2508, %get3A_2509] {strides = array<i32>} : memref<64x128xf32, #tpu.memory_space<vmem>>, vector<16xf32>,
        %mul3A_2511 = arith.mulf %get3A_2507, %get3A_2510 : vector<16xf32>
        %add3A_2512 = arith.addf %add3A_2504, %mul3A_2511 : vector<16xf32>
        %get3A_2513 = arith.index_cast %add3A_2489 : i32 to index
        %get3A_2514 = arith.constant 48 : index
        %get3A_2515 = tpu.vector_load %arg13[%get3A_2513, %get3A_2514] {strides = array<i32>} : memref<64x128xf32, #tpu.memory_space<vmem>>, vector<16xf32>,
        %get3A_2516 = arith.index_cast %add3A_2489 : i32 to index
        %get3A_2517 = arith.constant 48 : index
        %get3A_2518 = tpu.vector_load %arg14[%get3A_2516, %get3A_2517] {strides = array<i32>} : memref<64x128xf32, #tpu.memory_space<vmem>>, vector<16xf32>,
        %mul3A_2519 = arith.mulf %get3A_2515, %get3A_2518 : vector<16xf32>
        %add3A_2520 = arith.addf %add3A_2512, %mul3A_2519 : vector<16xf32>
        %get3A_2521 = arith.index_cast %add3A_2489 : i32 to index
        %get3A_2522 = arith.constant 64 : index
        %get3A_2523 = tpu.vector_load %arg13[%get3A_2521, %get3A_2522] {strides = array<i32>} : memref<64x128xf32, #tpu.memory_space<vmem>>, vector<16xf32>,
        %get3A_2524 = arith.index_cast %add3A_2489 : i32 to index
        %get3A_2525 = arith.constant 64 : index
        %get3A_2526 = tpu.vector_load %arg14[%get3A_2524, %get3A_2525] {strides = array<i32>} : memref<64x128xf32, #tpu.memory_space<vmem>>, vector<16xf32>,
        %mul3A_2527 = arith.mulf %get3A_2523, %get3A_2526 : vector<16xf32>
        %add3A_2528 = arith.addf %add3A_2520, %mul3A_2527 : vector<16xf32>
        %get3A_2529 = arith.index_cast %add3A_2489 : i32 to index
        %get3A_2530 = arith.constant 80 : index
        %get3A_2531 = tpu.vector_load %arg13[%get3A_2529, %get3A_2530] {strides = array<i32>} : memref<64x128xf32, #tpu.memory_space<vmem>>, vector<16xf32>,
        %get3A_2532 = arith.index_cast %add3A_2489 : i32 to index
        %get3A_2533 = arith.constant 80 : index
        %get3A_2534 = tpu.vector_load %arg14[%get3A_2532, %get3A_2533] {strides = array<i32>} : memref<64x128xf32, #tpu.memory_space<vmem>>, vector<16xf32>,
        %mul3A_2535 = arith.mulf %get3A_2531, %get3A_2534 : vector<16xf32>
        %add3A_2536 = arith.addf %add3A_2528, %mul3A_2535 : vector<16xf32>
        %get3A_2537 = arith.index_cast %add3A_2489 : i32 to index
        %get3A_2538 = arith.constant 96 : index
        %get3A_2539 = tpu.vector_load %arg13[%get3A_2537, %get3A_2538] {strides = array<i32>} : memref<64x128xf32, #tpu.memory_space<vmem>>, vector<16xf32>,
        %get3A_2540 = arith.index_cast %add3A_2489 : i32 to index
        %get3A_2541 = arith.constant 96 : index
        %get3A_2542 = tpu.vector_load %arg14[%get3A_2540, %get3A_2541] {strides = array<i32>} : memref<64x128xf32, #tpu.memory_space<vmem>>, vector<16xf32>,
        %mul3A_2543 = arith.mulf %get3A_2539, %get3A_2542 : vector<16xf32>
        %add3A_2544 = arith.addf %add3A_2536, %mul3A_2543 : vector<16xf32>
        %get3A_2545 = arith.index_cast %add3A_2489 : i32 to index
        %get3A_2546 = arith.constant 112 : index
        %get3A_2547 = tpu.vector_load %arg13[%get3A_2545, %get3A_2546] {strides = array<i32>} : memref<64x128xf32, #tpu.memory_space<vmem>>, vector<16xf32>,
        %get3A_2548 = arith.index_cast %add3A_2489 : i32 to index
        %get3A_2549 = arith.constant 112 : index
        %get3A_2550 = tpu.vector_load %arg14[%get3A_2548, %get3A_2549] {strides = array<i32>} : memref<64x128xf32, #tpu.memory_space<vmem>>, vector<16xf32>,
        %mul3A_2551 = arith.mulf %get3A_2547, %get3A_2550 : vector<16xf32>
        %add3A_2552 = arith.addf %add3A_2544, %mul3A_2551 : vector<16xf32>
        %mul3A_2553 = arith.constant 16 : i32
        %mul3A_2554 = vector.broadcast %mul3A_2553 : i32 to vector<16xi32>
        %mul3A_2555 = arith.muli %iota3A_1536, %mul3A_2554 : vector<16xi32>
        %add3A_2556 = arith.constant 13 : i32
        %add3A_2557 = vector.broadcast %add3A_2556 : i32 to vector<16xi32>
        %add3A_2558 = arith.addi %mul3A_2555, %add3A_2557 : vector<16xi32>
        tpu.vector_store_idx %arg16[%add3A_2558], %add3A_2552 : memref<256xf32, #tpu.memory_space<vmem>>[vector<16xi32>], vector<16xf32>,
        %mul3A_2559 = arith.constant 16 : i32
        %mul3A_2560 = arith.muli %scan3A_1535, %mul3A_2559 : i32
        %add3A_2561 = arith.constant 14 : i32
        %add3A_2562 = arith.addi %mul3A_2560, %add3A_2561 : i32
        %get3A_2563 = arith.index_cast %add3A_2562 : i32 to index
        %get3A_2564 = arith.constant 0 : index
        %get3A_2565 = tpu.vector_load %arg13[%get3A_2563, %get3A_2564] {strides = array<i32>} : memref<64x128xf32, #tpu.memory_space<vmem>>, vector<16xf32>,
        %get3A_2566 = arith.index_cast %add3A_2562 : i32 to index
        %get3A_2567 = arith.constant 0 : index
        %get3A_2568 = tpu.vector_load %arg14[%get3A_2566, %get3A_2567] {strides = array<i32>} : memref<64x128xf32, #tpu.memory_space<vmem>>, vector<16xf32>,
        %mul3A_2569 = arith.mulf %get3A_2565, %get3A_2568 : vector<16xf32>
        %get3A_2570 = arith.index_cast %add3A_2562 : i32 to index
        %get3A_2571 = arith.constant 16 : index
        %get3A_2572 = tpu.vector_load %arg13[%get3A_2570, %get3A_2571] {strides = array<i32>} : memref<64x128xf32, #tpu.memory_space<vmem>>, vector<16xf32>,
        %get3A_2573 = arith.index_cast %add3A_2562 : i32 to index
        %get3A_2574 = arith.constant 16 : index
        %get3A_2575 = tpu.vector_load %arg14[%get3A_2573, %get3A_2574] {strides = array<i32>} : memref<64x128xf32, #tpu.memory_space<vmem>>, vector<16xf32>,
        %mul3A_2576 = arith.mulf %get3A_2572, %get3A_2575 : vector<16xf32>
        %add3A_2577 = arith.addf %mul3A_2569, %mul3A_2576 : vector<16xf32>
        %get3A_2578 = arith.index_cast %add3A_2562 : i32 to index
        %get3A_2579 = arith.constant 32 : index
        %get3A_2580 = tpu.vector_load %arg13[%get3A_2578, %get3A_2579] {strides = array<i32>} : memref<64x128xf32, #tpu.memory_space<vmem>>, vector<16xf32>,
        %get3A_2581 = arith.index_cast %add3A_2562 : i32 to index
        %get3A_2582 = arith.constant 32 : index
        %get3A_2583 = tpu.vector_load %arg14[%get3A_2581, %get3A_2582] {strides = array<i32>} : memref<64x128xf32, #tpu.memory_space<vmem>>, vector<16xf32>,
        %mul3A_2584 = arith.mulf %get3A_2580, %get3A_2583 : vector<16xf32>
        %add3A_2585 = arith.addf %add3A_2577, %mul3A_2584 : vector<16xf32>
        %get3A_2586 = arith.index_cast %add3A_2562 : i32 to index
        %get3A_2587 = arith.constant 48 : index
        %get3A_2588 = tpu.vector_load %arg13[%get3A_2586, %get3A_2587] {strides = array<i32>} : memref<64x128xf32, #tpu.memory_space<vmem>>, vector<16xf32>,
        %get3A_2589 = arith.index_cast %add3A_2562 : i32 to index
        %get3A_2590 = arith.constant 48 : index
        %get3A_2591 = tpu.vector_load %arg14[%get3A_2589, %get3A_2590] {strides = array<i32>} : memref<64x128xf32, #tpu.memory_space<vmem>>, vector<16xf32>,
        %mul3A_2592 = arith.mulf %get3A_2588, %get3A_2591 : vector<16xf32>
        %add3A_2593 = arith.addf %add3A_2585, %mul3A_2592 : vector<16xf32>
        %get3A_2594 = arith.index_cast %add3A_2562 : i32 to index
        %get3A_2595 = arith.constant 64 : index
        %get3A_2596 = tpu.vector_load %arg13[%get3A_2594, %get3A_2595] {strides = array<i32>} : memref<64x128xf32, #tpu.memory_space<vmem>>, vector<16xf32>,
        %get3A_2597 = arith.index_cast %add3A_2562 : i32 to index
        %get3A_2598 = arith.constant 64 : index
        %get3A_2599 = tpu.vector_load %arg14[%get3A_2597, %get3A_2598] {strides = array<i32>} : memref<64x128xf32, #tpu.memory_space<vmem>>, vector<16xf32>,
        %mul3A_2600 = arith.mulf %get3A_2596, %get3A_2599 : vector<16xf32>
        %add3A_2601 = arith.addf %add3A_2593, %mul3A_2600 : vector<16xf32>
        %get3A_2602 = arith.index_cast %add3A_2562 : i32 to index
        %get3A_2603 = arith.constant 80 : index
        %get3A_2604 = tpu.vector_load %arg13[%get3A_2602, %get3A_2603] {strides = array<i32>} : memref<64x128xf32, #tpu.memory_space<vmem>>, vector<16xf32>,
        %get3A_2605 = arith.index_cast %add3A_2562 : i32 to index
        %get3A_2606 = arith.constant 80 : index
        %get3A_2607 = tpu.vector_load %arg14[%get3A_2605, %get3A_2606] {strides = array<i32>} : memref<64x128xf32, #tpu.memory_space<vmem>>, vector<16xf32>,
        %mul3A_2608 = arith.mulf %get3A_2604, %get3A_2607 : vector<16xf32>
        %add3A_2609 = arith.addf %add3A_2601, %mul3A_2608 : vector<16xf32>
        %get3A_2610 = arith.index_cast %add3A_2562 : i32 to index
        %get3A_2611 = arith.constant 96 : index
        %get3A_2612 = tpu.vector_load %arg13[%get3A_2610, %get3A_2611] {strides = array<i32>} : memref<64x128xf32, #tpu.memory_space<vmem>>, vector<16xf32>,
        %get3A_2613 = arith.index_cast %add3A_2562 : i32 to index
        %get3A_2614 = arith.constant 96 : index
        %get3A_2615 = tpu.vector_load %arg14[%get3A_2613, %get3A_2614] {strides = array<i32>} : memref<64x128xf32, #tpu.memory_space<vmem>>, vector<16xf32>,
        %mul3A_2616 = arith.mulf %get3A_2612, %get3A_2615 : vector<16xf32>
        %add3A_2617 = arith.addf %add3A_2609, %mul3A_2616 : vector<16xf32>
        %get3A_2618 = arith.index_cast %add3A_2562 : i32 to index
        %get3A_2619 = arith.constant 112 : index
        %get3A_2620 = tpu.vector_load %arg13[%get3A_2618, %get3A_2619] {strides = array<i32>} : memref<64x128xf32, #tpu.memory_space<vmem>>, vector<16xf32>,
        %get3A_2621 = arith.index_cast %add3A_2562 : i32 to index
        %get3A_2622 = arith.constant 112 : index
        %get3A_2623 = tpu.vector_load %arg14[%get3A_2621, %get3A_2622] {strides = array<i32>} : memref<64x128xf32, #tpu.memory_space<vmem>>, vector<16xf32>,
        %mul3A_2624 = arith.mulf %get3A_2620, %get3A_2623 : vector<16xf32>
        %add3A_2625 = arith.addf %add3A_2617, %mul3A_2624 : vector<16xf32>
        %mul3A_2626 = arith.constant 16 : i32
        %mul3A_2627 = vector.broadcast %mul3A_2626 : i32 to vector<16xi32>
        %mul3A_2628 = arith.muli %iota3A_1536, %mul3A_2627 : vector<16xi32>
        %add3A_2629 = arith.constant 14 : i32
        %add3A_2630 = vector.broadcast %add3A_2629 : i32 to vector<16xi32>
        %add3A_2631 = arith.addi %mul3A_2628, %add3A_2630 : vector<16xi32>
        tpu.vector_store_idx %arg16[%add3A_2631], %add3A_2625 : memref<256xf32, #tpu.memory_space<vmem>>[vector<16xi32>], vector<16xf32>,
        %mul3A_2632 = arith.constant 16 : i32
        %mul3A_2633 = arith.muli %scan3A_1535, %mul3A_2632 : i32
        %add3A_2634 = arith.constant 15 : i32
        %add3A_2635 = arith.addi %mul3A_2633, %add3A_2634 : i32
        %get3A_2636 = arith.index_cast %add3A_2635 : i32 to index
        %get3A_2637 = arith.constant 0 : index
        %get3A_2638 = tpu.vector_load %arg13[%get3A_2636, %get3A_2637] {strides = array<i32>} : memref<64x128xf32, #tpu.memory_space<vmem>>, vector<16xf32>,
        %get3A_2639 = arith.index_cast %add3A_2635 : i32 to index
        %get3A_2640 = arith.constant 0 : index
        %get3A_2641 = tpu.vector_load %arg14[%get3A_2639, %get3A_2640] {strides = array<i32>} : memref<64x128xf32, #tpu.memory_space<vmem>>, vector<16xf32>,
        %mul3A_2642 = arith.mulf %get3A_2638, %get3A_2641 : vector<16xf32>
        %get3A_2643 = arith.index_cast %add3A_2635 : i32 to index
        %get3A_2644 = arith.constant 16 : index
        %get3A_2645 = tpu.vector_load %arg13[%get3A_2643, %get3A_2644] {strides = array<i32>} : memref<64x128xf32, #tpu.memory_space<vmem>>, vector<16xf32>,
        %get3A_2646 = arith.index_cast %add3A_2635 : i32 to index
        %get3A_2647 = arith.constant 16 : index
        %get3A_2648 = tpu.vector_load %arg14[%get3A_2646, %get3A_2647] {strides = array<i32>} : memref<64x128xf32, #tpu.memory_space<vmem>>, vector<16xf32>,
        %mul3A_2649 = arith.mulf %get3A_2645, %get3A_2648 : vector<16xf32>
        %add3A_2650 = arith.addf %mul3A_2642, %mul3A_2649 : vector<16xf32>
        %get3A_2651 = arith.index_cast %add3A_2635 : i32 to index
        %get3A_2652 = arith.constant 32 : index
        %get3A_2653 = tpu.vector_load %arg13[%get3A_2651, %get3A_2652] {strides = array<i32>} : memref<64x128xf32, #tpu.memory_space<vmem>>, vector<16xf32>,
        %get3A_2654 = arith.index_cast %add3A_2635 : i32 to index
        %get3A_2655 = arith.constant 32 : index
        %get3A_2656 = tpu.vector_load %arg14[%get3A_2654, %get3A_2655] {strides = array<i32>} : memref<64x128xf32, #tpu.memory_space<vmem>>, vector<16xf32>,
        %mul3A_2657 = arith.mulf %get3A_2653, %get3A_2656 : vector<16xf32>
        %add3A_2658 = arith.addf %add3A_2650, %mul3A_2657 : vector<16xf32>
        %get3A_2659 = arith.index_cast %add3A_2635 : i32 to index
        %get3A_2660 = arith.constant 48 : index
        %get3A_2661 = tpu.vector_load %arg13[%get3A_2659, %get3A_2660] {strides = array<i32>} : memref<64x128xf32, #tpu.memory_space<vmem>>, vector<16xf32>,
        %get3A_2662 = arith.index_cast %add3A_2635 : i32 to index
        %get3A_2663 = arith.constant 48 : index
        %get3A_2664 = tpu.vector_load %arg14[%get3A_2662, %get3A_2663] {strides = array<i32>} : memref<64x128xf32, #tpu.memory_space<vmem>>, vector<16xf32>,
        %mul3A_2665 = arith.mulf %get3A_2661, %get3A_2664 : vector<16xf32>
        %add3A_2666 = arith.addf %add3A_2658, %mul3A_2665 : vector<16xf32>
        %get3A_2667 = arith.index_cast %add3A_2635 : i32 to index
        %get3A_2668 = arith.constant 64 : index
        %get3A_2669 = tpu.vector_load %arg13[%get3A_2667, %get3A_2668] {strides = array<i32>} : memref<64x128xf32, #tpu.memory_space<vmem>>, vector<16xf32>,
        %get3A_2670 = arith.index_cast %add3A_2635 : i32 to index
        %get3A_2671 = arith.constant 64 : index
        %get3A_2672 = tpu.vector_load %arg14[%get3A_2670, %get3A_2671] {strides = array<i32>} : memref<64x128xf32, #tpu.memory_space<vmem>>, vector<16xf32>,
        %mul3A_2673 = arith.mulf %get3A_2669, %get3A_2672 : vector<16xf32>
        %add3A_2674 = arith.addf %add3A_2666, %mul3A_2673 : vector<16xf32>
        %get3A_2675 = arith.index_cast %add3A_2635 : i32 to index
        %get3A_2676 = arith.constant 80 : index
        %get3A_2677 = tpu.vector_load %arg13[%get3A_2675, %get3A_2676] {strides = array<i32>} : memref<64x128xf32, #tpu.memory_space<vmem>>, vector<16xf32>,
        %get3A_2678 = arith.index_cast %add3A_2635 : i32 to index
        %get3A_2679 = arith.constant 80 : index
        %get3A_2680 = tpu.vector_load %arg14[%get3A_2678, %get3A_2679] {strides = array<i32>} : memref<64x128xf32, #tpu.memory_space<vmem>>, vector<16xf32>,
        %mul3A_2681 = arith.mulf %get3A_2677, %get3A_2680 : vector<16xf32>
        %add3A_2682 = arith.addf %add3A_2674, %mul3A_2681 : vector<16xf32>
        %get3A_2683 = arith.index_cast %add3A_2635 : i32 to index
        %get3A_2684 = arith.constant 96 : index
        %get3A_2685 = tpu.vector_load %arg13[%get3A_2683, %get3A_2684] {strides = array<i32>} : memref<64x128xf32, #tpu.memory_space<vmem>>, vector<16xf32>,
        %get3A_2686 = arith.index_cast %add3A_2635 : i32 to index
        %get3A_2687 = arith.constant 96 : index
        %get3A_2688 = tpu.vector_load %arg14[%get3A_2686, %get3A_2687] {strides = array<i32>} : memref<64x128xf32, #tpu.memory_space<vmem>>, vector<16xf32>,
        %mul3A_2689 = arith.mulf %get3A_2685, %get3A_2688 : vector<16xf32>
        %add3A_2690 = arith.addf %add3A_2682, %mul3A_2689 : vector<16xf32>
        %get3A_2691 = arith.index_cast %add3A_2635 : i32 to index
        %get3A_2692 = arith.constant 112 : index
        %get3A_2693 = tpu.vector_load %arg13[%get3A_2691, %get3A_2692] {strides = array<i32>} : memref<64x128xf32, #tpu.memory_space<vmem>>, vector<16xf32>,
        %get3A_2694 = arith.index_cast %add3A_2635 : i32 to index
        %get3A_2695 = arith.constant 112 : index
        %get3A_2696 = tpu.vector_load %arg14[%get3A_2694, %get3A_2695] {strides = array<i32>} : memref<64x128xf32, #tpu.memory_space<vmem>>, vector<16xf32>,
        %mul3A_2697 = arith.mulf %get3A_2693, %get3A_2696 : vector<16xf32>
        %add3A_2698 = arith.addf %add3A_2690, %mul3A_2697 : vector<16xf32>
        %mul3A_2699 = arith.constant 16 : i32
        %mul3A_2700 = vector.broadcast %mul3A_2699 : i32 to vector<16xi32>
        %mul3A_2701 = arith.muli %iota3A_1536, %mul3A_2700 : vector<16xi32>
        %add3A_2702 = arith.constant 15 : i32
        %add3A_2703 = vector.broadcast %add3A_2702 : i32 to vector<16xi32>
        %add3A_2704 = arith.addi %mul3A_2701, %add3A_2703 : vector<16xi32>
        tpu.vector_store_idx %arg16[%add3A_2704], %add3A_2698 : memref<256xf32, #tpu.memory_space<vmem>>[vector<16xi32>], vector<16xf32>,
        %get3A_2705 = arith.constant 0 : index
        %get3A_2706 = tpu.vector_load %arg16[%get3A_2705] {strides = array<i32>} : memref<256xf32, #tpu.memory_space<vmem>>, vector<16xf32>,
        %get3A_2707 = arith.constant 16 : index
        %get3A_2708 = tpu.vector_load %arg16[%get3A_2707] {strides = array<i32>} : memref<256xf32, #tpu.memory_space<vmem>>, vector<16xf32>,
        %add3A_2709 = arith.addf %get3A_2706, %get3A_2708 : vector<16xf32>
        %get3A_2710 = arith.constant 32 : index
        %get3A_2711 = tpu.vector_load %arg16[%get3A_2710] {strides = array<i32>} : memref<256xf32, #tpu.memory_space<vmem>>, vector<16xf32>,
        %add3A_2712 = arith.addf %add3A_2709, %get3A_2711 : vector<16xf32>
        %get3A_2713 = arith.constant 48 : index
        %get3A_2714 = tpu.vector_load %arg16[%get3A_2713] {strides = array<i32>} : memref<256xf32, #tpu.memory_space<vmem>>, vector<16xf32>,
        %add3A_2715 = arith.addf %add3A_2712, %get3A_2714 : vector<16xf32>
        %get3A_2716 = arith.constant 64 : index
        %get3A_2717 = tpu.vector_load %arg16[%get3A_2716] {strides = array<i32>} : memref<256xf32, #tpu.memory_space<vmem>>, vector<16xf32>,
        %add3A_2718 = arith.addf %add3A_2715, %get3A_2717 : vector<16xf32>
        %get3A_2719 = arith.constant 80 : index
        %get3A_2720 = tpu.vector_load %arg16[%get3A_2719] {strides = array<i32>} : memref<256xf32, #tpu.memory_space<vmem>>, vector<16xf32>,
        %add3A_2721 = arith.addf %add3A_2718, %get3A_2720 : vector<16xf32>
        %get3A_2722 = arith.constant 96 : index
        %get3A_2723 = tpu.vector_load %arg16[%get3A_2722] {strides = array<i32>} : memref<256xf32, #tpu.memory_space<vmem>>, vector<16xf32>,
        %add3A_2724 = arith.addf %add3A_2721, %get3A_2723 : vector<16xf32>
        %get3A_2725 = arith.constant 112 : index
        %get3A_2726 = tpu.vector_load %arg16[%get3A_2725] {strides = array<i32>} : memref<256xf32, #tpu.memory_space<vmem>>, vector<16xf32>,
        %add3A_2727 = arith.addf %add3A_2724, %get3A_2726 : vector<16xf32>
        %get3A_2728 = arith.constant 128 : index
        %get3A_2729 = tpu.vector_load %arg16[%get3A_2728] {strides = array<i32>} : memref<256xf32, #tpu.memory_space<vmem>>, vector<16xf32>,
        %add3A_2730 = arith.addf %add3A_2727, %get3A_2729 : vector<16xf32>
        %get3A_2731 = arith.constant 144 : index
        %get3A_2732 = tpu.vector_load %arg16[%get3A_2731] {strides = array<i32>} : memref<256xf32, #tpu.memory_space<vmem>>, vector<16xf32>,
        %add3A_2733 = arith.addf %add3A_2730, %get3A_2732 : vector<16xf32>
        %get3A_2734 = arith.constant 160 : index
        %get3A_2735 = tpu.vector_load %arg16[%get3A_2734] {strides = array<i32>} : memref<256xf32, #tpu.memory_space<vmem>>, vector<16xf32>,
        %add3A_2736 = arith.addf %add3A_2733, %get3A_2735 : vector<16xf32>
        %get3A_2737 = arith.constant 176 : index
        %get3A_2738 = tpu.vector_load %arg16[%get3A_2737] {strides = array<i32>} : memref<256xf32, #tpu.memory_space<vmem>>, vector<16xf32>,
        %add3A_2739 = arith.addf %add3A_2736, %get3A_2738 : vector<16xf32>
        %get3A_2740 = arith.constant 192 : index
        %get3A_2741 = tpu.vector_load %arg16[%get3A_2740] {strides = array<i32>} : memref<256xf32, #tpu.memory_space<vmem>>, vector<16xf32>,
        %add3A_2742 = arith.addf %add3A_2739, %get3A_2741 : vector<16xf32>
        %get3A_2743 = arith.constant 208 : index
        %get3A_2744 = tpu.vector_load %arg16[%get3A_2743] {strides = array<i32>} : memref<256xf32, #tpu.memory_space<vmem>>, vector<16xf32>,
        %add3A_2745 = arith.addf %add3A_2742, %get3A_2744 : vector<16xf32>
        %get3A_2746 = arith.constant 224 : index
        %get3A_2747 = tpu.vector_load %arg16[%get3A_2746] {strides = array<i32>} : memref<256xf32, #tpu.memory_space<vmem>>, vector<16xf32>,
        %add3A_2748 = arith.addf %add3A_2745, %get3A_2747 : vector<16xf32>
        %get3A_2749 = arith.constant 240 : index
        %get3A_2750 = tpu.vector_load %arg16[%get3A_2749] {strides = array<i32>} : memref<256xf32, #tpu.memory_space<vmem>>, vector<16xf32>,
        %add3A_2751 = arith.addf %add3A_2748, %get3A_2750 : vector<16xf32>
        %neg3A_2752 = arith.constant 0.000000e+00 : f32
        %neg3A_2753 = vector.broadcast %neg3A_2752 : f32 to vector<16xf32>
        %neg3A_2754 = arith.subf %neg3A_2753, %add3A_2751 : vector<16xf32>
        %exp3A_2755 = math.exp %neg3A_2754 : vector<16xf32>
        %add3A_2756 = arith.constant 1.000000e+00 : f32
        %add3A_2757 = vector.broadcast %add3A_2756 : f32 to vector<16xf32>
        %add3A_2758 = arith.addf %add3A_2757, %exp3A_2755 : vector<16xf32>
        %div3A_2759 = arith.constant 1.000000e+00 : f32
        %div3A_2760 = vector.broadcast %div3A_2759 : f32 to vector<16xf32>
        %div3A_2761 = arith.divf %div3A_2760, %add3A_2758 : vector<16xf32>
        %mul3A_2762 = arith.constant 64 : i32
        %mul3A_2763 = arith.muli %add3A_1528, %mul3A_2762 : i32
        %mul3A_2764 = arith.constant 16 : i32
        %mul3A_2765 = arith.muli %scan3A_1535, %mul3A_2764 : i32
        %add3A_2766 = arith.addi %mul3A_2763, %mul3A_2765 : i32
        %swap3A_2767 = arith.index_cast %add3A_2766 : i32 to index
        %swap3A_2768 = tpu.vector_load %arg15[%swap3A_2767] {strides = array<i32>} : memref<10000xf32, #tpu.memory_space<vmem>>, vector<16xf32>,
        tpu.vector_store %arg15[%swap3A_2767], %div3A_2761 {strides = array<i32>} : memref<10000xf32, #tpu.memory_space<vmem>>, vector<16xf32>,
      }
      %scan3A_1534 = arith.constant 4 : i32
    }
    %scan3A_26 = arith.constant 78 : i32
    %add3A_27 = arith.constant 9984 : i32
    %add3A_28 = arith.addi %mul3A_2, %add3A_27 : i32
    "tpu.region"() ({
      %run_scoped3A = tpu.sem_alloc : memref<!tpu.dma_semaphore, #tpu.memory_space<semaphore_mem>>
      %dma_start3A_1476 = arith.constant 0 : i32
      %dma_start3A_1477 = tpu.memref_slice %arg7[%dma_start3A_1476] : memref<64xi32, #tpu.memory_space<vmem>> -> memref<16xi32, #tpu.memory_space<vmem>>
      %dma_start3A_1478 = tpu.memref_slice %arg3[%add3A_28] : memref<320000xi32, #tpu.memory_space<hbm>> -> memref<16xi32, #tpu.memory_space<hbm>>
      %dma_start3A_1479 = arith.constant 0 : i32
      %dma_start3A_1480 = tpu.memref_slice %arg7[%dma_start3A_1479] : memref<64xi32, #tpu.memory_space<vmem>> -> memref<16xi32, #tpu.memory_space<vmem>>
      %dma_start3A_1481 = tpu.memref_slice %arg3[%add3A_28] : memref<320000xi32, #tpu.memory_space<hbm>> -> memref<16xi32, #tpu.memory_space<hbm>>
      tpu.enqueue_dma source(%dma_start3A_1481 : memref<16xi32, #tpu.memory_space<hbm>>) target(%dma_start3A_1480 : memref<16xi32, #tpu.memory_space<vmem>>) target_semaphore(%run_scoped3A : memref<!tpu.dma_semaphore, #tpu.memory_space<semaphore_mem>>)
      %dma_wait3A_1482 = arith.constant 0 : i32
      %dma_wait3A_1483 = tpu.memref_slice %arg7[%dma_wait3A_1482] : memref<64xi32, #tpu.memory_space<vmem>> -> memref<16xi32, #tpu.memory_space<vmem>>
      %dma_wait3A_1484 = tpu.memref_slice %arg3[%add3A_28] : memref<320000xi32, #tpu.memory_space<hbm>> -> memref<16xi32, #tpu.memory_space<hbm>>
      %dma_wait3A_1485 = arith.constant 0 : i32
      %dma_wait3A_1486 = tpu.memref_slice %arg7[%dma_wait3A_1485] : memref<64xi32, #tpu.memory_space<vmem>> -> memref<16xi32, #tpu.memory_space<vmem>>
      %dma_wait3A_1487 = tpu.memref_slice %arg3[%add3A_28] : memref<320000xi32, #tpu.memory_space<hbm>> -> memref<16xi32, #tpu.memory_space<hbm>>
      tpu.wait_dma2 semaphore(%run_scoped3A : memref<!tpu.dma_semaphore, #tpu.memory_space<semaphore_mem>>) src(%dma_wait3A_1487 : memref<16xi32, #tpu.memory_space<hbm>>) dst(%dma_wait3A_1486 : memref<16xi32, #tpu.memory_space<vmem>>)
      tpu.yield
    }) : () -> ()
    %add3A_29 = arith.constant 9984 : i32
    %add3A_30 = arith.addi %mul3A_2, %add3A_29 : i32
    "tpu.region"() ({
      %run_scoped3A = tpu.sem_alloc : memref<!tpu.dma_semaphore, #tpu.memory_space<semaphore_mem>>
      %dma_start3A_1476 = arith.constant 0 : i32
      %dma_start3A_1477 = tpu.memref_slice %arg8[%dma_start3A_1476] : memref<64xi32, #tpu.memory_space<vmem>> -> memref<16xi32, #tpu.memory_space<vmem>>
      %dma_start3A_1478 = tpu.memref_slice %arg4[%add3A_30] : memref<320000xi32, #tpu.memory_space<hbm>> -> memref<16xi32, #tpu.memory_space<hbm>>
      %dma_start3A_1479 = arith.constant 0 : i32
      %dma_start3A_1480 = tpu.memref_slice %arg8[%dma_start3A_1479] : memref<64xi32, #tpu.memory_space<vmem>> -> memref<16xi32, #tpu.memory_space<vmem>>
      %dma_start3A_1481 = tpu.memref_slice %arg4[%add3A_30] : memref<320000xi32, #tpu.memory_space<hbm>> -> memref<16xi32, #tpu.memory_space<hbm>>
      tpu.enqueue_dma source(%dma_start3A_1481 : memref<16xi32, #tpu.memory_space<hbm>>) target(%dma_start3A_1480 : memref<16xi32, #tpu.memory_space<vmem>>) target_semaphore(%run_scoped3A : memref<!tpu.dma_semaphore, #tpu.memory_space<semaphore_mem>>)
      %dma_wait3A_1482 = arith.constant 0 : i32
      %dma_wait3A_1483 = tpu.memref_slice %arg8[%dma_wait3A_1482] : memref<64xi32, #tpu.memory_space<vmem>> -> memref<16xi32, #tpu.memory_space<vmem>>
      %dma_wait3A_1484 = tpu.memref_slice %arg4[%add3A_30] : memref<320000xi32, #tpu.memory_space<hbm>> -> memref<16xi32, #tpu.memory_space<hbm>>
      %dma_wait3A_1485 = arith.constant 0 : i32
      %dma_wait3A_1486 = tpu.memref_slice %arg8[%dma_wait3A_1485] : memref<64xi32, #tpu.memory_space<vmem>> -> memref<16xi32, #tpu.memory_space<vmem>>
      %dma_wait3A_1487 = tpu.memref_slice %arg4[%add3A_30] : memref<320000xi32, #tpu.memory_space<hbm>> -> memref<16xi32, #tpu.memory_space<hbm>>
      tpu.wait_dma2 semaphore(%run_scoped3A : memref<!tpu.dma_semaphore, #tpu.memory_space<semaphore_mem>>) src(%dma_wait3A_1487 : memref<16xi32, #tpu.memory_space<hbm>>) dst(%dma_wait3A_1486 : memref<16xi32, #tpu.memory_space<vmem>>)
      tpu.yield
    }) : () -> ()
    %dma_start3A_31 = arith.constant 0 : i32
    %dma_start3A_32 = arith.constant 0 : i32
    %dma_start3A_33 = tpu.memref_slice %arg11[%dma_start3A_31, %dma_start3A_32] : memref<64x128xf32, #tpu.memory_space<vmem>> -> memref<16x128xf32, #tpu.memory_space<vmem>>
    %dma_start3A_34 = arith.constant 0 : i32
    %dma_start3A_35 = tpu.memref_slice %arg7[%dma_start3A_34] : memref<64xi32, #tpu.memory_space<vmem>> -> memref<16xi32, #tpu.memory_space<vmem>>
    %dma_start3A_36 = arith.constant 0 : i32
    %dma_start3A_37 = arith.constant 0 : i32
    %dma_start3A_38 = tpu.memref_slice %arg6[%dma_start3A_36, %dma_start3A_37] : memref<10000x128xf32, #tpu.memory_space<vmem_shared>> -> memref<10000x128xf32, #tpu.memory_space<vmem_shared>>
    tpu.enqueue_indirect_dma source(%dma_start3A_38 : memref<10000x128xf32, #tpu.memory_space<vmem_shared>>) target(%dma_start3A_33 : memref<16x128xf32, #tpu.memory_space<vmem>>) offsets(%dma_start3A_35 : memref<16xi32, #tpu.memory_space<vmem>>) semaphore(%arg17 : memref<!tpu.dma_semaphore, #tpu.memory_space<semaphore_mem>>)
    %dma_start3A_39 = arith.constant 0 : i32
    %dma_start3A_40 = arith.constant 0 : i32
    %dma_start3A_41 = tpu.memref_slice %arg12[%dma_start3A_39, %dma_start3A_40] : memref<64x128xf32, #tpu.memory_space<vmem>> -> memref<16x128xf32, #tpu.memory_space<vmem>>
    %dma_start3A_42 = arith.constant 0 : i32
    %dma_start3A_43 = tpu.memref_slice %arg8[%dma_start3A_42] : memref<64xi32, #tpu.memory_space<vmem>> -> memref<16xi32, #tpu.memory_space<vmem>>
    %dma_start3A_44 = arith.constant 0 : i32
    %dma_start3A_45 = arith.constant 0 : i32
    %dma_start3A_46 = tpu.memref_slice %arg6[%dma_start3A_44, %dma_start3A_45] : memref<10000x128xf32, #tpu.memory_space<vmem_shared>> -> memref<10000x128xf32, #tpu.memory_space<vmem_shared>>
    tpu.enqueue_indirect_dma source(%dma_start3A_46 : memref<10000x128xf32, #tpu.memory_space<vmem_shared>>) target(%dma_start3A_41 : memref<16x128xf32, #tpu.memory_space<vmem>>) offsets(%dma_start3A_43 : memref<16xi32, #tpu.memory_space<vmem>>) semaphore(%arg18 : memref<!tpu.dma_semaphore, #tpu.memory_space<semaphore_mem>>)
    %dma_wait3A = arith.constant 0 : i32
    %dma_wait3A_47 = arith.constant 0 : i32
    %dma_wait3A_48 = tpu.memref_slice %arg11[%dma_wait3A, %dma_wait3A_47] : memref<64x128xf32, #tpu.memory_space<vmem>> -> memref<16x128xf32, #tpu.memory_space<vmem>>
    %dma_wait3A_49 = arith.constant 0 : i32
    %dma_wait3A_50 = tpu.memref_slice %arg7[%dma_wait3A_49] : memref<64xi32, #tpu.memory_space<vmem>> -> memref<16xi32, #tpu.memory_space<vmem>>
    %dma_wait3A_51 = arith.constant 0 : i32
    %dma_wait3A_52 = arith.constant 0 : i32
    %dma_wait3A_53 = tpu.memref_slice %arg6[%dma_wait3A_51, %dma_wait3A_52] : memref<10000x128xf32, #tpu.memory_space<vmem_shared>> -> memref<10000x128xf32, #tpu.memory_space<vmem_shared>>
    tpu.wait_indirect_dma semaphore(%arg17 : memref<!tpu.dma_semaphore, #tpu.memory_space<semaphore_mem>>) src(%dma_wait3A_53 : memref<10000x128xf32, #tpu.memory_space<vmem_shared>>) dst(%dma_wait3A_48 : memref<16x128xf32, #tpu.memory_space<vmem>>)
    %dma_wait3A_54 = arith.constant 0 : i32
    %dma_wait3A_55 = arith.constant 0 : i32
    %dma_wait3A_56 = tpu.memref_slice %arg12[%dma_wait3A_54, %dma_wait3A_55] : memref<64x128xf32, #tpu.memory_space<vmem>> -> memref<16x128xf32, #tpu.memory_space<vmem>>
    %dma_wait3A_57 = arith.constant 0 : i32
    %dma_wait3A_58 = tpu.memref_slice %arg8[%dma_wait3A_57] : memref<64xi32, #tpu.memory_space<vmem>> -> memref<16xi32, #tpu.memory_space<vmem>>
    %dma_wait3A_59 = arith.constant 0 : i32
    %dma_wait3A_60 = arith.constant 0 : i32
    %dma_wait3A_61 = tpu.memref_slice %arg6[%dma_wait3A_59, %dma_wait3A_60] : memref<10000x128xf32, #tpu.memory_space<vmem_shared>> -> memref<10000x128xf32, #tpu.memory_space<vmem_shared>>
    tpu.wait_indirect_dma semaphore(%arg18 : memref<!tpu.dma_semaphore, #tpu.memory_space<semaphore_mem>>) src(%dma_wait3A_61 : memref<10000x128xf32, #tpu.memory_space<vmem_shared>>) dst(%dma_wait3A_56 : memref<16x128xf32, #tpu.memory_space<vmem>>)
    %iota3A = tpu.iota {dimensions = array<i32: 0>} : vector<16xi32>
    %get3A = arith.constant 0 : i32
    %get3A_62 = arith.index_cast %get3A : i32 to index
    %get3A_63 = arith.constant 0 : index
    %get3A_64 = tpu.vector_load %arg11[%get3A_62, %get3A_63] {strides = array<i32>} : memref<64x128xf32, #tpu.memory_space<vmem>>, vector<16xf32>,
    %get3A_65 = arith.constant 0 : i32
    %get3A_66 = arith.index_cast %get3A_65 : i32 to index
    %get3A_67 = arith.constant 0 : index
    %get3A_68 = tpu.vector_load %arg12[%get3A_66, %get3A_67] {strides = array<i32>} : memref<64x128xf32, #tpu.memory_space<vmem>>, vector<16xf32>,
    %mul3A_69 = arith.mulf %get3A_64, %get3A_68 : vector<16xf32>
    %get3A_70 = arith.constant 0 : i32
    %get3A_71 = arith.index_cast %get3A_70 : i32 to index
    %get3A_72 = arith.constant 16 : index
    %get3A_73 = tpu.vector_load %arg11[%get3A_71, %get3A_72] {strides = array<i32>} : memref<64x128xf32, #tpu.memory_space<vmem>>, vector<16xf32>,
    %get3A_74 = arith.constant 0 : i32
    %get3A_75 = arith.index_cast %get3A_74 : i32 to index
    %get3A_76 = arith.constant 16 : index
    %get3A_77 = tpu.vector_load %arg12[%get3A_75, %get3A_76] {strides = array<i32>} : memref<64x128xf32, #tpu.memory_space<vmem>>, vector<16xf32>,
    %mul3A_78 = arith.mulf %get3A_73, %get3A_77 : vector<16xf32>
    %add3A_79 = arith.addf %mul3A_69, %mul3A_78 : vector<16xf32>
    %get3A_80 = arith.constant 0 : i32
    %get3A_81 = arith.index_cast %get3A_80 : i32 to index
    %get3A_82 = arith.constant 32 : index
    %get3A_83 = tpu.vector_load %arg11[%get3A_81, %get3A_82] {strides = array<i32>} : memref<64x128xf32, #tpu.memory_space<vmem>>, vector<16xf32>,
    %get3A_84 = arith.constant 0 : i32
    %get3A_85 = arith.index_cast %get3A_84 : i32 to index
    %get3A_86 = arith.constant 32 : index
    %get3A_87 = tpu.vector_load %arg12[%get3A_85, %get3A_86] {strides = array<i32>} : memref<64x128xf32, #tpu.memory_space<vmem>>, vector<16xf32>,
    %mul3A_88 = arith.mulf %get3A_83, %get3A_87 : vector<16xf32>
    %add3A_89 = arith.addf %add3A_79, %mul3A_88 : vector<16xf32>
    %get3A_90 = arith.constant 0 : i32
    %get3A_91 = arith.index_cast %get3A_90 : i32 to index
    %get3A_92 = arith.constant 48 : index
    %get3A_93 = tpu.vector_load %arg11[%get3A_91, %get3A_92] {strides = array<i32>} : memref<64x128xf32, #tpu.memory_space<vmem>>, vector<16xf32>,
    %get3A_94 = arith.constant 0 : i32
    %get3A_95 = arith.index_cast %get3A_94 : i32 to index
    %get3A_96 = arith.constant 48 : index
    %get3A_97 = tpu.vector_load %arg12[%get3A_95, %get3A_96] {strides = array<i32>} : memref<64x128xf32, #tpu.memory_space<vmem>>, vector<16xf32>,
    %mul3A_98 = arith.mulf %get3A_93, %get3A_97 : vector<16xf32>
    %add3A_99 = arith.addf %add3A_89, %mul3A_98 : vector<16xf32>
    %get3A_100 = arith.constant 0 : i32
    %get3A_101 = arith.index_cast %get3A_100 : i32 to index
    %get3A_102 = arith.constant 64 : index
    %get3A_103 = tpu.vector_load %arg11[%get3A_101, %get3A_102] {strides = array<i32>} : memref<64x128xf32, #tpu.memory_space<vmem>>, vector<16xf32>,
    %get3A_104 = arith.constant 0 : i32
    %get3A_105 = arith.index_cast %get3A_104 : i32 to index
    %get3A_106 = arith.constant 64 : index
    %get3A_107 = tpu.vector_load %arg12[%get3A_105, %get3A_106] {strides = array<i32>} : memref<64x128xf32, #tpu.memory_space<vmem>>, vector<16xf32>,
    %mul3A_108 = arith.mulf %get3A_103, %get3A_107 : vector<16xf32>
    %add3A_109 = arith.addf %add3A_99, %mul3A_108 : vector<16xf32>
    %get3A_110 = arith.constant 0 : i32
    %get3A_111 = arith.index_cast %get3A_110 : i32 to index
    %get3A_112 = arith.constant 80 : index
    %get3A_113 = tpu.vector_load %arg11[%get3A_111, %get3A_112] {strides = array<i32>} : memref<64x128xf32, #tpu.memory_space<vmem>>, vector<16xf32>,
    %get3A_114 = arith.constant 0 : i32
    %get3A_115 = arith.index_cast %get3A_114 : i32 to index
    %get3A_116 = arith.constant 80 : index
    %get3A_117 = tpu.vector_load %arg12[%get3A_115, %get3A_116] {strides = array<i32>} : memref<64x128xf32, #tpu.memory_space<vmem>>, vector<16xf32>,
    %mul3A_118 = arith.mulf %get3A_113, %get3A_117 : vector<16xf32>
    %add3A_119 = arith.addf %add3A_109, %mul3A_118 : vector<16xf32>
    %get3A_120 = arith.constant 0 : i32
    %get3A_121 = arith.index_cast %get3A_120 : i32 to index
    %get3A_122 = arith.constant 96 : index
    %get3A_123 = tpu.vector_load %arg11[%get3A_121, %get3A_122] {strides = array<i32>} : memref<64x128xf32, #tpu.memory_space<vmem>>, vector<16xf32>,
    %get3A_124 = arith.constant 0 : i32
    %get3A_125 = arith.index_cast %get3A_124 : i32 to index
    %get3A_126 = arith.constant 96 : index
    %get3A_127 = tpu.vector_load %arg12[%get3A_125, %get3A_126] {strides = array<i32>} : memref<64x128xf32, #tpu.memory_space<vmem>>, vector<16xf32>,
    %mul3A_128 = arith.mulf %get3A_123, %get3A_127 : vector<16xf32>
    %add3A_129 = arith.addf %add3A_119, %mul3A_128 : vector<16xf32>
    %get3A_130 = arith.constant 0 : i32
    %get3A_131 = arith.index_cast %get3A_130 : i32 to index
    %get3A_132 = arith.constant 112 : index
    %get3A_133 = tpu.vector_load %arg11[%get3A_131, %get3A_132] {strides = array<i32>} : memref<64x128xf32, #tpu.memory_space<vmem>>, vector<16xf32>,
    %get3A_134 = arith.constant 0 : i32
    %get3A_135 = arith.index_cast %get3A_134 : i32 to index
    %get3A_136 = arith.constant 112 : index
    %get3A_137 = tpu.vector_load %arg12[%get3A_135, %get3A_136] {strides = array<i32>} : memref<64x128xf32, #tpu.memory_space<vmem>>, vector<16xf32>,
    %mul3A_138 = arith.mulf %get3A_133, %get3A_137 : vector<16xf32>
    %add3A_139 = arith.addf %add3A_129, %mul3A_138 : vector<16xf32>
    %mul3A_140 = arith.constant 16 : i32
    %mul3A_141 = vector.broadcast %mul3A_140 : i32 to vector<16xi32>
    %mul3A_142 = arith.muli %iota3A, %mul3A_141 : vector<16xi32>
    %add3A_143 = arith.constant 0 : i32
    %add3A_144 = vector.broadcast %add3A_143 : i32 to vector<16xi32>
    %add3A_145 = arith.addi %mul3A_142, %add3A_144 : vector<16xi32>
    tpu.vector_store_idx %arg16[%add3A_145], %add3A_139 : memref<256xf32, #tpu.memory_space<vmem>>[vector<16xi32>], vector<16xf32>,
    %get3A_146 = arith.constant 1 : i32
    %get3A_147 = arith.index_cast %get3A_146 : i32 to index
    %get3A_148 = arith.constant 0 : index
    %get3A_149 = tpu.vector_load %arg11[%get3A_147, %get3A_148] {strides = array<i32>} : memref<64x128xf32, #tpu.memory_space<vmem>>, vector<16xf32>,
    %get3A_150 = arith.constant 1 : i32
    %get3A_151 = arith.index_cast %get3A_150 : i32 to index
    %get3A_152 = arith.constant 0 : index
    %get3A_153 = tpu.vector_load %arg12[%get3A_151, %get3A_152] {strides = array<i32>} : memref<64x128xf32, #tpu.memory_space<vmem>>, vector<16xf32>,
    %mul3A_154 = arith.mulf %get3A_149, %get3A_153 : vector<16xf32>
    %get3A_155 = arith.constant 1 : i32
    %get3A_156 = arith.index_cast %get3A_155 : i32 to index
    %get3A_157 = arith.constant 16 : index
    %get3A_158 = tpu.vector_load %arg11[%get3A_156, %get3A_157] {strides = array<i32>} : memref<64x128xf32, #tpu.memory_space<vmem>>, vector<16xf32>,
    %get3A_159 = arith.constant 1 : i32
    %get3A_160 = arith.index_cast %get3A_159 : i32 to index
    %get3A_161 = arith.constant 16 : index
    %get3A_162 = tpu.vector_load %arg12[%get3A_160, %get3A_161] {strides = array<i32>} : memref<64x128xf32, #tpu.memory_space<vmem>>, vector<16xf32>,
    %mul3A_163 = arith.mulf %get3A_158, %get3A_162 : vector<16xf32>
    %add3A_164 = arith.addf %mul3A_154, %mul3A_163 : vector<16xf32>
    %get3A_165 = arith.constant 1 : i32
    %get3A_166 = arith.index_cast %get3A_165 : i32 to index
    %get3A_167 = arith.constant 32 : index
    %get3A_168 = tpu.vector_load %arg11[%get3A_166, %get3A_167] {strides = array<i32>} : memref<64x128xf32, #tpu.memory_space<vmem>>, vector<16xf32>,
    %get3A_169 = arith.constant 1 : i32
    %get3A_170 = arith.index_cast %get3A_169 : i32 to index
    %get3A_171 = arith.constant 32 : index
    %get3A_172 = tpu.vector_load %arg12[%get3A_170, %get3A_171] {strides = array<i32>} : memref<64x128xf32, #tpu.memory_space<vmem>>, vector<16xf32>,
    %mul3A_173 = arith.mulf %get3A_168, %get3A_172 : vector<16xf32>
    %add3A_174 = arith.addf %add3A_164, %mul3A_173 : vector<16xf32>
    %get3A_175 = arith.constant 1 : i32
    %get3A_176 = arith.index_cast %get3A_175 : i32 to index
    %get3A_177 = arith.constant 48 : index
    %get3A_178 = tpu.vector_load %arg11[%get3A_176, %get3A_177] {strides = array<i32>} : memref<64x128xf32, #tpu.memory_space<vmem>>, vector<16xf32>,
    %get3A_179 = arith.constant 1 : i32
    %get3A_180 = arith.index_cast %get3A_179 : i32 to index
    %get3A_181 = arith.constant 48 : index
    %get3A_182 = tpu.vector_load %arg12[%get3A_180, %get3A_181] {strides = array<i32>} : memref<64x128xf32, #tpu.memory_space<vmem>>, vector<16xf32>,
    %mul3A_183 = arith.mulf %get3A_178, %get3A_182 : vector<16xf32>
    %add3A_184 = arith.addf %add3A_174, %mul3A_183 : vector<16xf32>
    %get3A_185 = arith.constant 1 : i32
    %get3A_186 = arith.index_cast %get3A_185 : i32 to index
    %get3A_187 = arith.constant 64 : index
    %get3A_188 = tpu.vector_load %arg11[%get3A_186, %get3A_187] {strides = array<i32>} : memref<64x128xf32, #tpu.memory_space<vmem>>, vector<16xf32>,
    %get3A_189 = arith.constant 1 : i32
    %get3A_190 = arith.index_cast %get3A_189 : i32 to index
    %get3A_191 = arith.constant 64 : index
    %get3A_192 = tpu.vector_load %arg12[%get3A_190, %get3A_191] {strides = array<i32>} : memref<64x128xf32, #tpu.memory_space<vmem>>, vector<16xf32>,
    %mul3A_193 = arith.mulf %get3A_188, %get3A_192 : vector<16xf32>
    %add3A_194 = arith.addf %add3A_184, %mul3A_193 : vector<16xf32>
    %get3A_195 = arith.constant 1 : i32
    %get3A_196 = arith.index_cast %get3A_195 : i32 to index
    %get3A_197 = arith.constant 80 : index
    %get3A_198 = tpu.vector_load %arg11[%get3A_196, %get3A_197] {strides = array<i32>} : memref<64x128xf32, #tpu.memory_space<vmem>>, vector<16xf32>,
    %get3A_199 = arith.constant 1 : i32
    %get3A_200 = arith.index_cast %get3A_199 : i32 to index
    %get3A_201 = arith.constant 80 : index
    %get3A_202 = tpu.vector_load %arg12[%get3A_200, %get3A_201] {strides = array<i32>} : memref<64x128xf32, #tpu.memory_space<vmem>>, vector<16xf32>,
    %mul3A_203 = arith.mulf %get3A_198, %get3A_202 : vector<16xf32>
    %add3A_204 = arith.addf %add3A_194, %mul3A_203 : vector<16xf32>
    %get3A_205 = arith.constant 1 : i32
    %get3A_206 = arith.index_cast %get3A_205 : i32 to index
    %get3A_207 = arith.constant 96 : index
    %get3A_208 = tpu.vector_load %arg11[%get3A_206, %get3A_207] {strides = array<i32>} : memref<64x128xf32, #tpu.memory_space<vmem>>, vector<16xf32>,
    %get3A_209 = arith.constant 1 : i32
    %get3A_210 = arith.index_cast %get3A_209 : i32 to index
    %get3A_211 = arith.constant 96 : index
    %get3A_212 = tpu.vector_load %arg12[%get3A_210, %get3A_211] {strides = array<i32>} : memref<64x128xf32, #tpu.memory_space<vmem>>, vector<16xf32>,
    %mul3A_213 = arith.mulf %get3A_208, %get3A_212 : vector<16xf32>
    %add3A_214 = arith.addf %add3A_204, %mul3A_213 : vector<16xf32>
    %get3A_215 = arith.constant 1 : i32
    %get3A_216 = arith.index_cast %get3A_215 : i32 to index
    %get3A_217 = arith.constant 112 : index
    %get3A_218 = tpu.vector_load %arg11[%get3A_216, %get3A_217] {strides = array<i32>} : memref<64x128xf32, #tpu.memory_space<vmem>>, vector<16xf32>,
    %get3A_219 = arith.constant 1 : i32
    %get3A_220 = arith.index_cast %get3A_219 : i32 to index
    %get3A_221 = arith.constant 112 : index
    %get3A_222 = tpu.vector_load %arg12[%get3A_220, %get3A_221] {strides = array<i32>} : memref<64x128xf32, #tpu.memory_space<vmem>>, vector<16xf32>,
    %mul3A_223 = arith.mulf %get3A_218, %get3A_222 : vector<16xf32>
    %add3A_224 = arith.addf %add3A_214, %mul3A_223 : vector<16xf32>
    %mul3A_225 = arith.constant 16 : i32
    %mul3A_226 = vector.broadcast %mul3A_225 : i32 to vector<16xi32>
    %mul3A_227 = arith.muli %iota3A, %mul3A_226 : vector<16xi32>
    %add3A_228 = arith.constant 1 : i32
    %add3A_229 = vector.broadcast %add3A_228 : i32 to vector<16xi32>
    %add3A_230 = arith.addi %mul3A_227, %add3A_229 : vector<16xi32>
    tpu.vector_store_idx %arg16[%add3A_230], %add3A_224 : memref<256xf32, #tpu.memory_space<vmem>>[vector<16xi32>], vector<16xf32>,
    %get3A_231 = arith.constant 2 : i32
    %get3A_232 = arith.index_cast %get3A_231 : i32 to index
    %get3A_233 = arith.constant 0 : index
    %get3A_234 = tpu.vector_load %arg11[%get3A_232, %get3A_233] {strides = array<i32>} : memref<64x128xf32, #tpu.memory_space<vmem>>, vector<16xf32>,
    %get3A_235 = arith.constant 2 : i32
    %get3A_236 = arith.index_cast %get3A_235 : i32 to index
    %get3A_237 = arith.constant 0 : index
    %get3A_238 = tpu.vector_load %arg12[%get3A_236, %get3A_237] {strides = array<i32>} : memref<64x128xf32, #tpu.memory_space<vmem>>, vector<16xf32>,
    %mul3A_239 = arith.mulf %get3A_234, %get3A_238 : vector<16xf32>
    %get3A_240 = arith.constant 2 : i32
    %get3A_241 = arith.index_cast %get3A_240 : i32 to index
    %get3A_242 = arith.constant 16 : index
    %get3A_243 = tpu.vector_load %arg11[%get3A_241, %get3A_242] {strides = array<i32>} : memref<64x128xf32, #tpu.memory_space<vmem>>, vector<16xf32>,
    %get3A_244 = arith.constant 2 : i32
    %get3A_245 = arith.index_cast %get3A_244 : i32 to index
    %get3A_246 = arith.constant 16 : index
    %get3A_247 = tpu.vector_load %arg12[%get3A_245, %get3A_246] {strides = array<i32>} : memref<64x128xf32, #tpu.memory_space<vmem>>, vector<16xf32>,
    %mul3A_248 = arith.mulf %get3A_243, %get3A_247 : vector<16xf32>
    %add3A_249 = arith.addf %mul3A_239, %mul3A_248 : vector<16xf32>
    %get3A_250 = arith.constant 2 : i32
    %get3A_251 = arith.index_cast %get3A_250 : i32 to index
    %get3A_252 = arith.constant 32 : index
    %get3A_253 = tpu.vector_load %arg11[%get3A_251, %get3A_252] {strides = array<i32>} : memref<64x128xf32, #tpu.memory_space<vmem>>, vector<16xf32>,
    %get3A_254 = arith.constant 2 : i32
    %get3A_255 = arith.index_cast %get3A_254 : i32 to index
    %get3A_256 = arith.constant 32 : index
    %get3A_257 = tpu.vector_load %arg12[%get3A_255, %get3A_256] {strides = array<i32>} : memref<64x128xf32, #tpu.memory_space<vmem>>, vector<16xf32>,
    %mul3A_258 = arith.mulf %get3A_253, %get3A_257 : vector<16xf32>
    %add3A_259 = arith.addf %add3A_249, %mul3A_258 : vector<16xf32>
    %get3A_260 = arith.constant 2 : i32
    %get3A_261 = arith.index_cast %get3A_260 : i32 to index
    %get3A_262 = arith.constant 48 : index
    %get3A_263 = tpu.vector_load %arg11[%get3A_261, %get3A_262] {strides = array<i32>} : memref<64x128xf32, #tpu.memory_space<vmem>>, vector<16xf32>,
    %get3A_264 = arith.constant 2 : i32
    %get3A_265 = arith.index_cast %get3A_264 : i32 to index
    %get3A_266 = arith.constant 48 : index
    %get3A_267 = tpu.vector_load %arg12[%get3A_265, %get3A_266] {strides = array<i32>} : memref<64x128xf32, #tpu.memory_space<vmem>>, vector<16xf32>,
    %mul3A_268 = arith.mulf %get3A_263, %get3A_267 : vector<16xf32>
    %add3A_269 = arith.addf %add3A_259, %mul3A_268 : vector<16xf32>
    %get3A_270 = arith.constant 2 : i32
    %get3A_271 = arith.index_cast %get3A_270 : i32 to index
    %get3A_272 = arith.constant 64 : index
    %get3A_273 = tpu.vector_load %arg11[%get3A_271, %get3A_272] {strides = array<i32>} : memref<64x128xf32, #tpu.memory_space<vmem>>, vector<16xf32>,
    %get3A_274 = arith.constant 2 : i32
    %get3A_275 = arith.index_cast %get3A_274 : i32 to index
    %get3A_276 = arith.constant 64 : index
    %get3A_277 = tpu.vector_load %arg12[%get3A_275, %get3A_276] {strides = array<i32>} : memref<64x128xf32, #tpu.memory_space<vmem>>, vector<16xf32>,
    %mul3A_278 = arith.mulf %get3A_273, %get3A_277 : vector<16xf32>
    %add3A_279 = arith.addf %add3A_269, %mul3A_278 : vector<16xf32>
    %get3A_280 = arith.constant 2 : i32
    %get3A_281 = arith.index_cast %get3A_280 : i32 to index
    %get3A_282 = arith.constant 80 : index
    %get3A_283 = tpu.vector_load %arg11[%get3A_281, %get3A_282] {strides = array<i32>} : memref<64x128xf32, #tpu.memory_space<vmem>>, vector<16xf32>,
    %get3A_284 = arith.constant 2 : i32
    %get3A_285 = arith.index_cast %get3A_284 : i32 to index
    %get3A_286 = arith.constant 80 : index
    %get3A_287 = tpu.vector_load %arg12[%get3A_285, %get3A_286] {strides = array<i32>} : memref<64x128xf32, #tpu.memory_space<vmem>>, vector<16xf32>,
    %mul3A_288 = arith.mulf %get3A_283, %get3A_287 : vector<16xf32>
    %add3A_289 = arith.addf %add3A_279, %mul3A_288 : vector<16xf32>
    %get3A_290 = arith.constant 2 : i32
    %get3A_291 = arith.index_cast %get3A_290 : i32 to index
    %get3A_292 = arith.constant 96 : index
    %get3A_293 = tpu.vector_load %arg11[%get3A_291, %get3A_292] {strides = array<i32>} : memref<64x128xf32, #tpu.memory_space<vmem>>, vector<16xf32>,
    %get3A_294 = arith.constant 2 : i32
    %get3A_295 = arith.index_cast %get3A_294 : i32 to index
    %get3A_296 = arith.constant 96 : index
    %get3A_297 = tpu.vector_load %arg12[%get3A_295, %get3A_296] {strides = array<i32>} : memref<64x128xf32, #tpu.memory_space<vmem>>, vector<16xf32>,
    %mul3A_298 = arith.mulf %get3A_293, %get3A_297 : vector<16xf32>
    %add3A_299 = arith.addf %add3A_289, %mul3A_298 : vector<16xf32>
    %get3A_300 = arith.constant 2 : i32
    %get3A_301 = arith.index_cast %get3A_300 : i32 to index
    %get3A_302 = arith.constant 112 : index
    %get3A_303 = tpu.vector_load %arg11[%get3A_301, %get3A_302] {strides = array<i32>} : memref<64x128xf32, #tpu.memory_space<vmem>>, vector<16xf32>,
    %get3A_304 = arith.constant 2 : i32
    %get3A_305 = arith.index_cast %get3A_304 : i32 to index
    %get3A_306 = arith.constant 112 : index
    %get3A_307 = tpu.vector_load %arg12[%get3A_305, %get3A_306] {strides = array<i32>} : memref<64x128xf32, #tpu.memory_space<vmem>>, vector<16xf32>,
    %mul3A_308 = arith.mulf %get3A_303, %get3A_307 : vector<16xf32>
    %add3A_309 = arith.addf %add3A_299, %mul3A_308 : vector<16xf32>
    %mul3A_310 = arith.constant 16 : i32
    %mul3A_311 = vector.broadcast %mul3A_310 : i32 to vector<16xi32>
    %mul3A_312 = arith.muli %iota3A, %mul3A_311 : vector<16xi32>
    %add3A_313 = arith.constant 2 : i32
    %add3A_314 = vector.broadcast %add3A_313 : i32 to vector<16xi32>
    %add3A_315 = arith.addi %mul3A_312, %add3A_314 : vector<16xi32>
    tpu.vector_store_idx %arg16[%add3A_315], %add3A_309 : memref<256xf32, #tpu.memory_space<vmem>>[vector<16xi32>], vector<16xf32>,
    %get3A_316 = arith.constant 3 : i32
    %get3A_317 = arith.index_cast %get3A_316 : i32 to index
    %get3A_318 = arith.constant 0 : index
    %get3A_319 = tpu.vector_load %arg11[%get3A_317, %get3A_318] {strides = array<i32>} : memref<64x128xf32, #tpu.memory_space<vmem>>, vector<16xf32>,
    %get3A_320 = arith.constant 3 : i32
    %get3A_321 = arith.index_cast %get3A_320 : i32 to index
    %get3A_322 = arith.constant 0 : index
    %get3A_323 = tpu.vector_load %arg12[%get3A_321, %get3A_322] {strides = array<i32>} : memref<64x128xf32, #tpu.memory_space<vmem>>, vector<16xf32>,
    %mul3A_324 = arith.mulf %get3A_319, %get3A_323 : vector<16xf32>
    %get3A_325 = arith.constant 3 : i32
    %get3A_326 = arith.index_cast %get3A_325 : i32 to index
    %get3A_327 = arith.constant 16 : index
    %get3A_328 = tpu.vector_load %arg11[%get3A_326, %get3A_327] {strides = array<i32>} : memref<64x128xf32, #tpu.memory_space<vmem>>, vector<16xf32>,
    %get3A_329 = arith.constant 3 : i32
    %get3A_330 = arith.index_cast %get3A_329 : i32 to index
    %get3A_331 = arith.constant 16 : index
    %get3A_332 = tpu.vector_load %arg12[%get3A_330, %get3A_331] {strides = array<i32>} : memref<64x128xf32, #tpu.memory_space<vmem>>, vector<16xf32>,
    %mul3A_333 = arith.mulf %get3A_328, %get3A_332 : vector<16xf32>
    %add3A_334 = arith.addf %mul3A_324, %mul3A_333 : vector<16xf32>
    %get3A_335 = arith.constant 3 : i32
    %get3A_336 = arith.index_cast %get3A_335 : i32 to index
    %get3A_337 = arith.constant 32 : index
    %get3A_338 = tpu.vector_load %arg11[%get3A_336, %get3A_337] {strides = array<i32>} : memref<64x128xf32, #tpu.memory_space<vmem>>, vector<16xf32>,
    %get3A_339 = arith.constant 3 : i32
    %get3A_340 = arith.index_cast %get3A_339 : i32 to index
    %get3A_341 = arith.constant 32 : index
    %get3A_342 = tpu.vector_load %arg12[%get3A_340, %get3A_341] {strides = array<i32>} : memref<64x128xf32, #tpu.memory_space<vmem>>, vector<16xf32>,
    %mul3A_343 = arith.mulf %get3A_338, %get3A_342 : vector<16xf32>
    %add3A_344 = arith.addf %add3A_334, %mul3A_343 : vector<16xf32>
    %get3A_345 = arith.constant 3 : i32
    %get3A_346 = arith.index_cast %get3A_345 : i32 to index
    %get3A_347 = arith.constant 48 : index
    %get3A_348 = tpu.vector_load %arg11[%get3A_346, %get3A_347] {strides = array<i32>} : memref<64x128xf32, #tpu.memory_space<vmem>>, vector<16xf32>,
    %get3A_349 = arith.constant 3 : i32
    %get3A_350 = arith.index_cast %get3A_349 : i32 to index
    %get3A_351 = arith.constant 48 : index
    %get3A_352 = tpu.vector_load %arg12[%get3A_350, %get3A_351] {strides = array<i32>} : memref<64x128xf32, #tpu.memory_space<vmem>>, vector<16xf32>,
    %mul3A_353 = arith.mulf %get3A_348, %get3A_352 : vector<16xf32>
    %add3A_354 = arith.addf %add3A_344, %mul3A_353 : vector<16xf32>
    %get3A_355 = arith.constant 3 : i32
    %get3A_356 = arith.index_cast %get3A_355 : i32 to index
    %get3A_357 = arith.constant 64 : index
    %get3A_358 = tpu.vector_load %arg11[%get3A_356, %get3A_357] {strides = array<i32>} : memref<64x128xf32, #tpu.memory_space<vmem>>, vector<16xf32>,
    %get3A_359 = arith.constant 3 : i32
    %get3A_360 = arith.index_cast %get3A_359 : i32 to index
    %get3A_361 = arith.constant 64 : index
    %get3A_362 = tpu.vector_load %arg12[%get3A_360, %get3A_361] {strides = array<i32>} : memref<64x128xf32, #tpu.memory_space<vmem>>, vector<16xf32>,
    %mul3A_363 = arith.mulf %get3A_358, %get3A_362 : vector<16xf32>
    %add3A_364 = arith.addf %add3A_354, %mul3A_363 : vector<16xf32>
    %get3A_365 = arith.constant 3 : i32
    %get3A_366 = arith.index_cast %get3A_365 : i32 to index
    %get3A_367 = arith.constant 80 : index
    %get3A_368 = tpu.vector_load %arg11[%get3A_366, %get3A_367] {strides = array<i32>} : memref<64x128xf32, #tpu.memory_space<vmem>>, vector<16xf32>,
    %get3A_369 = arith.constant 3 : i32
    %get3A_370 = arith.index_cast %get3A_369 : i32 to index
    %get3A_371 = arith.constant 80 : index
    %get3A_372 = tpu.vector_load %arg12[%get3A_370, %get3A_371] {strides = array<i32>} : memref<64x128xf32, #tpu.memory_space<vmem>>, vector<16xf32>,
    %mul3A_373 = arith.mulf %get3A_368, %get3A_372 : vector<16xf32>
    %add3A_374 = arith.addf %add3A_364, %mul3A_373 : vector<16xf32>
    %get3A_375 = arith.constant 3 : i32
    %get3A_376 = arith.index_cast %get3A_375 : i32 to index
    %get3A_377 = arith.constant 96 : index
    %get3A_378 = tpu.vector_load %arg11[%get3A_376, %get3A_377] {strides = array<i32>} : memref<64x128xf32, #tpu.memory_space<vmem>>, vector<16xf32>,
    %get3A_379 = arith.constant 3 : i32
    %get3A_380 = arith.index_cast %get3A_379 : i32 to index
    %get3A_381 = arith.constant 96 : index
    %get3A_382 = tpu.vector_load %arg12[%get3A_380, %get3A_381] {strides = array<i32>} : memref<64x128xf32, #tpu.memory_space<vmem>>, vector<16xf32>,
    %mul3A_383 = arith.mulf %get3A_378, %get3A_382 : vector<16xf32>
    %add3A_384 = arith.addf %add3A_374, %mul3A_383 : vector<16xf32>
    %get3A_385 = arith.constant 3 : i32
    %get3A_386 = arith.index_cast %get3A_385 : i32 to index
    %get3A_387 = arith.constant 112 : index
    %get3A_388 = tpu.vector_load %arg11[%get3A_386, %get3A_387] {strides = array<i32>} : memref<64x128xf32, #tpu.memory_space<vmem>>, vector<16xf32>,
    %get3A_389 = arith.constant 3 : i32
    %get3A_390 = arith.index_cast %get3A_389 : i32 to index
    %get3A_391 = arith.constant 112 : index
    %get3A_392 = tpu.vector_load %arg12[%get3A_390, %get3A_391] {strides = array<i32>} : memref<64x128xf32, #tpu.memory_space<vmem>>, vector<16xf32>,
    %mul3A_393 = arith.mulf %get3A_388, %get3A_392 : vector<16xf32>
    %add3A_394 = arith.addf %add3A_384, %mul3A_393 : vector<16xf32>
    %mul3A_395 = arith.constant 16 : i32
    %mul3A_396 = vector.broadcast %mul3A_395 : i32 to vector<16xi32>
    %mul3A_397 = arith.muli %iota3A, %mul3A_396 : vector<16xi32>
    %add3A_398 = arith.constant 3 : i32
    %add3A_399 = vector.broadcast %add3A_398 : i32 to vector<16xi32>
    %add3A_400 = arith.addi %mul3A_397, %add3A_399 : vector<16xi32>
    tpu.vector_store_idx %arg16[%add3A_400], %add3A_394 : memref<256xf32, #tpu.memory_space<vmem>>[vector<16xi32>], vector<16xf32>,
    %get3A_401 = arith.constant 4 : i32
    %get3A_402 = arith.index_cast %get3A_401 : i32 to index
    %get3A_403 = arith.constant 0 : index
    %get3A_404 = tpu.vector_load %arg11[%get3A_402, %get3A_403] {strides = array<i32>} : memref<64x128xf32, #tpu.memory_space<vmem>>, vector<16xf32>,
    %get3A_405 = arith.constant 4 : i32
    %get3A_406 = arith.index_cast %get3A_405 : i32 to index
    %get3A_407 = arith.constant 0 : index
    %get3A_408 = tpu.vector_load %arg12[%get3A_406, %get3A_407] {strides = array<i32>} : memref<64x128xf32, #tpu.memory_space<vmem>>, vector<16xf32>,
    %mul3A_409 = arith.mulf %get3A_404, %get3A_408 : vector<16xf32>
    %get3A_410 = arith.constant 4 : i32
    %get3A_411 = arith.index_cast %get3A_410 : i32 to index
    %get3A_412 = arith.constant 16 : index
    %get3A_413 = tpu.vector_load %arg11[%get3A_411, %get3A_412] {strides = array<i32>} : memref<64x128xf32, #tpu.memory_space<vmem>>, vector<16xf32>,
    %get3A_414 = arith.constant 4 : i32
    %get3A_415 = arith.index_cast %get3A_414 : i32 to index
    %get3A_416 = arith.constant 16 : index
    %get3A_417 = tpu.vector_load %arg12[%get3A_415, %get3A_416] {strides = array<i32>} : memref<64x128xf32, #tpu.memory_space<vmem>>, vector<16xf32>,
    %mul3A_418 = arith.mulf %get3A_413, %get3A_417 : vector<16xf32>
    %add3A_419 = arith.addf %mul3A_409, %mul3A_418 : vector<16xf32>
    %get3A_420 = arith.constant 4 : i32
    %get3A_421 = arith.index_cast %get3A_420 : i32 to index
    %get3A_422 = arith.constant 32 : index
    %get3A_423 = tpu.vector_load %arg11[%get3A_421, %get3A_422] {strides = array<i32>} : memref<64x128xf32, #tpu.memory_space<vmem>>, vector<16xf32>,
    %get3A_424 = arith.constant 4 : i32
    %get3A_425 = arith.index_cast %get3A_424 : i32 to index
    %get3A_426 = arith.constant 32 : index
    %get3A_427 = tpu.vector_load %arg12[%get3A_425, %get3A_426] {strides = array<i32>} : memref<64x128xf32, #tpu.memory_space<vmem>>, vector<16xf32>,
    %mul3A_428 = arith.mulf %get3A_423, %get3A_427 : vector<16xf32>
    %add3A_429 = arith.addf %add3A_419, %mul3A_428 : vector<16xf32>
    %get3A_430 = arith.constant 4 : i32
    %get3A_431 = arith.index_cast %get3A_430 : i32 to index
    %get3A_432 = arith.constant 48 : index
    %get3A_433 = tpu.vector_load %arg11[%get3A_431, %get3A_432] {strides = array<i32>} : memref<64x128xf32, #tpu.memory_space<vmem>>, vector<16xf32>,
    %get3A_434 = arith.constant 4 : i32
    %get3A_435 = arith.index_cast %get3A_434 : i32 to index
    %get3A_436 = arith.constant 48 : index
    %get3A_437 = tpu.vector_load %arg12[%get3A_435, %get3A_436] {strides = array<i32>} : memref<64x128xf32, #tpu.memory_space<vmem>>, vector<16xf32>,
    %mul3A_438 = arith.mulf %get3A_433, %get3A_437 : vector<16xf32>
    %add3A_439 = arith.addf %add3A_429, %mul3A_438 : vector<16xf32>
    %get3A_440 = arith.constant 4 : i32
    %get3A_441 = arith.index_cast %get3A_440 : i32 to index
    %get3A_442 = arith.constant 64 : index
    %get3A_443 = tpu.vector_load %arg11[%get3A_441, %get3A_442] {strides = array<i32>} : memref<64x128xf32, #tpu.memory_space<vmem>>, vector<16xf32>,
    %get3A_444 = arith.constant 4 : i32
    %get3A_445 = arith.index_cast %get3A_444 : i32 to index
    %get3A_446 = arith.constant 64 : index
    %get3A_447 = tpu.vector_load %arg12[%get3A_445, %get3A_446] {strides = array<i32>} : memref<64x128xf32, #tpu.memory_space<vmem>>, vector<16xf32>,
    %mul3A_448 = arith.mulf %get3A_443, %get3A_447 : vector<16xf32>
    %add3A_449 = arith.addf %add3A_439, %mul3A_448 : vector<16xf32>
    %get3A_450 = arith.constant 4 : i32
    %get3A_451 = arith.index_cast %get3A_450 : i32 to index
    %get3A_452 = arith.constant 80 : index
    %get3A_453 = tpu.vector_load %arg11[%get3A_451, %get3A_452] {strides = array<i32>} : memref<64x128xf32, #tpu.memory_space<vmem>>, vector<16xf32>,
    %get3A_454 = arith.constant 4 : i32
    %get3A_455 = arith.index_cast %get3A_454 : i32 to index
    %get3A_456 = arith.constant 80 : index
    %get3A_457 = tpu.vector_load %arg12[%get3A_455, %get3A_456] {strides = array<i32>} : memref<64x128xf32, #tpu.memory_space<vmem>>, vector<16xf32>,
    %mul3A_458 = arith.mulf %get3A_453, %get3A_457 : vector<16xf32>
    %add3A_459 = arith.addf %add3A_449, %mul3A_458 : vector<16xf32>
    %get3A_460 = arith.constant 4 : i32
    %get3A_461 = arith.index_cast %get3A_460 : i32 to index
    %get3A_462 = arith.constant 96 : index
    %get3A_463 = tpu.vector_load %arg11[%get3A_461, %get3A_462] {strides = array<i32>} : memref<64x128xf32, #tpu.memory_space<vmem>>, vector<16xf32>,
    %get3A_464 = arith.constant 4 : i32
    %get3A_465 = arith.index_cast %get3A_464 : i32 to index
    %get3A_466 = arith.constant 96 : index
    %get3A_467 = tpu.vector_load %arg12[%get3A_465, %get3A_466] {strides = array<i32>} : memref<64x128xf32, #tpu.memory_space<vmem>>, vector<16xf32>,
    %mul3A_468 = arith.mulf %get3A_463, %get3A_467 : vector<16xf32>
    %add3A_469 = arith.addf %add3A_459, %mul3A_468 : vector<16xf32>
    %get3A_470 = arith.constant 4 : i32
    %get3A_471 = arith.index_cast %get3A_470 : i32 to index
    %get3A_472 = arith.constant 112 : index
    %get3A_473 = tpu.vector_load %arg11[%get3A_471, %get3A_472] {strides = array<i32>} : memref<64x128xf32, #tpu.memory_space<vmem>>, vector<16xf32>,
    %get3A_474 = arith.constant 4 : i32
    %get3A_475 = arith.index_cast %get3A_474 : i32 to index
    %get3A_476 = arith.constant 112 : index
    %get3A_477 = tpu.vector_load %arg12[%get3A_475, %get3A_476] {strides = array<i32>} : memref<64x128xf32, #tpu.memory_space<vmem>>, vector<16xf32>,
    %mul3A_478 = arith.mulf %get3A_473, %get3A_477 : vector<16xf32>
    %add3A_479 = arith.addf %add3A_469, %mul3A_478 : vector<16xf32>
    %mul3A_480 = arith.constant 16 : i32
    %mul3A_481 = vector.broadcast %mul3A_480 : i32 to vector<16xi32>
    %mul3A_482 = arith.muli %iota3A, %mul3A_481 : vector<16xi32>
    %add3A_483 = arith.constant 4 : i32
    %add3A_484 = vector.broadcast %add3A_483 : i32 to vector<16xi32>
    %add3A_485 = arith.addi %mul3A_482, %add3A_484 : vector<16xi32>
    tpu.vector_store_idx %arg16[%add3A_485], %add3A_479 : memref<256xf32, #tpu.memory_space<vmem>>[vector<16xi32>], vector<16xf32>,
    %get3A_486 = arith.constant 5 : i32
    %get3A_487 = arith.index_cast %get3A_486 : i32 to index
    %get3A_488 = arith.constant 0 : index
    %get3A_489 = tpu.vector_load %arg11[%get3A_487, %get3A_488] {strides = array<i32>} : memref<64x128xf32, #tpu.memory_space<vmem>>, vector<16xf32>,
    %get3A_490 = arith.constant 5 : i32
    %get3A_491 = arith.index_cast %get3A_490 : i32 to index
    %get3A_492 = arith.constant 0 : index
    %get3A_493 = tpu.vector_load %arg12[%get3A_491, %get3A_492] {strides = array<i32>} : memref<64x128xf32, #tpu.memory_space<vmem>>, vector<16xf32>,
    %mul3A_494 = arith.mulf %get3A_489, %get3A_493 : vector<16xf32>
    %get3A_495 = arith.constant 5 : i32
    %get3A_496 = arith.index_cast %get3A_495 : i32 to index
    %get3A_497 = arith.constant 16 : index
    %get3A_498 = tpu.vector_load %arg11[%get3A_496, %get3A_497] {strides = array<i32>} : memref<64x128xf32, #tpu.memory_space<vmem>>, vector<16xf32>,
    %get3A_499 = arith.constant 5 : i32
    %get3A_500 = arith.index_cast %get3A_499 : i32 to index
    %get3A_501 = arith.constant 16 : index
    %get3A_502 = tpu.vector_load %arg12[%get3A_500, %get3A_501] {strides = array<i32>} : memref<64x128xf32, #tpu.memory_space<vmem>>, vector<16xf32>,
    %mul3A_503 = arith.mulf %get3A_498, %get3A_502 : vector<16xf32>
    %add3A_504 = arith.addf %mul3A_494, %mul3A_503 : vector<16xf32>
    %get3A_505 = arith.constant 5 : i32
    %get3A_506 = arith.index_cast %get3A_505 : i32 to index
    %get3A_507 = arith.constant 32 : index
    %get3A_508 = tpu.vector_load %arg11[%get3A_506, %get3A_507] {strides = array<i32>} : memref<64x128xf32, #tpu.memory_space<vmem>>, vector<16xf32>,
    %get3A_509 = arith.constant 5 : i32
    %get3A_510 = arith.index_cast %get3A_509 : i32 to index
    %get3A_511 = arith.constant 32 : index
    %get3A_512 = tpu.vector_load %arg12[%get3A_510, %get3A_511] {strides = array<i32>} : memref<64x128xf32, #tpu.memory_space<vmem>>, vector<16xf32>,
    %mul3A_513 = arith.mulf %get3A_508, %get3A_512 : vector<16xf32>
    %add3A_514 = arith.addf %add3A_504, %mul3A_513 : vector<16xf32>
    %get3A_515 = arith.constant 5 : i32
    %get3A_516 = arith.index_cast %get3A_515 : i32 to index
    %get3A_517 = arith.constant 48 : index
    %get3A_518 = tpu.vector_load %arg11[%get3A_516, %get3A_517] {strides = array<i32>} : memref<64x128xf32, #tpu.memory_space<vmem>>, vector<16xf32>,
    %get3A_519 = arith.constant 5 : i32
    %get3A_520 = arith.index_cast %get3A_519 : i32 to index
    %get3A_521 = arith.constant 48 : index
    %get3A_522 = tpu.vector_load %arg12[%get3A_520, %get3A_521] {strides = array<i32>} : memref<64x128xf32, #tpu.memory_space<vmem>>, vector<16xf32>,
    %mul3A_523 = arith.mulf %get3A_518, %get3A_522 : vector<16xf32>
    %add3A_524 = arith.addf %add3A_514, %mul3A_523 : vector<16xf32>
    %get3A_525 = arith.constant 5 : i32
    %get3A_526 = arith.index_cast %get3A_525 : i32 to index
    %get3A_527 = arith.constant 64 : index
    %get3A_528 = tpu.vector_load %arg11[%get3A_526, %get3A_527] {strides = array<i32>} : memref<64x128xf32, #tpu.memory_space<vmem>>, vector<16xf32>,
    %get3A_529 = arith.constant 5 : i32
    %get3A_530 = arith.index_cast %get3A_529 : i32 to index
    %get3A_531 = arith.constant 64 : index
    %get3A_532 = tpu.vector_load %arg12[%get3A_530, %get3A_531] {strides = array<i32>} : memref<64x128xf32, #tpu.memory_space<vmem>>, vector<16xf32>,
    %mul3A_533 = arith.mulf %get3A_528, %get3A_532 : vector<16xf32>
    %add3A_534 = arith.addf %add3A_524, %mul3A_533 : vector<16xf32>
    %get3A_535 = arith.constant 5 : i32
    %get3A_536 = arith.index_cast %get3A_535 : i32 to index
    %get3A_537 = arith.constant 80 : index
    %get3A_538 = tpu.vector_load %arg11[%get3A_536, %get3A_537] {strides = array<i32>} : memref<64x128xf32, #tpu.memory_space<vmem>>, vector<16xf32>,
    %get3A_539 = arith.constant 5 : i32
    %get3A_540 = arith.index_cast %get3A_539 : i32 to index
    %get3A_541 = arith.constant 80 : index
    %get3A_542 = tpu.vector_load %arg12[%get3A_540, %get3A_541] {strides = array<i32>} : memref<64x128xf32, #tpu.memory_space<vmem>>, vector<16xf32>,
    %mul3A_543 = arith.mulf %get3A_538, %get3A_542 : vector<16xf32>
    %add3A_544 = arith.addf %add3A_534, %mul3A_543 : vector<16xf32>
    %get3A_545 = arith.constant 5 : i32
    %get3A_546 = arith.index_cast %get3A_545 : i32 to index
    %get3A_547 = arith.constant 96 : index
    %get3A_548 = tpu.vector_load %arg11[%get3A_546, %get3A_547] {strides = array<i32>} : memref<64x128xf32, #tpu.memory_space<vmem>>, vector<16xf32>,
    %get3A_549 = arith.constant 5 : i32
    %get3A_550 = arith.index_cast %get3A_549 : i32 to index
    %get3A_551 = arith.constant 96 : index
    %get3A_552 = tpu.vector_load %arg12[%get3A_550, %get3A_551] {strides = array<i32>} : memref<64x128xf32, #tpu.memory_space<vmem>>, vector<16xf32>,
    %mul3A_553 = arith.mulf %get3A_548, %get3A_552 : vector<16xf32>
    %add3A_554 = arith.addf %add3A_544, %mul3A_553 : vector<16xf32>
    %get3A_555 = arith.constant 5 : i32
    %get3A_556 = arith.index_cast %get3A_555 : i32 to index
    %get3A_557 = arith.constant 112 : index
    %get3A_558 = tpu.vector_load %arg11[%get3A_556, %get3A_557] {strides = array<i32>} : memref<64x128xf32, #tpu.memory_space<vmem>>, vector<16xf32>,
    %get3A_559 = arith.constant 5 : i32
    %get3A_560 = arith.index_cast %get3A_559 : i32 to index
    %get3A_561 = arith.constant 112 : index
    %get3A_562 = tpu.vector_load %arg12[%get3A_560, %get3A_561] {strides = array<i32>} : memref<64x128xf32, #tpu.memory_space<vmem>>, vector<16xf32>,
    %mul3A_563 = arith.mulf %get3A_558, %get3A_562 : vector<16xf32>
    %add3A_564 = arith.addf %add3A_554, %mul3A_563 : vector<16xf32>
    %mul3A_565 = arith.constant 16 : i32
    %mul3A_566 = vector.broadcast %mul3A_565 : i32 to vector<16xi32>
    %mul3A_567 = arith.muli %iota3A, %mul3A_566 : vector<16xi32>
    %add3A_568 = arith.constant 5 : i32
    %add3A_569 = vector.broadcast %add3A_568 : i32 to vector<16xi32>
    %add3A_570 = arith.addi %mul3A_567, %add3A_569 : vector<16xi32>
    tpu.vector_store_idx %arg16[%add3A_570], %add3A_564 : memref<256xf32, #tpu.memory_space<vmem>>[vector<16xi32>], vector<16xf32>,
    %get3A_571 = arith.constant 6 : i32
    %get3A_572 = arith.index_cast %get3A_571 : i32 to index
    %get3A_573 = arith.constant 0 : index
    %get3A_574 = tpu.vector_load %arg11[%get3A_572, %get3A_573] {strides = array<i32>} : memref<64x128xf32, #tpu.memory_space<vmem>>, vector<16xf32>,
    %get3A_575 = arith.constant 6 : i32
    %get3A_576 = arith.index_cast %get3A_575 : i32 to index
    %get3A_577 = arith.constant 0 : index
    %get3A_578 = tpu.vector_load %arg12[%get3A_576, %get3A_577] {strides = array<i32>} : memref<64x128xf32, #tpu.memory_space<vmem>>, vector<16xf32>,
    %mul3A_579 = arith.mulf %get3A_574, %get3A_578 : vector<16xf32>
    %get3A_580 = arith.constant 6 : i32
    %get3A_581 = arith.index_cast %get3A_580 : i32 to index
    %get3A_582 = arith.constant 16 : index
    %get3A_583 = tpu.vector_load %arg11[%get3A_581, %get3A_582] {strides = array<i32>} : memref<64x128xf32, #tpu.memory_space<vmem>>, vector<16xf32>,
    %get3A_584 = arith.constant 6 : i32
    %get3A_585 = arith.index_cast %get3A_584 : i32 to index
    %get3A_586 = arith.constant 16 : index
    %get3A_587 = tpu.vector_load %arg12[%get3A_585, %get3A_586] {strides = array<i32>} : memref<64x128xf32, #tpu.memory_space<vmem>>, vector<16xf32>,
    %mul3A_588 = arith.mulf %get3A_583, %get3A_587 : vector<16xf32>
    %add3A_589 = arith.addf %mul3A_579, %mul3A_588 : vector<16xf32>
    %get3A_590 = arith.constant 6 : i32
    %get3A_591 = arith.index_cast %get3A_590 : i32 to index
    %get3A_592 = arith.constant 32 : index
    %get3A_593 = tpu.vector_load %arg11[%get3A_591, %get3A_592] {strides = array<i32>} : memref<64x128xf32, #tpu.memory_space<vmem>>, vector<16xf32>,
    %get3A_594 = arith.constant 6 : i32
    %get3A_595 = arith.index_cast %get3A_594 : i32 to index
    %get3A_596 = arith.constant 32 : index
    %get3A_597 = tpu.vector_load %arg12[%get3A_595, %get3A_596] {strides = array<i32>} : memref<64x128xf32, #tpu.memory_space<vmem>>, vector<16xf32>,
    %mul3A_598 = arith.mulf %get3A_593, %get3A_597 : vector<16xf32>
    %add3A_599 = arith.addf %add3A_589, %mul3A_598 : vector<16xf32>
    %get3A_600 = arith.constant 6 : i32
    %get3A_601 = arith.index_cast %get3A_600 : i32 to index
    %get3A_602 = arith.constant 48 : index
    %get3A_603 = tpu.vector_load %arg11[%get3A_601, %get3A_602] {strides = array<i32>} : memref<64x128xf32, #tpu.memory_space<vmem>>, vector<16xf32>,
    %get3A_604 = arith.constant 6 : i32
    %get3A_605 = arith.index_cast %get3A_604 : i32 to index
    %get3A_606 = arith.constant 48 : index
    %get3A_607 = tpu.vector_load %arg12[%get3A_605, %get3A_606] {strides = array<i32>} : memref<64x128xf32, #tpu.memory_space<vmem>>, vector<16xf32>,
    %mul3A_608 = arith.mulf %get3A_603, %get3A_607 : vector<16xf32>
    %add3A_609 = arith.addf %add3A_599, %mul3A_608 : vector<16xf32>
    %get3A_610 = arith.constant 6 : i32
    %get3A_611 = arith.index_cast %get3A_610 : i32 to index
    %get3A_612 = arith.constant 64 : index
    %get3A_613 = tpu.vector_load %arg11[%get3A_611, %get3A_612] {strides = array<i32>} : memref<64x128xf32, #tpu.memory_space<vmem>>, vector<16xf32>,
    %get3A_614 = arith.constant 6 : i32
    %get3A_615 = arith.index_cast %get3A_614 : i32 to index
    %get3A_616 = arith.constant 64 : index
    %get3A_617 = tpu.vector_load %arg12[%get3A_615, %get3A_616] {strides = array<i32>} : memref<64x128xf32, #tpu.memory_space<vmem>>, vector<16xf32>,
    %mul3A_618 = arith.mulf %get3A_613, %get3A_617 : vector<16xf32>
    %add3A_619 = arith.addf %add3A_609, %mul3A_618 : vector<16xf32>
    %get3A_620 = arith.constant 6 : i32
    %get3A_621 = arith.index_cast %get3A_620 : i32 to index
    %get3A_622 = arith.constant 80 : index
    %get3A_623 = tpu.vector_load %arg11[%get3A_621, %get3A_622] {strides = array<i32>} : memref<64x128xf32, #tpu.memory_space<vmem>>, vector<16xf32>,
    %get3A_624 = arith.constant 6 : i32
    %get3A_625 = arith.index_cast %get3A_624 : i32 to index
    %get3A_626 = arith.constant 80 : index
    %get3A_627 = tpu.vector_load %arg12[%get3A_625, %get3A_626] {strides = array<i32>} : memref<64x128xf32, #tpu.memory_space<vmem>>, vector<16xf32>,
    %mul3A_628 = arith.mulf %get3A_623, %get3A_627 : vector<16xf32>
    %add3A_629 = arith.addf %add3A_619, %mul3A_628 : vector<16xf32>
    %get3A_630 = arith.constant 6 : i32
    %get3A_631 = arith.index_cast %get3A_630 : i32 to index
    %get3A_632 = arith.constant 96 : index
    %get3A_633 = tpu.vector_load %arg11[%get3A_631, %get3A_632] {strides = array<i32>} : memref<64x128xf32, #tpu.memory_space<vmem>>, vector<16xf32>,
    %get3A_634 = arith.constant 6 : i32
    %get3A_635 = arith.index_cast %get3A_634 : i32 to index
    %get3A_636 = arith.constant 96 : index
    %get3A_637 = tpu.vector_load %arg12[%get3A_635, %get3A_636] {strides = array<i32>} : memref<64x128xf32, #tpu.memory_space<vmem>>, vector<16xf32>,
    %mul3A_638 = arith.mulf %get3A_633, %get3A_637 : vector<16xf32>
    %add3A_639 = arith.addf %add3A_629, %mul3A_638 : vector<16xf32>
    %get3A_640 = arith.constant 6 : i32
    %get3A_641 = arith.index_cast %get3A_640 : i32 to index
    %get3A_642 = arith.constant 112 : index
    %get3A_643 = tpu.vector_load %arg11[%get3A_641, %get3A_642] {strides = array<i32>} : memref<64x128xf32, #tpu.memory_space<vmem>>, vector<16xf32>,
    %get3A_644 = arith.constant 6 : i32
    %get3A_645 = arith.index_cast %get3A_644 : i32 to index
    %get3A_646 = arith.constant 112 : index
    %get3A_647 = tpu.vector_load %arg12[%get3A_645, %get3A_646] {strides = array<i32>} : memref<64x128xf32, #tpu.memory_space<vmem>>, vector<16xf32>,
    %mul3A_648 = arith.mulf %get3A_643, %get3A_647 : vector<16xf32>
    %add3A_649 = arith.addf %add3A_639, %mul3A_648 : vector<16xf32>
    %mul3A_650 = arith.constant 16 : i32
    %mul3A_651 = vector.broadcast %mul3A_650 : i32 to vector<16xi32>
    %mul3A_652 = arith.muli %iota3A, %mul3A_651 : vector<16xi32>
    %add3A_653 = arith.constant 6 : i32
    %add3A_654 = vector.broadcast %add3A_653 : i32 to vector<16xi32>
    %add3A_655 = arith.addi %mul3A_652, %add3A_654 : vector<16xi32>
    tpu.vector_store_idx %arg16[%add3A_655], %add3A_649 : memref<256xf32, #tpu.memory_space<vmem>>[vector<16xi32>], vector<16xf32>,
    %get3A_656 = arith.constant 7 : i32
    %get3A_657 = arith.index_cast %get3A_656 : i32 to index
    %get3A_658 = arith.constant 0 : index
    %get3A_659 = tpu.vector_load %arg11[%get3A_657, %get3A_658] {strides = array<i32>} : memref<64x128xf32, #tpu.memory_space<vmem>>, vector<16xf32>,
    %get3A_660 = arith.constant 7 : i32
    %get3A_661 = arith.index_cast %get3A_660 : i32 to index
    %get3A_662 = arith.constant 0 : index
    %get3A_663 = tpu.vector_load %arg12[%get3A_661, %get3A_662] {strides = array<i32>} : memref<64x128xf32, #tpu.memory_space<vmem>>, vector<16xf32>,
    %mul3A_664 = arith.mulf %get3A_659, %get3A_663 : vector<16xf32>
    %get3A_665 = arith.constant 7 : i32
    %get3A_666 = arith.index_cast %get3A_665 : i32 to index
    %get3A_667 = arith.constant 16 : index
    %get3A_668 = tpu.vector_load %arg11[%get3A_666, %get3A_667] {strides = array<i32>} : memref<64x128xf32, #tpu.memory_space<vmem>>, vector<16xf32>,
    %get3A_669 = arith.constant 7 : i32
    %get3A_670 = arith.index_cast %get3A_669 : i32 to index
    %get3A_671 = arith.constant 16 : index
    %get3A_672 = tpu.vector_load %arg12[%get3A_670, %get3A_671] {strides = array<i32>} : memref<64x128xf32, #tpu.memory_space<vmem>>, vector<16xf32>,
    %mul3A_673 = arith.mulf %get3A_668, %get3A_672 : vector<16xf32>
    %add3A_674 = arith.addf %mul3A_664, %mul3A_673 : vector<16xf32>
    %get3A_675 = arith.constant 7 : i32
    %get3A_676 = arith.index_cast %get3A_675 : i32 to index
    %get3A_677 = arith.constant 32 : index
    %get3A_678 = tpu.vector_load %arg11[%get3A_676, %get3A_677] {strides = array<i32>} : memref<64x128xf32, #tpu.memory_space<vmem>>, vector<16xf32>,
    %get3A_679 = arith.constant 7 : i32
    %get3A_680 = arith.index_cast %get3A_679 : i32 to index
    %get3A_681 = arith.constant 32 : index
    %get3A_682 = tpu.vector_load %arg12[%get3A_680, %get3A_681] {strides = array<i32>} : memref<64x128xf32, #tpu.memory_space<vmem>>, vector<16xf32>,
    %mul3A_683 = arith.mulf %get3A_678, %get3A_682 : vector<16xf32>
    %add3A_684 = arith.addf %add3A_674, %mul3A_683 : vector<16xf32>
    %get3A_685 = arith.constant 7 : i32
    %get3A_686 = arith.index_cast %get3A_685 : i32 to index
    %get3A_687 = arith.constant 48 : index
    %get3A_688 = tpu.vector_load %arg11[%get3A_686, %get3A_687] {strides = array<i32>} : memref<64x128xf32, #tpu.memory_space<vmem>>, vector<16xf32>,
    %get3A_689 = arith.constant 7 : i32
    %get3A_690 = arith.index_cast %get3A_689 : i32 to index
    %get3A_691 = arith.constant 48 : index
    %get3A_692 = tpu.vector_load %arg12[%get3A_690, %get3A_691] {strides = array<i32>} : memref<64x128xf32, #tpu.memory_space<vmem>>, vector<16xf32>,
    %mul3A_693 = arith.mulf %get3A_688, %get3A_692 : vector<16xf32>
    %add3A_694 = arith.addf %add3A_684, %mul3A_693 : vector<16xf32>
    %get3A_695 = arith.constant 7 : i32
    %get3A_696 = arith.index_cast %get3A_695 : i32 to index
    %get3A_697 = arith.constant 64 : index
    %get3A_698 = tpu.vector_load %arg11[%get3A_696, %get3A_697] {strides = array<i32>} : memref<64x128xf32, #tpu.memory_space<vmem>>, vector<16xf32>,
    %get3A_699 = arith.constant 7 : i32
    %get3A_700 = arith.index_cast %get3A_699 : i32 to index
    %get3A_701 = arith.constant 64 : index
    %get3A_702 = tpu.vector_load %arg12[%get3A_700, %get3A_701] {strides = array<i32>} : memref<64x128xf32, #tpu.memory_space<vmem>>, vector<16xf32>,
    %mul3A_703 = arith.mulf %get3A_698, %get3A_702 : vector<16xf32>
    %add3A_704 = arith.addf %add3A_694, %mul3A_703 : vector<16xf32>
    %get3A_705 = arith.constant 7 : i32
    %get3A_706 = arith.index_cast %get3A_705 : i32 to index
    %get3A_707 = arith.constant 80 : index
    %get3A_708 = tpu.vector_load %arg11[%get3A_706, %get3A_707] {strides = array<i32>} : memref<64x128xf32, #tpu.memory_space<vmem>>, vector<16xf32>,
    %get3A_709 = arith.constant 7 : i32
    %get3A_710 = arith.index_cast %get3A_709 : i32 to index
    %get3A_711 = arith.constant 80 : index
    %get3A_712 = tpu.vector_load %arg12[%get3A_710, %get3A_711] {strides = array<i32>} : memref<64x128xf32, #tpu.memory_space<vmem>>, vector<16xf32>,
    %mul3A_713 = arith.mulf %get3A_708, %get3A_712 : vector<16xf32>
    %add3A_714 = arith.addf %add3A_704, %mul3A_713 : vector<16xf32>
    %get3A_715 = arith.constant 7 : i32
    %get3A_716 = arith.index_cast %get3A_715 : i32 to index
    %get3A_717 = arith.constant 96 : index
    %get3A_718 = tpu.vector_load %arg11[%get3A_716, %get3A_717] {strides = array<i32>} : memref<64x128xf32, #tpu.memory_space<vmem>>, vector<16xf32>,
    %get3A_719 = arith.constant 7 : i32
    %get3A_720 = arith.index_cast %get3A_719 : i32 to index
    %get3A_721 = arith.constant 96 : index
    %get3A_722 = tpu.vector_load %arg12[%get3A_720, %get3A_721] {strides = array<i32>} : memref<64x128xf32, #tpu.memory_space<vmem>>, vector<16xf32>,
    %mul3A_723 = arith.mulf %get3A_718, %get3A_722 : vector<16xf32>
    %add3A_724 = arith.addf %add3A_714, %mul3A_723 : vector<16xf32>
    %get3A_725 = arith.constant 7 : i32
    %get3A_726 = arith.index_cast %get3A_725 : i32 to index
    %get3A_727 = arith.constant 112 : index
    %get3A_728 = tpu.vector_load %arg11[%get3A_726, %get3A_727] {strides = array<i32>} : memref<64x128xf32, #tpu.memory_space<vmem>>, vector<16xf32>,
    %get3A_729 = arith.constant 7 : i32
    %get3A_730 = arith.index_cast %get3A_729 : i32 to index
    %get3A_731 = arith.constant 112 : index
    %get3A_732 = tpu.vector_load %arg12[%get3A_730, %get3A_731] {strides = array<i32>} : memref<64x128xf32, #tpu.memory_space<vmem>>, vector<16xf32>,
    %mul3A_733 = arith.mulf %get3A_728, %get3A_732 : vector<16xf32>
    %add3A_734 = arith.addf %add3A_724, %mul3A_733 : vector<16xf32>
    %mul3A_735 = arith.constant 16 : i32
    %mul3A_736 = vector.broadcast %mul3A_735 : i32 to vector<16xi32>
    %mul3A_737 = arith.muli %iota3A, %mul3A_736 : vector<16xi32>
    %add3A_738 = arith.constant 7 : i32
    %add3A_739 = vector.broadcast %add3A_738 : i32 to vector<16xi32>
    %add3A_740 = arith.addi %mul3A_737, %add3A_739 : vector<16xi32>
    tpu.vector_store_idx %arg16[%add3A_740], %add3A_734 : memref<256xf32, #tpu.memory_space<vmem>>[vector<16xi32>], vector<16xf32>,
    %get3A_741 = arith.constant 8 : i32
    %get3A_742 = arith.index_cast %get3A_741 : i32 to index
    %get3A_743 = arith.constant 0 : index
    %get3A_744 = tpu.vector_load %arg11[%get3A_742, %get3A_743] {strides = array<i32>} : memref<64x128xf32, #tpu.memory_space<vmem>>, vector<16xf32>,
    %get3A_745 = arith.constant 8 : i32
    %get3A_746 = arith.index_cast %get3A_745 : i32 to index
    %get3A_747 = arith.constant 0 : index
    %get3A_748 = tpu.vector_load %arg12[%get3A_746, %get3A_747] {strides = array<i32>} : memref<64x128xf32, #tpu.memory_space<vmem>>, vector<16xf32>,
    %mul3A_749 = arith.mulf %get3A_744, %get3A_748 : vector<16xf32>
    %get3A_750 = arith.constant 8 : i32
    %get3A_751 = arith.index_cast %get3A_750 : i32 to index
    %get3A_752 = arith.constant 16 : index
    %get3A_753 = tpu.vector_load %arg11[%get3A_751, %get3A_752] {strides = array<i32>} : memref<64x128xf32, #tpu.memory_space<vmem>>, vector<16xf32>,
    %get3A_754 = arith.constant 8 : i32
    %get3A_755 = arith.index_cast %get3A_754 : i32 to index
    %get3A_756 = arith.constant 16 : index
    %get3A_757 = tpu.vector_load %arg12[%get3A_755, %get3A_756] {strides = array<i32>} : memref<64x128xf32, #tpu.memory_space<vmem>>, vector<16xf32>,
    %mul3A_758 = arith.mulf %get3A_753, %get3A_757 : vector<16xf32>
    %add3A_759 = arith.addf %mul3A_749, %mul3A_758 : vector<16xf32>
    %get3A_760 = arith.constant 8 : i32
    %get3A_761 = arith.index_cast %get3A_760 : i32 to index
    %get3A_762 = arith.constant 32 : index
    %get3A_763 = tpu.vector_load %arg11[%get3A_761, %get3A_762] {strides = array<i32>} : memref<64x128xf32, #tpu.memory_space<vmem>>, vector<16xf32>,
    %get3A_764 = arith.constant 8 : i32
    %get3A_765 = arith.index_cast %get3A_764 : i32 to index
    %get3A_766 = arith.constant 32 : index
    %get3A_767 = tpu.vector_load %arg12[%get3A_765, %get3A_766] {strides = array<i32>} : memref<64x128xf32, #tpu.memory_space<vmem>>, vector<16xf32>,
    %mul3A_768 = arith.mulf %get3A_763, %get3A_767 : vector<16xf32>
    %add3A_769 = arith.addf %add3A_759, %mul3A_768 : vector<16xf32>
    %get3A_770 = arith.constant 8 : i32
    %get3A_771 = arith.index_cast %get3A_770 : i32 to index
    %get3A_772 = arith.constant 48 : index
    %get3A_773 = tpu.vector_load %arg11[%get3A_771, %get3A_772] {strides = array<i32>} : memref<64x128xf32, #tpu.memory_space<vmem>>, vector<16xf32>,
    %get3A_774 = arith.constant 8 : i32
    %get3A_775 = arith.index_cast %get3A_774 : i32 to index
    %get3A_776 = arith.constant 48 : index
    %get3A_777 = tpu.vector_load %arg12[%get3A_775, %get3A_776] {strides = array<i32>} : memref<64x128xf32, #tpu.memory_space<vmem>>, vector<16xf32>,
    %mul3A_778 = arith.mulf %get3A_773, %get3A_777 : vector<16xf32>
    %add3A_779 = arith.addf %add3A_769, %mul3A_778 : vector<16xf32>
    %get3A_780 = arith.constant 8 : i32
    %get3A_781 = arith.index_cast %get3A_780 : i32 to index
    %get3A_782 = arith.constant 64 : index
    %get3A_783 = tpu.vector_load %arg11[%get3A_781, %get3A_782] {strides = array<i32>} : memref<64x128xf32, #tpu.memory_space<vmem>>, vector<16xf32>,
    %get3A_784 = arith.constant 8 : i32
    %get3A_785 = arith.index_cast %get3A_784 : i32 to index
    %get3A_786 = arith.constant 64 : index
    %get3A_787 = tpu.vector_load %arg12[%get3A_785, %get3A_786] {strides = array<i32>} : memref<64x128xf32, #tpu.memory_space<vmem>>, vector<16xf32>,
    %mul3A_788 = arith.mulf %get3A_783, %get3A_787 : vector<16xf32>
    %add3A_789 = arith.addf %add3A_779, %mul3A_788 : vector<16xf32>
    %get3A_790 = arith.constant 8 : i32
    %get3A_791 = arith.index_cast %get3A_790 : i32 to index
    %get3A_792 = arith.constant 80 : index
    %get3A_793 = tpu.vector_load %arg11[%get3A_791, %get3A_792] {strides = array<i32>} : memref<64x128xf32, #tpu.memory_space<vmem>>, vector<16xf32>,
    %get3A_794 = arith.constant 8 : i32
    %get3A_795 = arith.index_cast %get3A_794 : i32 to index
    %get3A_796 = arith.constant 80 : index
    %get3A_797 = tpu.vector_load %arg12[%get3A_795, %get3A_796] {strides = array<i32>} : memref<64x128xf32, #tpu.memory_space<vmem>>, vector<16xf32>,
    %mul3A_798 = arith.mulf %get3A_793, %get3A_797 : vector<16xf32>
    %add3A_799 = arith.addf %add3A_789, %mul3A_798 : vector<16xf32>
    %get3A_800 = arith.constant 8 : i32
    %get3A_801 = arith.index_cast %get3A_800 : i32 to index
    %get3A_802 = arith.constant 96 : index
    %get3A_803 = tpu.vector_load %arg11[%get3A_801, %get3A_802] {strides = array<i32>} : memref<64x128xf32, #tpu.memory_space<vmem>>, vector<16xf32>,
    %get3A_804 = arith.constant 8 : i32
    %get3A_805 = arith.index_cast %get3A_804 : i32 to index
    %get3A_806 = arith.constant 96 : index
    %get3A_807 = tpu.vector_load %arg12[%get3A_805, %get3A_806] {strides = array<i32>} : memref<64x128xf32, #tpu.memory_space<vmem>>, vector<16xf32>,
    %mul3A_808 = arith.mulf %get3A_803, %get3A_807 : vector<16xf32>
    %add3A_809 = arith.addf %add3A_799, %mul3A_808 : vector<16xf32>
    %get3A_810 = arith.constant 8 : i32
    %get3A_811 = arith.index_cast %get3A_810 : i32 to index
    %get3A_812 = arith.constant 112 : index
    %get3A_813 = tpu.vector_load %arg11[%get3A_811, %get3A_812] {strides = array<i32>} : memref<64x128xf32, #tpu.memory_space<vmem>>, vector<16xf32>,
    %get3A_814 = arith.constant 8 : i32
    %get3A_815 = arith.index_cast %get3A_814 : i32 to index
    %get3A_816 = arith.constant 112 : index
    %get3A_817 = tpu.vector_load %arg12[%get3A_815, %get3A_816] {strides = array<i32>} : memref<64x128xf32, #tpu.memory_space<vmem>>, vector<16xf32>,
    %mul3A_818 = arith.mulf %get3A_813, %get3A_817 : vector<16xf32>
    %add3A_819 = arith.addf %add3A_809, %mul3A_818 : vector<16xf32>
    %mul3A_820 = arith.constant 16 : i32
    %mul3A_821 = vector.broadcast %mul3A_820 : i32 to vector<16xi32>
    %mul3A_822 = arith.muli %iota3A, %mul3A_821 : vector<16xi32>
    %add3A_823 = arith.constant 8 : i32
    %add3A_824 = vector.broadcast %add3A_823 : i32 to vector<16xi32>
    %add3A_825 = arith.addi %mul3A_822, %add3A_824 : vector<16xi32>
    tpu.vector_store_idx %arg16[%add3A_825], %add3A_819 : memref<256xf32, #tpu.memory_space<vmem>>[vector<16xi32>], vector<16xf32>,
    %get3A_826 = arith.constant 9 : i32
    %get3A_827 = arith.index_cast %get3A_826 : i32 to index
    %get3A_828 = arith.constant 0 : index
    %get3A_829 = tpu.vector_load %arg11[%get3A_827, %get3A_828] {strides = array<i32>} : memref<64x128xf32, #tpu.memory_space<vmem>>, vector<16xf32>,
    %get3A_830 = arith.constant 9 : i32
    %get3A_831 = arith.index_cast %get3A_830 : i32 to index
    %get3A_832 = arith.constant 0 : index
    %get3A_833 = tpu.vector_load %arg12[%get3A_831, %get3A_832] {strides = array<i32>} : memref<64x128xf32, #tpu.memory_space<vmem>>, vector<16xf32>,
    %mul3A_834 = arith.mulf %get3A_829, %get3A_833 : vector<16xf32>
    %get3A_835 = arith.constant 9 : i32
    %get3A_836 = arith.index_cast %get3A_835 : i32 to index
    %get3A_837 = arith.constant 16 : index
    %get3A_838 = tpu.vector_load %arg11[%get3A_836, %get3A_837] {strides = array<i32>} : memref<64x128xf32, #tpu.memory_space<vmem>>, vector<16xf32>,
    %get3A_839 = arith.constant 9 : i32
    %get3A_840 = arith.index_cast %get3A_839 : i32 to index
    %get3A_841 = arith.constant 16 : index
    %get3A_842 = tpu.vector_load %arg12[%get3A_840, %get3A_841] {strides = array<i32>} : memref<64x128xf32, #tpu.memory_space<vmem>>, vector<16xf32>,
    %mul3A_843 = arith.mulf %get3A_838, %get3A_842 : vector<16xf32>
    %add3A_844 = arith.addf %mul3A_834, %mul3A_843 : vector<16xf32>
    %get3A_845 = arith.constant 9 : i32
    %get3A_846 = arith.index_cast %get3A_845 : i32 to index
    %get3A_847 = arith.constant 32 : index
    %get3A_848 = tpu.vector_load %arg11[%get3A_846, %get3A_847] {strides = array<i32>} : memref<64x128xf32, #tpu.memory_space<vmem>>, vector<16xf32>,
    %get3A_849 = arith.constant 9 : i32
    %get3A_850 = arith.index_cast %get3A_849 : i32 to index
    %get3A_851 = arith.constant 32 : index
    %get3A_852 = tpu.vector_load %arg12[%get3A_850, %get3A_851] {strides = array<i32>} : memref<64x128xf32, #tpu.memory_space<vmem>>, vector<16xf32>,
    %mul3A_853 = arith.mulf %get3A_848, %get3A_852 : vector<16xf32>
    %add3A_854 = arith.addf %add3A_844, %mul3A_853 : vector<16xf32>
    %get3A_855 = arith.constant 9 : i32
    %get3A_856 = arith.index_cast %get3A_855 : i32 to index
    %get3A_857 = arith.constant 48 : index
    %get3A_858 = tpu.vector_load %arg11[%get3A_856, %get3A_857] {strides = array<i32>} : memref<64x128xf32, #tpu.memory_space<vmem>>, vector<16xf32>,
    %get3A_859 = arith.constant 9 : i32
    %get3A_860 = arith.index_cast %get3A_859 : i32 to index
    %get3A_861 = arith.constant 48 : index
    %get3A_862 = tpu.vector_load %arg12[%get3A_860, %get3A_861] {strides = array<i32>} : memref<64x128xf32, #tpu.memory_space<vmem>>, vector<16xf32>,
    %mul3A_863 = arith.mulf %get3A_858, %get3A_862 : vector<16xf32>
    %add3A_864 = arith.addf %add3A_854, %mul3A_863 : vector<16xf32>
    %get3A_865 = arith.constant 9 : i32
    %get3A_866 = arith.index_cast %get3A_865 : i32 to index
    %get3A_867 = arith.constant 64 : index
    %get3A_868 = tpu.vector_load %arg11[%get3A_866, %get3A_867] {strides = array<i32>} : memref<64x128xf32, #tpu.memory_space<vmem>>, vector<16xf32>,
    %get3A_869 = arith.constant 9 : i32
    %get3A_870 = arith.index_cast %get3A_869 : i32 to index
    %get3A_871 = arith.constant 64 : index
    %get3A_872 = tpu.vector_load %arg12[%get3A_870, %get3A_871] {strides = array<i32>} : memref<64x128xf32, #tpu.memory_space<vmem>>, vector<16xf32>,
    %mul3A_873 = arith.mulf %get3A_868, %get3A_872 : vector<16xf32>
    %add3A_874 = arith.addf %add3A_864, %mul3A_873 : vector<16xf32>
    %get3A_875 = arith.constant 9 : i32
    %get3A_876 = arith.index_cast %get3A_875 : i32 to index
    %get3A_877 = arith.constant 80 : index
    %get3A_878 = tpu.vector_load %arg11[%get3A_876, %get3A_877] {strides = array<i32>} : memref<64x128xf32, #tpu.memory_space<vmem>>, vector<16xf32>,
    %get3A_879 = arith.constant 9 : i32
    %get3A_880 = arith.index_cast %get3A_879 : i32 to index
    %get3A_881 = arith.constant 80 : index
    %get3A_882 = tpu.vector_load %arg12[%get3A_880, %get3A_881] {strides = array<i32>} : memref<64x128xf32, #tpu.memory_space<vmem>>, vector<16xf32>,
    %mul3A_883 = arith.mulf %get3A_878, %get3A_882 : vector<16xf32>
    %add3A_884 = arith.addf %add3A_874, %mul3A_883 : vector<16xf32>
    %get3A_885 = arith.constant 9 : i32
    %get3A_886 = arith.index_cast %get3A_885 : i32 to index
    %get3A_887 = arith.constant 96 : index
    %get3A_888 = tpu.vector_load %arg11[%get3A_886, %get3A_887] {strides = array<i32>} : memref<64x128xf32, #tpu.memory_space<vmem>>, vector<16xf32>,
    %get3A_889 = arith.constant 9 : i32
    %get3A_890 = arith.index_cast %get3A_889 : i32 to index
    %get3A_891 = arith.constant 96 : index
    %get3A_892 = tpu.vector_load %arg12[%get3A_890, %get3A_891] {strides = array<i32>} : memref<64x128xf32, #tpu.memory_space<vmem>>, vector<16xf32>,
    %mul3A_893 = arith.mulf %get3A_888, %get3A_892 : vector<16xf32>
    %add3A_894 = arith.addf %add3A_884, %mul3A_893 : vector<16xf32>
    %get3A_895 = arith.constant 9 : i32
    %get3A_896 = arith.index_cast %get3A_895 : i32 to index
    %get3A_897 = arith.constant 112 : index
    %get3A_898 = tpu.vector_load %arg11[%get3A_896, %get3A_897] {strides = array<i32>} : memref<64x128xf32, #tpu.memory_space<vmem>>, vector<16xf32>,
    %get3A_899 = arith.constant 9 : i32
    %get3A_900 = arith.index_cast %get3A_899 : i32 to index
    %get3A_901 = arith.constant 112 : index
    %get3A_902 = tpu.vector_load %arg12[%get3A_900, %get3A_901] {strides = array<i32>} : memref<64x128xf32, #tpu.memory_space<vmem>>, vector<16xf32>,
    %mul3A_903 = arith.mulf %get3A_898, %get3A_902 : vector<16xf32>
    %add3A_904 = arith.addf %add3A_894, %mul3A_903 : vector<16xf32>
    %mul3A_905 = arith.constant 16 : i32
    %mul3A_906 = vector.broadcast %mul3A_905 : i32 to vector<16xi32>
    %mul3A_907 = arith.muli %iota3A, %mul3A_906 : vector<16xi32>
    %add3A_908 = arith.constant 9 : i32
    %add3A_909 = vector.broadcast %add3A_908 : i32 to vector<16xi32>
    %add3A_910 = arith.addi %mul3A_907, %add3A_909 : vector<16xi32>
    tpu.vector_store_idx %arg16[%add3A_910], %add3A_904 : memref<256xf32, #tpu.memory_space<vmem>>[vector<16xi32>], vector<16xf32>,
    %get3A_911 = arith.constant 10 : i32
    %get3A_912 = arith.index_cast %get3A_911 : i32 to index
    %get3A_913 = arith.constant 0 : index
    %get3A_914 = tpu.vector_load %arg11[%get3A_912, %get3A_913] {strides = array<i32>} : memref<64x128xf32, #tpu.memory_space<vmem>>, vector<16xf32>,
    %get3A_915 = arith.constant 10 : i32
    %get3A_916 = arith.index_cast %get3A_915 : i32 to index
    %get3A_917 = arith.constant 0 : index
    %get3A_918 = tpu.vector_load %arg12[%get3A_916, %get3A_917] {strides = array<i32>} : memref<64x128xf32, #tpu.memory_space<vmem>>, vector<16xf32>,
    %mul3A_919 = arith.mulf %get3A_914, %get3A_918 : vector<16xf32>
    %get3A_920 = arith.constant 10 : i32
    %get3A_921 = arith.index_cast %get3A_920 : i32 to index
    %get3A_922 = arith.constant 16 : index
    %get3A_923 = tpu.vector_load %arg11[%get3A_921, %get3A_922] {strides = array<i32>} : memref<64x128xf32, #tpu.memory_space<vmem>>, vector<16xf32>,
    %get3A_924 = arith.constant 10 : i32
    %get3A_925 = arith.index_cast %get3A_924 : i32 to index
    %get3A_926 = arith.constant 16 : index
    %get3A_927 = tpu.vector_load %arg12[%get3A_925, %get3A_926] {strides = array<i32>} : memref<64x128xf32, #tpu.memory_space<vmem>>, vector<16xf32>,
    %mul3A_928 = arith.mulf %get3A_923, %get3A_927 : vector<16xf32>
    %add3A_929 = arith.addf %mul3A_919, %mul3A_928 : vector<16xf32>
    %get3A_930 = arith.constant 10 : i32
    %get3A_931 = arith.index_cast %get3A_930 : i32 to index
    %get3A_932 = arith.constant 32 : index
    %get3A_933 = tpu.vector_load %arg11[%get3A_931, %get3A_932] {strides = array<i32>} : memref<64x128xf32, #tpu.memory_space<vmem>>, vector<16xf32>,
    %get3A_934 = arith.constant 10 : i32
    %get3A_935 = arith.index_cast %get3A_934 : i32 to index
    %get3A_936 = arith.constant 32 : index
    %get3A_937 = tpu.vector_load %arg12[%get3A_935, %get3A_936] {strides = array<i32>} : memref<64x128xf32, #tpu.memory_space<vmem>>, vector<16xf32>,
    %mul3A_938 = arith.mulf %get3A_933, %get3A_937 : vector<16xf32>
    %add3A_939 = arith.addf %add3A_929, %mul3A_938 : vector<16xf32>
    %get3A_940 = arith.constant 10 : i32
    %get3A_941 = arith.index_cast %get3A_940 : i32 to index
    %get3A_942 = arith.constant 48 : index
    %get3A_943 = tpu.vector_load %arg11[%get3A_941, %get3A_942] {strides = array<i32>} : memref<64x128xf32, #tpu.memory_space<vmem>>, vector<16xf32>,
    %get3A_944 = arith.constant 10 : i32
    %get3A_945 = arith.index_cast %get3A_944 : i32 to index
    %get3A_946 = arith.constant 48 : index
    %get3A_947 = tpu.vector_load %arg12[%get3A_945, %get3A_946] {strides = array<i32>} : memref<64x128xf32, #tpu.memory_space<vmem>>, vector<16xf32>,
    %mul3A_948 = arith.mulf %get3A_943, %get3A_947 : vector<16xf32>
    %add3A_949 = arith.addf %add3A_939, %mul3A_948 : vector<16xf32>
    %get3A_950 = arith.constant 10 : i32
    %get3A_951 = arith.index_cast %get3A_950 : i32 to index
    %get3A_952 = arith.constant 64 : index
    %get3A_953 = tpu.vector_load %arg11[%get3A_951, %get3A_952] {strides = array<i32>} : memref<64x128xf32, #tpu.memory_space<vmem>>, vector<16xf32>,
    %get3A_954 = arith.constant 10 : i32
    %get3A_955 = arith.index_cast %get3A_954 : i32 to index
    %get3A_956 = arith.constant 64 : index
    %get3A_957 = tpu.vector_load %arg12[%get3A_955, %get3A_956] {strides = array<i32>} : memref<64x128xf32, #tpu.memory_space<vmem>>, vector<16xf32>,
    %mul3A_958 = arith.mulf %get3A_953, %get3A_957 : vector<16xf32>
    %add3A_959 = arith.addf %add3A_949, %mul3A_958 : vector<16xf32>
    %get3A_960 = arith.constant 10 : i32
    %get3A_961 = arith.index_cast %get3A_960 : i32 to index
    %get3A_962 = arith.constant 80 : index
    %get3A_963 = tpu.vector_load %arg11[%get3A_961, %get3A_962] {strides = array<i32>} : memref<64x128xf32, #tpu.memory_space<vmem>>, vector<16xf32>,
    %get3A_964 = arith.constant 10 : i32
    %get3A_965 = arith.index_cast %get3A_964 : i32 to index
    %get3A_966 = arith.constant 80 : index
    %get3A_967 = tpu.vector_load %arg12[%get3A_965, %get3A_966] {strides = array<i32>} : memref<64x128xf32, #tpu.memory_space<vmem>>, vector<16xf32>,
    %mul3A_968 = arith.mulf %get3A_963, %get3A_967 : vector<16xf32>
    %add3A_969 = arith.addf %add3A_959, %mul3A_968 : vector<16xf32>
    %get3A_970 = arith.constant 10 : i32
    %get3A_971 = arith.index_cast %get3A_970 : i32 to index
    %get3A_972 = arith.constant 96 : index
    %get3A_973 = tpu.vector_load %arg11[%get3A_971, %get3A_972] {strides = array<i32>} : memref<64x128xf32, #tpu.memory_space<vmem>>, vector<16xf32>,
    %get3A_974 = arith.constant 10 : i32
    %get3A_975 = arith.index_cast %get3A_974 : i32 to index
    %get3A_976 = arith.constant 96 : index
    %get3A_977 = tpu.vector_load %arg12[%get3A_975, %get3A_976] {strides = array<i32>} : memref<64x128xf32, #tpu.memory_space<vmem>>, vector<16xf32>,
    %mul3A_978 = arith.mulf %get3A_973, %get3A_977 : vector<16xf32>
    %add3A_979 = arith.addf %add3A_969, %mul3A_978 : vector<16xf32>
    %get3A_980 = arith.constant 10 : i32
    %get3A_981 = arith.index_cast %get3A_980 : i32 to index
    %get3A_982 = arith.constant 112 : index
    %get3A_983 = tpu.vector_load %arg11[%get3A_981, %get3A_982] {strides = array<i32>} : memref<64x128xf32, #tpu.memory_space<vmem>>, vector<16xf32>,
    %get3A_984 = arith.constant 10 : i32
    %get3A_985 = arith.index_cast %get3A_984 : i32 to index
    %get3A_986 = arith.constant 112 : index
    %get3A_987 = tpu.vector_load %arg12[%get3A_985, %get3A_986] {strides = array<i32>} : memref<64x128xf32, #tpu.memory_space<vmem>>, vector<16xf32>,
    %mul3A_988 = arith.mulf %get3A_983, %get3A_987 : vector<16xf32>
    %add3A_989 = arith.addf %add3A_979, %mul3A_988 : vector<16xf32>
    %mul3A_990 = arith.constant 16 : i32
    %mul3A_991 = vector.broadcast %mul3A_990 : i32 to vector<16xi32>
    %mul3A_992 = arith.muli %iota3A, %mul3A_991 : vector<16xi32>
    %add3A_993 = arith.constant 10 : i32
    %add3A_994 = vector.broadcast %add3A_993 : i32 to vector<16xi32>
    %add3A_995 = arith.addi %mul3A_992, %add3A_994 : vector<16xi32>
    tpu.vector_store_idx %arg16[%add3A_995], %add3A_989 : memref<256xf32, #tpu.memory_space<vmem>>[vector<16xi32>], vector<16xf32>,
    %get3A_996 = arith.constant 11 : i32
    %get3A_997 = arith.index_cast %get3A_996 : i32 to index
    %get3A_998 = arith.constant 0 : index
    %get3A_999 = tpu.vector_load %arg11[%get3A_997, %get3A_998] {strides = array<i32>} : memref<64x128xf32, #tpu.memory_space<vmem>>, vector<16xf32>,
    %get3A_1000 = arith.constant 11 : i32
    %get3A_1001 = arith.index_cast %get3A_1000 : i32 to index
    %get3A_1002 = arith.constant 0 : index
    %get3A_1003 = tpu.vector_load %arg12[%get3A_1001, %get3A_1002] {strides = array<i32>} : memref<64x128xf32, #tpu.memory_space<vmem>>, vector<16xf32>,
    %mul3A_1004 = arith.mulf %get3A_999, %get3A_1003 : vector<16xf32>
    %get3A_1005 = arith.constant 11 : i32
    %get3A_1006 = arith.index_cast %get3A_1005 : i32 to index
    %get3A_1007 = arith.constant 16 : index
    %get3A_1008 = tpu.vector_load %arg11[%get3A_1006, %get3A_1007] {strides = array<i32>} : memref<64x128xf32, #tpu.memory_space<vmem>>, vector<16xf32>,
    %get3A_1009 = arith.constant 11 : i32
    %get3A_1010 = arith.index_cast %get3A_1009 : i32 to index
    %get3A_1011 = arith.constant 16 : index
    %get3A_1012 = tpu.vector_load %arg12[%get3A_1010, %get3A_1011] {strides = array<i32>} : memref<64x128xf32, #tpu.memory_space<vmem>>, vector<16xf32>,
    %mul3A_1013 = arith.mulf %get3A_1008, %get3A_1012 : vector<16xf32>
    %add3A_1014 = arith.addf %mul3A_1004, %mul3A_1013 : vector<16xf32>
    %get3A_1015 = arith.constant 11 : i32
    %get3A_1016 = arith.index_cast %get3A_1015 : i32 to index
    %get3A_1017 = arith.constant 32 : index
    %get3A_1018 = tpu.vector_load %arg11[%get3A_1016, %get3A_1017] {strides = array<i32>} : memref<64x128xf32, #tpu.memory_space<vmem>>, vector<16xf32>,
    %get3A_1019 = arith.constant 11 : i32
    %get3A_1020 = arith.index_cast %get3A_1019 : i32 to index
    %get3A_1021 = arith.constant 32 : index
    %get3A_1022 = tpu.vector_load %arg12[%get3A_1020, %get3A_1021] {strides = array<i32>} : memref<64x128xf32, #tpu.memory_space<vmem>>, vector<16xf32>,
    %mul3A_1023 = arith.mulf %get3A_1018, %get3A_1022 : vector<16xf32>
    %add3A_1024 = arith.addf %add3A_1014, %mul3A_1023 : vector<16xf32>
    %get3A_1025 = arith.constant 11 : i32
    %get3A_1026 = arith.index_cast %get3A_1025 : i32 to index
    %get3A_1027 = arith.constant 48 : index
    %get3A_1028 = tpu.vector_load %arg11[%get3A_1026, %get3A_1027] {strides = array<i32>} : memref<64x128xf32, #tpu.memory_space<vmem>>, vector<16xf32>,
    %get3A_1029 = arith.constant 11 : i32
    %get3A_1030 = arith.index_cast %get3A_1029 : i32 to index
    %get3A_1031 = arith.constant 48 : index
    %get3A_1032 = tpu.vector_load %arg12[%get3A_1030, %get3A_1031] {strides = array<i32>} : memref<64x128xf32, #tpu.memory_space<vmem>>, vector<16xf32>,
    %mul3A_1033 = arith.mulf %get3A_1028, %get3A_1032 : vector<16xf32>
    %add3A_1034 = arith.addf %add3A_1024, %mul3A_1033 : vector<16xf32>
    %get3A_1035 = arith.constant 11 : i32
    %get3A_1036 = arith.index_cast %get3A_1035 : i32 to index
    %get3A_1037 = arith.constant 64 : index
    %get3A_1038 = tpu.vector_load %arg11[%get3A_1036, %get3A_1037] {strides = array<i32>} : memref<64x128xf32, #tpu.memory_space<vmem>>, vector<16xf32>,
    %get3A_1039 = arith.constant 11 : i32
    %get3A_1040 = arith.index_cast %get3A_1039 : i32 to index
    %get3A_1041 = arith.constant 64 : index
    %get3A_1042 = tpu.vector_load %arg12[%get3A_1040, %get3A_1041] {strides = array<i32>} : memref<64x128xf32, #tpu.memory_space<vmem>>, vector<16xf32>,
    %mul3A_1043 = arith.mulf %get3A_1038, %get3A_1042 : vector<16xf32>
    %add3A_1044 = arith.addf %add3A_1034, %mul3A_1043 : vector<16xf32>
    %get3A_1045 = arith.constant 11 : i32
    %get3A_1046 = arith.index_cast %get3A_1045 : i32 to index
    %get3A_1047 = arith.constant 80 : index
    %get3A_1048 = tpu.vector_load %arg11[%get3A_1046, %get3A_1047] {strides = array<i32>} : memref<64x128xf32, #tpu.memory_space<vmem>>, vector<16xf32>,
    %get3A_1049 = arith.constant 11 : i32
    %get3A_1050 = arith.index_cast %get3A_1049 : i32 to index
    %get3A_1051 = arith.constant 80 : index
    %get3A_1052 = tpu.vector_load %arg12[%get3A_1050, %get3A_1051] {strides = array<i32>} : memref<64x128xf32, #tpu.memory_space<vmem>>, vector<16xf32>,
    %mul3A_1053 = arith.mulf %get3A_1048, %get3A_1052 : vector<16xf32>
    %add3A_1054 = arith.addf %add3A_1044, %mul3A_1053 : vector<16xf32>
    %get3A_1055 = arith.constant 11 : i32
    %get3A_1056 = arith.index_cast %get3A_1055 : i32 to index
    %get3A_1057 = arith.constant 96 : index
    %get3A_1058 = tpu.vector_load %arg11[%get3A_1056, %get3A_1057] {strides = array<i32>} : memref<64x128xf32, #tpu.memory_space<vmem>>, vector<16xf32>,
    %get3A_1059 = arith.constant 11 : i32
    %get3A_1060 = arith.index_cast %get3A_1059 : i32 to index
    %get3A_1061 = arith.constant 96 : index
    %get3A_1062 = tpu.vector_load %arg12[%get3A_1060, %get3A_1061] {strides = array<i32>} : memref<64x128xf32, #tpu.memory_space<vmem>>, vector<16xf32>,
    %mul3A_1063 = arith.mulf %get3A_1058, %get3A_1062 : vector<16xf32>
    %add3A_1064 = arith.addf %add3A_1054, %mul3A_1063 : vector<16xf32>
    %get3A_1065 = arith.constant 11 : i32
    %get3A_1066 = arith.index_cast %get3A_1065 : i32 to index
    %get3A_1067 = arith.constant 112 : index
    %get3A_1068 = tpu.vector_load %arg11[%get3A_1066, %get3A_1067] {strides = array<i32>} : memref<64x128xf32, #tpu.memory_space<vmem>>, vector<16xf32>,
    %get3A_1069 = arith.constant 11 : i32
    %get3A_1070 = arith.index_cast %get3A_1069 : i32 to index
    %get3A_1071 = arith.constant 112 : index
    %get3A_1072 = tpu.vector_load %arg12[%get3A_1070, %get3A_1071] {strides = array<i32>} : memref<64x128xf32, #tpu.memory_space<vmem>>, vector<16xf32>,
    %mul3A_1073 = arith.mulf %get3A_1068, %get3A_1072 : vector<16xf32>
    %add3A_1074 = arith.addf %add3A_1064, %mul3A_1073 : vector<16xf32>
    %mul3A_1075 = arith.constant 16 : i32
    %mul3A_1076 = vector.broadcast %mul3A_1075 : i32 to vector<16xi32>
    %mul3A_1077 = arith.muli %iota3A, %mul3A_1076 : vector<16xi32>
    %add3A_1078 = arith.constant 11 : i32
    %add3A_1079 = vector.broadcast %add3A_1078 : i32 to vector<16xi32>
    %add3A_1080 = arith.addi %mul3A_1077, %add3A_1079 : vector<16xi32>
    tpu.vector_store_idx %arg16[%add3A_1080], %add3A_1074 : memref<256xf32, #tpu.memory_space<vmem>>[vector<16xi32>], vector<16xf32>,
    %get3A_1081 = arith.constant 12 : i32
    %get3A_1082 = arith.index_cast %get3A_1081 : i32 to index
    %get3A_1083 = arith.constant 0 : index
    %get3A_1084 = tpu.vector_load %arg11[%get3A_1082, %get3A_1083] {strides = array<i32>} : memref<64x128xf32, #tpu.memory_space<vmem>>, vector<16xf32>,
    %get3A_1085 = arith.constant 12 : i32
    %get3A_1086 = arith.index_cast %get3A_1085 : i32 to index
    %get3A_1087 = arith.constant 0 : index
    %get3A_1088 = tpu.vector_load %arg12[%get3A_1086, %get3A_1087] {strides = array<i32>} : memref<64x128xf32, #tpu.memory_space<vmem>>, vector<16xf32>,
    %mul3A_1089 = arith.mulf %get3A_1084, %get3A_1088 : vector<16xf32>
    %get3A_1090 = arith.constant 12 : i32
    %get3A_1091 = arith.index_cast %get3A_1090 : i32 to index
    %get3A_1092 = arith.constant 16 : index
    %get3A_1093 = tpu.vector_load %arg11[%get3A_1091, %get3A_1092] {strides = array<i32>} : memref<64x128xf32, #tpu.memory_space<vmem>>, vector<16xf32>,
    %get3A_1094 = arith.constant 12 : i32
    %get3A_1095 = arith.index_cast %get3A_1094 : i32 to index
    %get3A_1096 = arith.constant 16 : index
    %get3A_1097 = tpu.vector_load %arg12[%get3A_1095, %get3A_1096] {strides = array<i32>} : memref<64x128xf32, #tpu.memory_space<vmem>>, vector<16xf32>,
    %mul3A_1098 = arith.mulf %get3A_1093, %get3A_1097 : vector<16xf32>
    %add3A_1099 = arith.addf %mul3A_1089, %mul3A_1098 : vector<16xf32>
    %get3A_1100 = arith.constant 12 : i32
    %get3A_1101 = arith.index_cast %get3A_1100 : i32 to index
    %get3A_1102 = arith.constant 32 : index
    %get3A_1103 = tpu.vector_load %arg11[%get3A_1101, %get3A_1102] {strides = array<i32>} : memref<64x128xf32, #tpu.memory_space<vmem>>, vector<16xf32>,
    %get3A_1104 = arith.constant 12 : i32
    %get3A_1105 = arith.index_cast %get3A_1104 : i32 to index
    %get3A_1106 = arith.constant 32 : index
    %get3A_1107 = tpu.vector_load %arg12[%get3A_1105, %get3A_1106] {strides = array<i32>} : memref<64x128xf32, #tpu.memory_space<vmem>>, vector<16xf32>,
    %mul3A_1108 = arith.mulf %get3A_1103, %get3A_1107 : vector<16xf32>
    %add3A_1109 = arith.addf %add3A_1099, %mul3A_1108 : vector<16xf32>
    %get3A_1110 = arith.constant 12 : i32
    %get3A_1111 = arith.index_cast %get3A_1110 : i32 to index
    %get3A_1112 = arith.constant 48 : index
    %get3A_1113 = tpu.vector_load %arg11[%get3A_1111, %get3A_1112] {strides = array<i32>} : memref<64x128xf32, #tpu.memory_space<vmem>>, vector<16xf32>,
    %get3A_1114 = arith.constant 12 : i32
    %get3A_1115 = arith.index_cast %get3A_1114 : i32 to index
    %get3A_1116 = arith.constant 48 : index
    %get3A_1117 = tpu.vector_load %arg12[%get3A_1115, %get3A_1116] {strides = array<i32>} : memref<64x128xf32, #tpu.memory_space<vmem>>, vector<16xf32>,
    %mul3A_1118 = arith.mulf %get3A_1113, %get3A_1117 : vector<16xf32>
    %add3A_1119 = arith.addf %add3A_1109, %mul3A_1118 : vector<16xf32>
    %get3A_1120 = arith.constant 12 : i32
    %get3A_1121 = arith.index_cast %get3A_1120 : i32 to index
    %get3A_1122 = arith.constant 64 : index
    %get3A_1123 = tpu.vector_load %arg11[%get3A_1121, %get3A_1122] {strides = array<i32>} : memref<64x128xf32, #tpu.memory_space<vmem>>, vector<16xf32>,
    %get3A_1124 = arith.constant 12 : i32
    %get3A_1125 = arith.index_cast %get3A_1124 : i32 to index
    %get3A_1126 = arith.constant 64 : index
    %get3A_1127 = tpu.vector_load %arg12[%get3A_1125, %get3A_1126] {strides = array<i32>} : memref<64x128xf32, #tpu.memory_space<vmem>>, vector<16xf32>,
    %mul3A_1128 = arith.mulf %get3A_1123, %get3A_1127 : vector<16xf32>
    %add3A_1129 = arith.addf %add3A_1119, %mul3A_1128 : vector<16xf32>
    %get3A_1130 = arith.constant 12 : i32
    %get3A_1131 = arith.index_cast %get3A_1130 : i32 to index
    %get3A_1132 = arith.constant 80 : index
    %get3A_1133 = tpu.vector_load %arg11[%get3A_1131, %get3A_1132] {strides = array<i32>} : memref<64x128xf32, #tpu.memory_space<vmem>>, vector<16xf32>,
    %get3A_1134 = arith.constant 12 : i32
    %get3A_1135 = arith.index_cast %get3A_1134 : i32 to index
    %get3A_1136 = arith.constant 80 : index
    %get3A_1137 = tpu.vector_load %arg12[%get3A_1135, %get3A_1136] {strides = array<i32>} : memref<64x128xf32, #tpu.memory_space<vmem>>, vector<16xf32>,
    %mul3A_1138 = arith.mulf %get3A_1133, %get3A_1137 : vector<16xf32>
    %add3A_1139 = arith.addf %add3A_1129, %mul3A_1138 : vector<16xf32>
    %get3A_1140 = arith.constant 12 : i32
    %get3A_1141 = arith.index_cast %get3A_1140 : i32 to index
    %get3A_1142 = arith.constant 96 : index
    %get3A_1143 = tpu.vector_load %arg11[%get3A_1141, %get3A_1142] {strides = array<i32>} : memref<64x128xf32, #tpu.memory_space<vmem>>, vector<16xf32>,
    %get3A_1144 = arith.constant 12 : i32
    %get3A_1145 = arith.index_cast %get3A_1144 : i32 to index
    %get3A_1146 = arith.constant 96 : index
    %get3A_1147 = tpu.vector_load %arg12[%get3A_1145, %get3A_1146] {strides = array<i32>} : memref<64x128xf32, #tpu.memory_space<vmem>>, vector<16xf32>,
    %mul3A_1148 = arith.mulf %get3A_1143, %get3A_1147 : vector<16xf32>
    %add3A_1149 = arith.addf %add3A_1139, %mul3A_1148 : vector<16xf32>
    %get3A_1150 = arith.constant 12 : i32
    %get3A_1151 = arith.index_cast %get3A_1150 : i32 to index
    %get3A_1152 = arith.constant 112 : index
    %get3A_1153 = tpu.vector_load %arg11[%get3A_1151, %get3A_1152] {strides = array<i32>} : memref<64x128xf32, #tpu.memory_space<vmem>>, vector<16xf32>,
    %get3A_1154 = arith.constant 12 : i32
    %get3A_1155 = arith.index_cast %get3A_1154 : i32 to index
    %get3A_1156 = arith.constant 112 : index
    %get3A_1157 = tpu.vector_load %arg12[%get3A_1155, %get3A_1156] {strides = array<i32>} : memref<64x128xf32, #tpu.memory_space<vmem>>, vector<16xf32>,
    %mul3A_1158 = arith.mulf %get3A_1153, %get3A_1157 : vector<16xf32>
    %add3A_1159 = arith.addf %add3A_1149, %mul3A_1158 : vector<16xf32>
    %mul3A_1160 = arith.constant 16 : i32
    %mul3A_1161 = vector.broadcast %mul3A_1160 : i32 to vector<16xi32>
    %mul3A_1162 = arith.muli %iota3A, %mul3A_1161 : vector<16xi32>
    %add3A_1163 = arith.constant 12 : i32
    %add3A_1164 = vector.broadcast %add3A_1163 : i32 to vector<16xi32>
    %add3A_1165 = arith.addi %mul3A_1162, %add3A_1164 : vector<16xi32>
    tpu.vector_store_idx %arg16[%add3A_1165], %add3A_1159 : memref<256xf32, #tpu.memory_space<vmem>>[vector<16xi32>], vector<16xf32>,
    %get3A_1166 = arith.constant 13 : i32
    %get3A_1167 = arith.index_cast %get3A_1166 : i32 to index
    %get3A_1168 = arith.constant 0 : index
    %get3A_1169 = tpu.vector_load %arg11[%get3A_1167, %get3A_1168] {strides = array<i32>} : memref<64x128xf32, #tpu.memory_space<vmem>>, vector<16xf32>,
    %get3A_1170 = arith.constant 13 : i32
    %get3A_1171 = arith.index_cast %get3A_1170 : i32 to index
    %get3A_1172 = arith.constant 0 : index
    %get3A_1173 = tpu.vector_load %arg12[%get3A_1171, %get3A_1172] {strides = array<i32>} : memref<64x128xf32, #tpu.memory_space<vmem>>, vector<16xf32>,
    %mul3A_1174 = arith.mulf %get3A_1169, %get3A_1173 : vector<16xf32>
    %get3A_1175 = arith.constant 13 : i32
    %get3A_1176 = arith.index_cast %get3A_1175 : i32 to index
    %get3A_1177 = arith.constant 16 : index
    %get3A_1178 = tpu.vector_load %arg11[%get3A_1176, %get3A_1177] {strides = array<i32>} : memref<64x128xf32, #tpu.memory_space<vmem>>, vector<16xf32>,
    %get3A_1179 = arith.constant 13 : i32
    %get3A_1180 = arith.index_cast %get3A_1179 : i32 to index
    %get3A_1181 = arith.constant 16 : index
    %get3A_1182 = tpu.vector_load %arg12[%get3A_1180, %get3A_1181] {strides = array<i32>} : memref<64x128xf32, #tpu.memory_space<vmem>>, vector<16xf32>,
    %mul3A_1183 = arith.mulf %get3A_1178, %get3A_1182 : vector<16xf32>
    %add3A_1184 = arith.addf %mul3A_1174, %mul3A_1183 : vector<16xf32>
    %get3A_1185 = arith.constant 13 : i32
    %get3A_1186 = arith.index_cast %get3A_1185 : i32 to index
    %get3A_1187 = arith.constant 32 : index
    %get3A_1188 = tpu.vector_load %arg11[%get3A_1186, %get3A_1187] {strides = array<i32>} : memref<64x128xf32, #tpu.memory_space<vmem>>, vector<16xf32>,
    %get3A_1189 = arith.constant 13 : i32
    %get3A_1190 = arith.index_cast %get3A_1189 : i32 to index
    %get3A_1191 = arith.constant 32 : index
    %get3A_1192 = tpu.vector_load %arg12[%get3A_1190, %get3A_1191] {strides = array<i32>} : memref<64x128xf32, #tpu.memory_space<vmem>>, vector<16xf32>,
    %mul3A_1193 = arith.mulf %get3A_1188, %get3A_1192 : vector<16xf32>
    %add3A_1194 = arith.addf %add3A_1184, %mul3A_1193 : vector<16xf32>
    %get3A_1195 = arith.constant 13 : i32
    %get3A_1196 = arith.index_cast %get3A_1195 : i32 to index
    %get3A_1197 = arith.constant 48 : index
    %get3A_1198 = tpu.vector_load %arg11[%get3A_1196, %get3A_1197] {strides = array<i32>} : memref<64x128xf32, #tpu.memory_space<vmem>>, vector<16xf32>,
    %get3A_1199 = arith.constant 13 : i32
    %get3A_1200 = arith.index_cast %get3A_1199 : i32 to index
    %get3A_1201 = arith.constant 48 : index
    %get3A_1202 = tpu.vector_load %arg12[%get3A_1200, %get3A_1201] {strides = array<i32>} : memref<64x128xf32, #tpu.memory_space<vmem>>, vector<16xf32>,
    %mul3A_1203 = arith.mulf %get3A_1198, %get3A_1202 : vector<16xf32>
    %add3A_1204 = arith.addf %add3A_1194, %mul3A_1203 : vector<16xf32>
    %get3A_1205 = arith.constant 13 : i32
    %get3A_1206 = arith.index_cast %get3A_1205 : i32 to index
    %get3A_1207 = arith.constant 64 : index
    %get3A_1208 = tpu.vector_load %arg11[%get3A_1206, %get3A_1207] {strides = array<i32>} : memref<64x128xf32, #tpu.memory_space<vmem>>, vector<16xf32>,
    %get3A_1209 = arith.constant 13 : i32
    %get3A_1210 = arith.index_cast %get3A_1209 : i32 to index
    %get3A_1211 = arith.constant 64 : index
    %get3A_1212 = tpu.vector_load %arg12[%get3A_1210, %get3A_1211] {strides = array<i32>} : memref<64x128xf32, #tpu.memory_space<vmem>>, vector<16xf32>,
    %mul3A_1213 = arith.mulf %get3A_1208, %get3A_1212 : vector<16xf32>
    %add3A_1214 = arith.addf %add3A_1204, %mul3A_1213 : vector<16xf32>
    %get3A_1215 = arith.constant 13 : i32
    %get3A_1216 = arith.index_cast %get3A_1215 : i32 to index
    %get3A_1217 = arith.constant 80 : index
    %get3A_1218 = tpu.vector_load %arg11[%get3A_1216, %get3A_1217] {strides = array<i32>} : memref<64x128xf32, #tpu.memory_space<vmem>>, vector<16xf32>,
    %get3A_1219 = arith.constant 13 : i32
    %get3A_1220 = arith.index_cast %get3A_1219 : i32 to index
    %get3A_1221 = arith.constant 80 : index
    %get3A_1222 = tpu.vector_load %arg12[%get3A_1220, %get3A_1221] {strides = array<i32>} : memref<64x128xf32, #tpu.memory_space<vmem>>, vector<16xf32>,
    %mul3A_1223 = arith.mulf %get3A_1218, %get3A_1222 : vector<16xf32>
    %add3A_1224 = arith.addf %add3A_1214, %mul3A_1223 : vector<16xf32>
    %get3A_1225 = arith.constant 13 : i32
    %get3A_1226 = arith.index_cast %get3A_1225 : i32 to index
    %get3A_1227 = arith.constant 96 : index
    %get3A_1228 = tpu.vector_load %arg11[%get3A_1226, %get3A_1227] {strides = array<i32>} : memref<64x128xf32, #tpu.memory_space<vmem>>, vector<16xf32>,
    %get3A_1229 = arith.constant 13 : i32
    %get3A_1230 = arith.index_cast %get3A_1229 : i32 to index
    %get3A_1231 = arith.constant 96 : index
    %get3A_1232 = tpu.vector_load %arg12[%get3A_1230, %get3A_1231] {strides = array<i32>} : memref<64x128xf32, #tpu.memory_space<vmem>>, vector<16xf32>,
    %mul3A_1233 = arith.mulf %get3A_1228, %get3A_1232 : vector<16xf32>
    %add3A_1234 = arith.addf %add3A_1224, %mul3A_1233 : vector<16xf32>
    %get3A_1235 = arith.constant 13 : i32
    %get3A_1236 = arith.index_cast %get3A_1235 : i32 to index
    %get3A_1237 = arith.constant 112 : index
    %get3A_1238 = tpu.vector_load %arg11[%get3A_1236, %get3A_1237] {strides = array<i32>} : memref<64x128xf32, #tpu.memory_space<vmem>>, vector<16xf32>,
    %get3A_1239 = arith.constant 13 : i32
    %get3A_1240 = arith.index_cast %get3A_1239 : i32 to index
    %get3A_1241 = arith.constant 112 : index
    %get3A_1242 = tpu.vector_load %arg12[%get3A_1240, %get3A_1241] {strides = array<i32>} : memref<64x128xf32, #tpu.memory_space<vmem>>, vector<16xf32>,
    %mul3A_1243 = arith.mulf %get3A_1238, %get3A_1242 : vector<16xf32>
    %add3A_1244 = arith.addf %add3A_1234, %mul3A_1243 : vector<16xf32>
    %mul3A_1245 = arith.constant 16 : i32
    %mul3A_1246 = vector.broadcast %mul3A_1245 : i32 to vector<16xi32>
    %mul3A_1247 = arith.muli %iota3A, %mul3A_1246 : vector<16xi32>
    %add3A_1248 = arith.constant 13 : i32
    %add3A_1249 = vector.broadcast %add3A_1248 : i32 to vector<16xi32>
    %add3A_1250 = arith.addi %mul3A_1247, %add3A_1249 : vector<16xi32>
    tpu.vector_store_idx %arg16[%add3A_1250], %add3A_1244 : memref<256xf32, #tpu.memory_space<vmem>>[vector<16xi32>], vector<16xf32>,
    %get3A_1251 = arith.constant 14 : i32
    %get3A_1252 = arith.index_cast %get3A_1251 : i32 to index
    %get3A_1253 = arith.constant 0 : index
    %get3A_1254 = tpu.vector_load %arg11[%get3A_1252, %get3A_1253] {strides = array<i32>} : memref<64x128xf32, #tpu.memory_space<vmem>>, vector<16xf32>,
    %get3A_1255 = arith.constant 14 : i32
    %get3A_1256 = arith.index_cast %get3A_1255 : i32 to index
    %get3A_1257 = arith.constant 0 : index
    %get3A_1258 = tpu.vector_load %arg12[%get3A_1256, %get3A_1257] {strides = array<i32>} : memref<64x128xf32, #tpu.memory_space<vmem>>, vector<16xf32>,
    %mul3A_1259 = arith.mulf %get3A_1254, %get3A_1258 : vector<16xf32>
    %get3A_1260 = arith.constant 14 : i32
    %get3A_1261 = arith.index_cast %get3A_1260 : i32 to index
    %get3A_1262 = arith.constant 16 : index
    %get3A_1263 = tpu.vector_load %arg11[%get3A_1261, %get3A_1262] {strides = array<i32>} : memref<64x128xf32, #tpu.memory_space<vmem>>, vector<16xf32>,
    %get3A_1264 = arith.constant 14 : i32
    %get3A_1265 = arith.index_cast %get3A_1264 : i32 to index
    %get3A_1266 = arith.constant 16 : index
    %get3A_1267 = tpu.vector_load %arg12[%get3A_1265, %get3A_1266] {strides = array<i32>} : memref<64x128xf32, #tpu.memory_space<vmem>>, vector<16xf32>,
    %mul3A_1268 = arith.mulf %get3A_1263, %get3A_1267 : vector<16xf32>
    %add3A_1269 = arith.addf %mul3A_1259, %mul3A_1268 : vector<16xf32>
    %get3A_1270 = arith.constant 14 : i32
    %get3A_1271 = arith.index_cast %get3A_1270 : i32 to index
    %get3A_1272 = arith.constant 32 : index
    %get3A_1273 = tpu.vector_load %arg11[%get3A_1271, %get3A_1272] {strides = array<i32>} : memref<64x128xf32, #tpu.memory_space<vmem>>, vector<16xf32>,
    %get3A_1274 = arith.constant 14 : i32
    %get3A_1275 = arith.index_cast %get3A_1274 : i32 to index
    %get3A_1276 = arith.constant 32 : index
    %get3A_1277 = tpu.vector_load %arg12[%get3A_1275, %get3A_1276] {strides = array<i32>} : memref<64x128xf32, #tpu.memory_space<vmem>>, vector<16xf32>,
    %mul3A_1278 = arith.mulf %get3A_1273, %get3A_1277 : vector<16xf32>
    %add3A_1279 = arith.addf %add3A_1269, %mul3A_1278 : vector<16xf32>
    %get3A_1280 = arith.constant 14 : i32
    %get3A_1281 = arith.index_cast %get3A_1280 : i32 to index
    %get3A_1282 = arith.constant 48 : index
    %get3A_1283 = tpu.vector_load %arg11[%get3A_1281, %get3A_1282] {strides = array<i32>} : memref<64x128xf32, #tpu.memory_space<vmem>>, vector<16xf32>,
    %get3A_1284 = arith.constant 14 : i32
    %get3A_1285 = arith.index_cast %get3A_1284 : i32 to index
    %get3A_1286 = arith.constant 48 : index
    %get3A_1287 = tpu.vector_load %arg12[%get3A_1285, %get3A_1286] {strides = array<i32>} : memref<64x128xf32, #tpu.memory_space<vmem>>, vector<16xf32>,
    %mul3A_1288 = arith.mulf %get3A_1283, %get3A_1287 : vector<16xf32>
    %add3A_1289 = arith.addf %add3A_1279, %mul3A_1288 : vector<16xf32>
    %get3A_1290 = arith.constant 14 : i32
    %get3A_1291 = arith.index_cast %get3A_1290 : i32 to index
    %get3A_1292 = arith.constant 64 : index
    %get3A_1293 = tpu.vector_load %arg11[%get3A_1291, %get3A_1292] {strides = array<i32>} : memref<64x128xf32, #tpu.memory_space<vmem>>, vector<16xf32>,
    %get3A_1294 = arith.constant 14 : i32
    %get3A_1295 = arith.index_cast %get3A_1294 : i32 to index
    %get3A_1296 = arith.constant 64 : index
    %get3A_1297 = tpu.vector_load %arg12[%get3A_1295, %get3A_1296] {strides = array<i32>} : memref<64x128xf32, #tpu.memory_space<vmem>>, vector<16xf32>,
    %mul3A_1298 = arith.mulf %get3A_1293, %get3A_1297 : vector<16xf32>
    %add3A_1299 = arith.addf %add3A_1289, %mul3A_1298 : vector<16xf32>
    %get3A_1300 = arith.constant 14 : i32
    %get3A_1301 = arith.index_cast %get3A_1300 : i32 to index
    %get3A_1302 = arith.constant 80 : index
    %get3A_1303 = tpu.vector_load %arg11[%get3A_1301, %get3A_1302] {strides = array<i32>} : memref<64x128xf32, #tpu.memory_space<vmem>>, vector<16xf32>,
    %get3A_1304 = arith.constant 14 : i32
    %get3A_1305 = arith.index_cast %get3A_1304 : i32 to index
    %get3A_1306 = arith.constant 80 : index
    %get3A_1307 = tpu.vector_load %arg12[%get3A_1305, %get3A_1306] {strides = array<i32>} : memref<64x128xf32, #tpu.memory_space<vmem>>, vector<16xf32>,
    %mul3A_1308 = arith.mulf %get3A_1303, %get3A_1307 : vector<16xf32>
    %add3A_1309 = arith.addf %add3A_1299, %mul3A_1308 : vector<16xf32>
    %get3A_1310 = arith.constant 14 : i32
    %get3A_1311 = arith.index_cast %get3A_1310 : i32 to index
    %get3A_1312 = arith.constant 96 : index
    %get3A_1313 = tpu.vector_load %arg11[%get3A_1311, %get3A_1312] {strides = array<i32>} : memref<64x128xf32, #tpu.memory_space<vmem>>, vector<16xf32>,
    %get3A_1314 = arith.constant 14 : i32
    %get3A_1315 = arith.index_cast %get3A_1314 : i32 to index
    %get3A_1316 = arith.constant 96 : index
    %get3A_1317 = tpu.vector_load %arg12[%get3A_1315, %get3A_1316] {strides = array<i32>} : memref<64x128xf32, #tpu.memory_space<vmem>>, vector<16xf32>,
    %mul3A_1318 = arith.mulf %get3A_1313, %get3A_1317 : vector<16xf32>
    %add3A_1319 = arith.addf %add3A_1309, %mul3A_1318 : vector<16xf32>
    %get3A_1320 = arith.constant 14 : i32
    %get3A_1321 = arith.index_cast %get3A_1320 : i32 to index
    %get3A_1322 = arith.constant 112 : index
    %get3A_1323 = tpu.vector_load %arg11[%get3A_1321, %get3A_1322] {strides = array<i32>} : memref<64x128xf32, #tpu.memory_space<vmem>>, vector<16xf32>,
    %get3A_1324 = arith.constant 14 : i32
    %get3A_1325 = arith.index_cast %get3A_1324 : i32 to index
    %get3A_1326 = arith.constant 112 : index
    %get3A_1327 = tpu.vector_load %arg12[%get3A_1325, %get3A_1326] {strides = array<i32>} : memref<64x128xf32, #tpu.memory_space<vmem>>, vector<16xf32>,
    %mul3A_1328 = arith.mulf %get3A_1323, %get3A_1327 : vector<16xf32>
    %add3A_1329 = arith.addf %add3A_1319, %mul3A_1328 : vector<16xf32>
    %mul3A_1330 = arith.constant 16 : i32
    %mul3A_1331 = vector.broadcast %mul3A_1330 : i32 to vector<16xi32>
    %mul3A_1332 = arith.muli %iota3A, %mul3A_1331 : vector<16xi32>
    %add3A_1333 = arith.constant 14 : i32
    %add3A_1334 = vector.broadcast %add3A_1333 : i32 to vector<16xi32>
    %add3A_1335 = arith.addi %mul3A_1332, %add3A_1334 : vector<16xi32>
    tpu.vector_store_idx %arg16[%add3A_1335], %add3A_1329 : memref<256xf32, #tpu.memory_space<vmem>>[vector<16xi32>], vector<16xf32>,
    %get3A_1336 = arith.constant 15 : i32
    %get3A_1337 = arith.index_cast %get3A_1336 : i32 to index
    %get3A_1338 = arith.constant 0 : index
    %get3A_1339 = tpu.vector_load %arg11[%get3A_1337, %get3A_1338] {strides = array<i32>} : memref<64x128xf32, #tpu.memory_space<vmem>>, vector<16xf32>,
    %get3A_1340 = arith.constant 15 : i32
    %get3A_1341 = arith.index_cast %get3A_1340 : i32 to index
    %get3A_1342 = arith.constant 0 : index
    %get3A_1343 = tpu.vector_load %arg12[%get3A_1341, %get3A_1342] {strides = array<i32>} : memref<64x128xf32, #tpu.memory_space<vmem>>, vector<16xf32>,
    %mul3A_1344 = arith.mulf %get3A_1339, %get3A_1343 : vector<16xf32>
    %get3A_1345 = arith.constant 15 : i32
    %get3A_1346 = arith.index_cast %get3A_1345 : i32 to index
    %get3A_1347 = arith.constant 16 : index
    %get3A_1348 = tpu.vector_load %arg11[%get3A_1346, %get3A_1347] {strides = array<i32>} : memref<64x128xf32, #tpu.memory_space<vmem>>, vector<16xf32>,
    %get3A_1349 = arith.constant 15 : i32
    %get3A_1350 = arith.index_cast %get3A_1349 : i32 to index
    %get3A_1351 = arith.constant 16 : index
    %get3A_1352 = tpu.vector_load %arg12[%get3A_1350, %get3A_1351] {strides = array<i32>} : memref<64x128xf32, #tpu.memory_space<vmem>>, vector<16xf32>,
    %mul3A_1353 = arith.mulf %get3A_1348, %get3A_1352 : vector<16xf32>
    %add3A_1354 = arith.addf %mul3A_1344, %mul3A_1353 : vector<16xf32>
    %get3A_1355 = arith.constant 15 : i32
    %get3A_1356 = arith.index_cast %get3A_1355 : i32 to index
    %get3A_1357 = arith.constant 32 : index
    %get3A_1358 = tpu.vector_load %arg11[%get3A_1356, %get3A_1357] {strides = array<i32>} : memref<64x128xf32, #tpu.memory_space<vmem>>, vector<16xf32>,
    %get3A_1359 = arith.constant 15 : i32
    %get3A_1360 = arith.index_cast %get3A_1359 : i32 to index
    %get3A_1361 = arith.constant 32 : index
    %get3A_1362 = tpu.vector_load %arg12[%get3A_1360, %get3A_1361] {strides = array<i32>} : memref<64x128xf32, #tpu.memory_space<vmem>>, vector<16xf32>,
    %mul3A_1363 = arith.mulf %get3A_1358, %get3A_1362 : vector<16xf32>
    %add3A_1364 = arith.addf %add3A_1354, %mul3A_1363 : vector<16xf32>
    %get3A_1365 = arith.constant 15 : i32
    %get3A_1366 = arith.index_cast %get3A_1365 : i32 to index
    %get3A_1367 = arith.constant 48 : index
    %get3A_1368 = tpu.vector_load %arg11[%get3A_1366, %get3A_1367] {strides = array<i32>} : memref<64x128xf32, #tpu.memory_space<vmem>>, vector<16xf32>,
    %get3A_1369 = arith.constant 15 : i32
    %get3A_1370 = arith.index_cast %get3A_1369 : i32 to index
    %get3A_1371 = arith.constant 48 : index
    %get3A_1372 = tpu.vector_load %arg12[%get3A_1370, %get3A_1371] {strides = array<i32>} : memref<64x128xf32, #tpu.memory_space<vmem>>, vector<16xf32>,
    %mul3A_1373 = arith.mulf %get3A_1368, %get3A_1372 : vector<16xf32>
    %add3A_1374 = arith.addf %add3A_1364, %mul3A_1373 : vector<16xf32>
    %get3A_1375 = arith.constant 15 : i32
    %get3A_1376 = arith.index_cast %get3A_1375 : i32 to index
    %get3A_1377 = arith.constant 64 : index
    %get3A_1378 = tpu.vector_load %arg11[%get3A_1376, %get3A_1377] {strides = array<i32>} : memref<64x128xf32, #tpu.memory_space<vmem>>, vector<16xf32>,
    %get3A_1379 = arith.constant 15 : i32
    %get3A_1380 = arith.index_cast %get3A_1379 : i32 to index
    %get3A_1381 = arith.constant 64 : index
    %get3A_1382 = tpu.vector_load %arg12[%get3A_1380, %get3A_1381] {strides = array<i32>} : memref<64x128xf32, #tpu.memory_space<vmem>>, vector<16xf32>,
    %mul3A_1383 = arith.mulf %get3A_1378, %get3A_1382 : vector<16xf32>
    %add3A_1384 = arith.addf %add3A_1374, %mul3A_1383 : vector<16xf32>
    %get3A_1385 = arith.constant 15 : i32
    %get3A_1386 = arith.index_cast %get3A_1385 : i32 to index
    %get3A_1387 = arith.constant 80 : index
    %get3A_1388 = tpu.vector_load %arg11[%get3A_1386, %get3A_1387] {strides = array<i32>} : memref<64x128xf32, #tpu.memory_space<vmem>>, vector<16xf32>,
    %get3A_1389 = arith.constant 15 : i32
    %get3A_1390 = arith.index_cast %get3A_1389 : i32 to index
    %get3A_1391 = arith.constant 80 : index
    %get3A_1392 = tpu.vector_load %arg12[%get3A_1390, %get3A_1391] {strides = array<i32>} : memref<64x128xf32, #tpu.memory_space<vmem>>, vector<16xf32>,
    %mul3A_1393 = arith.mulf %get3A_1388, %get3A_1392 : vector<16xf32>
    %add3A_1394 = arith.addf %add3A_1384, %mul3A_1393 : vector<16xf32>
    %get3A_1395 = arith.constant 15 : i32
    %get3A_1396 = arith.index_cast %get3A_1395 : i32 to index
    %get3A_1397 = arith.constant 96 : index
    %get3A_1398 = tpu.vector_load %arg11[%get3A_1396, %get3A_1397] {strides = array<i32>} : memref<64x128xf32, #tpu.memory_space<vmem>>, vector<16xf32>,
    %get3A_1399 = arith.constant 15 : i32
    %get3A_1400 = arith.index_cast %get3A_1399 : i32 to index
    %get3A_1401 = arith.constant 96 : index
    %get3A_1402 = tpu.vector_load %arg12[%get3A_1400, %get3A_1401] {strides = array<i32>} : memref<64x128xf32, #tpu.memory_space<vmem>>, vector<16xf32>,
    %mul3A_1403 = arith.mulf %get3A_1398, %get3A_1402 : vector<16xf32>
    %add3A_1404 = arith.addf %add3A_1394, %mul3A_1403 : vector<16xf32>
    %get3A_1405 = arith.constant 15 : i32
    %get3A_1406 = arith.index_cast %get3A_1405 : i32 to index
    %get3A_1407 = arith.constant 112 : index
    %get3A_1408 = tpu.vector_load %arg11[%get3A_1406, %get3A_1407] {strides = array<i32>} : memref<64x128xf32, #tpu.memory_space<vmem>>, vector<16xf32>,
    %get3A_1409 = arith.constant 15 : i32
    %get3A_1410 = arith.index_cast %get3A_1409 : i32 to index
    %get3A_1411 = arith.constant 112 : index
    %get3A_1412 = tpu.vector_load %arg12[%get3A_1410, %get3A_1411] {strides = array<i32>} : memref<64x128xf32, #tpu.memory_space<vmem>>, vector<16xf32>,
    %mul3A_1413 = arith.mulf %get3A_1408, %get3A_1412 : vector<16xf32>
    %add3A_1414 = arith.addf %add3A_1404, %mul3A_1413 : vector<16xf32>
    %mul3A_1415 = arith.constant 16 : i32
    %mul3A_1416 = vector.broadcast %mul3A_1415 : i32 to vector<16xi32>
    %mul3A_1417 = arith.muli %iota3A, %mul3A_1416 : vector<16xi32>
    %add3A_1418 = arith.constant 15 : i32
    %add3A_1419 = vector.broadcast %add3A_1418 : i32 to vector<16xi32>
    %add3A_1420 = arith.addi %mul3A_1417, %add3A_1419 : vector<16xi32>
    tpu.vector_store_idx %arg16[%add3A_1420], %add3A_1414 : memref<256xf32, #tpu.memory_space<vmem>>[vector<16xi32>], vector<16xf32>,
    %get3A_1421 = arith.constant 0 : index
    %get3A_1422 = tpu.vector_load %arg16[%get3A_1421] {strides = array<i32>} : memref<256xf32, #tpu.memory_space<vmem>>, vector<16xf32>,
    %get3A_1423 = arith.constant 16 : index
    %get3A_1424 = tpu.vector_load %arg16[%get3A_1423] {strides = array<i32>} : memref<256xf32, #tpu.memory_space<vmem>>, vector<16xf32>,
    %add3A_1425 = arith.addf %get3A_1422, %get3A_1424 : vector<16xf32>
    %get3A_1426 = arith.constant 32 : index
    %get3A_1427 = tpu.vector_load %arg16[%get3A_1426] {strides = array<i32>} : memref<256xf32, #tpu.memory_space<vmem>>, vector<16xf32>,
    %add3A_1428 = arith.addf %add3A_1425, %get3A_1427 : vector<16xf32>
    %get3A_1429 = arith.constant 48 : index
    %get3A_1430 = tpu.vector_load %arg16[%get3A_1429] {strides = array<i32>} : memref<256xf32, #tpu.memory_space<vmem>>, vector<16xf32>,
    %add3A_1431 = arith.addf %add3A_1428, %get3A_1430 : vector<16xf32>
    %get3A_1432 = arith.constant 64 : index
    %get3A_1433 = tpu.vector_load %arg16[%get3A_1432] {strides = array<i32>} : memref<256xf32, #tpu.memory_space<vmem>>, vector<16xf32>,
    %add3A_1434 = arith.addf %add3A_1431, %get3A_1433 : vector<16xf32>
    %get3A_1435 = arith.constant 80 : index
    %get3A_1436 = tpu.vector_load %arg16[%get3A_1435] {strides = array<i32>} : memref<256xf32, #tpu.memory_space<vmem>>, vector<16xf32>,
    %add3A_1437 = arith.addf %add3A_1434, %get3A_1436 : vector<16xf32>
    %get3A_1438 = arith.constant 96 : index
    %get3A_1439 = tpu.vector_load %arg16[%get3A_1438] {strides = array<i32>} : memref<256xf32, #tpu.memory_space<vmem>>, vector<16xf32>,
    %add3A_1440 = arith.addf %add3A_1437, %get3A_1439 : vector<16xf32>
    %get3A_1441 = arith.constant 112 : index
    %get3A_1442 = tpu.vector_load %arg16[%get3A_1441] {strides = array<i32>} : memref<256xf32, #tpu.memory_space<vmem>>, vector<16xf32>,
    %add3A_1443 = arith.addf %add3A_1440, %get3A_1442 : vector<16xf32>
    %get3A_1444 = arith.constant 128 : index
    %get3A_1445 = tpu.vector_load %arg16[%get3A_1444] {strides = array<i32>} : memref<256xf32, #tpu.memory_space<vmem>>, vector<16xf32>,
    %add3A_1446 = arith.addf %add3A_1443, %get3A_1445 : vector<16xf32>
    %get3A_1447 = arith.constant 144 : index
    %get3A_1448 = tpu.vector_load %arg16[%get3A_1447] {strides = array<i32>} : memref<256xf32, #tpu.memory_space<vmem>>, vector<16xf32>,
    %add3A_1449 = arith.addf %add3A_1446, %get3A_1448 : vector<16xf32>
    %get3A_1450 = arith.constant 160 : index
    %get3A_1451 = tpu.vector_load %arg16[%get3A_1450] {strides = array<i32>} : memref<256xf32, #tpu.memory_space<vmem>>, vector<16xf32>,
    %add3A_1452 = arith.addf %add3A_1449, %get3A_1451 : vector<16xf32>
    %get3A_1453 = arith.constant 176 : index
    %get3A_1454 = tpu.vector_load %arg16[%get3A_1453] {strides = array<i32>} : memref<256xf32, #tpu.memory_space<vmem>>, vector<16xf32>,
    %add3A_1455 = arith.addf %add3A_1452, %get3A_1454 : vector<16xf32>
    %get3A_1456 = arith.constant 192 : index
    %get3A_1457 = tpu.vector_load %arg16[%get3A_1456] {strides = array<i32>} : memref<256xf32, #tpu.memory_space<vmem>>, vector<16xf32>,
    %add3A_1458 = arith.addf %add3A_1455, %get3A_1457 : vector<16xf32>
    %get3A_1459 = arith.constant 208 : index
    %get3A_1460 = tpu.vector_load %arg16[%get3A_1459] {strides = array<i32>} : memref<256xf32, #tpu.memory_space<vmem>>, vector<16xf32>,
    %add3A_1461 = arith.addf %add3A_1458, %get3A_1460 : vector<16xf32>
    %get3A_1462 = arith.constant 224 : index
    %get3A_1463 = tpu.vector_load %arg16[%get3A_1462] {strides = array<i32>} : memref<256xf32, #tpu.memory_space<vmem>>, vector<16xf32>,
    %add3A_1464 = arith.addf %add3A_1461, %get3A_1463 : vector<16xf32>
    %get3A_1465 = arith.constant 240 : index
    %get3A_1466 = tpu.vector_load %arg16[%get3A_1465] {strides = array<i32>} : memref<256xf32, #tpu.memory_space<vmem>>, vector<16xf32>,
    %add3A_1467 = arith.addf %add3A_1464, %get3A_1466 : vector<16xf32>
    %neg3A = arith.constant 0.000000e+00 : f32
    %neg3A_1468 = vector.broadcast %neg3A : f32 to vector<16xf32>
    %neg3A_1469 = arith.subf %neg3A_1468, %add3A_1467 : vector<16xf32>
    %exp3A = math.exp %neg3A_1469 : vector<16xf32>
    %add3A_1470 = arith.constant 1.000000e+00 : f32
    %add3A_1471 = vector.broadcast %add3A_1470 : f32 to vector<16xf32>
    %add3A_1472 = arith.addf %add3A_1471, %exp3A : vector<16xf32>
    %div3A = arith.constant 1.000000e+00 : f32
    %div3A_1473 = vector.broadcast %div3A : f32 to vector<16xf32>
    %div3A_1474 = arith.divf %div3A_1473, %add3A_1472 : vector<16xf32>
    %swap3A = arith.constant 9984 : index
    %swap3A_1475 = tpu.vector_load %arg15[%swap3A] {strides = array<i32>} : memref<10000xf32, #tpu.memory_space<vmem>>, vector<16xf32>,
    tpu.vector_store %arg15[%swap3A], %div3A_1474 {strides = array<i32>} : memref<10000xf32, #tpu.memory_space<vmem>>, vector<16xf32>,
    "tpu.region"() ({
      %run_scoped3A = tpu.sem_alloc : memref<!tpu.dma_semaphore, #tpu.memory_space<semaphore_mem>>
      %dma_start3A_1476 = tpu.memref_slice %arg5[%mul3A_2] : memref<320000xf32, #tpu.memory_space<hbm>> -> memref<10000xf32, #tpu.memory_space<hbm>>
      %dma_start3A_1477 = tpu.memref_slice %arg5[%mul3A_2] : memref<320000xf32, #tpu.memory_space<hbm>> -> memref<10000xf32, #tpu.memory_space<hbm>>
      tpu.enqueue_dma source(%arg15 : memref<10000xf32, #tpu.memory_space<vmem>>) target(%dma_start3A_1477 : memref<10000xf32, #tpu.memory_space<hbm>>) target_semaphore(%run_scoped3A : memref<!tpu.dma_semaphore, #tpu.memory_space<semaphore_mem>>)
      %dma_wait3A_1478 = tpu.memref_slice %arg5[%mul3A_2] : memref<320000xf32, #tpu.memory_space<hbm>> -> memref<10000xf32, #tpu.memory_space<hbm>>
      %dma_wait3A_1479 = tpu.memref_slice %arg5[%mul3A_2] : memref<320000xf32, #tpu.memory_space<hbm>> -> memref<10000xf32, #tpu.memory_space<hbm>>
      tpu.wait_dma2 semaphore(%run_scoped3A : memref<!tpu.dma_semaphore, #tpu.memory_space<semaphore_mem>>) src(%arg15 : memref<10000xf32, #tpu.memory_space<vmem>>) dst(%dma_wait3A_1479 : memref<10000xf32, #tpu.memory_space<hbm>>)
      tpu.yield
    }) : () -> ()
    return
  }
}

</mosaic_0001>

<sc_bundles>
// kernel: kernel.3.cloned.1.call-start
scs
__scs_entry_jumppad:
0x0: {  	(pc) =	sbr.rel $0x88, $3  }
0x1: {  	(tag) =	ssettag $0x0;
	lr =	simm.s32 $0x1  }
0x2: {  	[smem:$0x3F9F] =	sst lr;
	_ =	strace $0xD0000000  }
0x3: {  	_ = 	snop  }
0x4: {  	_ = 	snop  }
0x5: {  	_ = 	snop  }
0x6: {  	_ = 	snop  }
0x7: {  	_ = 	snop  }
__scs_overlays_trampoline_lowered:
0x8: {  	[smem:$0x3FAE] =	sst s0  }
0x9: {  	[smem:$0x3FAF] =	sst s1  }
0xa: {  	[smem:$0x3FB0] =	sst s2  }
0xb: {  	[smem:$0x3FB1] =	sst s3  }
0xc: {  	[smem:$0x3FB2] =	sst s4  }
0xd: {  	[smem:$0x3FB3] =	sst s5  }
0xe: {  	[smem:$0x3FB4] =	sst s6  }
0xf: {  	[smem:$0x3FB5] =	sst s7  }
0x10: {  	[smem:$0x3FB6] =	sst s8  }
0x11: {  	[smem:$0x3FB7] =	sst s9;
	s0 =	simm.s32 @!p0 $0x0  }
0x12: {  	s1 =	sld [smem:$0x3F9D];
	s0 =	simm.s32 @p0 $0x1  }
0x13: {  	[smem:$0x3FB8] =	sst s0;
	s0 =	simm.s32 @!p1 $0x0  }
0x14: {  	s2 =	sld [smem:$0x3F9C];
	s0 =	simm.s32 @p1 $0x1  }
0x15: {  	[smem:$0x3FB9] =	sst s0;
	s0 =	simm.s32 @!p2 $0x0  }
0x16: {  	s3 =	sld [smem:$0x3FDB];
	s0 =	simm.s32 @p2 $0x1  }
0x17: {  	s4 =	simm.s32 $0x1BF5;
	[smem:$0x3FBB] =	sst s0  }
0x18: {  	s0 =	sld [smem:$0x3F9E];
	_ =	swait.ge [sflag:s4], $0x0  }
0x19: {  	s7 =	sld [smem:$0x3F9F]  }
0x1a: {  	s8 =	sadd.s32 $0xFFFFE003, lr  }
0x1b: {  	s9 =	sadd.s32 $0xFFFFFEF7, lr;
	s5 =	simm.s32 $0xFFFFFFFF;
	p2 =	slt.u32 s8, $0xFFFFF086  }
0x1c: {  	p1 =	slt.u32 s9, $0xF7A;
	s5 =	simm.s32 @!p2 $0x0  }
0x1d: {  	s5 =	simm.s32 @p1 $0x1;
	p0 =	seq.s32 s7, s2  }
0x1e: {  	s7 =	smul.u32 @!p0 $0xF7A, s2;
	p2 =	seq.s32 @!p0 s5, $0x0  }
0x1f: {  	s9 =	smul.u32 $0xF7A, s1;
	s8 =	simm.s32 @!p0 $0x1BF5;
	p2 =	por !p2, p0  }
0x20: {  	[sflag:s8] =	ssyncset.s32 @!p0 $0xFFFFF086;
	s6 =	sadd.s32 @!p0 s3, s7;
	s7 =	simm.s32 @!p0 $0x108  }
0x21: {  	s3 =	sadd.s32 s3, s9;
	s6 =	sadd.s32 @!p0 $0x88, s6;
	s7 =	simm.s32 @p2 $0x1082  }
0x22: {  	[simem:s7], [sflag:s8] =	dma.local @!p0 [hbm:s6], $0xF7A  }
0x23: {  	s9 =	sor.u32 $0xD0000000, s2;
	s6 =	simm.s32 $0x108;
	_ =	swait.ge @!p0 [sflag:s8], $0x0  }
0x24: {  	s3 =	sadd.s32 $0x88, s3;
	s6 =	simm.s32 @!p1 $0x1082;
	[sflag:s4] =	ssyncset.s32 $0xFFFFF086  }
0x25: {  	[simem:s6], [sflag:s4] =	dma.local [hbm:s3], $0xF7A  }
0x26: {  	[smem:$0x3F9F] =	sst s1;
	(tag) =	ssettag s2;
	_ =	strace s9  }
0x27: {  	s1 =	sld [smem:$0x3FAF]  }
0x28: {  	s2 =	sld [smem:$0x3FB0]  }
0x29: {  	s4 =	sld [smem:$0x3FB2]  }
0x2a: {  	p0 =	seq.s32 s5, $0x0;
	s5 =	sld [smem:$0x3FB3]  }
0x2b: {  	s6 =	sld [smem:$0x3FB4]  }
0x2c: {  	s7 =	sld [smem:$0x3FB5]  }
0x2d: {  	s3 =	simm.s32 $0x108;
	s8 =	sld [smem:$0x3FB6]  }
0x2e: {  	s3 =	simm.s32 @!p0 $0x1082;
	s9 =	sld [smem:$0x3FB7]  }
0x2f: {  	lr =	sadd.s32 s0, s3;
	s0 =	sld [smem:$0x3FAE]  }
0x30: {  	s3 =	sld [smem:$0x3FB1]  }
0x31: {  	[smem:$0x3FBA] =	sst s10  }
0x32: {  	s10 =	sld [smem:$0x3FB8];
	_ =	sdelay $0x3  }
0x33: {  	p0 =	seq.s32 s10, $0x1;
	s10 =	sld [smem:$0x3FBA];
	_ =	sdelay $0x3  }
0x34: {  	[smem:$0x3FBA] =	sst s10  }
0x35: {  	s10 =	sld [smem:$0x3FB9];
	_ =	sdelay $0x3  }
0x36: {  	p1 =	seq.s32 s10, $0x1;
	s10 =	sld [smem:$0x3FBA];
	_ =	sdelay $0x3  }
0x37: {  	[smem:$0x3FBA] =	sst s10  }
0x38: {  	s10 =	sld [smem:$0x3FBB]  }
0x39: {  	_ = 	snop;
	(pc) =	sbr.ind lr, $3  }
0x3a: {  	_ = 	snop  }
0x3b: {  	_ = 	snop  }
0x3c: {  	p2 =	seq.s32 s10, $0x1;
	s10 =	sld [smem:$0x3FBA]  }
0x3d: {  	_ =	shalt  }
0x3e: {  	_ =	shalt  }
0x3f: {  	_ =	shalt  }
0x40: {  	_ =	shalt  }
0x41: {  	_ =	shalt  }
0x42: {  	_ =	shalt  }
0x43: {  	_ =	shalt  }
0x44: {  	_ =	shalt  }
0x45: {  	_ =	shalt  }
0x46: {  	_ =	shalt  }
0x47: {  	_ =	shalt  }
0x48: {  	_ =	shalt  }
0x49: {  	_ =	shalt  }
0x4a: {  	_ =	shalt  }
0x4b: {  	_ =	shalt  }
0x4c: {  	_ =	shalt  }
0x4d: {  	_ =	shalt  }
0x4e: {  	_ =	shalt  }
0x4f: {  	_ =	shalt  }
0x50: {  	_ =	shalt  }
0x51: {  	_ =	shalt  }
0x52: {  	_ =	shalt  }
0x53: {  	_ =	shalt  }
0x54: {  	_ =	shalt  }
0x55: {  	_ =	shalt  }
0x56: {  	_ =	shalt  }
0x57: {  	_ =	shalt  }
0x58: {  	_ =	shalt  }
0x59: {  	_ =	shalt  }
0x5a: {  	_ =	shalt  }
0x5b: {  	_ =	shalt  }
0x5c: {  	_ =	shalt  }
0x5d: {  	_ =	shalt  }
0x5e: {  	_ =	shalt  }
0x5f: {  	_ =	shalt  }
0x60: {  	_ =	shalt  }
0x61: {  	_ =	shalt  }
0x62: {  	_ =	shalt  }
0x63: {  	_ =	shalt  }
0x64: {  	_ =	shalt  }
0x65: {  	_ =	shalt  }
0x66: {  	_ =	shalt  }
0x67: {  	_ =	shalt  }
0x68: {  	_ =	shalt  }
0x69: {  	_ =	shalt  }
0x6a: {  	_ =	shalt  }
0x6b: {  	_ =	shalt  }
0x6c: {  	_ =	shalt  }
0x6d: {  	_ =	shalt  }
0x6e: {  	_ =	shalt  }
0x6f: {  	_ =	shalt  }
0x70: {  	_ =	shalt  }
0x71: {  	_ =	shalt  }
0x72: {  	_ =	shalt  }
0x73: {  	_ =	shalt  }
0x74: {  	_ =	shalt  }
0x75: {  	_ =	shalt  }
0x76: {  	_ =	shalt  }
0x77: {  	_ =	shalt  }
0x78: {  	_ =	shalt  }
0x79: {  	_ =	shalt  }
0x7a: {  	_ =	shalt  }
0x7b: {  	_ =	shalt  }
0x7c: {  	_ =	shalt  }
0x7d: {  	_ =	shalt  }
0x7e: {  	_ =	shalt  }
0x7f: {  	_ =	shalt  }
0x80: {  	_ =	shalt  }
0x81: {  	_ =	shalt  }
0x82: {  	_ =	shalt  }
0x83: {  	_ =	shalt  }
0x84: {  	_ =	shalt  }
0x85: {  	_ =	shalt  }
0x86: {  	_ =	shalt  }
0x87: {  	_ =	shalt  }
.Lfunc_end0:
.L_simem_size_0:
called_computation_lowered:
.L_overlay_start_0:
0x88: {  	s2 =	sld [smem:$0x3FD9]  }
0x89: {  	s3 =	sld [smem:$0x3FFE];
	_ =	sdelay $0x1  }
0x8a: {  	s1 =	srdreg.scid  }
0x8b: {  	s0 =	sand.u32 $0x1, s1  }
0x8c: {  	s17 =	sshll.u32 s0, $0xA;
	s2 =	sadd.s32 s3, s2  }
0x8d: {  	s2 =	sadd.s32 s2, s17  }
0x8e: {  	[smem:$0x3FC6] =	sst s2  }
0x8f: {  	_ = 	snop  }
0x90: {  	s2 =	sld [smem:$0x3FC9]  }
0x91: {  	s18 =	sld [smem:$0x3FD0];
	(tm) =	ssettm $0x1  }
0x92: {  	s4 =	sld [smem:$0x3FFB];
	_ =	sdelay $0x3  }
0x93: {  	_ =	strace s4  }
0x94: {  	s4 =	sld [smem:$0x3FFC];
	_ =	sdelay $0x3  }
0x95: {  	_ =	strace s4  }
0x96: {  	s4 =	sld [smem:$0x3FFD];
	_ =	sdelay $0x3  }
0x97: {  	_ =	strace s4  }
0x98: {  	_ =	strace $0x8FFFFFFF  }
0x99: {  	s19 =	sld [smem:$0x3FDB];
	_ =	sdelay $0x1  }
0x9a: {  	s5 =	simm.s32 $_scs_section_size  }
0x9b: {  	s6 =	simm.s32 $_size__tile_overlayer_lowered;
	s7 =	simm.s32 $_tile_overlayer_lowered  }
0x9c: {  	s22 =	simm.s32 $0x1BFF;
	s21 =	sshll.u32 s7, $0x1;
	s4 =	sadd.s32 s5, s19  }
0x9d: {  	s8 =	simm.s32 $0x0;
	s20 =	sshll.u32 s6, $0x1;
	s6 =	sadd.s32 s21, s4  }
0x9e: {  	[timem:s8], [sflag:s22] =	dma.local [hbm:s6], s20  }
0x9f: {  	_ =	swait.ge [sflag:s22], s20  }
0xa0: {  	s5 =	ssub.s32 $0x0, s20;
	[sflag:s22] =	ssyncset.done $0x0  }
0xa1: {  	[sflag:s22] =	ssyncadd.s32 s5;
	_ =	sdelay $0x1  }
0xa2: {  	s23 =	simm.s32 $0x1B8B  }
0xa3: {  	_ =	swait.ge [sflag:s23], $0x1  }
0xa4: {  	[sflag:s23] =	ssyncset.done $0x0  }
0xa5: {  	s25 =	simm.s32 $0x1B8E;
	s24 =	sld [smem:$0x3FFE];
	[sflag:s23] =	ssyncadd.s32 $0xFFFFFFFF  }
0xa6: {  	s26 =	simm.s32 $execute0_lowered;
	[smem:$0x3FD2] =	sst s25  }
0xa7: {  	s6 =	sshll.u32 s26, $0x1;
	_ =	strace $0x80000046;
	[dreg:$0x1] =	wrdreg $0xFFFFFFFF  }
0xa8: {  	s28 =	simm.s32 $_size_execute0_lowered;
	s4 =	sadd.s32 s4, s6;
	[dreg:$0x0] =	wrdreg $0x0  }
0xa9: {  	s6 =	sshll.u32 s28, $0x1;
	[dreg:$0x2] =	wrdreg s4  }
0xaa: {  	[dreg:$0x3] =	wrdreg s6  }
0xab: {  	[dreg:$0x4] =	wrdreg $0xC0  }
0xac: {  	_ =	task [dreg:s8], $0x5FFFF  }
0xad: {  	[dreg:$0x1] =	wrdreg $0xFFFFFFFF  }
0xae: {  	[dreg:$0x0] =	wrdreg $0x60  }
0xaf: {  	[dreg:$0x2] =	wrdreg s2  }
0xb0: {  	[dreg:$0x3] =	wrdreg s24  }
0xb1: {  	[dreg:$0x4] =	wrdreg s18  }
0xb2: {  	[dreg:$0x5] =	wrdreg $0x0  }
0xb3: {  	[dreg:$0x6] =	wrdreg $0x9  }
0xb4: {  	_ =	task.clear_ibuf [dreg:s8], $0x7FFFF;
	_ =	strace $0x90000046  }
0xb5: {  	s29 =	simm.s32 $0x9;
	_ =	strace $0x80000048  }
0xb6: {  	_ =	swait.ge [sflag:s29], $0x1  }
0xb7: {  	[sflag:s29] =	ssyncadd.s32 $0xFFFFFFFF  }
0xb8: {  	_ =	strace $0x90000048  }
0xb9: {  	_ =	sfence  }
0xba: {  	s30 =	sld [smem:$0x0];
	_ =	sdelay $0x2  }
0xbb: {  	s31 =	sshll.u32 s1, $0xD;
	s1 =	sshrl.u32 s1, $0x2  }
0xbc: {  	s3 =	sand.u32 $0x4000, s31;
	s1 =	sadd.s32 s1, s30  }
0xbd: {  	s0 =	sor.u32 s3, s0;
	s1 =	sshll.u32 s1, $0x11  }
0xbe: {  	s0 =	sor.u32 s1, s0  }
0xbf: {  	s0 =	sadd.s32 $0x8F2B, s0  }
0xc0: {  	[sflag:s0] =	ssyncadd.remote.s32 $0x1  }
0xc1: {  	_ =	sfence.sel $0xFFFF  }
0xc2: {  	[dreg:$0x0] =	wrdreg $0xFFFFFFFF;
	(pc) =	sbr.abs _section_cstart, $3  }
0xc3: {  	[dreg:$0x1] =	wrdreg $0xFFFFFFFF  }
0xc4: {  	_ =	task.clear_ibuf [dreg:s8], $0x2FFFF;
	_ =	strace $0x9FFFFFFF  }
0xc5: {  	(tm) =	ssettm $0x7FFFFFFF  }
tec
execute0_lowered:
.L_overlay_start_1:
0x0: {  	(tag) =	ssettag $0x1  }
0x1: {  	s0 =	rddreg [dreg:$0x0]  }
0x2: {  	s1 =	rddreg [dreg:$0x1]  }
0x3: {  	s5 =	rddreg [dreg:$0x2]  }
0x4: {  	s2 =	rddreg [dreg:$0x3];
	s3 =	simm.s32 $0x0  }
0x5: {  	s4 =	srdreg.scid;
	s7 =	stileid.u32;
	s29 =	simm.s32 $0x7  }
0x6: {  	s30 =	simm.s32 $0x8;
	s31 =	simm.s32 $0x17A80;
	[smem:$0x7FF] =	sst s3  }
0x7: {  	s6 =	sand.u32 $0x1, s4;
	s4 =	sadd.s32 $0x9E00, s1;
	s11 =	smul.u32 $0x4E000, s7  }
0x8: {  	s10 =	sshll.u32 s7, $0x1;
	s17 =	smul.u32 $0x2700, s7;
	s19 =	sshll.u32 s7, $0x6  }
0x9: {  	p0 =	sne.s32 s7, $0x0;
	s7 =	simm.s32 $0x2;
	s8 =	ssub.s32 $0x2, s6  }
0xa: {  	_ =	strace $0x80000047;
	s6 =	sor.u32 s6, s10;
	s9 =	sshrl.u32 s8, $0x1  }
0xb: {  	s10 =	smul.u32 $0x2710, s6;
	s18 =	sshrl.u32 s11, $0x2;
	s20 =	sadd.s32 s0, s17  }
0xc: {  	s6 =	sor.u32 $0x1C09, s19;
	s0 =	sadd.s32 $0x27000, s0;
	s19 =	simm.s32 $0x9  }
0xd: {  	s8 =	ssub.s32 s8, s9;
	s14 =	sadd.s32 s18, s2;
	[dreg:$0x5] =	wrdreg s20  }
0xe: {  	s9 =	sadd.s32 $0x138000, s2;
	[dreg:$0x6] =	wrdreg s0;
	s21 =	sshrl.u32 s10, $0x3  }
0xf: {  	s13 =	sadd.s32 $0xC0, s10;
	s17 =	smax.u32 s8, $0x1;
	s18 =	sshrl.u32 s14, $0x3  }
0x10: {  	s20 =	sshrl.u32 @!p0 s9, $0x3;
	s14 =	simm.s32 $0x15A80;
	s8 =	simm.s32 $0x1E200  }
0x11: {  	s9 =	simm.s32 $0x0;
	s22 =	sadd.s32 s4, s21;
	s23 =	sadd.s32 s1, s21  }
0x12: {  	v0 =	vlaneseq.u32;
	s24 =	sadd.s32 $0x8, s21;
	s25 =	sadd.s32 $0x4E0, s21;
	s0 =	sadd.s32 s5, s21  }
0x13: {  	v0 =	vmul.u32 $0x10, v0;
	s21 =	simm.s32 $0x13880;
	s5 =	simm.s32 $0x1;
	[dreg:$0x7] =	wrdreg s22  }
0x14: {  	[dreg:$0x8] =	wrdreg s23;
	s12 =	sadd.s32 s4, s24;
	s11 =	sadd.s32 s1, s24  }
0x15: {  	v1 =	vor.u32 $0x1, v0;
	v2 =	vor.u32 $0x2, v0;
	v3 =	vor.u32 $0x3, v0;
	s26 =	sadd.s32 s4, s25;
	s28 =	sadd.s32 s1, s25;
	[dreg:$0xd] =	wrdreg s0  }
0x16: {  	v4 =	vor.u32 $0x4, v0;
	v5 =	vor.u32 $0x5, v0;
	v6 =	vor.u32 $0x6, v0;
	s22 =	simm.s32 $0x13900;
	s23 =	simm.s32 $0x13980;
	[dreg:$0x9] =	wrdreg s12  }
0x17: {  	v7 =	vor.u32 $0x7, v0;
	v8 =	vor.u32 $0x8, v0;
	v9 =	vor.u32 $0x9, v0;
	s24 =	simm.s32 $0x13A00;
	s25 =	simm.s32 $0x40;
	[dreg:$0xa] =	wrdreg s11  }
0x18: {  	v10 =	vor.u32 $0xA, v0;
	v11 =	vor.u32 $0xB, v0;
	v12 =	vor.u32 $0xC, v0;
	s0 =	simm.s32 $0x19A80;
	s12 =	sadd.s32 $0x80, s10;
	[dreg:$0xb] =	wrdreg s26  }
0x19: {  	v13 =	vor.u32 $0xD, v0;
	v14 =	vor.u32 $0xE, v0;
	v15 =	vor.u32 $0xF, v0;
	[dreg:$0xc] =	wrdreg s28;
	s11 =	simm.s32 $0x13A80;
	s26 =	simm.s32 $0x10  }
.LBB2_1:
0x1a: {  	s10 =	rddreg [dreg:$0x5]  }
0x1b: {  	[spmem:s18], [sflag:s6] =	dma.local [hbm:s10], $0x2700  }
0x1c: {  	_ =	swait.ge [sflag:s19], $0x2700  }
0x1d: {  	[sflag:s19] =	ssyncset.done $0x0  }
0x1e: {  	s10 =	rddreg [dreg:$0x6];
	[sflag:s19] =	ssyncadd.s32 $0xFFFFD900  }
0x1f: {  	[spmem:s20], [sflag:s6] =	dma.local @!p0 [hbm:s10], $0x100  }
0x20: {  	s10 =	simm.s32 @!p0 $0x9  }
0x21: {  	_ =	swait.ge @!p0 [sflag:s10], $0x100  }
0x22: {  	[sflag:s10] =	ssyncset.done @!p0 $0x0  }
0x23: {  	[sflag:s10] =	ssyncadd.s32 @!p0 $0xFFFFFF00  }
0x24: {  	[bflag:$0x0] =	sbarrier.arrive $0xFFFF  }
0x25: {  	s15 =	rddreg [dreg:$0x7]  }
0x26: {  	[tilespmem:s21], [sflag:$0x9] =	stream.linear.gather [hbm4b:s15+s3], $0x40, $0x38;
	[tilespmem:$0x1E300] =	vst v63  }
0x27: {  	_ =	swait.ge [sflag:s19], $0x40  }
0x28: {  	[sflag:s19] =	ssyncset.done $0x0  }
0x29: {  	s16 =	rddreg [dreg:$0x8];
	[sflag:s19] =	ssyncadd.s32 $0xFFFFFFC0  }
0x2a: {  	[tilespmem:s22], [sflag:$0x9] =	stream.linear.gather [hbm4b:s16+s3], $0x40, $0x38;
	[tilespmem:$0x1E300] =	vst v63  }
0x2b: {  	_ =	swait.ge [sflag:s19], $0x40  }
0x2c: {  	[sflag:s19] =	ssyncset.done $0x0  }
0x2d: {  	s15 =	rddreg [dreg:$0x9];
	[sflag:s19] =	ssyncadd.s32 $0xFFFFFFC0  }
0x2e: {  	[tilespmem:s23], [sflag:$0x7] =	stream.linear.gather [hbm4b:s15+s3], $0x40, $0x38;
	[tilespmem:$0x1E300] =	vst v63  }
0x2f: {  	s16 =	rddreg [dreg:$0xa]  }
0x30: {  	[tilespmem:s24], [sflag:$0x8] =	stream.linear.gather [hbm4b:s16+s3], $0x40, $0x38;
	[tilespmem:$0x1E300] =	vst v63  }
0x31: {  	_ = 	snop  }
0x32: {  	[tilespmem:s11], [sflag:$0x1] =	stream.indirect.gather [spmem:s2], $0x80, s21, s25, $0xb8;
	[tilespmem:$0x1E300] =	vst v63  }
0x33: {  	s28 =	simm.s32 $0x0  }
0x34: {  	[tilespmem:s14], [sflag:$0x2] =	stream.indirect.gather [spmem:s2], $0x80, s22, s25, $0xb8;
	[tilespmem:$0x1E300] =	vst v63  }
.LBB2_2:
0x35: {  	_ =	swait.ge [sflag:s29], $0x40  }
0x36: {  	[sflag:s29] =	ssyncset.done $0x0  }
0x37: {  	[sflag:s29] =	ssyncadd.s32 $0xFFFFFFC0  }
0x38: {  	_ =	swait.ge [sflag:s30], $0x40  }
0x39: {  	[sflag:s30] =	ssyncset.done $0x0  }
0x3a: {  	[sflag:s30] =	ssyncadd.s32 $0xFFFFFFC0  }
0x3b: {  	[tilespmem:s31], [sflag:$0x3] =	stream.indirect.gather [spmem:s2], $0x80, s23, s25, $0xb8;
	[tilespmem:$0x1E300] =	vst v63  }
0x3c: {  	_ = 	snop  }
0x3d: {  	[tilespmem:s0], [sflag:$0x4] =	stream.indirect.gather [spmem:s2], $0x80, s24, s25, $0xb8;
	[tilespmem:$0x1E300] =	vst v63  }
0x3e: {  	_ =	swait.ge [sflag:s5], $0x2000  }
0x3f: {  	[sflag:s5] =	ssyncset.done $0x0  }
0x40: {  	s10 =	sshll.u32 s28, $0x7;
	p1 =	seq.s32 s28, $0x4D;
	[sflag:s5] =	ssyncadd.s32 $0xFFFFE000  }
0x41: {  	s11 =	sadd.s32 @!p1 s10, s12;
	_ =	swait.ge [sflag:s7], $0x2000  }
0x42: {  	s15 =	simm.s32 @!p1 $0x0;
	s11 =	sshrl.u32 @!p1 s11, $0x3;
	[sflag:s7] =	ssyncset.done $0x0  }
0x43: {  	s16 =	simm.s32 @!p1 $0x13880;
	s14 =	sadd.s32 @!p1 s4, s11;
	[sflag:s7] =	ssyncadd.s32 $0xFFFFE000  }
0x44: {  	[tilespmem:s16], [sflag:$0x5] =	stream.linear.gather @!p1 [hbm4b:s14+s15], $0x40, $0x38;
	[tilespmem:$0x1E300] =	vst v63  }
0x45: {  	s11 =	sadd.s32 @!p1 s1, s11;
	s14 =	simm.s32 @!p1 $0x13900  }
0x46: {  	[tilespmem:s14], [sflag:$0x6] =	stream.linear.gather @!p1 [hbm4b:s11+s15], $0x40, $0x38;
	[tilespmem:$0x1E300] =	vst v63  }
0x47: {  	s11 =	sand.u32 $0x3FFFFF80, s10  }
0x48: {  	s16 =	sadd.s32 $0x1BA80, s11  }
0x49: {  	s14 =	simm.s32 $0x0;
	v16 =	vmov s16  }
.LBB2_3:
0x4a: {  	s15 =	sshll.u32 s14, $0xB  }
0x4b: {  	v17 =	vld [tilespmem:s15+$0x13A80]  }
0x4c: {  	v18 =	vld [tilespmem:s15+$0x15A80]  }
0x4d: {  	v19 =	vld [tilespmem:s15+$0x13A90]  }
0x4e: {  	v20 =	vld [tilespmem:s15+$0x15A90]  }
0x4f: {  	v21 =	vld [tilespmem:s15+$0x13AA0]  }
0x50: {  	v22 =	vld [tilespmem:s15+$0x15AA0]  }
0x51: {  	v23 =	vld [tilespmem:s15+$0x13AB0]  }
0x52: {  	v24 =	vld [tilespmem:s15+$0x15AB0]  }
0x53: {  	v32 =	vld [tilespmem:s15+$0x15AC0];
	v17 =	vmul.f32 v18, v17;
	v18 =	vmul.f32 v20, v19  }
0x54: {  	v19 =	vld [tilespmem:s15+$0x13AC0]  }
0x55: {  	v33 =	vld [tilespmem:s15+$0x13AD0];
	v17 =	vadd.f32 v18, v17;
	v18 =	vmul.f32 v22, v21  }
0x56: {  	v34 =	vld [tilespmem:s15+$0x15AD0]  }
0x57: {  	v35 =	vld [tilespmem:s15+$0x13AE0];
	v17 =	vadd.f32 v18, v17;
	v18 =	vmul.f32 v24, v23  }
0x58: {  	v36 =	vld [tilespmem:s15+$0x15AE0]  }
0x59: {  	v37 =	vld [tilespmem:s15+$0x15AF0];
	v17 =	vadd.f32 v18, v17;
	v18 =	vmul.f32 v32, v19  }
0x5a: {  	v19 =	vld [tilespmem:s15+$0x13AF0]  }
0x5b: {  	v17 =	vadd.f32 v18, v17;
	v18 =	vmul.f32 v34, v33;
	_ =	sdelay $0x1  }
0x5c: {  	v17 =	vadd.f32 v18, v17;
	v18 =	vmul.f32 v36, v35;
	_ =	sdelay $0x1  }
0x5d: {  	v17 =	vadd.f32 v18, v17;
	v18 =	vmul.f32 v37, v19;
	_ =	sdelay $0x1  }
0x5e: {  	v17 =	vadd.f32 v18, v17;
	_ =	sdelay $0x1  }
0x5f: {  	[tilespmem:v0+s8+$0x0] =	vst.idx.msk $0xffff, v17  }
0x60: {  	v17 =	vld [tilespmem:s15+$0x13B00]  }
0x61: {  	v18 =	vld [tilespmem:s15+$0x15B00]  }
0x62: {  	v19 =	vld [tilespmem:s15+$0x13B10]  }
0x63: {  	v38 =	vld [tilespmem:s15+$0x15B10]  }
0x64: {  	v39 =	vld [tilespmem:s15+$0x13B20]  }
0x65: {  	v40 =	vld [tilespmem:s15+$0x15B20]  }
0x66: {  	v41 =	vld [tilespmem:s15+$0x13B30]  }
0x67: {  	v42 =	vld [tilespmem:s15+$0x15B30]  }
0x68: {  	v43 =	vld [tilespmem:s15+$0x15B40];
	v17 =	vmul.f32 v18, v17;
	v18 =	vmul.f32 v38, v19  }
0x69: {  	v19 =	vld [tilespmem:s15+$0x13B40]  }
0x6a: {  	v44 =	vld [tilespmem:s15+$0x13B50];
	v17 =	vadd.f32 v18, v17;
	v18 =	vmul.f32 v40, v39  }
0x6b: {  	v45 =	vld [tilespmem:s15+$0x15B50]  }
0x6c: {  	v46 =	vld [tilespmem:s15+$0x13B60];
	v17 =	vadd.f32 v18, v17;
	v18 =	vmul.f32 v42, v41  }
0x6d: {  	v47 =	vld [tilespmem:s15+$0x15B60]  }
0x6e: {  	v48 =	vld [tilespmem:s15+$0x15B70];
	v17 =	vadd.f32 v18, v17;
	v18 =	vmul.f32 v43, v19  }
0x6f: {  	v19 =	vld [tilespmem:s15+$0x13B70]  }
0x70: {  	v17 =	vadd.f32 v18, v17;
	v18 =	vmul.f32 v45, v44;
	_ =	sdelay $0x1  }
0x71: {  	v17 =	vadd.f32 v18, v17;
	v18 =	vmul.f32 v47, v46;
	_ =	sdelay $0x1  }
0x72: {  	v17 =	vadd.f32 v18, v17;
	v18 =	vmul.f32 v48, v19;
	_ =	sdelay $0x1  }
0x73: {  	v17 =	vadd.f32 v18, v17;
	_ =	sdelay $0x1  }
0x74: {  	[tilespmem:v1+s8+$0x0] =	vst.idx.msk $0xffff, v17  }
0x75: {  	v17 =	vld [tilespmem:s15+$0x13B80]  }
0x76: {  	v18 =	vld [tilespmem:s15+$0x15B80]  }
0x77: {  	v19 =	vld [tilespmem:s15+$0x13B90]  }
0x78: {  	v49 =	vld [tilespmem:s15+$0x15B90]  }
0x79: {  	v50 =	vld [tilespmem:s15+$0x13BA0]  }
0x7a: {  	v51 =	vld [tilespmem:s15+$0x15BA0]  }
0x7b: {  	v52 =	vld [tilespmem:s15+$0x13BB0]  }
0x7c: {  	v53 =	vld [tilespmem:s15+$0x15BB0]  }
0x7d: {  	v54 =	vld [tilespmem:s15+$0x15BC0];
	v17 =	vmul.f32 v18, v17;
	v18 =	vmul.f32 v49, v19  }
0x7e: {  	v19 =	vld [tilespmem:s15+$0x13BC0]  }
0x7f: {  	v55 =	vld [tilespmem:s15+$0x13BD0];
	v17 =	vadd.f32 v18, v17;
	v18 =	vmul.f32 v51, v50  }
0x80: {  	v56 =	vld [tilespmem:s15+$0x15BD0]  }
0x81: {  	v57 =	vld [tilespmem:s15+$0x13BE0];
	v17 =	vadd.f32 v18, v17;
	v18 =	vmul.f32 v53, v52  }
0x82: {  	v58 =	vld [tilespmem:s15+$0x15BE0]  }
0x83: {  	v59 =	vld [tilespmem:s15+$0x15BF0];
	v17 =	vadd.f32 v18, v17;
	v18 =	vmul.f32 v54, v19  }
0x84: {  	v19 =	vld [tilespmem:s15+$0x13BF0]  }
0x85: {  	v17 =	vadd.f32 v18, v17;
	v18 =	vmul.f32 v56, v55;
	_ =	sdelay $0x1  }
0x86: {  	v17 =	vadd.f32 v18, v17;
	v18 =	vmul.f32 v58, v57;
	_ =	sdelay $0x1  }
0x87: {  	v17 =	vadd.f32 v18, v17;
	v18 =	vmul.f32 v59, v19;
	_ =	sdelay $0x1  }
0x88: {  	v17 =	vadd.f32 v18, v17;
	_ =	sdelay $0x1  }
0x89: {  	[tilespmem:v2+s8+$0x0] =	vst.idx.msk $0xffff, v17  }
0x8a: {  	v17 =	vld [tilespmem:s15+$0x13C00]  }
0x8b: {  	v18 =	vld [tilespmem:s15+$0x15C00]  }
0x8c: {  	v19 =	vld [tilespmem:s15+$0x13C10]  }
0x8d: {  	v60 =	vld [tilespmem:s15+$0x15C10]  }
0x8e: {  	v61 =	vld [tilespmem:s15+$0x13C20]  }
0x8f: {  	v62 =	vld [tilespmem:s15+$0x15C20]  }
0x90: {  	v63 =	vld [tilespmem:s15+$0x13C30]  }
0x91: {  	v28 =	vld [tilespmem:s15+$0x15C30]  }
0x92: {  	v29 =	vld [tilespmem:s15+$0x15C40];
	v17 =	vmul.f32 v18, v17;
	v18 =	vmul.f32 v60, v19  }
0x93: {  	v19 =	vld [tilespmem:s15+$0x13C40]  }
0x94: {  	v30 =	vld [tilespmem:s15+$0x13C50];
	v17 =	vadd.f32 v18, v17;
	v18 =	vmul.f32 v62, v61  }
0x95: {  	v31 =	vld [tilespmem:s15+$0x15C50]  }
0x96: {  	v32 =	vld [tilespmem:s15+$0x13C60];
	v17 =	vadd.f32 v18, v17;
	v18 =	vmul.f32 v28, v63  }
0x97: {  	v33 =	vld [tilespmem:s15+$0x15C60]  }
0x98: {  	v34 =	vld [tilespmem:s15+$0x15C70];
	v17 =	vadd.f32 v18, v17;
	v18 =	vmul.f32 v29, v19  }
0x99: {  	v19 =	vld [tilespmem:s15+$0x13C70]  }
0x9a: {  	v17 =	vadd.f32 v18, v17;
	v18 =	vmul.f32 v31, v30;
	_ =	sdelay $0x1  }
0x9b: {  	v17 =	vadd.f32 v18, v17;
	v18 =	vmul.f32 v33, v32;
	_ =	sdelay $0x1  }
0x9c: {  	v17 =	vadd.f32 v18, v17;
	v18 =	vmul.f32 v34, v19;
	_ =	sdelay $0x1  }
0x9d: {  	v17 =	vadd.f32 v18, v17;
	_ =	sdelay $0x1  }
0x9e: {  	[tilespmem:v3+s8+$0x0] =	vst.idx.msk $0xffff, v17  }
0x9f: {  	v17 =	vld [tilespmem:s15+$0x13C80]  }
0xa0: {  	v18 =	vld [tilespmem:s15+$0x15C80]  }
0xa1: {  	v19 =	vld [tilespmem:s15+$0x13C90]  }
0xa2: {  	v35 =	vld [tilespmem:s15+$0x15C90]  }
0xa3: {  	v36 =	vld [tilespmem:s15+$0x13CA0]  }
0xa4: {  	v37 =	vld [tilespmem:s15+$0x15CA0]  }
0xa5: {  	v38 =	vld [tilespmem:s15+$0x13CB0]  }
0xa6: {  	v39 =	vld [tilespmem:s15+$0x15CB0]  }
0xa7: {  	v40 =	vld [tilespmem:s15+$0x15CC0];
	v17 =	vmul.f32 v18, v17;
	v18 =	vmul.f32 v35, v19  }
0xa8: {  	v19 =	vld [tilespmem:s15+$0x13CC0]  }
0xa9: {  	v41 =	vld [tilespmem:s15+$0x13CD0];
	v17 =	vadd.f32 v18, v17;
	v18 =	vmul.f32 v37, v36  }
0xaa: {  	v42 =	vld [tilespmem:s15+$0x15CD0]  }
0xab: {  	v43 =	vld [tilespmem:s15+$0x13CE0];
	v17 =	vadd.f32 v18, v17;
	v18 =	vmul.f32 v39, v38  }
0xac: {  	v44 =	vld [tilespmem:s15+$0x15CE0]  }
0xad: {  	v45 =	vld [tilespmem:s15+$0x15CF0];
	v17 =	vadd.f32 v18, v17;
	v18 =	vmul.f32 v40, v19  }
0xae: {  	v19 =	vld [tilespmem:s15+$0x13CF0]  }
0xaf: {  	v17 =	vadd.f32 v18, v17;
	v18 =	vmul.f32 v42, v41;
	_ =	sdelay $0x1  }
0xb0: {  	v17 =	vadd.f32 v18, v17;
	v18 =	vmul.f32 v44, v43;
	_ =	sdelay $0x1  }
0xb1: {  	v17 =	vadd.f32 v18, v17;
	v18 =	vmul.f32 v45, v19;
	_ =	sdelay $0x1  }
0xb2: {  	v17 =	vadd.f32 v18, v17;
	_ =	sdelay $0x1  }
0xb3: {  	[tilespmem:v4+s8+$0x0] =	vst.idx.msk $0xffff, v17  }
0xb4: {  	v17 =	vld [tilespmem:s15+$0x13D00]  }
0xb5: {  	v18 =	vld [tilespmem:s15+$0x15D00]  }
0xb6: {  	v19 =	vld [tilespmem:s15+$0x13D10]  }
0xb7: {  	v46 =	vld [tilespmem:s15+$0x15D10]  }
0xb8: {  	v47 =	vld [tilespmem:s15+$0x13D20]  }
0xb9: {  	v48 =	vld [tilespmem:s15+$0x15D20]  }
0xba: {  	v49 =	vld [tilespmem:s15+$0x13D30]  }
0xbb: {  	v50 =	vld [tilespmem:s15+$0x15D30]  }
0xbc: {  	v51 =	vld [tilespmem:s15+$0x15D40];
	v17 =	vmul.f32 v18, v17;
	v18 =	vmul.f32 v46, v19  }
0xbd: {  	v19 =	vld [tilespmem:s15+$0x13D40]  }
0xbe: {  	v52 =	vld [tilespmem:s15+$0x13D50];
	v17 =	vadd.f32 v18, v17;
	v18 =	vmul.f32 v48, v47  }
0xbf: {  	v53 =	vld [tilespmem:s15+$0x15D50]  }
0xc0: {  	v54 =	vld [tilespmem:s15+$0x13D60];
	v17 =	vadd.f32 v18, v17;
	v18 =	vmul.f32 v50, v49  }
0xc1: {  	v55 =	vld [tilespmem:s15+$0x15D60]  }
0xc2: {  	v56 =	vld [tilespmem:s15+$0x15D70];
	v17 =	vadd.f32 v18, v17;
	v18 =	vmul.f32 v51, v19  }
0xc3: {  	v19 =	vld [tilespmem:s15+$0x13D70]  }
0xc4: {  	v17 =	vadd.f32 v18, v17;
	v18 =	vmul.f32 v53, v52;
	_ =	sdelay $0x1  }
0xc5: {  	v17 =	vadd.f32 v18, v17;
	v18 =	vmul.f32 v55, v54;
	_ =	sdelay $0x1  }
0xc6: {  	v17 =	vadd.f32 v18, v17;
	v18 =	vmul.f32 v56, v19;
	_ =	sdelay $0x1  }
0xc7: {  	v17 =	vadd.f32 v18, v17;
	_ =	sdelay $0x1  }
0xc8: {  	[tilespmem:v5+s8+$0x0] =	vst.idx.msk $0xffff, v17  }
0xc9: {  	v17 =	vld [tilespmem:s15+$0x13D80]  }
0xca: {  	v18 =	vld [tilespmem:s15+$0x15D80]  }
0xcb: {  	v19 =	vld [tilespmem:s15+$0x13D90]  }
0xcc: {  	v57 =	vld [tilespmem:s15+$0x15D90]  }
0xcd: {  	v58 =	vld [tilespmem:s15+$0x13DA0]  }
0xce: {  	v59 =	vld [tilespmem:s15+$0x15DA0]  }
0xcf: {  	v60 =	vld [tilespmem:s15+$0x13DB0]  }
0xd0: {  	v61 =	vld [tilespmem:s15+$0x15DB0]  }
0xd1: {  	v62 =	vld [tilespmem:s15+$0x15DC0];
	v17 =	vmul.f32 v18, v17;
	v18 =	vmul.f32 v57, v19  }
0xd2: {  	v19 =	vld [tilespmem:s15+$0x13DC0]  }
0xd3: {  	v63 =	vld [tilespmem:s15+$0x13DD0];
	v17 =	vadd.f32 v18, v17;
	v18 =	vmul.f32 v59, v58  }
0xd4: {  	v28 =	vld [tilespmem:s15+$0x15DD0]  }
0xd5: {  	v29 =	vld [tilespmem:s15+$0x13DE0];
	v17 =	vadd.f32 v18, v17;
	v18 =	vmul.f32 v61, v60  }
0xd6: {  	v30 =	vld [tilespmem:s15+$0x15DE0]  }
0xd7: {  	v31 =	vld [tilespmem:s15+$0x15DF0];
	v17 =	vadd.f32 v18, v17;
	v18 =	vmul.f32 v62, v19  }
0xd8: {  	v19 =	vld [tilespmem:s15+$0x13DF0]  }
0xd9: {  	v17 =	vadd.f32 v18, v17;
	v18 =	vmul.f32 v28, v63;
	_ =	sdelay $0x1  }
0xda: {  	v17 =	vadd.f32 v18, v17;
	v18 =	vmul.f32 v30, v29;
	_ =	sdelay $0x1  }
0xdb: {  	v17 =	vadd.f32 v18, v17;
	v18 =	vmul.f32 v31, v19;
	_ =	sdelay $0x1  }
0xdc: {  	v17 =	vadd.f32 v18, v17;
	_ =	sdelay $0x1  }
0xdd: {  	[tilespmem:v6+s8+$0x0] =	vst.idx.msk $0xffff, v17  }
0xde: {  	v17 =	vld [tilespmem:s15+$0x13E00]  }
0xdf: {  	v18 =	vld [tilespmem:s15+$0x15E00]  }
0xe0: {  	v19 =	vld [tilespmem:s15+$0x13E10]  }
0xe1: {  	v32 =	vld [tilespmem:s15+$0x15E10]  }
0xe2: {  	v33 =	vld [tilespmem:s15+$0x13E20]  }
0xe3: {  	v34 =	vld [tilespmem:s15+$0x15E20]  }
0xe4: {  	v35 =	vld [tilespmem:s15+$0x13E30]  }
0xe5: {  	v36 =	vld [tilespmem:s15+$0x15E30]  }
0xe6: {  	v37 =	vld [tilespmem:s15+$0x15E40];
	v17 =	vmul.f32 v18, v17;
	v18 =	vmul.f32 v32, v19  }
0xe7: {  	v19 =	vld [tilespmem:s15+$0x13E40]  }
0xe8: {  	v38 =	vld [tilespmem:s15+$0x13E50];
	v17 =	vadd.f32 v18, v17;
	v18 =	vmul.f32 v34, v33  }
0xe9: {  	v39 =	vld [tilespmem:s15+$0x15E50]  }
0xea: {  	v40 =	vld [tilespmem:s15+$0x13E60];
	v17 =	vadd.f32 v18, v17;
	v18 =	vmul.f32 v36, v35  }
0xeb: {  	v41 =	vld [tilespmem:s15+$0x15E60]  }
0xec: {  	v42 =	vld [tilespmem:s15+$0x15E70];
	v17 =	vadd.f32 v18, v17;
	v18 =	vmul.f32 v37, v19  }
0xed: {  	v19 =	vld [tilespmem:s15+$0x13E70]  }
0xee: {  	v17 =	vadd.f32 v18, v17;
	v18 =	vmul.f32 v39, v38;
	_ =	sdelay $0x1  }
0xef: {  	v17 =	vadd.f32 v18, v17;
	v18 =	vmul.f32 v41, v40;
	_ =	sdelay $0x1  }
0xf0: {  	v17 =	vadd.f32 v18, v17;
	v18 =	vmul.f32 v42, v19;
	_ =	sdelay $0x1  }
0xf1: {  	v17 =	vadd.f32 v18, v17;
	_ =	sdelay $0x1  }
0xf2: {  	[tilespmem:v7+s8+$0x0] =	vst.idx.msk $0xffff, v17  }
0xf3: {  	v17 =	vld [tilespmem:s15+$0x13E80]  }
0xf4: {  	v18 =	vld [tilespmem:s15+$0x15E80]  }
0xf5: {  	v19 =	vld [tilespmem:s15+$0x13E90]  }
0xf6: {  	v43 =	vld [tilespmem:s15+$0x15E90]  }
0xf7: {  	v44 =	vld [tilespmem:s15+$0x13EA0]  }
0xf8: {  	v45 =	vld [tilespmem:s15+$0x15EA0]  }
0xf9: {  	v46 =	vld [tilespmem:s15+$0x13EB0]  }
0xfa: {  	v47 =	vld [tilespmem:s15+$0x15EB0]  }
0xfb: {  	v48 =	vld [tilespmem:s15+$0x15EC0];
	v17 =	vmul.f32 v18, v17;
	v18 =	vmul.f32 v43, v19  }
0xfc: {  	v19 =	vld [tilespmem:s15+$0x13EC0]  }
0xfd: {  	v49 =	vld [tilespmem:s15+$0x13ED0];
	v17 =	vadd.f32 v18, v17;
	v18 =	vmul.f32 v45, v44  }
0xfe: {  	v50 =	vld [tilespmem:s15+$0x15ED0]  }
0xff: {  	v51 =	vld [tilespmem:s15+$0x13EE0];
	v17 =	vadd.f32 v18, v17;
	v18 =	vmul.f32 v47, v46  }
0x100: {  	v52 =	vld [tilespmem:s15+$0x15EE0]  }
0x101: {  	v53 =	vld [tilespmem:s15+$0x15EF0];
	v17 =	vadd.f32 v18, v17;
	v18 =	vmul.f32 v48, v19  }
0x102: {  	v19 =	vld [tilespmem:s15+$0x13EF0]  }
0x103: {  	v17 =	vadd.f32 v18, v17;
	v18 =	vmul.f32 v50, v49;
	_ =	sdelay $0x1  }
0x104: {  	v17 =	vadd.f32 v18, v17;
	v18 =	vmul.f32 v52, v51;
	_ =	sdelay $0x1  }
0x105: {  	v17 =	vadd.f32 v18, v17;
	v18 =	vmul.f32 v53, v19;
	_ =	sdelay $0x1  }
0x106: {  	v17 =	vadd.f32 v18, v17;
	_ =	sdelay $0x1  }
0x107: {  	[tilespmem:v8+s8+$0x0] =	vst.idx.msk $0xffff, v17  }
0x108: {  	v17 =	vld [tilespmem:s15+$0x13F00]  }
0x109: {  	v18 =	vld [tilespmem:s15+$0x15F00]  }
0x10a: {  	v19 =	vld [tilespmem:s15+$0x13F10]  }
0x10b: {  	v54 =	vld [tilespmem:s15+$0x15F10]  }
0x10c: {  	v55 =	vld [tilespmem:s15+$0x13F20]  }
0x10d: {  	v56 =	vld [tilespmem:s15+$0x15F20]  }
0x10e: {  	v57 =	vld [tilespmem:s15+$0x13F30]  }
0x10f: {  	v58 =	vld [tilespmem:s15+$0x15F30]  }
0x110: {  	v59 =	vld [tilespmem:s15+$0x15F40];
	v17 =	vmul.f32 v18, v17;
	v18 =	vmul.f32 v54, v19  }
0x111: {  	v19 =	vld [tilespmem:s15+$0x13F40]  }
0x112: {  	v60 =	vld [tilespmem:s15+$0x13F50];
	v17 =	vadd.f32 v18, v17;
	v18 =	vmul.f32 v56, v55  }
0x113: {  	v61 =	vld [tilespmem:s15+$0x15F50]  }
0x114: {  	v62 =	vld [tilespmem:s15+$0x13F60];
	v17 =	vadd.f32 v18, v17;
	v18 =	vmul.f32 v58, v57  }
0x115: {  	v63 =	vld [tilespmem:s15+$0x15F60]  }
0x116: {  	v28 =	vld [tilespmem:s15+$0x15F70];
	v17 =	vadd.f32 v18, v17;
	v18 =	vmul.f32 v59, v19  }
0x117: {  	v19 =	vld [tilespmem:s15+$0x13F70]  }
0x118: {  	v17 =	vadd.f32 v18, v17;
	v18 =	vmul.f32 v61, v60;
	_ =	sdelay $0x1  }
0x119: {  	v17 =	vadd.f32 v18, v17;
	v18 =	vmul.f32 v63, v62;
	_ =	sdelay $0x1  }
0x11a: {  	v17 =	vadd.f32 v18, v17;
	v18 =	vmul.f32 v28, v19;
	_ =	sdelay $0x1  }
0x11b: {  	v17 =	vadd.f32 v18, v17;
	_ =	sdelay $0x1  }
0x11c: {  	[tilespmem:v9+s8+$0x0] =	vst.idx.msk $0xffff, v17  }
0x11d: {  	v17 =	vld [tilespmem:s15+$0x13F80]  }
0x11e: {  	v18 =	vld [tilespmem:s15+$0x15F80]  }
0x11f: {  	v19 =	vld [tilespmem:s15+$0x13F90]  }
0x120: {  	v29 =	vld [tilespmem:s15+$0x15F90]  }
0x121: {  	v30 =	vld [tilespmem:s15+$0x13FA0]  }
0x122: {  	v31 =	vld [tilespmem:s15+$0x15FA0]  }
0x123: {  	v32 =	vld [tilespmem:s15+$0x13FB0]  }
0x124: {  	v33 =	vld [tilespmem:s15+$0x15FB0]  }
0x125: {  	v34 =	vld [tilespmem:s15+$0x15FC0];
	v17 =	vmul.f32 v18, v17;
	v18 =	vmul.f32 v29, v19  }
0x126: {  	v19 =	vld [tilespmem:s15+$0x13FC0]  }
0x127: {  	v35 =	vld [tilespmem:s15+$0x13FD0];
	v17 =	vadd.f32 v18, v17;
	v18 =	vmul.f32 v31, v30  }
0x128: {  	v36 =	vld [tilespmem:s15+$0x15FD0]  }
0x129: {  	v37 =	vld [tilespmem:s15+$0x13FE0];
	v17 =	vadd.f32 v18, v17;
	v18 =	vmul.f32 v33, v32  }
0x12a: {  	v38 =	vld [tilespmem:s15+$0x15FE0]  }
0x12b: {  	v39 =	vld [tilespmem:s15+$0x15FF0];
	v17 =	vadd.f32 v18, v17;
	v18 =	vmul.f32 v34, v19  }
0x12c: {  	v19 =	vld [tilespmem:s15+$0x13FF0]  }
0x12d: {  	v17 =	vadd.f32 v18, v17;
	v18 =	vmul.f32 v36, v35;
	_ =	sdelay $0x1  }
0x12e: {  	v17 =	vadd.f32 v18, v17;
	v18 =	vmul.f32 v38, v37;
	_ =	sdelay $0x1  }
0x12f: {  	v17 =	vadd.f32 v18, v17;
	v18 =	vmul.f32 v39, v19;
	_ =	sdelay $0x1  }
0x130: {  	v17 =	vadd.f32 v18, v17;
	_ =	sdelay $0x1  }
0x131: {  	[tilespmem:v10+s8+$0x0] =	vst.idx.msk $0xffff, v17  }
0x132: {  	v17 =	vld [tilespmem:s15+$0x14000]  }
0x133: {  	v18 =	vld [tilespmem:s15+$0x16000]  }
0x134: {  	v19 =	vld [tilespmem:s15+$0x14010]  }
0x135: {  	v40 =	vld [tilespmem:s15+$0x16010]  }
0x136: {  	v41 =	vld [tilespmem:s15+$0x14020]  }
0x137: {  	v42 =	vld [tilespmem:s15+$0x16020]  }
0x138: {  	v43 =	vld [tilespmem:s15+$0x14030]  }
0x139: {  	v44 =	vld [tilespmem:s15+$0x16030]  }
0x13a: {  	v45 =	vld [tilespmem:s15+$0x16040];
	v17 =	vmul.f32 v18, v17;
	v18 =	vmul.f32 v40, v19  }
0x13b: {  	v19 =	vld [tilespmem:s15+$0x14040]  }
0x13c: {  	v46 =	vld [tilespmem:s15+$0x14050];
	v17 =	vadd.f32 v18, v17;
	v18 =	vmul.f32 v42, v41  }
0x13d: {  	v47 =	vld [tilespmem:s15+$0x16050]  }
0x13e: {  	v48 =	vld [tilespmem:s15+$0x14060];
	v17 =	vadd.f32 v18, v17;
	v18 =	vmul.f32 v44, v43  }
0x13f: {  	v49 =	vld [tilespmem:s15+$0x16060]  }
0x140: {  	v50 =	vld [tilespmem:s15+$0x16070];
	v17 =	vadd.f32 v18, v17;
	v18 =	vmul.f32 v45, v19  }
0x141: {  	v19 =	vld [tilespmem:s15+$0x14070]  }
0x142: {  	v17 =	vadd.f32 v18, v17;
	v18 =	vmul.f32 v47, v46;
	_ =	sdelay $0x1  }
0x143: {  	v17 =	vadd.f32 v18, v17;
	v18 =	vmul.f32 v49, v48;
	_ =	sdelay $0x1  }
0x144: {  	v17 =	vadd.f32 v18, v17;
	v18 =	vmul.f32 v50, v19;
	_ =	sdelay $0x1  }
0x145: {  	v17 =	vadd.f32 v18, v17;
	_ =	sdelay $0x1  }
0x146: {  	[tilespmem:v11+s8+$0x0] =	vst.idx.msk $0xffff, v17  }
0x147: {  	v17 =	vld [tilespmem:s15+$0x14080]  }
0x148: {  	v18 =	vld [tilespmem:s15+$0x16080]  }
0x149: {  	v19 =	vld [tilespmem:s15+$0x14090]  }
0x14a: {  	v51 =	vld [tilespmem:s15+$0x16090]  }
0x14b: {  	v52 =	vld [tilespmem:s15+$0x140A0]  }
0x14c: {  	v53 =	vld [tilespmem:s15+$0x160A0]  }
0x14d: {  	v54 =	vld [tilespmem:s15+$0x140B0]  }
0x14e: {  	v55 =	vld [tilespmem:s15+$0x160B0]  }
0x14f: {  	v56 =	vld [tilespmem:s15+$0x160C0];
	v17 =	vmul.f32 v18, v17;
	v18 =	vmul.f32 v51, v19  }
0x150: {  	v19 =	vld [tilespmem:s15+$0x140C0]  }
0x151: {  	v57 =	vld [tilespmem:s15+$0x140D0];
	v17 =	vadd.f32 v18, v17;
	v18 =	vmul.f32 v53, v52  }
0x152: {  	v58 =	vld [tilespmem:s15+$0x160D0]  }
0x153: {  	v59 =	vld [tilespmem:s15+$0x140E0];
	v17 =	vadd.f32 v18, v17;
	v18 =	vmul.f32 v55, v54  }
0x154: {  	v60 =	vld [tilespmem:s15+$0x160E0]  }
0x155: {  	v61 =	vld [tilespmem:s15+$0x160F0];
	v17 =	vadd.f32 v18, v17;
	v18 =	vmul.f32 v56, v19  }
0x156: {  	v19 =	vld [tilespmem:s15+$0x140F0]  }
0x157: {  	v17 =	vadd.f32 v18, v17;
	v18 =	vmul.f32 v58, v57;
	_ =	sdelay $0x1  }
0x158: {  	v17 =	vadd.f32 v18, v17;
	v18 =	vmul.f32 v60, v59;
	_ =	sdelay $0x1  }
0x159: {  	v17 =	vadd.f32 v18, v17;
	v18 =	vmul.f32 v61, v19;
	_ =	sdelay $0x1  }
0x15a: {  	v17 =	vadd.f32 v18, v17;
	_ =	sdelay $0x1  }
0x15b: {  	[tilespmem:v12+s8+$0x0] =	vst.idx.msk $0xffff, v17  }
0x15c: {  	v17 =	vld [tilespmem:s15+$0x14100]  }
0x15d: {  	v18 =	vld [tilespmem:s15+$0x16100]  }
0x15e: {  	v19 =	vld [tilespmem:s15+$0x14110]  }
0x15f: {  	v62 =	vld [tilespmem:s15+$0x16110]  }
0x160: {  	v63 =	vld [tilespmem:s15+$0x14120]  }
0x161: {  	v28 =	vld [tilespmem:s15+$0x16120]  }
0x162: {  	v29 =	vld [tilespmem:s15+$0x14130]  }
0x163: {  	v30 =	vld [tilespmem:s15+$0x16130]  }
0x164: {  	v31 =	vld [tilespmem:s15+$0x16140];
	v17 =	vmul.f32 v18, v17;
	v18 =	vmul.f32 v62, v19  }
0x165: {  	v19 =	vld [tilespmem:s15+$0x14140]  }
0x166: {  	v32 =	vld [tilespmem:s15+$0x14150];
	v17 =	vadd.f32 v18, v17;
	v18 =	vmul.f32 v28, v63  }
0x167: {  	v33 =	vld [tilespmem:s15+$0x16150]  }
0x168: {  	v34 =	vld [tilespmem:s15+$0x14160];
	v17 =	vadd.f32 v18, v17;
	v18 =	vmul.f32 v30, v29  }
0x169: {  	v35 =	vld [tilespmem:s15+$0x16160]  }
0x16a: {  	v36 =	vld [tilespmem:s15+$0x16170];
	v17 =	vadd.f32 v18, v17;
	v18 =	vmul.f32 v31, v19  }
0x16b: {  	v19 =	vld [tilespmem:s15+$0x14170]  }
0x16c: {  	v17 =	vadd.f32 v18, v17;
	v18 =	vmul.f32 v33, v32;
	_ =	sdelay $0x1  }
0x16d: {  	v17 =	vadd.f32 v18, v17;
	v18 =	vmul.f32 v35, v34;
	_ =	sdelay $0x1  }
0x16e: {  	v17 =	vadd.f32 v18, v17;
	v18 =	vmul.f32 v36, v19;
	_ =	sdelay $0x1  }
0x16f: {  	v17 =	vadd.f32 v18, v17;
	_ =	sdelay $0x1  }
0x170: {  	[tilespmem:v13+s8+$0x0] =	vst.idx.msk $0xffff, v17  }
0x171: {  	v17 =	vld [tilespmem:s15+$0x14180]  }
0x172: {  	v18 =	vld [tilespmem:s15+$0x16180]  }
0x173: {  	v19 =	vld [tilespmem:s15+$0x14190]  }
0x174: {  	v37 =	vld [tilespmem:s15+$0x16190]  }
0x175: {  	v38 =	vld [tilespmem:s15+$0x141A0]  }
0x176: {  	v39 =	vld [tilespmem:s15+$0x161A0]  }
0x177: {  	v40 =	vld [tilespmem:s15+$0x141B0]  }
0x178: {  	v41 =	vld [tilespmem:s15+$0x161B0]  }
0x179: {  	v42 =	vld [tilespmem:s15+$0x161C0];
	v17 =	vmul.f32 v18, v17;
	v18 =	vmul.f32 v37, v19  }
0x17a: {  	v19 =	vld [tilespmem:s15+$0x141C0]  }
0x17b: {  	v43 =	vld [tilespmem:s15+$0x141D0];
	v17 =	vadd.f32 v18, v17;
	v18 =	vmul.f32 v39, v38  }
0x17c: {  	v44 =	vld [tilespmem:s15+$0x161D0]  }
0x17d: {  	v45 =	vld [tilespmem:s15+$0x141E0];
	v17 =	vadd.f32 v18, v17;
	v18 =	vmul.f32 v41, v40  }
0x17e: {  	v46 =	vld [tilespmem:s15+$0x161E0]  }
0x17f: {  	v47 =	vld [tilespmem:s15+$0x161F0];
	v17 =	vadd.f32 v18, v17;
	v18 =	vmul.f32 v42, v19  }
0x180: {  	v19 =	vld [tilespmem:s15+$0x141F0]  }
0x181: {  	v17 =	vadd.f32 v18, v17;
	v18 =	vmul.f32 v44, v43;
	_ =	sdelay $0x1  }
0x182: {  	v17 =	vadd.f32 v18, v17;
	v18 =	vmul.f32 v46, v45;
	_ =	sdelay $0x1  }
0x183: {  	v17 =	vadd.f32 v18, v17;
	v18 =	vmul.f32 v47, v19;
	_ =	sdelay $0x1  }
0x184: {  	v17 =	vadd.f32 v18, v17;
	_ =	sdelay $0x1  }
0x185: {  	[tilespmem:v14+s8+$0x0] =	vst.idx.msk $0xffff, v17  }
0x186: {  	v17 =	vld [tilespmem:s15+$0x14200]  }
0x187: {  	v18 =	vld [tilespmem:s15+$0x16200]  }
0x188: {  	v19 =	vld [tilespmem:s15+$0x14210]  }
0x189: {  	v48 =	vld [tilespmem:s15+$0x16210]  }
0x18a: {  	v49 =	vld [tilespmem:s15+$0x14220]  }
0x18b: {  	v50 =	vld [tilespmem:s15+$0x16220]  }
0x18c: {  	v51 =	vld [tilespmem:s15+$0x14230]  }
0x18d: {  	v52 =	vld [tilespmem:s15+$0x16230]  }
0x18e: {  	v53 =	vld [tilespmem:s15+$0x16240];
	v17 =	vmul.f32 v18, v17;
	v18 =	vmul.f32 v48, v19  }
0x18f: {  	v19 =	vld [tilespmem:s15+$0x14240]  }
0x190: {  	v54 =	vld [tilespmem:s15+$0x14250];
	v17 =	vadd.f32 v18, v17;
	v18 =	vmul.f32 v50, v49  }
0x191: {  	v55 =	vld [tilespmem:s15+$0x16250]  }
0x192: {  	v56 =	vld [tilespmem:s15+$0x14260];
	v17 =	vadd.f32 v18, v17;
	v18 =	vmul.f32 v52, v51  }
0x193: {  	v57 =	vld [tilespmem:s15+$0x16260]  }
0x194: {  	v58 =	vld [tilespmem:s15+$0x16270];
	v17 =	vadd.f32 v18, v17;
	v18 =	vmul.f32 v53, v19  }
0x195: {  	v19 =	vld [tilespmem:s15+$0x14270]  }
0x196: {  	v17 =	vadd.f32 v18, v17;
	v18 =	vmul.f32 v55, v54;
	_ =	sdelay $0x1  }
0x197: {  	v17 =	vadd.f32 v18, v17;
	v18 =	vmul.f32 v57, v56;
	_ =	sdelay $0x1  }
0x198: {  	v17 =	vadd.f32 v18, v17;
	v18 =	vmul.f32 v58, v19;
	_ =	sdelay $0x1  }
0x199: {  	v17 =	vadd.f32 v18, v17;
	_ =	sdelay $0x1  }
0x19a: {  	[tilespmem:v15+s8+$0x0] =	vst.idx.msk $0xffff, v17  }
0x19b: {  	v17 =	vld [tilespmem:$0x1E200]  }
0x19c: {  	v18 =	vld [tilespmem:$0x1E210];
	_ =	sdelay $0x1  }
0x19d: {  	v19 =	vld [tilespmem:$0x1E220];
	_ =	sdelay $0x1  }
0x19e: {  	v59 =	vld [tilespmem:$0x1E230]  }
0x19f: {  	v17 =	vadd.f32 v18, v17  }
0x1a0: {  	v18 =	vld [tilespmem:$0x1E240]  }
0x1a1: {  	v17 =	vadd.f32 v19, v17  }
0x1a2: {  	v19 =	vld [tilespmem:$0x1E250]  }
0x1a3: {  	v17 =	vadd.f32 v59, v17  }
0x1a4: {  	v60 =	vld [tilespmem:$0x1E260]  }
0x1a5: {  	v17 =	vadd.f32 v18, v17  }
0x1a6: {  	v18 =	vld [tilespmem:$0x1E270]  }
0x1a7: {  	v17 =	vadd.f32 v19, v17  }
0x1a8: {  	v19 =	vld [tilespmem:$0x1E280]  }
0x1a9: {  	v17 =	vadd.f32 v60, v17  }
0x1aa: {  	v61 =	vld [tilespmem:$0x1E290]  }
0x1ab: {  	v17 =	vadd.f32 v18, v17  }
0x1ac: {  	v18 =	vld [tilespmem:$0x1E2A0]  }
0x1ad: {  	v17 =	vadd.f32 v19, v17  }
0x1ae: {  	v19 =	vld [tilespmem:$0x1E2B0]  }
0x1af: {  	v17 =	vadd.f32 v61, v17  }
0x1b0: {  	v62 =	vld [tilespmem:$0x1E2C0]  }
0x1b1: {  	v17 =	vadd.f32 v18, v17  }
0x1b2: {  	v18 =	vld [tilespmem:$0x1E2D0]  }
0x1b3: {  	v17 =	vadd.f32 v19, v17  }
0x1b4: {  	v19 =	vld [tilespmem:$0x1E2E0]  }
0x1b5: {  	v17 =	vadd.f32 v62, v17  }
0x1b6: {  	v63 =	vld [tilespmem:$0x1E2F0]  }
0x1b7: {  	v17 =	vadd.f32 v18, v17;
	_ =	sdelay $0x1  }
0x1b8: {  	v17 =	vadd.f32 v19, v17;
	_ =	sdelay $0x1  }
0x1b9: {  	v17 =	vadd.f32 v63, v17;
	_ =	sdelay $0x1  }
0x1ba: {  	v17 =	vsub.f32 $0.0e+00, v17;
	_ =	sdelay $0x1  }
0x1bb: {  	v17 =	vmul.f32 $1.442695020e+00, v17;
	_ =	sdelay $0x1  }
0x1bc: {  	(erf) = vpow2.f32 v17;
	_ =	sdelay $0x8  }
0x1bd: {  	v17 =	vpop (erf)  }
0x1be: {  	v17 =	vadd.f32 $1.000000000e+00, v17;
	_ =	sdelay $0x1  }
0x1bf: {  	(erf) = vrcp.f32 v17;
	_ =	sdelay $0x4  }
0x1c0: {  	p2 =	sne.s32 s14, $0x3  }
.Ltmp0:
0x1c1: {  	_ = 	snop;
	(pc) =	sbr.rel @p2 .LBB2_3-.Ltmp0, $4  }
0x1c2: {  	_ = 	snop  }
0x1c3: {  	s16 =	sshll.u32 s14, $0x4  }
0x1c4: {  	s15 =	sand.u32 $0x3FFFFFF0, s16;
	v17 =	vpop (erf)  }
0x1c5: {  	s14 =	sadd.s32 $0x1, s14;
	[tilespmem:v16+s15+$0x0 ss:$0x1] =	vst.idx.msk $0xffff, v17  }
0x1c6: {  	s14 =	simm.s32 @p1 $0x3  }
0x1c7: {  	_ =	swait.ge @p1 [sflag:s14], $0x2000  }
0x1c8: {  	[sflag:s14] =	ssyncset.done @p1 $0x0  }
0x1c9: {  	[sflag:s14] =	ssyncadd.s32 @p1 $0xFFFFE000;
	s14 =	simm.s32 @p1 $0x4  }
0x1ca: {  	_ =	swait.ge @p1 [sflag:s14], $0x2000  }
0x1cb: {  	[sflag:s14] =	ssyncset.done @p1 $0x0  }
0x1cc: {  	[sflag:s14] =	ssyncadd.s32 @p1 $0xFFFFE000;
	s14 =	simm.s32 @!p1 $0x5  }
0x1cd: {  	_ =	swait.ge @!p1 [sflag:s14], $0x40  }
0x1ce: {  	[sflag:s14] =	ssyncset.done @!p1 $0x0  }
0x1cf: {  	[sflag:s14] =	ssyncadd.s32 @!p1 $0xFFFFFFC0;
	s14 =	simm.s32 @!p1 $0x6  }
0x1d0: {  	_ =	swait.ge @!p1 [sflag:s14], $0x40  }
0x1d1: {  	s15 =	simm.s32 @!p1 $0x13880;
	[sflag:s14] =	ssyncset.done @!p1 $0x0  }
0x1d2: {  	s16 =	simm.s32 @!p1 $0x13A80;
	[sflag:s14] =	ssyncadd.s32 @!p1 $0xFFFFFFC0;
	s14 =	simm.s32 @!p1 $0x40  }
0x1d3: {  	[tilespmem:s16], [sflag:$0x1] =	stream.indirect.gather @!p1 [spmem:s2], $0x80, s15, s14, $0xb8;
	[tilespmem:$0x1E300] =	vst v63  }
0x1d4: {  	s15 =	simm.s32 @!p1 $0x13900;
	s16 =	simm.s32 @!p1 $0x15A80  }
0x1d5: {  	[tilespmem:s16], [sflag:$0x2] =	stream.indirect.gather @!p1 [spmem:s2], $0x80, s15, s14, $0xb8;
	[tilespmem:$0x1E300] =	vst v63  }
0x1d6: {  	s14 =	simm.s32 @!p1 $0x3  }
0x1d7: {  	_ =	swait.ge @!p1 [sflag:s14], $0x2000  }
0x1d8: {  	[sflag:s14] =	ssyncset.done @!p1 $0x0  }
0x1d9: {  	[sflag:s14] =	ssyncadd.s32 @!p1 $0xFFFFE000;
	s14 =	simm.s32 @!p1 $0x4  }
0x1da: {  	s10 =	sadd.s32 @!p1 s10, s13;
	_ =	swait.ge @!p1 [sflag:s14], $0x2000  }
0x1db: {  	s10 =	sshrl.u32 @!p1 s10, $0x3;
	s15 =	simm.s32 @!p1 $0x0;
	[sflag:s14] =	ssyncset.done @!p1 $0x0  }
0x1dc: {  	s16 =	simm.s32 @!p1 $0x13980;
	[sflag:s14] =	ssyncadd.s32 @!p1 $0xFFFFE000;
	s14 =	sadd.s32 @!p1 s4, s10  }
0x1dd: {  	[tilespmem:s16], [sflag:$0x7] =	stream.linear.gather @!p1 [hbm4b:s14+s15], $0x40, $0x38;
	[tilespmem:$0x1E300] =	vst v63  }
0x1de: {  	s11 =	sadd.s32 $0x1BAC0, s11;
	s10 =	sadd.s32 @!p1 s1, s10;
	s14 =	simm.s32 @!p1 $0x13A00  }
0x1df: {  	[tilespmem:s14], [sflag:$0x8] =	stream.linear.gather @!p1 [hbm4b:s10+s15], $0x40, $0x38;
	[tilespmem:$0x1E300] =	vst v63  }
0x1e0: {  	v16 =	vmov s11;
	s10 =	simm.s32 $0x0  }
.LBB2_5:
0x1e1: {  	s11 =	sshll.u32 s10, $0xB  }
0x1e2: {  	v17 =	vld [tilespmem:s11+$0x17A80]  }
0x1e3: {  	v18 =	vld [tilespmem:s11+$0x19A80]  }
0x1e4: {  	v19 =	vld [tilespmem:s11+$0x17A90]  }
0x1e5: {  	v20 =	vld [tilespmem:s11+$0x19A90]  }
0x1e6: {  	v21 =	vld [tilespmem:s11+$0x17AA0]  }
0x1e7: {  	v22 =	vld [tilespmem:s11+$0x19AA0]  }
0x1e8: {  	v23 =	vld [tilespmem:s11+$0x17AB0]  }
0x1e9: {  	v24 =	vld [tilespmem:s11+$0x19AB0]  }
0x1ea: {  	v32 =	vld [tilespmem:s11+$0x19AC0];
	v17 =	vmul.f32 v18, v17;
	v18 =	vmul.f32 v20, v19  }
0x1eb: {  	v19 =	vld [tilespmem:s11+$0x17AC0]  }
0x1ec: {  	v33 =	vld [tilespmem:s11+$0x17AD0];
	v17 =	vadd.f32 v18, v17;
	v18 =	vmul.f32 v22, v21  }
0x1ed: {  	v34 =	vld [tilespmem:s11+$0x19AD0]  }
0x1ee: {  	v35 =	vld [tilespmem:s11+$0x17AE0];
	v17 =	vadd.f32 v18, v17;
	v18 =	vmul.f32 v24, v23  }
0x1ef: {  	v36 =	vld [tilespmem:s11+$0x19AE0]  }
0x1f0: {  	v37 =	vld [tilespmem:s11+$0x19AF0];
	v17 =	vadd.f32 v18, v17;
	v18 =	vmul.f32 v32, v19  }
0x1f1: {  	v19 =	vld [tilespmem:s11+$0x17AF0]  }
0x1f2: {  	v17 =	vadd.f32 v18, v17;
	v18 =	vmul.f32 v34, v33;
	_ =	sdelay $0x1  }
0x1f3: {  	v17 =	vadd.f32 v18, v17;
	v18 =	vmul.f32 v36, v35;
	_ =	sdelay $0x1  }
0x1f4: {  	v17 =	vadd.f32 v18, v17;
	v18 =	vmul.f32 v37, v19;
	_ =	sdelay $0x1  }
0x1f5: {  	v17 =	vadd.f32 v18, v17;
	_ =	sdelay $0x1  }
0x1f6: {  	[tilespmem:v0+s8+$0x0] =	vst.idx.msk $0xffff, v17  }
0x1f7: {  	v17 =	vld [tilespmem:s11+$0x17B00]  }
0x1f8: {  	v18 =	vld [tilespmem:s11+$0x19B00]  }
0x1f9: {  	v19 =	vld [tilespmem:s11+$0x17B10]  }
0x1fa: {  	v38 =	vld [tilespmem:s11+$0x19B10]  }
0x1fb: {  	v39 =	vld [tilespmem:s11+$0x17B20]  }
0x1fc: {  	v40 =	vld [tilespmem:s11+$0x19B20]  }
0x1fd: {  	v41 =	vld [tilespmem:s11+$0x17B30]  }
0x1fe: {  	v42 =	vld [tilespmem:s11+$0x19B30]  }
0x1ff: {  	v43 =	vld [tilespmem:s11+$0x19B40];
	v17 =	vmul.f32 v18, v17;
	v18 =	vmul.f32 v38, v19  }
0x200: {  	v19 =	vld [tilespmem:s11+$0x17B40]  }
0x201: {  	v44 =	vld [tilespmem:s11+$0x17B50];
	v17 =	vadd.f32 v18, v17;
	v18 =	vmul.f32 v40, v39  }
0x202: {  	v45 =	vld [tilespmem:s11+$0x19B50]  }
0x203: {  	v46 =	vld [tilespmem:s11+$0x17B60];
	v17 =	vadd.f32 v18, v17;
	v18 =	vmul.f32 v42, v41  }
0x204: {  	v47 =	vld [tilespmem:s11+$0x19B60]  }
0x205: {  	v48 =	vld [tilespmem:s11+$0x19B70];
	v17 =	vadd.f32 v18, v17;
	v18 =	vmul.f32 v43, v19  }
0x206: {  	v19 =	vld [tilespmem:s11+$0x17B70]  }
0x207: {  	v17 =	vadd.f32 v18, v17;
	v18 =	vmul.f32 v45, v44;
	_ =	sdelay $0x1  }
0x208: {  	v17 =	vadd.f32 v18, v17;
	v18 =	vmul.f32 v47, v46;
	_ =	sdelay $0x1  }
0x209: {  	v17 =	vadd.f32 v18, v17;
	v18 =	vmul.f32 v48, v19;
	_ =	sdelay $0x1  }
0x20a: {  	v17 =	vadd.f32 v18, v17;
	_ =	sdelay $0x1  }
0x20b: {  	[tilespmem:v1+s8+$0x0] =	vst.idx.msk $0xffff, v17  }
0x20c: {  	v17 =	vld [tilespmem:s11+$0x17B80]  }
0x20d: {  	v18 =	vld [tilespmem:s11+$0x19B80]  }
0x20e: {  	v19 =	vld [tilespmem:s11+$0x17B90]  }
0x20f: {  	v49 =	vld [tilespmem:s11+$0x19B90]  }
0x210: {  	v50 =	vld [tilespmem:s11+$0x17BA0]  }
0x211: {  	v51 =	vld [tilespmem:s11+$0x19BA0]  }
0x212: {  	v52 =	vld [tilespmem:s11+$0x17BB0]  }
0x213: {  	v53 =	vld [tilespmem:s11+$0x19BB0]  }
0x214: {  	v54 =	vld [tilespmem:s11+$0x19BC0];
	v17 =	vmul.f32 v18, v17;
	v18 =	vmul.f32 v49, v19  }
0x215: {  	v19 =	vld [tilespmem:s11+$0x17BC0]  }
0x216: {  	v55 =	vld [tilespmem:s11+$0x17BD0];
	v17 =	vadd.f32 v18, v17;
	v18 =	vmul.f32 v51, v50  }
0x217: {  	v56 =	vld [tilespmem:s11+$0x19BD0]  }
0x218: {  	v57 =	vld [tilespmem:s11+$0x17BE0];
	v17 =	vadd.f32 v18, v17;
	v18 =	vmul.f32 v53, v52  }
0x219: {  	v58 =	vld [tilespmem:s11+$0x19BE0]  }
0x21a: {  	v59 =	vld [tilespmem:s11+$0x19BF0];
	v17 =	vadd.f32 v18, v17;
	v18 =	vmul.f32 v54, v19  }
0x21b: {  	v19 =	vld [tilespmem:s11+$0x17BF0]  }
0x21c: {  	v17 =	vadd.f32 v18, v17;
	v18 =	vmul.f32 v56, v55;
	_ =	sdelay $0x1  }
0x21d: {  	v17 =	vadd.f32 v18, v17;
	v18 =	vmul.f32 v58, v57;
	_ =	sdelay $0x1  }
0x21e: {  	v17 =	vadd.f32 v18, v17;
	v18 =	vmul.f32 v59, v19;
	_ =	sdelay $0x1  }
0x21f: {  	v17 =	vadd.f32 v18, v17;
	_ =	sdelay $0x1  }
0x220: {  	[tilespmem:v2+s8+$0x0] =	vst.idx.msk $0xffff, v17  }
0x221: {  	v17 =	vld [tilespmem:s11+$0x17C00]  }
0x222: {  	v18 =	vld [tilespmem:s11+$0x19C00]  }
0x223: {  	v19 =	vld [tilespmem:s11+$0x17C10]  }
0x224: {  	v60 =	vld [tilespmem:s11+$0x19C10]  }
0x225: {  	v61 =	vld [tilespmem:s11+$0x17C20]  }
0x226: {  	v62 =	vld [tilespmem:s11+$0x19C20]  }
0x227: {  	v63 =	vld [tilespmem:s11+$0x17C30]  }
0x228: {  	v28 =	vld [tilespmem:s11+$0x19C30]  }
0x229: {  	v29 =	vld [tilespmem:s11+$0x19C40];
	v17 =	vmul.f32 v18, v17;
	v18 =	vmul.f32 v60, v19  }
0x22a: {  	v19 =	vld [tilespmem:s11+$0x17C40]  }
0x22b: {  	v30 =	vld [tilespmem:s11+$0x17C50];
	v17 =	vadd.f32 v18, v17;
	v18 =	vmul.f32 v62, v61  }
0x22c: {  	v31 =	vld [tilespmem:s11+$0x19C50]  }
0x22d: {  	v32 =	vld [tilespmem:s11+$0x17C60];
	v17 =	vadd.f32 v18, v17;
	v18 =	vmul.f32 v28, v63  }
0x22e: {  	v33 =	vld [tilespmem:s11+$0x19C60]  }
0x22f: {  	v34 =	vld [tilespmem:s11+$0x19C70];
	v17 =	vadd.f32 v18, v17;
	v18 =	vmul.f32 v29, v19  }
0x230: {  	v19 =	vld [tilespmem:s11+$0x17C70]  }
0x231: {  	v17 =	vadd.f32 v18, v17;
	v18 =	vmul.f32 v31, v30;
	_ =	sdelay $0x1  }
0x232: {  	v17 =	vadd.f32 v18, v17;
	v18 =	vmul.f32 v33, v32;
	_ =	sdelay $0x1  }
0x233: {  	v17 =	vadd.f32 v18, v17;
	v18 =	vmul.f32 v34, v19;
	_ =	sdelay $0x1  }
0x234: {  	v17 =	vadd.f32 v18, v17;
	_ =	sdelay $0x1  }
0x235: {  	[tilespmem:v3+s8+$0x0] =	vst.idx.msk $0xffff, v17  }
0x236: {  	v17 =	vld [tilespmem:s11+$0x17C80]  }
0x237: {  	v18 =	vld [tilespmem:s11+$0x19C80]  }
0x238: {  	v19 =	vld [tilespmem:s11+$0x17C90]  }
0x239: {  	v35 =	vld [tilespmem:s11+$0x19C90]  }
0x23a: {  	v36 =	vld [tilespmem:s11+$0x17CA0]  }
0x23b: {  	v37 =	vld [tilespmem:s11+$0x19CA0]  }
0x23c: {  	v38 =	vld [tilespmem:s11+$0x17CB0]  }
0x23d: {  	v39 =	vld [tilespmem:s11+$0x19CB0]  }
0x23e: {  	v40 =	vld [tilespmem:s11+$0x19CC0];
	v17 =	vmul.f32 v18, v17;
	v18 =	vmul.f32 v35, v19  }
0x23f: {  	v19 =	vld [tilespmem:s11+$0x17CC0]  }
0x240: {  	v41 =	vld [tilespmem:s11+$0x17CD0];
	v17 =	vadd.f32 v18, v17;
	v18 =	vmul.f32 v37, v36  }
0x241: {  	v42 =	vld [tilespmem:s11+$0x19CD0]  }
0x242: {  	v43 =	vld [tilespmem:s11+$0x17CE0];
	v17 =	vadd.f32 v18, v17;
	v18 =	vmul.f32 v39, v38  }
0x243: {  	v44 =	vld [tilespmem:s11+$0x19CE0]  }
0x244: {  	v45 =	vld [tilespmem:s11+$0x19CF0];
	v17 =	vadd.f32 v18, v17;
	v18 =	vmul.f32 v40, v19  }
0x245: {  	v19 =	vld [tilespmem:s11+$0x17CF0]  }
0x246: {  	v17 =	vadd.f32 v18, v17;
	v18 =	vmul.f32 v42, v41;
	_ =	sdelay $0x1  }
0x247: {  	v17 =	vadd.f32 v18, v17;
	v18 =	vmul.f32 v44, v43;
	_ =	sdelay $0x1  }
0x248: {  	v17 =	vadd.f32 v18, v17;
	v18 =	vmul.f32 v45, v19;
	_ =	sdelay $0x1  }
0x249: {  	v17 =	vadd.f32 v18, v17;
	_ =	sdelay $0x1  }
0x24a: {  	[tilespmem:v4+s8+$0x0] =	vst.idx.msk $0xffff, v17  }
0x24b: {  	v17 =	vld [tilespmem:s11+$0x17D00]  }
0x24c: {  	v18 =	vld [tilespmem:s11+$0x19D00]  }
0x24d: {  	v19 =	vld [tilespmem:s11+$0x17D10]  }
0x24e: {  	v46 =	vld [tilespmem:s11+$0x19D10]  }
0x24f: {  	v47 =	vld [tilespmem:s11+$0x17D20]  }
0x250: {  	v48 =	vld [tilespmem:s11+$0x19D20]  }
0x251: {  	v49 =	vld [tilespmem:s11+$0x17D30]  }
0x252: {  	v50 =	vld [tilespmem:s11+$0x19D30]  }
0x253: {  	v51 =	vld [tilespmem:s11+$0x19D40];
	v17 =	vmul.f32 v18, v17;
	v18 =	vmul.f32 v46, v19  }
0x254: {  	v19 =	vld [tilespmem:s11+$0x17D40]  }
0x255: {  	v52 =	vld [tilespmem:s11+$0x17D50];
	v17 =	vadd.f32 v18, v17;
	v18 =	vmul.f32 v48, v47  }
0x256: {  	v53 =	vld [tilespmem:s11+$0x19D50]  }
0x257: {  	v54 =	vld [tilespmem:s11+$0x17D60];
	v17 =	vadd.f32 v18, v17;
	v18 =	vmul.f32 v50, v49  }
0x258: {  	v55 =	vld [tilespmem:s11+$0x19D60]  }
0x259: {  	v56 =	vld [tilespmem:s11+$0x19D70];
	v17 =	vadd.f32 v18, v17;
	v18 =	vmul.f32 v51, v19  }
0x25a: {  	v19 =	vld [tilespmem:s11+$0x17D70]  }
0x25b: {  	v17 =	vadd.f32 v18, v17;
	v18 =	vmul.f32 v53, v52;
	_ =	sdelay $0x1  }
0x25c: {  	v17 =	vadd.f32 v18, v17;
	v18 =	vmul.f32 v55, v54;
	_ =	sdelay $0x1  }
0x25d: {  	v17 =	vadd.f32 v18, v17;
	v18 =	vmul.f32 v56, v19;
	_ =	sdelay $0x1  }
0x25e: {  	v17 =	vadd.f32 v18, v17;
	_ =	sdelay $0x1  }
0x25f: {  	[tilespmem:v5+s8+$0x0] =	vst.idx.msk $0xffff, v17  }
0x260: {  	v17 =	vld [tilespmem:s11+$0x17D80]  }
0x261: {  	v18 =	vld [tilespmem:s11+$0x19D80]  }
0x262: {  	v19 =	vld [tilespmem:s11+$0x17D90]  }
0x263: {  	v57 =	vld [tilespmem:s11+$0x19D90]  }
0x264: {  	v58 =	vld [tilespmem:s11+$0x17DA0]  }
0x265: {  	v59 =	vld [tilespmem:s11+$0x19DA0]  }
0x266: {  	v60 =	vld [tilespmem:s11+$0x17DB0]  }
0x267: {  	v61 =	vld [tilespmem:s11+$0x19DB0]  }
0x268: {  	v62 =	vld [tilespmem:s11+$0x19DC0];
	v17 =	vmul.f32 v18, v17;
	v18 =	vmul.f32 v57, v19  }
0x269: {  	v19 =	vld [tilespmem:s11+$0x17DC0]  }
0x26a: {  	v63 =	vld [tilespmem:s11+$0x17DD0];
	v17 =	vadd.f32 v18, v17;
	v18 =	vmul.f32 v59, v58  }
0x26b: {  	v28 =	vld [tilespmem:s11+$0x19DD0]  }
0x26c: {  	v29 =	vld [tilespmem:s11+$0x17DE0];
	v17 =	vadd.f32 v18, v17;
	v18 =	vmul.f32 v61, v60  }
0x26d: {  	v30 =	vld [tilespmem:s11+$0x19DE0]  }
0x26e: {  	v31 =	vld [tilespmem:s11+$0x19DF0];
	v17 =	vadd.f32 v18, v17;
	v18 =	vmul.f32 v62, v19  }
0x26f: {  	v19 =	vld [tilespmem:s11+$0x17DF0]  }
0x270: {  	v17 =	vadd.f32 v18, v17;
	v18 =	vmul.f32 v28, v63;
	_ =	sdelay $0x1  }
0x271: {  	v17 =	vadd.f32 v18, v17;
	v18 =	vmul.f32 v30, v29;
	_ =	sdelay $0x1  }
0x272: {  	v17 =	vadd.f32 v18, v17;
	v18 =	vmul.f32 v31, v19;
	_ =	sdelay $0x1  }
0x273: {  	v17 =	vadd.f32 v18, v17;
	_ =	sdelay $0x1  }
0x274: {  	[tilespmem:v6+s8+$0x0] =	vst.idx.msk $0xffff, v17  }
0x275: {  	v17 =	vld [tilespmem:s11+$0x17E00]  }
0x276: {  	v18 =	vld [tilespmem:s11+$0x19E00]  }
0x277: {  	v19 =	vld [tilespmem:s11+$0x17E10]  }
0x278: {  	v32 =	vld [tilespmem:s11+$0x19E10]  }
0x279: {  	v33 =	vld [tilespmem:s11+$0x17E20]  }
0x27a: {  	v34 =	vld [tilespmem:s11+$0x19E20]  }
0x27b: {  	v35 =	vld [tilespmem:s11+$0x17E30]  }
0x27c: {  	v36 =	vld [tilespmem:s11+$0x19E30]  }
0x27d: {  	v37 =	vld [tilespmem:s11+$0x19E40];
	v17 =	vmul.f32 v18, v17;
	v18 =	vmul.f32 v32, v19  }
0x27e: {  	v19 =	vld [tilespmem:s11+$0x17E40]  }
0x27f: {  	v38 =	vld [tilespmem:s11+$0x17E50];
	v17 =	vadd.f32 v18, v17;
	v18 =	vmul.f32 v34, v33  }
0x280: {  	v39 =	vld [tilespmem:s11+$0x19E50]  }
0x281: {  	v40 =	vld [tilespmem:s11+$0x17E60];
	v17 =	vadd.f32 v18, v17;
	v18 =	vmul.f32 v36, v35  }
0x282: {  	v41 =	vld [tilespmem:s11+$0x19E60]  }
0x283: {  	v42 =	vld [tilespmem:s11+$0x19E70];
	v17 =	vadd.f32 v18, v17;
	v18 =	vmul.f32 v37, v19  }
0x284: {  	v19 =	vld [tilespmem:s11+$0x17E70]  }
0x285: {  	v17 =	vadd.f32 v18, v17;
	v18 =	vmul.f32 v39, v38;
	_ =	sdelay $0x1  }
0x286: {  	v17 =	vadd.f32 v18, v17;
	v18 =	vmul.f32 v41, v40;
	_ =	sdelay $0x1  }
0x287: {  	v17 =	vadd.f32 v18, v17;
	v18 =	vmul.f32 v42, v19;
	_ =	sdelay $0x1  }
0x288: {  	v17 =	vadd.f32 v18, v17;
	_ =	sdelay $0x1  }
0x289: {  	[tilespmem:v7+s8+$0x0] =	vst.idx.msk $0xffff, v17  }
0x28a: {  	v17 =	vld [tilespmem:s11+$0x17E80]  }
0x28b: {  	v18 =	vld [tilespmem:s11+$0x19E80]  }
0x28c: {  	v19 =	vld [tilespmem:s11+$0x17E90]  }
0x28d: {  	v43 =	vld [tilespmem:s11+$0x19E90]  }
0x28e: {  	v44 =	vld [tilespmem:s11+$0x17EA0]  }
0x28f: {  	v45 =	vld [tilespmem:s11+$0x19EA0]  }
0x290: {  	v46 =	vld [tilespmem:s11+$0x17EB0]  }
0x291: {  	v47 =	vld [tilespmem:s11+$0x19EB0]  }
0x292: {  	v48 =	vld [tilespmem:s11+$0x19EC0];
	v17 =	vmul.f32 v18, v17;
	v18 =	vmul.f32 v43, v19  }
0x293: {  	v19 =	vld [tilespmem:s11+$0x17EC0]  }
0x294: {  	v49 =	vld [tilespmem:s11+$0x17ED0];
	v17 =	vadd.f32 v18, v17;
	v18 =	vmul.f32 v45, v44  }
0x295: {  	v50 =	vld [tilespmem:s11+$0x19ED0]  }
0x296: {  	v51 =	vld [tilespmem:s11+$0x17EE0];
	v17 =	vadd.f32 v18, v17;
	v18 =	vmul.f32 v47, v46  }
0x297: {  	v52 =	vld [tilespmem:s11+$0x19EE0]  }
0x298: {  	v53 =	vld [tilespmem:s11+$0x19EF0];
	v17 =	vadd.f32 v18, v17;
	v18 =	vmul.f32 v48, v19  }
0x299: {  	v19 =	vld [tilespmem:s11+$0x17EF0]  }
0x29a: {  	v17 =	vadd.f32 v18, v17;
	v18 =	vmul.f32 v50, v49;
	_ =	sdelay $0x1  }
0x29b: {  	v17 =	vadd.f32 v18, v17;
	v18 =	vmul.f32 v52, v51;
	_ =	sdelay $0x1  }
0x29c: {  	v17 =	vadd.f32 v18, v17;
	v18 =	vmul.f32 v53, v19;
	_ =	sdelay $0x1  }
0x29d: {  	v17 =	vadd.f32 v18, v17;
	_ =	sdelay $0x1  }
0x29e: {  	[tilespmem:v8+s8+$0x0] =	vst.idx.msk $0xffff, v17  }
0x29f: {  	v17 =	vld [tilespmem:s11+$0x17F00]  }
0x2a0: {  	v18 =	vld [tilespmem:s11+$0x19F00]  }
0x2a1: {  	v19 =	vld [tilespmem:s11+$0x17F10]  }
0x2a2: {  	v54 =	vld [tilespmem:s11+$0x19F10]  }
0x2a3: {  	v55 =	vld [tilespmem:s11+$0x17F20]  }
0x2a4: {  	v56 =	vld [tilespmem:s11+$0x19F20]  }
0x2a5: {  	v57 =	vld [tilespmem:s11+$0x17F30]  }
0x2a6: {  	v58 =	vld [tilespmem:s11+$0x19F30]  }
0x2a7: {  	v59 =	vld [tilespmem:s11+$0x19F40];
	v17 =	vmul.f32 v18, v17;
	v18 =	vmul.f32 v54, v19  }
0x2a8: {  	v19 =	vld [tilespmem:s11+$0x17F40]  }
0x2a9: {  	v60 =	vld [tilespmem:s11+$0x17F50];
	v17 =	vadd.f32 v18, v17;
	v18 =	vmul.f32 v56, v55  }
0x2aa: {  	v61 =	vld [tilespmem:s11+$0x19F50]  }
0x2ab: {  	v62 =	vld [tilespmem:s11+$0x17F60];
	v17 =	vadd.f32 v18, v17;
	v18 =	vmul.f32 v58, v57  }
0x2ac: {  	v63 =	vld [tilespmem:s11+$0x19F60]  }
0x2ad: {  	v28 =	vld [tilespmem:s11+$0x19F70];
	v17 =	vadd.f32 v18, v17;
	v18 =	vmul.f32 v59, v19  }
0x2ae: {  	v19 =	vld [tilespmem:s11+$0x17F70]  }
0x2af: {  	v17 =	vadd.f32 v18, v17;
	v18 =	vmul.f32 v61, v60;
	_ =	sdelay $0x1  }
0x2b0: {  	v17 =	vadd.f32 v18, v17;
	v18 =	vmul.f32 v63, v62;
	_ =	sdelay $0x1  }
0x2b1: {  	v17 =	vadd.f32 v18, v17;
	v18 =	vmul.f32 v28, v19;
	_ =	sdelay $0x1  }
0x2b2: {  	v17 =	vadd.f32 v18, v17;
	_ =	sdelay $0x1  }
0x2b3: {  	[tilespmem:v9+s8+$0x0] =	vst.idx.msk $0xffff, v17  }
0x2b4: {  	v17 =	vld [tilespmem:s11+$0x17F80]  }
0x2b5: {  	v18 =	vld [tilespmem:s11+$0x19F80]  }
0x2b6: {  	v19 =	vld [tilespmem:s11+$0x17F90]  }
0x2b7: {  	v29 =	vld [tilespmem:s11+$0x19F90]  }
0x2b8: {  	v30 =	vld [tilespmem:s11+$0x17FA0]  }
0x2b9: {  	v31 =	vld [tilespmem:s11+$0x19FA0]  }
0x2ba: {  	v32 =	vld [tilespmem:s11+$0x17FB0]  }
0x2bb: {  	v33 =	vld [tilespmem:s11+$0x19FB0]  }
0x2bc: {  	v34 =	vld [tilespmem:s11+$0x19FC0];
	v17 =	vmul.f32 v18, v17;
	v18 =	vmul.f32 v29, v19  }
0x2bd: {  	v19 =	vld [tilespmem:s11+$0x17FC0]  }
0x2be: {  	v35 =	vld [tilespmem:s11+$0x17FD0];
	v17 =	vadd.f32 v18, v17;
	v18 =	vmul.f32 v31, v30  }
0x2bf: {  	v36 =	vld [tilespmem:s11+$0x19FD0]  }
0x2c0: {  	v37 =	vld [tilespmem:s11+$0x17FE0];
	v17 =	vadd.f32 v18, v17;
	v18 =	vmul.f32 v33, v32  }
0x2c1: {  	v38 =	vld [tilespmem:s11+$0x19FE0]  }
0x2c2: {  	v39 =	vld [tilespmem:s11+$0x19FF0];
	v17 =	vadd.f32 v18, v17;
	v18 =	vmul.f32 v34, v19  }
0x2c3: {  	v19 =	vld [tilespmem:s11+$0x17FF0]  }
0x2c4: {  	v17 =	vadd.f32 v18, v17;
	v18 =	vmul.f32 v36, v35;
	_ =	sdelay $0x1  }
0x2c5: {  	v17 =	vadd.f32 v18, v17;
	v18 =	vmul.f32 v38, v37;
	_ =	sdelay $0x1  }
0x2c6: {  	v17 =	vadd.f32 v18, v17;
	v18 =	vmul.f32 v39, v19;
	_ =	sdelay $0x1  }
0x2c7: {  	v17 =	vadd.f32 v18, v17;
	_ =	sdelay $0x1  }
0x2c8: {  	[tilespmem:v10+s8+$0x0] =	vst.idx.msk $0xffff, v17  }
0x2c9: {  	v17 =	vld [tilespmem:s11+$0x18000]  }
0x2ca: {  	v18 =	vld [tilespmem:s11+$0x1A000]  }
0x2cb: {  	v19 =	vld [tilespmem:s11+$0x18010]  }
0x2cc: {  	v40 =	vld [tilespmem:s11+$0x1A010]  }
0x2cd: {  	v41 =	vld [tilespmem:s11+$0x18020]  }
0x2ce: {  	v42 =	vld [tilespmem:s11+$0x1A020]  }
0x2cf: {  	v43 =	vld [tilespmem:s11+$0x18030]  }
0x2d0: {  	v44 =	vld [tilespmem:s11+$0x1A030]  }
0x2d1: {  	v45 =	vld [tilespmem:s11+$0x1A040];
	v17 =	vmul.f32 v18, v17;
	v18 =	vmul.f32 v40, v19  }
0x2d2: {  	v19 =	vld [tilespmem:s11+$0x18040]  }
0x2d3: {  	v46 =	vld [tilespmem:s11+$0x18050];
	v17 =	vadd.f32 v18, v17;
	v18 =	vmul.f32 v42, v41  }
0x2d4: {  	v47 =	vld [tilespmem:s11+$0x1A050]  }
0x2d5: {  	v48 =	vld [tilespmem:s11+$0x18060];
	v17 =	vadd.f32 v18, v17;
	v18 =	vmul.f32 v44, v43  }
0x2d6: {  	v49 =	vld [tilespmem:s11+$0x1A060]  }
0x2d7: {  	v50 =	vld [tilespmem:s11+$0x1A070];
	v17 =	vadd.f32 v18, v17;
	v18 =	vmul.f32 v45, v19  }
0x2d8: {  	v19 =	vld [tilespmem:s11+$0x18070]  }
0x2d9: {  	v17 =	vadd.f32 v18, v17;
	v18 =	vmul.f32 v47, v46;
	_ =	sdelay $0x1  }
0x2da: {  	v17 =	vadd.f32 v18, v17;
	v18 =	vmul.f32 v49, v48;
	_ =	sdelay $0x1  }
0x2db: {  	v17 =	vadd.f32 v18, v17;
	v18 =	vmul.f32 v50, v19;
	_ =	sdelay $0x1  }
0x2dc: {  	v17 =	vadd.f32 v18, v17;
	_ =	sdelay $0x1  }
0x2dd: {  	[tilespmem:v11+s8+$0x0] =	vst.idx.msk $0xffff, v17  }
0x2de: {  	v17 =	vld [tilespmem:s11+$0x18080]  }
0x2df: {  	v18 =	vld [tilespmem:s11+$0x1A080]  }
0x2e0: {  	v19 =	vld [tilespmem:s11+$0x18090]  }
0x2e1: {  	v51 =	vld [tilespmem:s11+$0x1A090]  }
0x2e2: {  	v52 =	vld [tilespmem:s11+$0x180A0]  }
0x2e3: {  	v53 =	vld [tilespmem:s11+$0x1A0A0]  }
0x2e4: {  	v54 =	vld [tilespmem:s11+$0x180B0]  }
0x2e5: {  	v55 =	vld [tilespmem:s11+$0x1A0B0]  }
0x2e6: {  	v56 =	vld [tilespmem:s11+$0x1A0C0];
	v17 =	vmul.f32 v18, v17;
	v18 =	vmul.f32 v51, v19  }
0x2e7: {  	v19 =	vld [tilespmem:s11+$0x180C0]  }
0x2e8: {  	v57 =	vld [tilespmem:s11+$0x180D0];
	v17 =	vadd.f32 v18, v17;
	v18 =	vmul.f32 v53, v52  }
0x2e9: {  	v58 =	vld [tilespmem:s11+$0x1A0D0]  }
0x2ea: {  	v59 =	vld [tilespmem:s11+$0x180E0];
	v17 =	vadd.f32 v18, v17;
	v18 =	vmul.f32 v55, v54  }
0x2eb: {  	v60 =	vld [tilespmem:s11+$0x1A0E0]  }
0x2ec: {  	v61 =	vld [tilespmem:s11+$0x1A0F0];
	v17 =	vadd.f32 v18, v17;
	v18 =	vmul.f32 v56, v19  }
0x2ed: {  	v19 =	vld [tilespmem:s11+$0x180F0]  }
0x2ee: {  	v17 =	vadd.f32 v18, v17;
	v18 =	vmul.f32 v58, v57;
	_ =	sdelay $0x1  }
0x2ef: {  	v17 =	vadd.f32 v18, v17;
	v18 =	vmul.f32 v60, v59;
	_ =	sdelay $0x1  }
0x2f0: {  	v17 =	vadd.f32 v18, v17;
	v18 =	vmul.f32 v61, v19;
	_ =	sdelay $0x1  }
0x2f1: {  	v17 =	vadd.f32 v18, v17;
	_ =	sdelay $0x1  }
0x2f2: {  	[tilespmem:v12+s8+$0x0] =	vst.idx.msk $0xffff, v17  }
0x2f3: {  	v17 =	vld [tilespmem:s11+$0x18100]  }
0x2f4: {  	v18 =	vld [tilespmem:s11+$0x1A100]  }
0x2f5: {  	v19 =	vld [tilespmem:s11+$0x18110]  }
0x2f6: {  	v62 =	vld [tilespmem:s11+$0x1A110]  }
0x2f7: {  	v63 =	vld [tilespmem:s11+$0x18120]  }
0x2f8: {  	v28 =	vld [tilespmem:s11+$0x1A120]  }
0x2f9: {  	v29 =	vld [tilespmem:s11+$0x18130]  }
0x2fa: {  	v30 =	vld [tilespmem:s11+$0x1A130]  }
0x2fb: {  	v31 =	vld [tilespmem:s11+$0x1A140];
	v17 =	vmul.f32 v18, v17;
	v18 =	vmul.f32 v62, v19  }
0x2fc: {  	v19 =	vld [tilespmem:s11+$0x18140]  }
0x2fd: {  	v32 =	vld [tilespmem:s11+$0x18150];
	v17 =	vadd.f32 v18, v17;
	v18 =	vmul.f32 v28, v63  }
0x2fe: {  	v33 =	vld [tilespmem:s11+$0x1A150]  }
0x2ff: {  	v34 =	vld [tilespmem:s11+$0x18160];
	v17 =	vadd.f32 v18, v17;
	v18 =	vmul.f32 v30, v29  }
0x300: {  	v35 =	vld [tilespmem:s11+$0x1A160]  }
0x301: {  	v36 =	vld [tilespmem:s11+$0x1A170];
	v17 =	vadd.f32 v18, v17;
	v18 =	vmul.f32 v31, v19  }
0x302: {  	v19 =	vld [tilespmem:s11+$0x18170]  }
0x303: {  	v17 =	vadd.f32 v18, v17;
	v18 =	vmul.f32 v33, v32;
	_ =	sdelay $0x1  }
0x304: {  	v17 =	vadd.f32 v18, v17;
	v18 =	vmul.f32 v35, v34;
	_ =	sdelay $0x1  }
0x305: {  	v17 =	vadd.f32 v18, v17;
	v18 =	vmul.f32 v36, v19;
	_ =	sdelay $0x1  }
0x306: {  	v17 =	vadd.f32 v18, v17;
	_ =	sdelay $0x1  }
0x307: {  	[tilespmem:v13+s8+$0x0] =	vst.idx.msk $0xffff, v17  }
0x308: {  	v17 =	vld [tilespmem:s11+$0x18180]  }
0x309: {  	v18 =	vld [tilespmem:s11+$0x1A180]  }
0x30a: {  	v19 =	vld [tilespmem:s11+$0x18190]  }
0x30b: {  	v37 =	vld [tilespmem:s11+$0x1A190]  }
0x30c: {  	v38 =	vld [tilespmem:s11+$0x181A0]  }
0x30d: {  	v39 =	vld [tilespmem:s11+$0x1A1A0]  }
0x30e: {  	v40 =	vld [tilespmem:s11+$0x181B0]  }
0x30f: {  	v41 =	vld [tilespmem:s11+$0x1A1B0]  }
0x310: {  	v42 =	vld [tilespmem:s11+$0x1A1C0];
	v17 =	vmul.f32 v18, v17;
	v18 =	vmul.f32 v37, v19  }
0x311: {  	v19 =	vld [tilespmem:s11+$0x181C0]  }
0x312: {  	v43 =	vld [tilespmem:s11+$0x181D0];
	v17 =	vadd.f32 v18, v17;
	v18 =	vmul.f32 v39, v38  }
0x313: {  	v44 =	vld [tilespmem:s11+$0x1A1D0]  }
0x314: {  	v45 =	vld [tilespmem:s11+$0x181E0];
	v17 =	vadd.f32 v18, v17;
	v18 =	vmul.f32 v41, v40  }
0x315: {  	v46 =	vld [tilespmem:s11+$0x1A1E0]  }
0x316: {  	v47 =	vld [tilespmem:s11+$0x1A1F0];
	v17 =	vadd.f32 v18, v17;
	v18 =	vmul.f32 v42, v19  }
0x317: {  	v19 =	vld [tilespmem:s11+$0x181F0]  }
0x318: {  	v17 =	vadd.f32 v18, v17;
	v18 =	vmul.f32 v44, v43;
	_ =	sdelay $0x1  }
0x319: {  	v17 =	vadd.f32 v18, v17;
	v18 =	vmul.f32 v46, v45;
	_ =	sdelay $0x1  }
0x31a: {  	v17 =	vadd.f32 v18, v17;
	v18 =	vmul.f32 v47, v19;
	_ =	sdelay $0x1  }
0x31b: {  	v17 =	vadd.f32 v18, v17;
	_ =	sdelay $0x1  }
0x31c: {  	[tilespmem:v14+s8+$0x0] =	vst.idx.msk $0xffff, v17  }
0x31d: {  	v17 =	vld [tilespmem:s11+$0x18200]  }
0x31e: {  	v18 =	vld [tilespmem:s11+$0x1A200]  }
0x31f: {  	v19 =	vld [tilespmem:s11+$0x18210]  }
0x320: {  	v48 =	vld [tilespmem:s11+$0x1A210]  }
0x321: {  	v49 =	vld [tilespmem:s11+$0x18220]  }
0x322: {  	v50 =	vld [tilespmem:s11+$0x1A220]  }
0x323: {  	v51 =	vld [tilespmem:s11+$0x18230]  }
0x324: {  	v52 =	vld [tilespmem:s11+$0x1A230]  }
0x325: {  	v53 =	vld [tilespmem:s11+$0x1A240];
	v17 =	vmul.f32 v18, v17;
	v18 =	vmul.f32 v48, v19  }
0x326: {  	v19 =	vld [tilespmem:s11+$0x18240]  }
0x327: {  	v54 =	vld [tilespmem:s11+$0x18250];
	v17 =	vadd.f32 v18, v17;
	v18 =	vmul.f32 v50, v49  }
0x328: {  	v55 =	vld [tilespmem:s11+$0x1A250]  }
0x329: {  	v56 =	vld [tilespmem:s11+$0x18260];
	v17 =	vadd.f32 v18, v17;
	v18 =	vmul.f32 v52, v51  }
0x32a: {  	v57 =	vld [tilespmem:s11+$0x1A260]  }
0x32b: {  	v58 =	vld [tilespmem:s11+$0x1A270];
	v17 =	vadd.f32 v18, v17;
	v18 =	vmul.f32 v53, v19  }
0x32c: {  	v19 =	vld [tilespmem:s11+$0x18270]  }
0x32d: {  	v17 =	vadd.f32 v18, v17;
	v18 =	vmul.f32 v55, v54;
	_ =	sdelay $0x1  }
0x32e: {  	v17 =	vadd.f32 v18, v17;
	v18 =	vmul.f32 v57, v56;
	_ =	sdelay $0x1  }
0x32f: {  	v17 =	vadd.f32 v18, v17;
	v18 =	vmul.f32 v58, v19;
	_ =	sdelay $0x1  }
0x330: {  	v17 =	vadd.f32 v18, v17;
	_ =	sdelay $0x1  }
0x331: {  	[tilespmem:v15+s8+$0x0] =	vst.idx.msk $0xffff, v17  }
0x332: {  	v17 =	vld [tilespmem:$0x1E200]  }
0x333: {  	v18 =	vld [tilespmem:$0x1E210];
	_ =	sdelay $0x1  }
0x334: {  	v19 =	vld [tilespmem:$0x1E220];
	_ =	sdelay $0x1  }
0x335: {  	v59 =	vld [tilespmem:$0x1E230]  }
0x336: {  	v17 =	vadd.f32 v18, v17  }
0x337: {  	v18 =	vld [tilespmem:$0x1E240]  }
0x338: {  	v17 =	vadd.f32 v19, v17  }
0x339: {  	v19 =	vld [tilespmem:$0x1E250]  }
0x33a: {  	v17 =	vadd.f32 v59, v17  }
0x33b: {  	v60 =	vld [tilespmem:$0x1E260]  }
0x33c: {  	v17 =	vadd.f32 v18, v17  }
0x33d: {  	v18 =	vld [tilespmem:$0x1E270]  }
0x33e: {  	v17 =	vadd.f32 v19, v17  }
0x33f: {  	v19 =	vld [tilespmem:$0x1E280]  }
0x340: {  	v17 =	vadd.f32 v60, v17  }
0x341: {  	v61 =	vld [tilespmem:$0x1E290]  }
0x342: {  	v17 =	vadd.f32 v18, v17  }
0x343: {  	v18 =	vld [tilespmem:$0x1E2A0]  }
0x344: {  	v17 =	vadd.f32 v19, v17  }
0x345: {  	v19 =	vld [tilespmem:$0x1E2B0]  }
0x346: {  	v17 =	vadd.f32 v61, v17  }
0x347: {  	v62 =	vld [tilespmem:$0x1E2C0]  }
0x348: {  	v17 =	vadd.f32 v18, v17  }
0x349: {  	v18 =	vld [tilespmem:$0x1E2D0]  }
0x34a: {  	v17 =	vadd.f32 v19, v17  }
0x34b: {  	v19 =	vld [tilespmem:$0x1E2E0]  }
0x34c: {  	v17 =	vadd.f32 v62, v17  }
0x34d: {  	v63 =	vld [tilespmem:$0x1E2F0]  }
0x34e: {  	v17 =	vadd.f32 v18, v17;
	_ =	sdelay $0x1  }
0x34f: {  	v17 =	vadd.f32 v19, v17;
	_ =	sdelay $0x1  }
0x350: {  	v17 =	vadd.f32 v63, v17;
	_ =	sdelay $0x1  }
0x351: {  	v17 =	vsub.f32 $0.0e+00, v17;
	_ =	sdelay $0x1  }
0x352: {  	v17 =	vmul.f32 $1.442695020e+00, v17;
	_ =	sdelay $0x1  }
0x353: {  	(erf) = vpow2.f32 v17;
	_ =	sdelay $0x8  }
0x354: {  	v17 =	vpop (erf)  }
0x355: {  	v17 =	vadd.f32 $1.000000000e+00, v17;
	_ =	sdelay $0x1  }
0x356: {  	(erf) = vrcp.f32 v17;
	_ =	sdelay $0x4  }
0x357: {  	p1 =	sne.s32 s10, $0x3  }
.Ltmp1:
0x358: {  	_ = 	snop;
	(pc) =	sbr.rel @p1 .LBB2_5-.Ltmp1, $4  }
0x359: {  	_ = 	snop  }
0x35a: {  	s16 =	sshll.u32 s10, $0x4  }
0x35b: {  	s11 =	sand.u32 $0x3FFFFFF0, s16;
	v17 =	vpop (erf)  }
0x35c: {  	s10 =	sadd.s32 $0x1, s10;
	[tilespmem:v16+s11+$0x0 ss:$0x1] =	vst.idx.msk $0xffff, v17  }
0x35d: {  	s28 =	sadd.s32 $0x1, s28  }
0x35e: {  	p1 =	sne.s32 s28, $0x4E  }
.Ltmp2:
0x35f: {  	_ = 	snop;
	(pc) =	sbr.rel @p1 .LBB2_2-.Ltmp2, $1  }
0x360: {  	_ =	sdelay $0x3  }
0x361: {  	s10 =	rddreg [dreg:$0xb]  }
0x362: {  	[tilespmem:s21], [sflag:$0x9] =	stream.linear.gather [hbm4b:s10+s3], $0x10, $0x38;
	[tilespmem:$0x1E300] =	vst v63  }
0x363: {  	_ =	swait.ge [sflag:s19], $0x10  }
0x364: {  	[sflag:s19] =	ssyncset.done $0x0  }
0x365: {  	s16 =	rddreg [dreg:$0xc];
	[sflag:s19] =	ssyncadd.s32 $0xFFFFFFF0  }
0x366: {  	[tilespmem:s22], [sflag:$0x9] =	stream.linear.gather [hbm4b:s16+s3], $0x10, $0x38;
	[tilespmem:$0x1E300] =	vst v63  }
0x367: {  	_ =	swait.ge [sflag:s19], $0x10  }
0x368: {  	[sflag:s19] =	ssyncset.done $0x0  }
0x369: {  	s11 =	simm.s32 $0x13A80;
	[sflag:s19] =	ssyncadd.s32 $0xFFFFFFF0  }
0x36a: {  	[tilespmem:s11], [sflag:$0x1] =	stream.indirect.gather [spmem:s2], $0x80, s21, s26, $0xb8;
	[tilespmem:$0x1E300] =	vst v63  }
0x36b: {  	s14 =	simm.s32 $0x15A80  }
0x36c: {  	[tilespmem:s14], [sflag:$0x2] =	stream.indirect.gather [spmem:s2], $0x80, s22, s26, $0xb8;
	[tilespmem:$0x1E300] =	vst v63  }
0x36d: {  	_ =	swait.ge [sflag:s5], $0x800  }
0x36e: {  	[sflag:s5] =	ssyncset.done $0x0  }
0x36f: {  	[sflag:s5] =	ssyncadd.s32 $0xFFFFF800  }
0x370: {  	_ =	swait.ge [sflag:s7], $0x800  }
0x371: {  	[sflag:s7] =	ssyncset.done $0x0  }
0x372: {  	[sflag:s7] =	ssyncadd.s32 $0xFFFFF800  }
0x373: {  	v16 =	vld [tilespmem:$0x13A80]  }
0x374: {  	v17 =	vld [tilespmem:$0x15A80]  }
0x375: {  	v18 =	vld [tilespmem:$0x13A90]  }
0x376: {  	v19 =	vld [tilespmem:$0x15A90]  }
0x377: {  	v20 =	vld [tilespmem:$0x13AA0]  }
0x378: {  	v21 =	vld [tilespmem:$0x15AA0]  }
0x379: {  	v22 =	vld [tilespmem:$0x13AB0]  }
0x37a: {  	v23 =	vld [tilespmem:$0x15AB0]  }
0x37b: {  	v36 =	vld [tilespmem:$0x13AC0];
	v16 =	vmul.f32 v17, v16;
	v17 =	vmul.f32 v19, v18  }
0x37c: {  	v37 =	vld [tilespmem:$0x15AC0]  }
0x37d: {  	v38 =	vld [tilespmem:$0x13AD0];
	v16 =	vadd.f32 v17, v16;
	v17 =	vmul.f32 v21, v20  }
0x37e: {  	v39 =	vld [tilespmem:$0x15AD0]  }
0x37f: {  	v40 =	vld [tilespmem:$0x13AE0];
	v16 =	vadd.f32 v17, v16;
	v17 =	vmul.f32 v23, v22  }
0x380: {  	v41 =	vld [tilespmem:$0x15AE0]  }
0x381: {  	v42 =	vld [tilespmem:$0x13AF0];
	v16 =	vadd.f32 v17, v16;
	v17 =	vmul.f32 v37, v36  }
0x382: {  	v43 =	vld [tilespmem:$0x15AF0]  }
0x383: {  	v16 =	vadd.f32 v17, v16;
	v17 =	vmul.f32 v39, v38;
	_ =	sdelay $0x1  }
0x384: {  	v16 =	vadd.f32 v17, v16;
	v17 =	vmul.f32 v41, v40;
	_ =	sdelay $0x1  }
0x385: {  	v16 =	vadd.f32 v17, v16;
	v17 =	vmul.f32 v43, v42;
	_ =	sdelay $0x1  }
0x386: {  	v16 =	vadd.f32 v17, v16;
	_ =	sdelay $0x1  }
0x387: {  	[tilespmem:v0+s8+$0x0] =	vst.idx.msk $0xffff, v16  }
0x388: {  	v16 =	vld [tilespmem:$0x13B00]  }
0x389: {  	v17 =	vld [tilespmem:$0x15B00]  }
0x38a: {  	v44 =	vld [tilespmem:$0x13B10]  }
0x38b: {  	v45 =	vld [tilespmem:$0x15B10]  }
0x38c: {  	v46 =	vld [tilespmem:$0x13B20]  }
0x38d: {  	v47 =	vld [tilespmem:$0x15B20]  }
0x38e: {  	v48 =	vld [tilespmem:$0x13B30]  }
0x38f: {  	v49 =	vld [tilespmem:$0x15B30]  }
0x390: {  	v50 =	vld [tilespmem:$0x13B40];
	v16 =	vmul.f32 v17, v16;
	v17 =	vmul.f32 v45, v44  }
0x391: {  	v51 =	vld [tilespmem:$0x15B40]  }
0x392: {  	v52 =	vld [tilespmem:$0x13B50];
	v16 =	vadd.f32 v17, v16;
	v17 =	vmul.f32 v47, v46  }
0x393: {  	v53 =	vld [tilespmem:$0x15B50]  }
0x394: {  	v54 =	vld [tilespmem:$0x13B60];
	v16 =	vadd.f32 v17, v16;
	v17 =	vmul.f32 v49, v48  }
0x395: {  	v55 =	vld [tilespmem:$0x15B60]  }
0x396: {  	v56 =	vld [tilespmem:$0x13B70];
	v16 =	vadd.f32 v17, v16;
	v17 =	vmul.f32 v51, v50  }
0x397: {  	v57 =	vld [tilespmem:$0x15B70]  }
0x398: {  	v16 =	vadd.f32 v17, v16;
	v17 =	vmul.f32 v53, v52;
	_ =	sdelay $0x1  }
0x399: {  	v16 =	vadd.f32 v17, v16;
	v17 =	vmul.f32 v55, v54;
	_ =	sdelay $0x1  }
0x39a: {  	v16 =	vadd.f32 v17, v16;
	v17 =	vmul.f32 v57, v56;
	_ =	sdelay $0x1  }
0x39b: {  	v16 =	vadd.f32 v17, v16;
	_ =	sdelay $0x1  }
0x39c: {  	[tilespmem:v1+s8+$0x0] =	vst.idx.msk $0xffff, v16  }
0x39d: {  	v16 =	vld [tilespmem:$0x13B80]  }
0x39e: {  	v17 =	vld [tilespmem:$0x15B80]  }
0x39f: {  	v58 =	vld [tilespmem:$0x13B90]  }
0x3a0: {  	v59 =	vld [tilespmem:$0x15B90]  }
0x3a1: {  	v60 =	vld [tilespmem:$0x13BA0]  }
0x3a2: {  	v61 =	vld [tilespmem:$0x15BA0]  }
0x3a3: {  	v62 =	vld [tilespmem:$0x13BB0]  }
0x3a4: {  	v63 =	vld [tilespmem:$0x15BB0]  }
0x3a5: {  	v24 =	vld [tilespmem:$0x13BC0];
	v16 =	vmul.f32 v17, v16;
	v17 =	vmul.f32 v59, v58  }
0x3a6: {  	v25 =	vld [tilespmem:$0x15BC0]  }
0x3a7: {  	v26 =	vld [tilespmem:$0x13BD0];
	v16 =	vadd.f32 v17, v16;
	v17 =	vmul.f32 v61, v60  }
0x3a8: {  	v27 =	vld [tilespmem:$0x15BD0]  }
0x3a9: {  	v28 =	vld [tilespmem:$0x13BE0];
	v16 =	vadd.f32 v17, v16;
	v17 =	vmul.f32 v63, v62  }
0x3aa: {  	v29 =	vld [tilespmem:$0x15BE0]  }
0x3ab: {  	v30 =	vld [tilespmem:$0x13BF0];
	v16 =	vadd.f32 v17, v16;
	v17 =	vmul.f32 v25, v24  }
0x3ac: {  	v31 =	vld [tilespmem:$0x15BF0]  }
0x3ad: {  	v16 =	vadd.f32 v17, v16;
	v17 =	vmul.f32 v27, v26;
	_ =	sdelay $0x1  }
0x3ae: {  	v16 =	vadd.f32 v17, v16;
	v17 =	vmul.f32 v29, v28;
	_ =	sdelay $0x1  }
0x3af: {  	v16 =	vadd.f32 v17, v16;
	v17 =	vmul.f32 v31, v30;
	_ =	sdelay $0x1  }
0x3b0: {  	v16 =	vadd.f32 v17, v16;
	_ =	sdelay $0x1  }
0x3b1: {  	[tilespmem:v2+s8+$0x0] =	vst.idx.msk $0xffff, v16  }
0x3b2: {  	v16 =	vld [tilespmem:$0x13C00]  }
0x3b3: {  	v17 =	vld [tilespmem:$0x15C00]  }
0x3b4: {  	v32 =	vld [tilespmem:$0x13C10]  }
0x3b5: {  	v33 =	vld [tilespmem:$0x15C10]  }
0x3b6: {  	v34 =	vld [tilespmem:$0x13C20]  }
0x3b7: {  	v35 =	vld [tilespmem:$0x15C20]  }
0x3b8: {  	v36 =	vld [tilespmem:$0x13C30]  }
0x3b9: {  	v37 =	vld [tilespmem:$0x15C30]  }
0x3ba: {  	v38 =	vld [tilespmem:$0x13C40];
	v16 =	vmul.f32 v17, v16;
	v17 =	vmul.f32 v33, v32  }
0x3bb: {  	v39 =	vld [tilespmem:$0x15C40]  }
0x3bc: {  	v40 =	vld [tilespmem:$0x13C50];
	v16 =	vadd.f32 v17, v16;
	v17 =	vmul.f32 v35, v34  }
0x3bd: {  	v41 =	vld [tilespmem:$0x15C50]  }
0x3be: {  	v42 =	vld [tilespmem:$0x13C60];
	v16 =	vadd.f32 v17, v16;
	v17 =	vmul.f32 v37, v36  }
0x3bf: {  	v43 =	vld [tilespmem:$0x15C60]  }
0x3c0: {  	v44 =	vld [tilespmem:$0x13C70];
	v16 =	vadd.f32 v17, v16;
	v17 =	vmul.f32 v39, v38  }
0x3c1: {  	v45 =	vld [tilespmem:$0x15C70]  }
0x3c2: {  	v16 =	vadd.f32 v17, v16;
	v17 =	vmul.f32 v41, v40;
	_ =	sdelay $0x1  }
0x3c3: {  	v16 =	vadd.f32 v17, v16;
	v17 =	vmul.f32 v43, v42;
	_ =	sdelay $0x1  }
0x3c4: {  	v16 =	vadd.f32 v17, v16;
	v17 =	vmul.f32 v45, v44;
	_ =	sdelay $0x1  }
0x3c5: {  	v16 =	vadd.f32 v17, v16;
	_ =	sdelay $0x1  }
0x3c6: {  	[tilespmem:v3+s8+$0x0] =	vst.idx.msk $0xffff, v16  }
0x3c7: {  	v16 =	vld [tilespmem:$0x13C80]  }
0x3c8: {  	v17 =	vld [tilespmem:$0x15C80]  }
0x3c9: {  	v46 =	vld [tilespmem:$0x13C90]  }
0x3ca: {  	v47 =	vld [tilespmem:$0x15C90]  }
0x3cb: {  	v48 =	vld [tilespmem:$0x13CA0]  }
0x3cc: {  	v49 =	vld [tilespmem:$0x15CA0]  }
0x3cd: {  	v50 =	vld [tilespmem:$0x13CB0]  }
0x3ce: {  	v51 =	vld [tilespmem:$0x15CB0]  }
0x3cf: {  	v52 =	vld [tilespmem:$0x13CC0];
	v16 =	vmul.f32 v17, v16;
	v17 =	vmul.f32 v47, v46  }
0x3d0: {  	v53 =	vld [tilespmem:$0x15CC0]  }
0x3d1: {  	v54 =	vld [tilespmem:$0x13CD0];
	v16 =	vadd.f32 v17, v16;
	v17 =	vmul.f32 v49, v48  }
0x3d2: {  	v55 =	vld [tilespmem:$0x15CD0]  }
0x3d3: {  	v56 =	vld [tilespmem:$0x13CE0];
	v16 =	vadd.f32 v17, v16;
	v17 =	vmul.f32 v51, v50  }
0x3d4: {  	v57 =	vld [tilespmem:$0x15CE0]  }
0x3d5: {  	v58 =	vld [tilespmem:$0x13CF0];
	v16 =	vadd.f32 v17, v16;
	v17 =	vmul.f32 v53, v52  }
0x3d6: {  	v59 =	vld [tilespmem:$0x15CF0]  }
0x3d7: {  	v16 =	vadd.f32 v17, v16;
	v17 =	vmul.f32 v55, v54;
	_ =	sdelay $0x1  }
0x3d8: {  	v16 =	vadd.f32 v17, v16;
	v17 =	vmul.f32 v57, v56;
	_ =	sdelay $0x1  }
0x3d9: {  	v16 =	vadd.f32 v17, v16;
	v17 =	vmul.f32 v59, v58;
	_ =	sdelay $0x1  }
0x3da: {  	v16 =	vadd.f32 v17, v16;
	_ =	sdelay $0x1  }
0x3db: {  	[tilespmem:v4+s8+$0x0] =	vst.idx.msk $0xffff, v16  }
0x3dc: {  	v16 =	vld [tilespmem:$0x13D00]  }
0x3dd: {  	v17 =	vld [tilespmem:$0x15D00]  }
0x3de: {  	v60 =	vld [tilespmem:$0x13D10]  }
0x3df: {  	v61 =	vld [tilespmem:$0x15D10]  }
0x3e0: {  	v62 =	vld [tilespmem:$0x13D20]  }
0x3e1: {  	v63 =	vld [tilespmem:$0x15D20]  }
0x3e2: {  	v24 =	vld [tilespmem:$0x13D30]  }
0x3e3: {  	v25 =	vld [tilespmem:$0x15D30]  }
0x3e4: {  	v26 =	vld [tilespmem:$0x13D40];
	v16 =	vmul.f32 v17, v16;
	v17 =	vmul.f32 v61, v60  }
0x3e5: {  	v27 =	vld [tilespmem:$0x15D40]  }
0x3e6: {  	v28 =	vld [tilespmem:$0x13D50];
	v16 =	vadd.f32 v17, v16;
	v17 =	vmul.f32 v63, v62  }
0x3e7: {  	v29 =	vld [tilespmem:$0x15D50]  }
0x3e8: {  	v30 =	vld [tilespmem:$0x13D60];
	v16 =	vadd.f32 v17, v16;
	v17 =	vmul.f32 v25, v24  }
0x3e9: {  	v31 =	vld [tilespmem:$0x15D60]  }
0x3ea: {  	v32 =	vld [tilespmem:$0x13D70];
	v16 =	vadd.f32 v17, v16;
	v17 =	vmul.f32 v27, v26  }
0x3eb: {  	v33 =	vld [tilespmem:$0x15D70]  }
0x3ec: {  	v16 =	vadd.f32 v17, v16;
	v17 =	vmul.f32 v29, v28;
	_ =	sdelay $0x1  }
0x3ed: {  	v16 =	vadd.f32 v17, v16;
	v17 =	vmul.f32 v31, v30;
	_ =	sdelay $0x1  }
0x3ee: {  	v16 =	vadd.f32 v17, v16;
	v17 =	vmul.f32 v33, v32;
	_ =	sdelay $0x1  }
0x3ef: {  	v16 =	vadd.f32 v17, v16;
	_ =	sdelay $0x1  }
0x3f0: {  	[tilespmem:v5+s8+$0x0] =	vst.idx.msk $0xffff, v16  }
0x3f1: {  	v16 =	vld [tilespmem:$0x13D80]  }
0x3f2: {  	v17 =	vld [tilespmem:$0x15D80]  }
0x3f3: {  	v34 =	vld [tilespmem:$0x13D90]  }
0x3f4: {  	v35 =	vld [tilespmem:$0x15D90]  }
0x3f5: {  	v36 =	vld [tilespmem:$0x13DA0]  }
0x3f6: {  	v37 =	vld [tilespmem:$0x15DA0]  }
0x3f7: {  	v38 =	vld [tilespmem:$0x13DB0]  }
0x3f8: {  	v39 =	vld [tilespmem:$0x15DB0]  }
0x3f9: {  	v40 =	vld [tilespmem:$0x13DC0];
	v16 =	vmul.f32 v17, v16;
	v17 =	vmul.f32 v35, v34  }
0x3fa: {  	v41 =	vld [tilespmem:$0x15DC0]  }
0x3fb: {  	v42 =	vld [tilespmem:$0x13DD0];
	v16 =	vadd.f32 v17, v16;
	v17 =	vmul.f32 v37, v36  }
0x3fc: {  	v43 =	vld [tilespmem:$0x15DD0]  }
0x3fd: {  	v44 =	vld [tilespmem:$0x13DE0];
	v16 =	vadd.f32 v17, v16;
	v17 =	vmul.f32 v39, v38  }
0x3fe: {  	v45 =	vld [tilespmem:$0x15DE0]  }
0x3ff: {  	v46 =	vld [tilespmem:$0x13DF0];
	v16 =	vadd.f32 v17, v16;
	v17 =	vmul.f32 v41, v40  }
0x400: {  	v47 =	vld [tilespmem:$0x15DF0]  }
0x401: {  	v16 =	vadd.f32 v17, v16;
	v17 =	vmul.f32 v43, v42;
	_ =	sdelay $0x1  }
0x402: {  	v16 =	vadd.f32 v17, v16;
	v17 =	vmul.f32 v45, v44;
	_ =	sdelay $0x1  }
0x403: {  	v16 =	vadd.f32 v17, v16;
	v17 =	vmul.f32 v47, v46;
	_ =	sdelay $0x1  }
0x404: {  	v16 =	vadd.f32 v17, v16;
	_ =	sdelay $0x1  }
0x405: {  	[tilespmem:v6+s8+$0x0] =	vst.idx.msk $0xffff, v16  }
0x406: {  	v16 =	vld [tilespmem:$0x13E00]  }
0x407: {  	v17 =	vld [tilespmem:$0x15E00]  }
0x408: {  	v48 =	vld [tilespmem:$0x13E10]  }
0x409: {  	v49 =	vld [tilespmem:$0x15E10]  }
0x40a: {  	v50 =	vld [tilespmem:$0x13E20]  }
0x40b: {  	v51 =	vld [tilespmem:$0x15E20]  }
0x40c: {  	v52 =	vld [tilespmem:$0x13E30]  }
0x40d: {  	v53 =	vld [tilespmem:$0x15E30]  }
0x40e: {  	v54 =	vld [tilespmem:$0x13E40];
	v16 =	vmul.f32 v17, v16;
	v17 =	vmul.f32 v49, v48  }
0x40f: {  	v55 =	vld [tilespmem:$0x15E40]  }
0x410: {  	v56 =	vld [tilespmem:$0x13E50];
	v16 =	vadd.f32 v17, v16;
	v17 =	vmul.f32 v51, v50  }
0x411: {  	v57 =	vld [tilespmem:$0x15E50]  }
0x412: {  	v58 =	vld [tilespmem:$0x13E60];
	v16 =	vadd.f32 v17, v16;
	v17 =	vmul.f32 v53, v52  }
0x413: {  	v59 =	vld [tilespmem:$0x15E60]  }
0x414: {  	v60 =	vld [tilespmem:$0x13E70];
	v16 =	vadd.f32 v17, v16;
	v17 =	vmul.f32 v55, v54  }
0x415: {  	v61 =	vld [tilespmem:$0x15E70]  }
0x416: {  	v16 =	vadd.f32 v17, v16;
	v17 =	vmul.f32 v57, v56;
	_ =	sdelay $0x1  }
0x417: {  	v16 =	vadd.f32 v17, v16;
	v17 =	vmul.f32 v59, v58;
	_ =	sdelay $0x1  }
0x418: {  	v16 =	vadd.f32 v17, v16;
	v17 =	vmul.f32 v61, v60;
	_ =	sdelay $0x1  }
0x419: {  	v16 =	vadd.f32 v17, v16;
	_ =	sdelay $0x1  }
0x41a: {  	[tilespmem:v7+s8+$0x0] =	vst.idx.msk $0xffff, v16  }
0x41b: {  	v16 =	vld [tilespmem:$0x13E80]  }
0x41c: {  	v17 =	vld [tilespmem:$0x15E80]  }
0x41d: {  	v62 =	vld [tilespmem:$0x13E90]  }
0x41e: {  	v63 =	vld [tilespmem:$0x15E90]  }
0x41f: {  	v24 =	vld [tilespmem:$0x13EA0]  }
0x420: {  	v25 =	vld [tilespmem:$0x15EA0]  }
0x421: {  	v26 =	vld [tilespmem:$0x13EB0]  }
0x422: {  	v27 =	vld [tilespmem:$0x15EB0]  }
0x423: {  	v28 =	vld [tilespmem:$0x13EC0];
	v16 =	vmul.f32 v17, v16;
	v17 =	vmul.f32 v63, v62  }
0x424: {  	v29 =	vld [tilespmem:$0x15EC0]  }
0x425: {  	v30 =	vld [tilespmem:$0x13ED0];
	v16 =	vadd.f32 v17, v16;
	v17 =	vmul.f32 v25, v24  }
0x426: {  	v31 =	vld [tilespmem:$0x15ED0]  }
0x427: {  	v32 =	vld [tilespmem:$0x13EE0];
	v16 =	vadd.f32 v17, v16;
	v17 =	vmul.f32 v27, v26  }
0x428: {  	v33 =	vld [tilespmem:$0x15EE0]  }
0x429: {  	v34 =	vld [tilespmem:$0x13EF0];
	v16 =	vadd.f32 v17, v16;
	v17 =	vmul.f32 v29, v28  }
0x42a: {  	v35 =	vld [tilespmem:$0x15EF0]  }
0x42b: {  	v16 =	vadd.f32 v17, v16;
	v17 =	vmul.f32 v31, v30;
	_ =	sdelay $0x1  }
0x42c: {  	v16 =	vadd.f32 v17, v16;
	v17 =	vmul.f32 v33, v32;
	_ =	sdelay $0x1  }
0x42d: {  	v16 =	vadd.f32 v17, v16;
	v17 =	vmul.f32 v35, v34;
	_ =	sdelay $0x1  }
0x42e: {  	v16 =	vadd.f32 v17, v16;
	_ =	sdelay $0x1  }
0x42f: {  	[tilespmem:v8+s8+$0x0] =	vst.idx.msk $0xffff, v16  }
0x430: {  	v16 =	vld [tilespmem:$0x13F00]  }
0x431: {  	v17 =	vld [tilespmem:$0x15F00]  }
0x432: {  	v36 =	vld [tilespmem:$0x13F10]  }
0x433: {  	v37 =	vld [tilespmem:$0x15F10]  }
0x434: {  	v38 =	vld [tilespmem:$0x13F20]  }
0x435: {  	v39 =	vld [tilespmem:$0x15F20]  }
0x436: {  	v40 =	vld [tilespmem:$0x13F30]  }
0x437: {  	v41 =	vld [tilespmem:$0x15F30]  }
0x438: {  	v42 =	vld [tilespmem:$0x13F40];
	v16 =	vmul.f32 v17, v16;
	v17 =	vmul.f32 v37, v36  }
0x439: {  	v43 =	vld [tilespmem:$0x15F40]  }
0x43a: {  	v44 =	vld [tilespmem:$0x13F50];
	v16 =	vadd.f32 v17, v16;
	v17 =	vmul.f32 v39, v38  }
0x43b: {  	v45 =	vld [tilespmem:$0x15F50]  }
0x43c: {  	v46 =	vld [tilespmem:$0x13F60];
	v16 =	vadd.f32 v17, v16;
	v17 =	vmul.f32 v41, v40  }
0x43d: {  	v47 =	vld [tilespmem:$0x15F60]  }
0x43e: {  	v48 =	vld [tilespmem:$0x13F70];
	v16 =	vadd.f32 v17, v16;
	v17 =	vmul.f32 v43, v42  }
0x43f: {  	v49 =	vld [tilespmem:$0x15F70]  }
0x440: {  	v16 =	vadd.f32 v17, v16;
	v17 =	vmul.f32 v45, v44;
	_ =	sdelay $0x1  }
0x441: {  	v16 =	vadd.f32 v17, v16;
	v17 =	vmul.f32 v47, v46;
	_ =	sdelay $0x1  }
0x442: {  	v16 =	vadd.f32 v17, v16;
	v17 =	vmul.f32 v49, v48;
	_ =	sdelay $0x1  }
0x443: {  	v16 =	vadd.f32 v17, v16;
	_ =	sdelay $0x1  }
0x444: {  	[tilespmem:v9+s8+$0x0] =	vst.idx.msk $0xffff, v16  }
0x445: {  	v16 =	vld [tilespmem:$0x13F80]  }
0x446: {  	v17 =	vld [tilespmem:$0x15F80]  }
0x447: {  	v50 =	vld [tilespmem:$0x13F90]  }
0x448: {  	v51 =	vld [tilespmem:$0x15F90]  }
0x449: {  	v52 =	vld [tilespmem:$0x13FA0]  }
0x44a: {  	v53 =	vld [tilespmem:$0x15FA0]  }
0x44b: {  	v54 =	vld [tilespmem:$0x13FB0]  }
0x44c: {  	v55 =	vld [tilespmem:$0x15FB0]  }
0x44d: {  	v56 =	vld [tilespmem:$0x13FC0];
	v16 =	vmul.f32 v17, v16;
	v17 =	vmul.f32 v51, v50  }
0x44e: {  	v57 =	vld [tilespmem:$0x15FC0]  }
0x44f: {  	v58 =	vld [tilespmem:$0x13FD0];
	v16 =	vadd.f32 v17, v16;
	v17 =	vmul.f32 v53, v52  }
0x450: {  	v59 =	vld [tilespmem:$0x15FD0]  }
0x451: {  	v60 =	vld [tilespmem:$0x13FE0];
	v16 =	vadd.f32 v17, v16;
	v17 =	vmul.f32 v55, v54  }
0x452: {  	v61 =	vld [tilespmem:$0x15FE0]  }
0x453: {  	v62 =	vld [tilespmem:$0x13FF0];
	v16 =	vadd.f32 v17, v16;
	v17 =	vmul.f32 v57, v56  }
0x454: {  	v63 =	vld [tilespmem:$0x15FF0]  }
0x455: {  	v16 =	vadd.f32 v17, v16;
	v17 =	vmul.f32 v59, v58;
	_ =	sdelay $0x1  }
0x456: {  	v16 =	vadd.f32 v17, v16;
	v17 =	vmul.f32 v61, v60;
	_ =	sdelay $0x1  }
0x457: {  	v16 =	vadd.f32 v17, v16;
	v17 =	vmul.f32 v63, v62;
	_ =	sdelay $0x1  }
0x458: {  	v16 =	vadd.f32 v17, v16;
	_ =	sdelay $0x1  }
0x459: {  	[tilespmem:v10+s8+$0x0] =	vst.idx.msk $0xffff, v16  }
0x45a: {  	v16 =	vld [tilespmem:$0x14000]  }
0x45b: {  	v17 =	vld [tilespmem:$0x16000]  }
0x45c: {  	v24 =	vld [tilespmem:$0x14010]  }
0x45d: {  	v25 =	vld [tilespmem:$0x16010]  }
0x45e: {  	v26 =	vld [tilespmem:$0x14020]  }
0x45f: {  	v27 =	vld [tilespmem:$0x16020]  }
0x460: {  	v28 =	vld [tilespmem:$0x14030]  }
0x461: {  	v29 =	vld [tilespmem:$0x16030]  }
0x462: {  	v30 =	vld [tilespmem:$0x14040];
	v16 =	vmul.f32 v17, v16;
	v17 =	vmul.f32 v25, v24  }
0x463: {  	v31 =	vld [tilespmem:$0x16040]  }
0x464: {  	v32 =	vld [tilespmem:$0x14050];
	v16 =	vadd.f32 v17, v16;
	v17 =	vmul.f32 v27, v26  }
0x465: {  	v33 =	vld [tilespmem:$0x16050]  }
0x466: {  	v34 =	vld [tilespmem:$0x14060];
	v16 =	vadd.f32 v17, v16;
	v17 =	vmul.f32 v29, v28  }
0x467: {  	v35 =	vld [tilespmem:$0x16060]  }
0x468: {  	v36 =	vld [tilespmem:$0x14070];
	v16 =	vadd.f32 v17, v16;
	v17 =	vmul.f32 v31, v30  }
0x469: {  	v37 =	vld [tilespmem:$0x16070]  }
0x46a: {  	v16 =	vadd.f32 v17, v16;
	v17 =	vmul.f32 v33, v32;
	_ =	sdelay $0x1  }
0x46b: {  	v16 =	vadd.f32 v17, v16;
	v17 =	vmul.f32 v35, v34;
	_ =	sdelay $0x1  }
0x46c: {  	v16 =	vadd.f32 v17, v16;
	v17 =	vmul.f32 v37, v36;
	_ =	sdelay $0x1  }
0x46d: {  	v16 =	vadd.f32 v17, v16;
	_ =	sdelay $0x1  }
0x46e: {  	[tilespmem:v11+s8+$0x0] =	vst.idx.msk $0xffff, v16  }
0x46f: {  	v16 =	vld [tilespmem:$0x14080]  }
0x470: {  	v17 =	vld [tilespmem:$0x16080]  }
0x471: {  	v38 =	vld [tilespmem:$0x14090]  }
0x472: {  	v39 =	vld [tilespmem:$0x16090]  }
0x473: {  	v40 =	vld [tilespmem:$0x140A0]  }
0x474: {  	v41 =	vld [tilespmem:$0x160A0]  }
0x475: {  	v42 =	vld [tilespmem:$0x140B0]  }
0x476: {  	v43 =	vld [tilespmem:$0x160B0]  }
0x477: {  	v44 =	vld [tilespmem:$0x140C0];
	v16 =	vmul.f32 v17, v16;
	v17 =	vmul.f32 v39, v38  }
0x478: {  	v45 =	vld [tilespmem:$0x160C0]  }
0x479: {  	v46 =	vld [tilespmem:$0x140D0];
	v16 =	vadd.f32 v17, v16;
	v17 =	vmul.f32 v41, v40  }
0x47a: {  	v47 =	vld [tilespmem:$0x160D0]  }
0x47b: {  	v48 =	vld [tilespmem:$0x140E0];
	v16 =	vadd.f32 v17, v16;
	v17 =	vmul.f32 v43, v42  }
0x47c: {  	v49 =	vld [tilespmem:$0x160E0]  }
0x47d: {  	v50 =	vld [tilespmem:$0x140F0];
	v16 =	vadd.f32 v17, v16;
	v17 =	vmul.f32 v45, v44  }
0x47e: {  	v51 =	vld [tilespmem:$0x160F0]  }
0x47f: {  	v16 =	vadd.f32 v17, v16;
	v17 =	vmul.f32 v47, v46;
	_ =	sdelay $0x1  }
0x480: {  	v16 =	vadd.f32 v17, v16;
	v17 =	vmul.f32 v49, v48;
	_ =	sdelay $0x1  }
0x481: {  	v16 =	vadd.f32 v17, v16;
	v17 =	vmul.f32 v51, v50;
	_ =	sdelay $0x1  }
0x482: {  	v16 =	vadd.f32 v17, v16;
	_ =	sdelay $0x1  }
0x483: {  	[tilespmem:v12+s8+$0x0] =	vst.idx.msk $0xffff, v16  }
0x484: {  	v16 =	vld [tilespmem:$0x14100]  }
0x485: {  	v17 =	vld [tilespmem:$0x16100]  }
0x486: {  	v52 =	vld [tilespmem:$0x14110]  }
0x487: {  	v53 =	vld [tilespmem:$0x16110]  }
0x488: {  	v54 =	vld [tilespmem:$0x14120]  }
0x489: {  	v55 =	vld [tilespmem:$0x16120]  }
0x48a: {  	v56 =	vld [tilespmem:$0x14130]  }
0x48b: {  	v57 =	vld [tilespmem:$0x16130]  }
0x48c: {  	v58 =	vld [tilespmem:$0x14140];
	v16 =	vmul.f32 v17, v16;
	v17 =	vmul.f32 v53, v52  }
0x48d: {  	v59 =	vld [tilespmem:$0x16140]  }
0x48e: {  	v60 =	vld [tilespmem:$0x14150];
	v16 =	vadd.f32 v17, v16;
	v17 =	vmul.f32 v55, v54  }
0x48f: {  	v61 =	vld [tilespmem:$0x16150]  }
0x490: {  	v62 =	vld [tilespmem:$0x14160];
	v16 =	vadd.f32 v17, v16;
	v17 =	vmul.f32 v57, v56  }
0x491: {  	v63 =	vld [tilespmem:$0x16160]  }
0x492: {  	v24 =	vld [tilespmem:$0x14170];
	v16 =	vadd.f32 v17, v16;
	v17 =	vmul.f32 v59, v58  }
0x493: {  	v25 =	vld [tilespmem:$0x16170]  }
0x494: {  	v16 =	vadd.f32 v17, v16;
	v17 =	vmul.f32 v61, v60;
	_ =	sdelay $0x1  }
0x495: {  	v16 =	vadd.f32 v17, v16;
	v17 =	vmul.f32 v63, v62;
	_ =	sdelay $0x1  }
0x496: {  	v16 =	vadd.f32 v17, v16;
	v17 =	vmul.f32 v25, v24;
	_ =	sdelay $0x1  }
0x497: {  	v16 =	vadd.f32 v17, v16;
	_ =	sdelay $0x1  }
0x498: {  	[tilespmem:v13+s8+$0x0] =	vst.idx.msk $0xffff, v16  }
0x499: {  	v16 =	vld [tilespmem:$0x14180]  }
0x49a: {  	v17 =	vld [tilespmem:$0x16180]  }
0x49b: {  	v26 =	vld [tilespmem:$0x14190]  }
0x49c: {  	v27 =	vld [tilespmem:$0x16190]  }
0x49d: {  	v28 =	vld [tilespmem:$0x141A0]  }
0x49e: {  	v29 =	vld [tilespmem:$0x161A0]  }
0x49f: {  	v30 =	vld [tilespmem:$0x141B0]  }
0x4a0: {  	v31 =	vld [tilespmem:$0x161B0]  }
0x4a1: {  	v32 =	vld [tilespmem:$0x141C0];
	v16 =	vmul.f32 v17, v16;
	v17 =	vmul.f32 v27, v26  }
0x4a2: {  	v33 =	vld [tilespmem:$0x161C0]  }
0x4a3: {  	v34 =	vld [tilespmem:$0x141D0];
	v16 =	vadd.f32 v17, v16;
	v17 =	vmul.f32 v29, v28  }
0x4a4: {  	v35 =	vld [tilespmem:$0x161D0]  }
0x4a5: {  	v36 =	vld [tilespmem:$0x141E0];
	v16 =	vadd.f32 v17, v16;
	v17 =	vmul.f32 v31, v30  }
0x4a6: {  	v37 =	vld [tilespmem:$0x161E0]  }
0x4a7: {  	v38 =	vld [tilespmem:$0x141F0];
	v16 =	vadd.f32 v17, v16;
	v17 =	vmul.f32 v33, v32  }
0x4a8: {  	v39 =	vld [tilespmem:$0x161F0]  }
0x4a9: {  	v16 =	vadd.f32 v17, v16;
	v17 =	vmul.f32 v35, v34;
	_ =	sdelay $0x1  }
0x4aa: {  	v16 =	vadd.f32 v17, v16;
	v17 =	vmul.f32 v37, v36;
	_ =	sdelay $0x1  }
0x4ab: {  	v16 =	vadd.f32 v17, v16;
	v17 =	vmul.f32 v39, v38;
	_ =	sdelay $0x1  }
0x4ac: {  	v16 =	vadd.f32 v17, v16;
	_ =	sdelay $0x1  }
0x4ad: {  	[tilespmem:v14+s8+$0x0] =	vst.idx.msk $0xffff, v16  }
0x4ae: {  	v16 =	vld [tilespmem:$0x14200]  }
0x4af: {  	v17 =	vld [tilespmem:$0x16200]  }
0x4b0: {  	v40 =	vld [tilespmem:$0x14210]  }
0x4b1: {  	v41 =	vld [tilespmem:$0x16210]  }
0x4b2: {  	v42 =	vld [tilespmem:$0x14220]  }
0x4b3: {  	v43 =	vld [tilespmem:$0x16220]  }
0x4b4: {  	v44 =	vld [tilespmem:$0x14230]  }
0x4b5: {  	v45 =	vld [tilespmem:$0x16230]  }
0x4b6: {  	v46 =	vld [tilespmem:$0x14240];
	v16 =	vmul.f32 v17, v16;
	v17 =	vmul.f32 v41, v40  }
0x4b7: {  	v47 =	vld [tilespmem:$0x16240]  }
0x4b8: {  	v48 =	vld [tilespmem:$0x14250];
	v16 =	vadd.f32 v17, v16;
	v17 =	vmul.f32 v43, v42  }
0x4b9: {  	v49 =	vld [tilespmem:$0x16250]  }
0x4ba: {  	v50 =	vld [tilespmem:$0x14260];
	v16 =	vadd.f32 v17, v16;
	v17 =	vmul.f32 v45, v44  }
0x4bb: {  	v51 =	vld [tilespmem:$0x16260]  }
0x4bc: {  	v52 =	vld [tilespmem:$0x14270];
	v16 =	vadd.f32 v17, v16;
	v17 =	vmul.f32 v47, v46  }
0x4bd: {  	v53 =	vld [tilespmem:$0x16270]  }
0x4be: {  	v16 =	vadd.f32 v17, v16;
	v17 =	vmul.f32 v49, v48;
	_ =	sdelay $0x1  }
0x4bf: {  	v16 =	vadd.f32 v17, v16;
	v17 =	vmul.f32 v51, v50;
	_ =	sdelay $0x1  }
0x4c0: {  	v16 =	vadd.f32 v17, v16;
	v17 =	vmul.f32 v53, v52;
	_ =	sdelay $0x1  }
0x4c1: {  	v16 =	vadd.f32 v17, v16;
	_ =	sdelay $0x1  }
0x4c2: {  	[tilespmem:v15+s8+$0x0] =	vst.idx.msk $0xffff, v16  }
0x4c3: {  	v16 =	vld [tilespmem:$0x1E200]  }
0x4c4: {  	v17 =	vld [tilespmem:$0x1E210];
	_ =	sdelay $0x1  }
0x4c5: {  	v54 =	vld [tilespmem:$0x1E220];
	_ =	sdelay $0x1  }
0x4c6: {  	v55 =	vld [tilespmem:$0x1E230]  }
0x4c7: {  	v16 =	vadd.f32 v17, v16  }
0x4c8: {  	v17 =	vld [tilespmem:$0x1E240]  }
0x4c9: {  	v16 =	vadd.f32 v54, v16  }
0x4ca: {  	v56 =	vld [tilespmem:$0x1E250]  }
0x4cb: {  	v16 =	vadd.f32 v55, v16  }
0x4cc: {  	v57 =	vld [tilespmem:$0x1E260]  }
0x4cd: {  	v16 =	vadd.f32 v17, v16  }
0x4ce: {  	v17 =	vld [tilespmem:$0x1E270]  }
0x4cf: {  	v16 =	vadd.f32 v56, v16  }
0x4d0: {  	v58 =	vld [tilespmem:$0x1E280]  }
0x4d1: {  	v16 =	vadd.f32 v57, v16  }
0x4d2: {  	v59 =	vld [tilespmem:$0x1E290]  }
0x4d3: {  	v16 =	vadd.f32 v17, v16  }
0x4d4: {  	v17 =	vld [tilespmem:$0x1E2A0]  }
0x4d5: {  	v16 =	vadd.f32 v58, v16  }
0x4d6: {  	v60 =	vld [tilespmem:$0x1E2B0]  }
0x4d7: {  	v16 =	vadd.f32 v59, v16  }
0x4d8: {  	v61 =	vld [tilespmem:$0x1E2C0]  }
0x4d9: {  	v16 =	vadd.f32 v17, v16  }
0x4da: {  	v17 =	vld [tilespmem:$0x1E2D0]  }
0x4db: {  	v16 =	vadd.f32 v60, v16  }
0x4dc: {  	v62 =	vld [tilespmem:$0x1E2E0]  }
0x4dd: {  	v16 =	vadd.f32 v61, v16  }
0x4de: {  	v63 =	vld [tilespmem:$0x1E2F0]  }
0x4df: {  	v16 =	vadd.f32 v17, v16;
	_ =	sdelay $0x1  }
0x4e0: {  	v16 =	vadd.f32 v62, v16;
	_ =	sdelay $0x1  }
0x4e1: {  	v16 =	vadd.f32 v63, v16;
	_ =	sdelay $0x1  }
0x4e2: {  	v16 =	vsub.f32 $0.0e+00, v16;
	_ =	sdelay $0x1  }
0x4e3: {  	v16 =	vmul.f32 $1.442695020e+00, v16;
	_ =	sdelay $0x1  }
0x4e4: {  	(erf) = vpow2.f32 v16;
	_ =	sdelay $0x8  }
0x4e5: {  	v16 =	vpop (erf)  }
0x4e6: {  	v16 =	vadd.f32 $1.000000000e+00, v16;
	_ =	sdelay $0x1  }
0x4e7: {  	(erf) = vrcp.f32 v16;
	_ =	sdelay $0x7  }
0x4e8: {  	s9 =	sadd.s32 $0x1, s9  }
0x4e9: {  	p1 =	sne.s32 s9, s17;
	v16 =	vpop (erf)  }
.Ltmp3:
0x4ea: {  	s15 =	simm.s32 $0x1BA80;
	s28 =	rddreg [dreg:$0xd];
	[tilespmem:$0x1E180] =	vst v16;
	(pc) =	sbr.rel @p1 .LBB2_1-.Ltmp3, $4  }
0x4eb: {  	[hbm4b:s28+s3] =	stream.linear.scatter [tilespmem:s15], [sflag:$0x9], $0x2710, $0x38;
	[tilespmem:$0x1E300] =	vst v63  }
0x4ec: {  	_ =	swait.ge [sflag:s19], $0x2710  }
0x4ed: {  	[sflag:s19] =	ssyncset.done $0x0  }
0x4ee: {  	[sflag:s19] =	ssyncadd.s32 $0xFFFFD8F0  }
0x4ef: {  	_ =	sfence.sel $0x180000  }
0x4f0: {  	[bflag:$0x0] =	sbarrier.arrive $0xFFFF  }
0x4f1: {  	_ =	strace $0x90000047  }
0x4f2: {  	[bflag:$0x2] =	sbarrier.arrive $0xFFFF  }
0x4f3: {  	s0 =	rddreg [dreg:$0x4]  }
0x4f4: {  	s0 =	sadd.s32 @!p0 $0x100000, s0  }
0x4f5: {  	[sflag:s0] =	ssyncadd.tile.s32 @!p0 $0x1;
	_ =	shalt  }
.Lfunc_end2:
_tile_overlayer_lowered:
.L_overlay_start_2:
0x4f6: {  	(tag) =	ssettag $0x2  }
0x4f7: {  	s0 =	rddreg [dreg:$0x0];
	s2 =	stileid.u32  }
0x4f8: {  	s1 =	rddreg [dreg:$0x1];
	p0 =	sne.s32 s2, $0x0  }
0x4f9: {  	s3 =	rddreg [dreg:$0x2];
	[bflag:$0x3] =	sbarrier.arrive $0xFFFF;
	s2 =	simm.s32 @!p0 $0x1C09  }
0x4fa: {  	[timem:s3], [sflag:s2] =	dma.local @!p0 [hbm:s0], s1  }
0x4fb: {  	s0 =	simm.s32 @!p0 $0x9  }
0x4fc: {  	_ =	swait.ge @!p0 [sflag:s0], s1  }
0x4fd: {  	s1 =	ssub.s32 @!p0 $0x0, s1;
	[sflag:s0] =	ssyncset.done @!p0 $0x0  }
0x4fe: {  	[sflag:s0] =	ssyncadd.s32 @!p0 s1  }
0x4ff: {  	[bflag:$0x3] =	sbarrier.arrive $0xFFFF  }
0x500: {  	_ =	shalt  }

</sc_bundles>
